<compile_context>
chip_gen: v7x
topology: tpu7x:2x2x1
jax: 0.10.2.dev20260603
libtpu: 0.0.44.dev20260713+nightly
codegen_flags: <defaults>
</compile_context>

<pallas_src>
import functools

import jax
import jax.numpy as jnp
from jax import lax
from jax.experimental import pallas as pl
from jax.experimental.pallas import tpu as pltpu
from jax.experimental.pallas import tpu_sc as plsc

N_NODES = 10000
N_EDGES = 320000
D = 128
DE = 16

NC = 2
NS = 16
NW = NC * NS
NSPLIT = 1
E_SPLIT = N_EDGES // NSPLIT
E_W = E_SPLIT // NW
CH = 40
NCHUNK = E_W // CH
RPT = 624


def _leaky(v):
    return jnp.maximum(v, 0.01 * v)


def _node_dense(x, Wn, bn, Wgn):
    def body(x_ref, wn_ref, bn_ref, wgn_ref, o_ref):
        h = jnp.dot(x_ref[...], wn_ref[...], preferred_element_type=jnp.float32)
        h = _leaky(h + bn_ref[...])
        o_ref[...] = jnp.dot(h, wgn_ref[...], preferred_element_type=jnp.float32)

    return pl.pallas_call(
        body,
        out_shape=jax.ShapeDtypeStruct((N_NODES, D), jnp.float32),
    )(x, Wn, bn, Wgn)


def _edge_dense(ea_t, We, be, Wge, bg, half):
    BLK = 16000
    assert E_SPLIT % BLK == 0
    grid = E_SPLIT // BLK
    boff = half * grid
    cdim = (((0,), (0,)), ((), ()))

    def body(a_ref, we_ref, be_ref, wge_ref, bg_ref, o_ref):
        ht = lax.dot_general(we_ref[...], a_ref[...], cdim,
                             preferred_element_type=jnp.float32)
        ht = _leaky(ht + be_ref[...])
        o_ref[...] = lax.dot_general(ht, wge_ref[...], cdim,
                                     preferred_element_type=jnp.float32) + bg_ref[...]

    return pl.pallas_call(
        body,
        grid=(grid,),
        in_specs=[
            pl.BlockSpec((DE, BLK), lambda i: (0, i + boff)),
            pl.BlockSpec((DE, DE), lambda i: (0, 0)),
            pl.BlockSpec((DE, 1), lambda i: (0, 0)),
            pl.BlockSpec((DE, D), lambda i: (0, 0)),
            pl.BlockSpec((1, D), lambda i: (0, 0)),
        ],
        out_specs=pl.BlockSpec((BLK, D), lambda i: (i, 0)),
        out_shape=jax.ShapeDtypeStruct((E_SPLIT, D), jnp.float32),
    )(ea_t, We, be, Wge, bg)


NBUF = 4
NIDX = 8
UNROLL = 8


def _make_sc_scatter(half):
  eoff = half * E_SPLIT

  @functools.partial(
      pl.kernel,
      out_type=jax.ShapeDtypeStruct((2 * N_NODES, D), jnp.float32),
      mesh=plsc.VectorSubcoreMesh(core_axis_name="c", subcore_axis_name="s"),
      scratch_types=[
          [pltpu.VMEM((2, CH), jnp.int32) for _ in range(NIDX)],
          [pltpu.VMEM((CH, D), jnp.float32) for _ in range(NBUF)],
          [pltpu.VMEM((CH, D), jnp.float32) for _ in range(NBUF)],
          [pltpu.SemaphoreType.DMA for _ in range(NIDX)],
          [pltpu.SemaphoreType.DMA for _ in range(NBUF)],
          [pltpu.SemaphoreType.DMA for _ in range(NBUF)],
          [pltpu.SemaphoreType.DMA for _ in range(NBUF)],
          pltpu.VMEM_SHARED((N_NODES, D), jnp.float32),
      ],
  )
  def _sc_scatter(node_hbm, edge_hbm, src_hbm, dst_hbm, out_hbm,
                  idxs, nbufs, ebufs, isems, gsems, lsems, ssems, acc):
    c = lax.axis_index("c")
    s = lax.axis_index("s")
    wid = c * NS + s
    ebase = wid * E_W
    gbase = eoff + ebase

    z = ebufs[0]

    @plsc.parallel_loop(0, CH, unroll=4)
    def _(e):
        for j in range(8):
            z[e, pl.ds(16 * j, 16)] = jnp.zeros((16,), jnp.float32)

    row0 = s * RPT
    for k in range(15):
        pltpu.sync_copy(z, acc.at[pl.ds(row0 + k * CH, CH)])
    pltpu.sync_copy(z.at[pl.ds(0, 24)], acc.at[pl.ds(row0 + 600, 24)])

    @pl.when(s == NS - 1)
    def _():
        pltpu.sync_copy(z.at[pl.ds(0, 16)], acc.at[pl.ds(row0 + RPT, 16)])

    plsc.subcore_barrier()

    def issue_idx(i, q):
        pltpu.async_copy(src_hbm.at[pl.ds(gbase + i * CH, CH)], idxs[q].at[0], isems[q])
        pltpu.async_copy(dst_hbm.at[pl.ds(gbase + i * CH, CH)], idxs[q].at[1], isems[q])

    def wait_idx(q):
        pltpu.make_async_copy(src_hbm.at[pl.ds(0, CH)], idxs[q].at[0], isems[q]).wait()
        pltpu.make_async_copy(src_hbm.at[pl.ds(0, CH)], idxs[q].at[1], isems[q]).wait()

    def issue_data(i, b, q):
        pltpu.async_copy(node_hbm.at[idxs[q].at[0]], nbufs[b], gsems[b])
        pltpu.async_copy(edge_hbm.at[pl.ds(ebase + i * CH, CH)], ebufs[b], lsems[b])

    def wait_scatter(b):
        pltpu.make_async_copy(ebufs[b], acc.at[idxs[0].at[1]], ssems[b]).wait()

    for j in range(3):
        issue_idx(j, j)
    for j in range(2):
        wait_idx(j)
        issue_data(j, j, j)

    def step(i, b, q):
        b2 = (b + 2) % NBUF
        q2 = (q + 2) % NIDX
        q3 = (q + 3) % NIDX
        i2 = i + 2
        i3 = i + 3

        @pl.when(i3 < NCHUNK)
        def _():
            issue_idx(i3, q3)

        @pl.when(i2 < NCHUNK)
        def _():
            @pl.when(i >= 2)
            def _():
                wait_scatter(b2)

            wait_idx(q2)
            issue_data(i2, b2, q2)

        pltpu.make_async_copy(node_hbm.at[idxs[q].at[0]], nbufs[b], gsems[b]).wait()
        pltpu.make_async_copy(edge_hbm.at[pl.ds(0, CH)], ebufs[b], lsems[b]).wait()

        nb = nbufs[b]
        eb = ebufs[b]

        def ebody(e, carry2):
            for j in range(8):
                sl = pl.ds(16 * j, 16)
                v = nb[e, sl] + eb[e, sl]
                eb[e, sl] = jnp.maximum(v, 0.01 * v)
            return carry2

        lax.fori_loop(0, CH, ebody, 0)
        pltpu.async_copy(eb, acc.at[idxs[q].at[1]], ssems[b], add=True)

    def outer(g, carry):
        for du in range(UNROLL):
            i = g * UNROLL + du
            step(i, du % NBUF, du % NIDX)
        return carry

    NFULL = (NCHUNK - 2) // UNROLL
    lax.fori_loop(0, NFULL, outer, 0)
    for t in range(NFULL * UNROLL, NCHUNK):
        step(jnp.int32(t), t % NBUF, t % NIDX)

    for j in range(NBUF):
        wait_scatter(j)

    plsc.subcore_barrier()

    pltpu.sync_copy(acc.at[pl.ds(row0, RPT)],
                    out_hbm.at[pl.ds(c * N_NODES + row0, RPT)])

    @pl.when(s == NS - 1)
    def _():
        pltpu.sync_copy(acc.at[pl.ds(row0 + RPT, 16)],
                        out_hbm.at[pl.ds(c * N_NODES + row0 + RPT, 16)])

  return _sc_scatter


_sc_scatters = [_make_sc_scatter(h) for h in range(NSPLIT)]


def _final_add(parts):
    def body(*refs):
        o_ref = refs[-1]
        acc = refs[0][...] + refs[1][...]
        for r in refs[2:-1]:
            acc = acc + r[...]
        o_ref[...] = acc

    halves = []
    for p in parts:
        halves.append(p[:N_NODES])
        halves.append(p[N_NODES:])
    return pl.pallas_call(
        body,
        out_shape=jax.ShapeDtypeStruct((N_NODES, D), jnp.float32),
    )(*halves)


def kernel(x, edge_index, edge_attr, Wn, bn, We, be, Wg, bg):
    src = edge_index[0].astype(jnp.int32)
    dst = edge_index[1].astype(jnp.int32)
    Wge = Wg[:DE, :]
    Wgn = Wg[DE:, :]
    node_part = _node_dense(x, Wn, bn.reshape(1, D), Wgn)
    ea_t = edge_attr.T
    be_c = be.reshape(DE, 1)
    bg_r = bg.reshape(1, D)
    parts = []
    for h in range(NSPLIT):
        edge_part_h = _edge_dense(ea_t, We, be_c, Wge, bg_r, h)
        parts.append(_sc_scatters[h](node_part, edge_part_h, src, dst))
    return _final_add(parts)

# --- scband reference (transcript-rebuilt; emitter-appended) ---
"""Pipeline reference for scband-gnnbranch-47674136986069 (READ-ONLY COPY).

The authoritative reference and input builder live on the scoring server;
editing this copy changes nothing except your own understanding.
"""

import jax, jax.numpy as jnp
import numpy as np

N_NODES = 10000
N_EDGES = 320000
D_NODE = 128
D_EDGE = 16
NODE_EMB = 128
EDGE_EMB = 16
OUT = 128


def setup_inputs(seed: int = 0) -> dict:
    key = jax.random.key(seed)
    ks = jax.random.split(key, 10)
    x = jax.random.normal(ks[0], (N_NODES, D_NODE), dtype=jnp.float32)
    edge_index = jax.random.randint(ks[1], (2, N_EDGES), 0, N_NODES, dtype=jnp.int64)
    edge_attr = jax.random.normal(ks[2], (N_EDGES, D_EDGE), dtype=jnp.float32)
    # node encoder Linear(node_features=128 -> node_embedding=128)
    Wn = jax.random.normal(ks[3], (D_NODE, NODE_EMB), dtype=jnp.float32) * (1.0 / np.sqrt(D_NODE))
    bn = jnp.zeros((NODE_EMB,), dtype=jnp.float32)
    # edge encoder Linear(edge_features=16 -> edge_embedding=16)
    We = jax.random.normal(ks[4], (D_EDGE, EDGE_EMB), dtype=jnp.float32) * (1.0 / np.sqrt(D_EDGE))
    be = jnp.zeros((EDGE_EMB,), dtype=jnp.float32)
    # gnn message nn Linear(node_embedding + edge_embedding = 144 -> out_features=128)
    Wg = jax.random.normal(ks[5], (NODE_EMB + EDGE_EMB, OUT), dtype=jnp.float32) * (1.0 / np.sqrt(NODE_EMB + EDGE_EMB))
    bg = jnp.zeros((OUT,), dtype=jnp.float32)
    return {"x": x, "edge_index": edge_index, "edge_attr": edge_attr,
            "Wn": Wn, "bn": bn, "We": We, "be": be, "Wg": Wg, "bg": bg}


def _leaky_relu(v):
    return jnp.where(v >= 0, v, 0.01 * v)


def reference(x, edge_index, edge_attr, Wn, bn, We, be, Wg, bg):
    # node_enc = LeakyReLU(Linear(x))
    node_enc = _leaky_relu(x @ Wn + bn)
    # edge_enc = LeakyReLU(Linear(edge_attr))
    edge_enc = _leaky_relu(edge_attr @ We + be)
    # PyG MessagePassing (source_to_target): x_j gathered from edge_index[0], aggregate at edge_index[1]
    src = edge_index[0]
    dst = edge_index[1]
    x_j = jnp.take(node_enc, src, axis=0)
    features = jnp.concatenate([edge_enc, x_j], axis=1)
    msg = _leaky_relu(features @ Wg + bg)
    # aggr='add' scatter-add into destination nodes
    out = jax.ops.segment_sum(msg, dst, num_segments=N_NODES)
    return out

if __name__ == "__main__":
    import jax
    _d = setup_inputs()
    print(jax.jit(kernel)(*tuple(_d.values())))

</pallas_src>

<mosaic_0001>
#map = affine_map<(d0, d1) -> (0, 0)>
#map1 = affine_map<(d0, d1) -> (0)>
module attributes {stable_mosaic.version = 14 : i64} {
  func.func @_sc_scatter(%arg0: i32, %arg1: i32, %arg2: memref<10000x128xf32, #tpu.memory_space<hbm>>, %arg3: memref<320000x128xf32, #tpu.memory_space<hbm>>, %arg4: memref<320000xi32, #tpu.memory_space<hbm>>, %arg5: memref<320000xi32, #tpu.memory_space<hbm>>, %arg6: memref<20000x128xf32, #tpu.memory_space<hbm>>, %arg7: memref<2x40xi32, #tpu.memory_space<vmem>>, %arg8: memref<2x40xi32, #tpu.memory_space<vmem>>, %arg9: memref<2x40xi32, #tpu.memory_space<vmem>>, %arg10: memref<2x40xi32, #tpu.memory_space<vmem>>, %arg11: memref<2x40xi32, #tpu.memory_space<vmem>>, %arg12: memref<2x40xi32, #tpu.memory_space<vmem>>, %arg13: memref<2x40xi32, #tpu.memory_space<vmem>>, %arg14: memref<2x40xi32, #tpu.memory_space<vmem>>, %arg15: memref<40x128xf32, #tpu.memory_space<vmem>>, %arg16: memref<40x128xf32, #tpu.memory_space<vmem>>, %arg17: memref<40x128xf32, #tpu.memory_space<vmem>>, %arg18: memref<40x128xf32, #tpu.memory_space<vmem>>, %arg19: memref<40x128xf32, #tpu.memory_space<vmem>>, %arg20: memref<40x128xf32, #tpu.memory_space<vmem>>, %arg21: memref<40x128xf32, #tpu.memory_space<vmem>>, %arg22: memref<40x128xf32, #tpu.memory_space<vmem>>, %arg23: memref<!tpu.dma_semaphore, #tpu.memory_space<semaphore_mem>>, %arg24: memref<!tpu.dma_semaphore, #tpu.memory_space<semaphore_mem>>, %arg25: memref<!tpu.dma_semaphore, #tpu.memory_space<semaphore_mem>>, %arg26: memref<!tpu.dma_semaphore, #tpu.memory_space<semaphore_mem>>, %arg27: memref<!tpu.dma_semaphore, #tpu.memory_space<semaphore_mem>>, %arg28: memref<!tpu.dma_semaphore, #tpu.memory_space<semaphore_mem>>, %arg29: memref<!tpu.dma_semaphore, #tpu.memory_space<semaphore_mem>>, %arg30: memref<!tpu.dma_semaphore, #tpu.memory_space<semaphore_mem>>, %arg31: memref<!tpu.dma_semaphore, #tpu.memory_space<semaphore_mem>>, %arg32: memref<!tpu.dma_semaphore, #tpu.memory_space<semaphore_mem>>, %arg33: memref<!tpu.dma_semaphore, #tpu.memory_space<semaphore_mem>>, %arg34: memref<!tpu.dma_semaphore, #tpu.memory_space<semaphore_mem>>, %arg35: memref<!tpu.dma_semaphore, #tpu.memory_space<semaphore_mem>>, %arg36: memref<!tpu.dma_semaphore, #tpu.memory_space<semaphore_mem>>, %arg37: memref<!tpu.dma_semaphore, #tpu.memory_space<semaphore_mem>>, %arg38: memref<!tpu.dma_semaphore, #tpu.memory_space<semaphore_mem>>, %arg39: memref<!tpu.dma_semaphore, #tpu.memory_space<semaphore_mem>>, %arg40: memref<!tpu.dma_semaphore, #tpu.memory_space<semaphore_mem>>, %arg41: memref<!tpu.dma_semaphore, #tpu.memory_space<semaphore_mem>>, %arg42: memref<!tpu.dma_semaphore, #tpu.memory_space<semaphore_mem>>, %arg43: memref<10000x128xf32, #tpu.memory_space<vmem_shared>>) attributes {dimension_semantics = [#tpu.dimension_semantics<core_parallel>, #tpu.dimension_semantics<subcore_parallel>], iteration_bounds = array<i64: 2, 16>, scalar_prefetch = 0 : i64, scratch_operands = 37 : i64, tpu.core_type = #tpu.core_type<sc_vector_subcore>, window_params = [{transform_indices = #map}, {transform_indices = #map}, {transform_indices = #map1}, {transform_indices = #map1}, {transform_indices = #map}]} {
    %mul3A = arith.constant 16 : i32
    %mul3A_0 = arith.muli %arg0, %mul3A : i32
    %add3A = arith.addi %mul3A_0, %arg1 : i32
    %mul3A_1 = arith.constant 10000 : i32
    %mul3A_2 = arith.muli %add3A, %mul3A_1 : i32
    %add3A_3 = arith.constant 0 : i32
    %add3A_4 = arith.addi %add3A_3, %mul3A_2 : i32
    %parallel_loop3A = arith.constant 0 : i32
    %parallel_loop3A_5 = arith.constant 40 : i32
    %parallel_loop3A_6 = arith.constant 1 : i32
    scf.for %parallel_loop3A_304 = %parallel_loop3A to %parallel_loop3A_5 step %parallel_loop3A_6  : i32 {
      %parallel_loop3A_305 = arith.constant 0.000000e+00 : f32
      %parallel_loop3A_306 = vector.broadcast %parallel_loop3A_305 : f32 to vector<16xf32>
      %parallel_loop3A_307 = arith.index_cast %parallel_loop3A_304 : i32 to index
      %parallel_loop3A_308 = arith.constant 0 : index
      %parallel_loop3A_309 = tpu.vector_load %arg19[%parallel_loop3A_307, %parallel_loop3A_308] {strides = array<i32>} : memref<40x128xf32, #tpu.memory_space<vmem>>, vector<1x16xf32>,
      %parallel_loop3A_310 = vector.shape_cast %parallel_loop3A_309 : vector<1x16xf32> to vector<16xf32>
      %parallel_loop3A_311 = vector.shape_cast %parallel_loop3A_306 : vector<16xf32> to vector<1x16xf32>
      tpu.vector_store %arg19[%parallel_loop3A_307, %parallel_loop3A_308], %parallel_loop3A_311 {strides = array<i32>} : memref<40x128xf32, #tpu.memory_space<vmem>>, vector<1x16xf32>,
      %parallel_loop3A_312 = arith.constant 0.000000e+00 : f32
      %parallel_loop3A_313 = vector.broadcast %parallel_loop3A_312 : f32 to vector<16xf32>
      %parallel_loop3A_314 = arith.index_cast %parallel_loop3A_304 : i32 to index
      %parallel_loop3A_315 = arith.constant 16 : index
      %parallel_loop3A_316 = tpu.vector_load %arg19[%parallel_loop3A_314, %parallel_loop3A_315] {strides = array<i32>} : memref<40x128xf32, #tpu.memory_space<vmem>>, vector<1x16xf32>,
      %parallel_loop3A_317 = vector.shape_cast %parallel_loop3A_316 : vector<1x16xf32> to vector<16xf32>
      %parallel_loop3A_318 = vector.shape_cast %parallel_loop3A_313 : vector<16xf32> to vector<1x16xf32>
      tpu.vector_store %arg19[%parallel_loop3A_314, %parallel_loop3A_315], %parallel_loop3A_318 {strides = array<i32>} : memref<40x128xf32, #tpu.memory_space<vmem>>, vector<1x16xf32>,
      %parallel_loop3A_319 = arith.constant 0.000000e+00 : f32
      %parallel_loop3A_320 = vector.broadcast %parallel_loop3A_319 : f32 to vector<16xf32>
      %parallel_loop3A_321 = arith.index_cast %parallel_loop3A_304 : i32 to index
      %parallel_loop3A_322 = arith.constant 32 : index
      %parallel_loop3A_323 = tpu.vector_load %arg19[%parallel_loop3A_321, %parallel_loop3A_322] {strides = array<i32>} : memref<40x128xf32, #tpu.memory_space<vmem>>, vector<1x16xf32>,
      %parallel_loop3A_324 = vector.shape_cast %parallel_loop3A_323 : vector<1x16xf32> to vector<16xf32>
      %parallel_loop3A_325 = vector.shape_cast %parallel_loop3A_320 : vector<16xf32> to vector<1x16xf32>
      tpu.vector_store %arg19[%parallel_loop3A_321, %parallel_loop3A_322], %parallel_loop3A_325 {strides = array<i32>} : memref<40x128xf32, #tpu.memory_space<vmem>>, vector<1x16xf32>,
      %parallel_loop3A_326 = arith.constant 0.000000e+00 : f32
      %parallel_loop3A_327 = vector.broadcast %parallel_loop3A_326 : f32 to vector<16xf32>
      %parallel_loop3A_328 = arith.index_cast %parallel_loop3A_304 : i32 to index
      %parallel_loop3A_329 = arith.constant 48 : index
      %parallel_loop3A_330 = tpu.vector_load %arg19[%parallel_loop3A_328, %parallel_loop3A_329] {strides = array<i32>} : memref<40x128xf32, #tpu.memory_space<vmem>>, vector<1x16xf32>,
      %parallel_loop3A_331 = vector.shape_cast %parallel_loop3A_330 : vector<1x16xf32> to vector<16xf32>
      %parallel_loop3A_332 = vector.shape_cast %parallel_loop3A_327 : vector<16xf32> to vector<1x16xf32>
      tpu.vector_store %arg19[%parallel_loop3A_328, %parallel_loop3A_329], %parallel_loop3A_332 {strides = array<i32>} : memref<40x128xf32, #tpu.memory_space<vmem>>, vector<1x16xf32>,
      %parallel_loop3A_333 = arith.constant 0.000000e+00 : f32
      %parallel_loop3A_334 = vector.broadcast %parallel_loop3A_333 : f32 to vector<16xf32>
      %parallel_loop3A_335 = arith.index_cast %parallel_loop3A_304 : i32 to index
      %parallel_loop3A_336 = arith.constant 64 : index
      %parallel_loop3A_337 = tpu.vector_load %arg19[%parallel_loop3A_335, %parallel_loop3A_336] {strides = array<i32>} : memref<40x128xf32, #tpu.memory_space<vmem>>, vector<1x16xf32>,
      %parallel_loop3A_338 = vector.shape_cast %parallel_loop3A_337 : vector<1x16xf32> to vector<16xf32>
      %parallel_loop3A_339 = vector.shape_cast %parallel_loop3A_334 : vector<16xf32> to vector<1x16xf32>
      tpu.vector_store %arg19[%parallel_loop3A_335, %parallel_loop3A_336], %parallel_loop3A_339 {strides = array<i32>} : memref<40x128xf32, #tpu.memory_space<vmem>>, vector<1x16xf32>,
      %parallel_loop3A_340 = arith.constant 0.000000e+00 : f32
      %parallel_loop3A_341 = vector.broadcast %parallel_loop3A_340 : f32 to vector<16xf32>
      %parallel_loop3A_342 = arith.index_cast %parallel_loop3A_304 : i32 to index
      %parallel_loop3A_343 = arith.constant 80 : index
      %parallel_loop3A_344 = tpu.vector_load %arg19[%parallel_loop3A_342, %parallel_loop3A_343] {strides = array<i32>} : memref<40x128xf32, #tpu.memory_space<vmem>>, vector<1x16xf32>,
      %parallel_loop3A_345 = vector.shape_cast %parallel_loop3A_344 : vector<1x16xf32> to vector<16xf32>
      %parallel_loop3A_346 = vector.shape_cast %parallel_loop3A_341 : vector<16xf32> to vector<1x16xf32>
      tpu.vector_store %arg19[%parallel_loop3A_342, %parallel_loop3A_343], %parallel_loop3A_346 {strides = array<i32>} : memref<40x128xf32, #tpu.memory_space<vmem>>, vector<1x16xf32>,
      %parallel_loop3A_347 = arith.constant 0.000000e+00 : f32
      %parallel_loop3A_348 = vector.broadcast %parallel_loop3A_347 : f32 to vector<16xf32>
      %parallel_loop3A_349 = arith.index_cast %parallel_loop3A_304 : i32 to index
      %parallel_loop3A_350 = arith.constant 96 : index
      %parallel_loop3A_351 = tpu.vector_load %arg19[%parallel_loop3A_349, %parallel_loop3A_350] {strides = array<i32>} : memref<40x128xf32, #tpu.memory_space<vmem>>, vector<1x16xf32>,
      %parallel_loop3A_352 = vector.shape_cast %parallel_loop3A_351 : vector<1x16xf32> to vector<16xf32>
      %parallel_loop3A_353 = vector.shape_cast %parallel_loop3A_348 : vector<16xf32> to vector<1x16xf32>
      tpu.vector_store %arg19[%parallel_loop3A_349, %parallel_loop3A_350], %parallel_loop3A_353 {strides = array<i32>} : memref<40x128xf32, #tpu.memory_space<vmem>>, vector<1x16xf32>,
      %parallel_loop3A_354 = arith.constant 0.000000e+00 : f32
      %parallel_loop3A_355 = vector.broadcast %parallel_loop3A_354 : f32 to vector<16xf32>
      %parallel_loop3A_356 = arith.index_cast %parallel_loop3A_304 : i32 to index
      %parallel_loop3A_357 = arith.constant 112 : index
      %parallel_loop3A_358 = tpu.vector_load %arg19[%parallel_loop3A_356, %parallel_loop3A_357] {strides = array<i32>} : memref<40x128xf32, #tpu.memory_space<vmem>>, vector<1x16xf32>,
      %parallel_loop3A_359 = vector.shape_cast %parallel_loop3A_358 : vector<1x16xf32> to vector<16xf32>
      %parallel_loop3A_360 = vector.shape_cast %parallel_loop3A_355 : vector<16xf32> to vector<1x16xf32>
      tpu.vector_store %arg19[%parallel_loop3A_356, %parallel_loop3A_357], %parallel_loop3A_360 {strides = array<i32>} : memref<40x128xf32, #tpu.memory_space<vmem>>, vector<1x16xf32>,
    } {sc.loop_unroll_factor = 4 : i64, sc.parallel_access}
    %mul3A_7 = arith.constant 624 : i32
    %mul3A_8 = arith.muli %arg1, %mul3A_7 : i32
    %add3A_9 = arith.constant 0 : i32
    %add3A_10 = arith.addi %mul3A_8, %add3A_9 : i32
    "tpu.region"() ({
      %run_scoped3A = tpu.sem_alloc : memref<!tpu.dma_semaphore, #tpu.memory_space<semaphore_mem>>
      %dma_start3A_304 = arith.constant 0 : i32
      %dma_start3A_305 = tpu.memref_slice %arg43[%add3A_10, %dma_start3A_304] : memref<10000x128xf32, #tpu.memory_space<vmem_shared>> -> memref<40x128xf32, #tpu.memory_space<vmem_shared>>
      %dma_start3A_306 = arith.constant 0 : i32
      %dma_start3A_307 = tpu.memref_slice %arg43[%add3A_10, %dma_start3A_306] : memref<10000x128xf32, #tpu.memory_space<vmem_shared>> -> memref<40x128xf32, #tpu.memory_space<vmem_shared>>
      tpu.enqueue_dma source(%arg19 : memref<40x128xf32, #tpu.memory_space<vmem>>) target(%dma_start3A_307 : memref<40x128xf32, #tpu.memory_space<vmem_shared>>) target_semaphore(%run_scoped3A : memref<!tpu.dma_semaphore, #tpu.memory_space<semaphore_mem>>)
      %dma_wait3A_308 = arith.constant 0 : i32
      %dma_wait3A_309 = tpu.memref_slice %arg43[%add3A_10, %dma_wait3A_308] : memref<10000x128xf32, #tpu.memory_space<vmem_shared>> -> memref<40x128xf32, #tpu.memory_space<vmem_shared>>
      %dma_wait3A_310 = arith.constant 0 : i32
      %dma_wait3A_311 = tpu.memref_slice %arg43[%add3A_10, %dma_wait3A_310] : memref<10000x128xf32, #tpu.memory_space<vmem_shared>> -> memref<40x128xf32, #tpu.memory_space<vmem_shared>>
      tpu.wait_dma2 semaphore(%run_scoped3A : memref<!tpu.dma_semaphore, #tpu.memory_space<semaphore_mem>>) src(%arg19 : memref<40x128xf32, #tpu.memory_space<vmem>>) dst(%dma_wait3A_311 : memref<40x128xf32, #tpu.memory_space<vmem_shared>>)
      tpu.yield
    }) : () -> ()
    %add3A_11 = arith.constant 40 : i32
    %add3A_12 = arith.addi %mul3A_8, %add3A_11 : i32
    "tpu.region"() ({
      %run_scoped3A = tpu.sem_alloc : memref<!tpu.dma_semaphore, #tpu.memory_space<semaphore_mem>>
      %dma_start3A_304 = arith.constant 0 : i32
      %dma_start3A_305 = tpu.memref_slice %arg43[%add3A_12, %dma_start3A_304] : memref<10000x128xf32, #tpu.memory_space<vmem_shared>> -> memref<40x128xf32, #tpu.memory_space<vmem_shared>>
      %dma_start3A_306 = arith.constant 0 : i32
      %dma_start3A_307 = tpu.memref_slice %arg43[%add3A_12, %dma_start3A_306] : memref<10000x128xf32, #tpu.memory_space<vmem_shared>> -> memref<40x128xf32, #tpu.memory_space<vmem_shared>>
      tpu.enqueue_dma source(%arg19 : memref<40x128xf32, #tpu.memory_space<vmem>>) target(%dma_start3A_307 : memref<40x128xf32, #tpu.memory_space<vmem_shared>>) target_semaphore(%run_scoped3A : memref<!tpu.dma_semaphore, #tpu.memory_space<semaphore_mem>>)
      %dma_wait3A_308 = arith.constant 0 : i32
      %dma_wait3A_309 = tpu.memref_slice %arg43[%add3A_12, %dma_wait3A_308] : memref<10000x128xf32, #tpu.memory_space<vmem_shared>> -> memref<40x128xf32, #tpu.memory_space<vmem_shared>>
      %dma_wait3A_310 = arith.constant 0 : i32
      %dma_wait3A_311 = tpu.memref_slice %arg43[%add3A_12, %dma_wait3A_310] : memref<10000x128xf32, #tpu.memory_space<vmem_shared>> -> memref<40x128xf32, #tpu.memory_space<vmem_shared>>
      tpu.wait_dma2 semaphore(%run_scoped3A : memref<!tpu.dma_semaphore, #tpu.memory_space<semaphore_mem>>) src(%arg19 : memref<40x128xf32, #tpu.memory_space<vmem>>) dst(%dma_wait3A_311 : memref<40x128xf32, #tpu.memory_space<vmem_shared>>)
      tpu.yield
    }) : () -> ()
    %add3A_13 = arith.constant 80 : i32
    %add3A_14 = arith.addi %mul3A_8, %add3A_13 : i32
    "tpu.region"() ({
      %run_scoped3A = tpu.sem_alloc : memref<!tpu.dma_semaphore, #tpu.memory_space<semaphore_mem>>
      %dma_start3A_304 = arith.constant 0 : i32
      %dma_start3A_305 = tpu.memref_slice %arg43[%add3A_14, %dma_start3A_304] : memref<10000x128xf32, #tpu.memory_space<vmem_shared>> -> memref<40x128xf32, #tpu.memory_space<vmem_shared>>
      %dma_start3A_306 = arith.constant 0 : i32
      %dma_start3A_307 = tpu.memref_slice %arg43[%add3A_14, %dma_start3A_306] : memref<10000x128xf32, #tpu.memory_space<vmem_shared>> -> memref<40x128xf32, #tpu.memory_space<vmem_shared>>
      tpu.enqueue_dma source(%arg19 : memref<40x128xf32, #tpu.memory_space<vmem>>) target(%dma_start3A_307 : memref<40x128xf32, #tpu.memory_space<vmem_shared>>) target_semaphore(%run_scoped3A : memref<!tpu.dma_semaphore, #tpu.memory_space<semaphore_mem>>)
      %dma_wait3A_308 = arith.constant 0 : i32
      %dma_wait3A_309 = tpu.memref_slice %arg43[%add3A_14, %dma_wait3A_308] : memref<10000x128xf32, #tpu.memory_space<vmem_shared>> -> memref<40x128xf32, #tpu.memory_space<vmem_shared>>
      %dma_wait3A_310 = arith.constant 0 : i32
      %dma_wait3A_311 = tpu.memref_slice %arg43[%add3A_14, %dma_wait3A_310] : memref<10000x128xf32, #tpu.memory_space<vmem_shared>> -> memref<40x128xf32, #tpu.memory_space<vmem_shared>>
      tpu.wait_dma2 semaphore(%run_scoped3A : memref<!tpu.dma_semaphore, #tpu.memory_space<semaphore_mem>>) src(%arg19 : memref<40x128xf32, #tpu.memory_space<vmem>>) dst(%dma_wait3A_311 : memref<40x128xf32, #tpu.memory_space<vmem_shared>>)
      tpu.yield
    }) : () -> ()
    %add3A_15 = arith.constant 120 : i32
    %add3A_16 = arith.addi %mul3A_8, %add3A_15 : i32
    "tpu.region"() ({
      %run_scoped3A = tpu.sem_alloc : memref<!tpu.dma_semaphore, #tpu.memory_space<semaphore_mem>>
      %dma_start3A_304 = arith.constant 0 : i32
      %dma_start3A_305 = tpu.memref_slice %arg43[%add3A_16, %dma_start3A_304] : memref<10000x128xf32, #tpu.memory_space<vmem_shared>> -> memref<40x128xf32, #tpu.memory_space<vmem_shared>>
      %dma_start3A_306 = arith.constant 0 : i32
      %dma_start3A_307 = tpu.memref_slice %arg43[%add3A_16, %dma_start3A_306] : memref<10000x128xf32, #tpu.memory_space<vmem_shared>> -> memref<40x128xf32, #tpu.memory_space<vmem_shared>>
      tpu.enqueue_dma source(%arg19 : memref<40x128xf32, #tpu.memory_space<vmem>>) target(%dma_start3A_307 : memref<40x128xf32, #tpu.memory_space<vmem_shared>>) target_semaphore(%run_scoped3A : memref<!tpu.dma_semaphore, #tpu.memory_space<semaphore_mem>>)
      %dma_wait3A_308 = arith.constant 0 : i32
      %dma_wait3A_309 = tpu.memref_slice %arg43[%add3A_16, %dma_wait3A_308] : memref<10000x128xf32, #tpu.memory_space<vmem_shared>> -> memref<40x128xf32, #tpu.memory_space<vmem_shared>>
      %dma_wait3A_310 = arith.constant 0 : i32
      %dma_wait3A_311 = tpu.memref_slice %arg43[%add3A_16, %dma_wait3A_310] : memref<10000x128xf32, #tpu.memory_space<vmem_shared>> -> memref<40x128xf32, #tpu.memory_space<vmem_shared>>
      tpu.wait_dma2 semaphore(%run_scoped3A : memref<!tpu.dma_semaphore, #tpu.memory_space<semaphore_mem>>) src(%arg19 : memref<40x128xf32, #tpu.memory_space<vmem>>) dst(%dma_wait3A_311 : memref<40x128xf32, #tpu.memory_space<vmem_shared>>)
      tpu.yield
    }) : () -> ()
    %add3A_17 = arith.constant 160 : i32
    %add3A_18 = arith.addi %mul3A_8, %add3A_17 : i32
    "tpu.region"() ({
      %run_scoped3A = tpu.sem_alloc : memref<!tpu.dma_semaphore, #tpu.memory_space<semaphore_mem>>
      %dma_start3A_304 = arith.constant 0 : i32
      %dma_start3A_305 = tpu.memref_slice %arg43[%add3A_18, %dma_start3A_304] : memref<10000x128xf32, #tpu.memory_space<vmem_shared>> -> memref<40x128xf32, #tpu.memory_space<vmem_shared>>
      %dma_start3A_306 = arith.constant 0 : i32
      %dma_start3A_307 = tpu.memref_slice %arg43[%add3A_18, %dma_start3A_306] : memref<10000x128xf32, #tpu.memory_space<vmem_shared>> -> memref<40x128xf32, #tpu.memory_space<vmem_shared>>
      tpu.enqueue_dma source(%arg19 : memref<40x128xf32, #tpu.memory_space<vmem>>) target(%dma_start3A_307 : memref<40x128xf32, #tpu.memory_space<vmem_shared>>) target_semaphore(%run_scoped3A : memref<!tpu.dma_semaphore, #tpu.memory_space<semaphore_mem>>)
      %dma_wait3A_308 = arith.constant 0 : i32
      %dma_wait3A_309 = tpu.memref_slice %arg43[%add3A_18, %dma_wait3A_308] : memref<10000x128xf32, #tpu.memory_space<vmem_shared>> -> memref<40x128xf32, #tpu.memory_space<vmem_shared>>
      %dma_wait3A_310 = arith.constant 0 : i32
      %dma_wait3A_311 = tpu.memref_slice %arg43[%add3A_18, %dma_wait3A_310] : memref<10000x128xf32, #tpu.memory_space<vmem_shared>> -> memref<40x128xf32, #tpu.memory_space<vmem_shared>>
      tpu.wait_dma2 semaphore(%run_scoped3A : memref<!tpu.dma_semaphore, #tpu.memory_space<semaphore_mem>>) src(%arg19 : memref<40x128xf32, #tpu.memory_space<vmem>>) dst(%dma_wait3A_311 : memref<40x128xf32, #tpu.memory_space<vmem_shared>>)
      tpu.yield
    }) : () -> ()
    %add3A_19 = arith.constant 200 : i32
    %add3A_20 = arith.addi %mul3A_8, %add3A_19 : i32
    "tpu.region"() ({
      %run_scoped3A = tpu.sem_alloc : memref<!tpu.dma_semaphore, #tpu.memory_space<semaphore_mem>>
      %dma_start3A_304 = arith.constant 0 : i32
      %dma_start3A_305 = tpu.memref_slice %arg43[%add3A_20, %dma_start3A_304] : memref<10000x128xf32, #tpu.memory_space<vmem_shared>> -> memref<40x128xf32, #tpu.memory_space<vmem_shared>>
      %dma_start3A_306 = arith.constant 0 : i32
      %dma_start3A_307 = tpu.memref_slice %arg43[%add3A_20, %dma_start3A_306] : memref<10000x128xf32, #tpu.memory_space<vmem_shared>> -> memref<40x128xf32, #tpu.memory_space<vmem_shared>>
      tpu.enqueue_dma source(%arg19 : memref<40x128xf32, #tpu.memory_space<vmem>>) target(%dma_start3A_307 : memref<40x128xf32, #tpu.memory_space<vmem_shared>>) target_semaphore(%run_scoped3A : memref<!tpu.dma_semaphore, #tpu.memory_space<semaphore_mem>>)
      %dma_wait3A_308 = arith.constant 0 : i32
      %dma_wait3A_309 = tpu.memref_slice %arg43[%add3A_20, %dma_wait3A_308] : memref<10000x128xf32, #tpu.memory_space<vmem_shared>> -> memref<40x128xf32, #tpu.memory_space<vmem_shared>>
      %dma_wait3A_310 = arith.constant 0 : i32
      %dma_wait3A_311 = tpu.memref_slice %arg43[%add3A_20, %dma_wait3A_310] : memref<10000x128xf32, #tpu.memory_space<vmem_shared>> -> memref<40x128xf32, #tpu.memory_space<vmem_shared>>
      tpu.wait_dma2 semaphore(%run_scoped3A : memref<!tpu.dma_semaphore, #tpu.memory_space<semaphore_mem>>) src(%arg19 : memref<40x128xf32, #tpu.memory_space<vmem>>) dst(%dma_wait3A_311 : memref<40x128xf32, #tpu.memory_space<vmem_shared>>)
      tpu.yield
    }) : () -> ()
    %add3A_21 = arith.constant 240 : i32
    %add3A_22 = arith.addi %mul3A_8, %add3A_21 : i32
    "tpu.region"() ({
      %run_scoped3A = tpu.sem_alloc : memref<!tpu.dma_semaphore, #tpu.memory_space<semaphore_mem>>
      %dma_start3A_304 = arith.constant 0 : i32
      %dma_start3A_305 = tpu.memref_slice %arg43[%add3A_22, %dma_start3A_304] : memref<10000x128xf32, #tpu.memory_space<vmem_shared>> -> memref<40x128xf32, #tpu.memory_space<vmem_shared>>
      %dma_start3A_306 = arith.constant 0 : i32
      %dma_start3A_307 = tpu.memref_slice %arg43[%add3A_22, %dma_start3A_306] : memref<10000x128xf32, #tpu.memory_space<vmem_shared>> -> memref<40x128xf32, #tpu.memory_space<vmem_shared>>
      tpu.enqueue_dma source(%arg19 : memref<40x128xf32, #tpu.memory_space<vmem>>) target(%dma_start3A_307 : memref<40x128xf32, #tpu.memory_space<vmem_shared>>) target_semaphore(%run_scoped3A : memref<!tpu.dma_semaphore, #tpu.memory_space<semaphore_mem>>)
      %dma_wait3A_308 = arith.constant 0 : i32
      %dma_wait3A_309 = tpu.memref_slice %arg43[%add3A_22, %dma_wait3A_308] : memref<10000x128xf32, #tpu.memory_space<vmem_shared>> -> memref<40x128xf32, #tpu.memory_space<vmem_shared>>
      %dma_wait3A_310 = arith.constant 0 : i32
      %dma_wait3A_311 = tpu.memref_slice %arg43[%add3A_22, %dma_wait3A_310] : memref<10000x128xf32, #tpu.memory_space<vmem_shared>> -> memref<40x128xf32, #tpu.memory_space<vmem_shared>>
      tpu.wait_dma2 semaphore(%run_scoped3A : memref<!tpu.dma_semaphore, #tpu.memory_space<semaphore_mem>>) src(%arg19 : memref<40x128xf32, #tpu.memory_space<vmem>>) dst(%dma_wait3A_311 : memref<40x128xf32, #tpu.memory_space<vmem_shared>>)
      tpu.yield
    }) : () -> ()
    %add3A_23 = arith.constant 280 : i32
    %add3A_24 = arith.addi %mul3A_8, %add3A_23 : i32
    "tpu.region"() ({
      %run_scoped3A = tpu.sem_alloc : memref<!tpu.dma_semaphore, #tpu.memory_space<semaphore_mem>>
      %dma_start3A_304 = arith.constant 0 : i32
      %dma_start3A_305 = tpu.memref_slice %arg43[%add3A_24, %dma_start3A_304] : memref<10000x128xf32, #tpu.memory_space<vmem_shared>> -> memref<40x128xf32, #tpu.memory_space<vmem_shared>>
      %dma_start3A_306 = arith.constant 0 : i32
      %dma_start3A_307 = tpu.memref_slice %arg43[%add3A_24, %dma_start3A_306] : memref<10000x128xf32, #tpu.memory_space<vmem_shared>> -> memref<40x128xf32, #tpu.memory_space<vmem_shared>>
      tpu.enqueue_dma source(%arg19 : memref<40x128xf32, #tpu.memory_space<vmem>>) target(%dma_start3A_307 : memref<40x128xf32, #tpu.memory_space<vmem_shared>>) target_semaphore(%run_scoped3A : memref<!tpu.dma_semaphore, #tpu.memory_space<semaphore_mem>>)
      %dma_wait3A_308 = arith.constant 0 : i32
      %dma_wait3A_309 = tpu.memref_slice %arg43[%add3A_24, %dma_wait3A_308] : memref<10000x128xf32, #tpu.memory_space<vmem_shared>> -> memref<40x128xf32, #tpu.memory_space<vmem_shared>>
      %dma_wait3A_310 = arith.constant 0 : i32
      %dma_wait3A_311 = tpu.memref_slice %arg43[%add3A_24, %dma_wait3A_310] : memref<10000x128xf32, #tpu.memory_space<vmem_shared>> -> memref<40x128xf32, #tpu.memory_space<vmem_shared>>
      tpu.wait_dma2 semaphore(%run_scoped3A : memref<!tpu.dma_semaphore, #tpu.memory_space<semaphore_mem>>) src(%arg19 : memref<40x128xf32, #tpu.memory_space<vmem>>) dst(%dma_wait3A_311 : memref<40x128xf32, #tpu.memory_space<vmem_shared>>)
      tpu.yield
    }) : () -> ()
    %add3A_25 = arith.constant 320 : i32
    %add3A_26 = arith.addi %mul3A_8, %add3A_25 : i32
    "tpu.region"() ({
      %run_scoped3A = tpu.sem_alloc : memref<!tpu.dma_semaphore, #tpu.memory_space<semaphore_mem>>
      %dma_start3A_304 = arith.constant 0 : i32
      %dma_start3A_305 = tpu.memref_slice %arg43[%add3A_26, %dma_start3A_304] : memref<10000x128xf32, #tpu.memory_space<vmem_shared>> -> memref<40x128xf32, #tpu.memory_space<vmem_shared>>
      %dma_start3A_306 = arith.constant 0 : i32
      %dma_start3A_307 = tpu.memref_slice %arg43[%add3A_26, %dma_start3A_306] : memref<10000x128xf32, #tpu.memory_space<vmem_shared>> -> memref<40x128xf32, #tpu.memory_space<vmem_shared>>
      tpu.enqueue_dma source(%arg19 : memref<40x128xf32, #tpu.memory_space<vmem>>) target(%dma_start3A_307 : memref<40x128xf32, #tpu.memory_space<vmem_shared>>) target_semaphore(%run_scoped3A : memref<!tpu.dma_semaphore, #tpu.memory_space<semaphore_mem>>)
      %dma_wait3A_308 = arith.constant 0 : i32
      %dma_wait3A_309 = tpu.memref_slice %arg43[%add3A_26, %dma_wait3A_308] : memref<10000x128xf32, #tpu.memory_space<vmem_shared>> -> memref<40x128xf32, #tpu.memory_space<vmem_shared>>
      %dma_wait3A_310 = arith.constant 0 : i32
      %dma_wait3A_311 = tpu.memref_slice %arg43[%add3A_26, %dma_wait3A_310] : memref<10000x128xf32, #tpu.memory_space<vmem_shared>> -> memref<40x128xf32, #tpu.memory_space<vmem_shared>>
      tpu.wait_dma2 semaphore(%run_scoped3A : memref<!tpu.dma_semaphore, #tpu.memory_space<semaphore_mem>>) src(%arg19 : memref<40x128xf32, #tpu.memory_space<vmem>>) dst(%dma_wait3A_311 : memref<40x128xf32, #tpu.memory_space<vmem_shared>>)
      tpu.yield
    }) : () -> ()
    %add3A_27 = arith.constant 360 : i32
    %add3A_28 = arith.addi %mul3A_8, %add3A_27 : i32
    "tpu.region"() ({
      %run_scoped3A = tpu.sem_alloc : memref<!tpu.dma_semaphore, #tpu.memory_space<semaphore_mem>>
      %dma_start3A_304 = arith.constant 0 : i32
      %dma_start3A_305 = tpu.memref_slice %arg43[%add3A_28, %dma_start3A_304] : memref<10000x128xf32, #tpu.memory_space<vmem_shared>> -> memref<40x128xf32, #tpu.memory_space<vmem_shared>>
      %dma_start3A_306 = arith.constant 0 : i32
      %dma_start3A_307 = tpu.memref_slice %arg43[%add3A_28, %dma_start3A_306] : memref<10000x128xf32, #tpu.memory_space<vmem_shared>> -> memref<40x128xf32, #tpu.memory_space<vmem_shared>>
      tpu.enqueue_dma source(%arg19 : memref<40x128xf32, #tpu.memory_space<vmem>>) target(%dma_start3A_307 : memref<40x128xf32, #tpu.memory_space<vmem_shared>>) target_semaphore(%run_scoped3A : memref<!tpu.dma_semaphore, #tpu.memory_space<semaphore_mem>>)
      %dma_wait3A_308 = arith.constant 0 : i32
      %dma_wait3A_309 = tpu.memref_slice %arg43[%add3A_28, %dma_wait3A_308] : memref<10000x128xf32, #tpu.memory_space<vmem_shared>> -> memref<40x128xf32, #tpu.memory_space<vmem_shared>>
      %dma_wait3A_310 = arith.constant 0 : i32
      %dma_wait3A_311 = tpu.memref_slice %arg43[%add3A_28, %dma_wait3A_310] : memref<10000x128xf32, #tpu.memory_space<vmem_shared>> -> memref<40x128xf32, #tpu.memory_space<vmem_shared>>
      tpu.wait_dma2 semaphore(%run_scoped3A : memref<!tpu.dma_semaphore, #tpu.memory_space<semaphore_mem>>) src(%arg19 : memref<40x128xf32, #tpu.memory_space<vmem>>) dst(%dma_wait3A_311 : memref<40x128xf32, #tpu.memory_space<vmem_shared>>)
      tpu.yield
    }) : () -> ()
    %add3A_29 = arith.constant 400 : i32
    %add3A_30 = arith.addi %mul3A_8, %add3A_29 : i32
    "tpu.region"() ({
      %run_scoped3A = tpu.sem_alloc : memref<!tpu.dma_semaphore, #tpu.memory_space<semaphore_mem>>
      %dma_start3A_304 = arith.constant 0 : i32
      %dma_start3A_305 = tpu.memref_slice %arg43[%add3A_30, %dma_start3A_304] : memref<10000x128xf32, #tpu.memory_space<vmem_shared>> -> memref<40x128xf32, #tpu.memory_space<vmem_shared>>
      %dma_start3A_306 = arith.constant 0 : i32
      %dma_start3A_307 = tpu.memref_slice %arg43[%add3A_30, %dma_start3A_306] : memref<10000x128xf32, #tpu.memory_space<vmem_shared>> -> memref<40x128xf32, #tpu.memory_space<vmem_shared>>
      tpu.enqueue_dma source(%arg19 : memref<40x128xf32, #tpu.memory_space<vmem>>) target(%dma_start3A_307 : memref<40x128xf32, #tpu.memory_space<vmem_shared>>) target_semaphore(%run_scoped3A : memref<!tpu.dma_semaphore, #tpu.memory_space<semaphore_mem>>)
      %dma_wait3A_308 = arith.constant 0 : i32
      %dma_wait3A_309 = tpu.memref_slice %arg43[%add3A_30, %dma_wait3A_308] : memref<10000x128xf32, #tpu.memory_space<vmem_shared>> -> memref<40x128xf32, #tpu.memory_space<vmem_shared>>
      %dma_wait3A_310 = arith.constant 0 : i32
      %dma_wait3A_311 = tpu.memref_slice %arg43[%add3A_30, %dma_wait3A_310] : memref<10000x128xf32, #tpu.memory_space<vmem_shared>> -> memref<40x128xf32, #tpu.memory_space<vmem_shared>>
      tpu.wait_dma2 semaphore(%run_scoped3A : memref<!tpu.dma_semaphore, #tpu.memory_space<semaphore_mem>>) src(%arg19 : memref<40x128xf32, #tpu.memory_space<vmem>>) dst(%dma_wait3A_311 : memref<40x128xf32, #tpu.memory_space<vmem_shared>>)
      tpu.yield
    }) : () -> ()
    %add3A_31 = arith.constant 440 : i32
    %add3A_32 = arith.addi %mul3A_8, %add3A_31 : i32
    "tpu.region"() ({
      %run_scoped3A = tpu.sem_alloc : memref<!tpu.dma_semaphore, #tpu.memory_space<semaphore_mem>>
      %dma_start3A_304 = arith.constant 0 : i32
      %dma_start3A_305 = tpu.memref_slice %arg43[%add3A_32, %dma_start3A_304] : memref<10000x128xf32, #tpu.memory_space<vmem_shared>> -> memref<40x128xf32, #tpu.memory_space<vmem_shared>>
      %dma_start3A_306 = arith.constant 0 : i32
      %dma_start3A_307 = tpu.memref_slice %arg43[%add3A_32, %dma_start3A_306] : memref<10000x128xf32, #tpu.memory_space<vmem_shared>> -> memref<40x128xf32, #tpu.memory_space<vmem_shared>>
      tpu.enqueue_dma source(%arg19 : memref<40x128xf32, #tpu.memory_space<vmem>>) target(%dma_start3A_307 : memref<40x128xf32, #tpu.memory_space<vmem_shared>>) target_semaphore(%run_scoped3A : memref<!tpu.dma_semaphore, #tpu.memory_space<semaphore_mem>>)
      %dma_wait3A_308 = arith.constant 0 : i32
      %dma_wait3A_309 = tpu.memref_slice %arg43[%add3A_32, %dma_wait3A_308] : memref<10000x128xf32, #tpu.memory_space<vmem_shared>> -> memref<40x128xf32, #tpu.memory_space<vmem_shared>>
      %dma_wait3A_310 = arith.constant 0 : i32
      %dma_wait3A_311 = tpu.memref_slice %arg43[%add3A_32, %dma_wait3A_310] : memref<10000x128xf32, #tpu.memory_space<vmem_shared>> -> memref<40x128xf32, #tpu.memory_space<vmem_shared>>
      tpu.wait_dma2 semaphore(%run_scoped3A : memref<!tpu.dma_semaphore, #tpu.memory_space<semaphore_mem>>) src(%arg19 : memref<40x128xf32, #tpu.memory_space<vmem>>) dst(%dma_wait3A_311 : memref<40x128xf32, #tpu.memory_space<vmem_shared>>)
      tpu.yield
    }) : () -> ()
    %add3A_33 = arith.constant 480 : i32
    %add3A_34 = arith.addi %mul3A_8, %add3A_33 : i32
    "tpu.region"() ({
      %run_scoped3A = tpu.sem_alloc : memref<!tpu.dma_semaphore, #tpu.memory_space<semaphore_mem>>
      %dma_start3A_304 = arith.constant 0 : i32
      %dma_start3A_305 = tpu.memref_slice %arg43[%add3A_34, %dma_start3A_304] : memref<10000x128xf32, #tpu.memory_space<vmem_shared>> -> memref<40x128xf32, #tpu.memory_space<vmem_shared>>
      %dma_start3A_306 = arith.constant 0 : i32
      %dma_start3A_307 = tpu.memref_slice %arg43[%add3A_34, %dma_start3A_306] : memref<10000x128xf32, #tpu.memory_space<vmem_shared>> -> memref<40x128xf32, #tpu.memory_space<vmem_shared>>
      tpu.enqueue_dma source(%arg19 : memref<40x128xf32, #tpu.memory_space<vmem>>) target(%dma_start3A_307 : memref<40x128xf32, #tpu.memory_space<vmem_shared>>) target_semaphore(%run_scoped3A : memref<!tpu.dma_semaphore, #tpu.memory_space<semaphore_mem>>)
      %dma_wait3A_308 = arith.constant 0 : i32
      %dma_wait3A_309 = tpu.memref_slice %arg43[%add3A_34, %dma_wait3A_308] : memref<10000x128xf32, #tpu.memory_space<vmem_shared>> -> memref<40x128xf32, #tpu.memory_space<vmem_shared>>
      %dma_wait3A_310 = arith.constant 0 : i32
      %dma_wait3A_311 = tpu.memref_slice %arg43[%add3A_34, %dma_wait3A_310] : memref<10000x128xf32, #tpu.memory_space<vmem_shared>> -> memref<40x128xf32, #tpu.memory_space<vmem_shared>>
      tpu.wait_dma2 semaphore(%run_scoped3A : memref<!tpu.dma_semaphore, #tpu.memory_space<semaphore_mem>>) src(%arg19 : memref<40x128xf32, #tpu.memory_space<vmem>>) dst(%dma_wait3A_311 : memref<40x128xf32, #tpu.memory_space<vmem_shared>>)
      tpu.yield
    }) : () -> ()
    %add3A_35 = arith.constant 520 : i32
    %add3A_36 = arith.addi %mul3A_8, %add3A_35 : i32
    "tpu.region"() ({
      %run_scoped3A = tpu.sem_alloc : memref<!tpu.dma_semaphore, #tpu.memory_space<semaphore_mem>>
      %dma_start3A_304 = arith.constant 0 : i32
      %dma_start3A_305 = tpu.memref_slice %arg43[%add3A_36, %dma_start3A_304] : memref<10000x128xf32, #tpu.memory_space<vmem_shared>> -> memref<40x128xf32, #tpu.memory_space<vmem_shared>>
      %dma_start3A_306 = arith.constant 0 : i32
      %dma_start3A_307 = tpu.memref_slice %arg43[%add3A_36, %dma_start3A_306] : memref<10000x128xf32, #tpu.memory_space<vmem_shared>> -> memref<40x128xf32, #tpu.memory_space<vmem_shared>>
      tpu.enqueue_dma source(%arg19 : memref<40x128xf32, #tpu.memory_space<vmem>>) target(%dma_start3A_307 : memref<40x128xf32, #tpu.memory_space<vmem_shared>>) target_semaphore(%run_scoped3A : memref<!tpu.dma_semaphore, #tpu.memory_space<semaphore_mem>>)
      %dma_wait3A_308 = arith.constant 0 : i32
      %dma_wait3A_309 = tpu.memref_slice %arg43[%add3A_36, %dma_wait3A_308] : memref<10000x128xf32, #tpu.memory_space<vmem_shared>> -> memref<40x128xf32, #tpu.memory_space<vmem_shared>>
      %dma_wait3A_310 = arith.constant 0 : i32
      %dma_wait3A_311 = tpu.memref_slice %arg43[%add3A_36, %dma_wait3A_310] : memref<10000x128xf32, #tpu.memory_space<vmem_shared>> -> memref<40x128xf32, #tpu.memory_space<vmem_shared>>
      tpu.wait_dma2 semaphore(%run_scoped3A : memref<!tpu.dma_semaphore, #tpu.memory_space<semaphore_mem>>) src(%arg19 : memref<40x128xf32, #tpu.memory_space<vmem>>) dst(%dma_wait3A_311 : memref<40x128xf32, #tpu.memory_space<vmem_shared>>)
      tpu.yield
    }) : () -> ()
    %add3A_37 = arith.constant 560 : i32
    %add3A_38 = arith.addi %mul3A_8, %add3A_37 : i32
    "tpu.region"() ({
      %run_scoped3A = tpu.sem_alloc : memref<!tpu.dma_semaphore, #tpu.memory_space<semaphore_mem>>
      %dma_start3A_304 = arith.constant 0 : i32
      %dma_start3A_305 = tpu.memref_slice %arg43[%add3A_38, %dma_start3A_304] : memref<10000x128xf32, #tpu.memory_space<vmem_shared>> -> memref<40x128xf32, #tpu.memory_space<vmem_shared>>
      %dma_start3A_306 = arith.constant 0 : i32
      %dma_start3A_307 = tpu.memref_slice %arg43[%add3A_38, %dma_start3A_306] : memref<10000x128xf32, #tpu.memory_space<vmem_shared>> -> memref<40x128xf32, #tpu.memory_space<vmem_shared>>
      tpu.enqueue_dma source(%arg19 : memref<40x128xf32, #tpu.memory_space<vmem>>) target(%dma_start3A_307 : memref<40x128xf32, #tpu.memory_space<vmem_shared>>) target_semaphore(%run_scoped3A : memref<!tpu.dma_semaphore, #tpu.memory_space<semaphore_mem>>)
      %dma_wait3A_308 = arith.constant 0 : i32
      %dma_wait3A_309 = tpu.memref_slice %arg43[%add3A_38, %dma_wait3A_308] : memref<10000x128xf32, #tpu.memory_space<vmem_shared>> -> memref<40x128xf32, #tpu.memory_space<vmem_shared>>
      %dma_wait3A_310 = arith.constant 0 : i32
      %dma_wait3A_311 = tpu.memref_slice %arg43[%add3A_38, %dma_wait3A_310] : memref<10000x128xf32, #tpu.memory_space<vmem_shared>> -> memref<40x128xf32, #tpu.memory_space<vmem_shared>>
      tpu.wait_dma2 semaphore(%run_scoped3A : memref<!tpu.dma_semaphore, #tpu.memory_space<semaphore_mem>>) src(%arg19 : memref<40x128xf32, #tpu.memory_space<vmem>>) dst(%dma_wait3A_311 : memref<40x128xf32, #tpu.memory_space<vmem_shared>>)
      tpu.yield
    }) : () -> ()
    %add3A_39 = arith.constant 600 : i32
    %add3A_40 = arith.addi %mul3A_8, %add3A_39 : i32
    "tpu.region"() ({
      %run_scoped3A = tpu.sem_alloc : memref<!tpu.dma_semaphore, #tpu.memory_space<semaphore_mem>>
      %dma_start3A_304 = arith.constant 0 : i32
      %dma_start3A_305 = arith.constant 0 : i32
      %dma_start3A_306 = tpu.memref_slice %arg19[%dma_start3A_304, %dma_start3A_305] : memref<40x128xf32, #tpu.memory_space<vmem>> -> memref<24x128xf32, #tpu.memory_space<vmem>>
      %dma_start3A_307 = arith.constant 0 : i32
      %dma_start3A_308 = tpu.memref_slice %arg43[%add3A_40, %dma_start3A_307] : memref<10000x128xf32, #tpu.memory_space<vmem_shared>> -> memref<24x128xf32, #tpu.memory_space<vmem_shared>>
      %dma_start3A_309 = arith.constant 0 : i32
      %dma_start3A_310 = tpu.memref_slice %arg43[%add3A_40, %dma_start3A_309] : memref<10000x128xf32, #tpu.memory_space<vmem_shared>> -> memref<24x128xf32, #tpu.memory_space<vmem_shared>>
      %dma_start3A_311 = arith.constant 0 : i32
      %dma_start3A_312 = arith.constant 0 : i32
      %dma_start3A_313 = tpu.memref_slice %arg19[%dma_start3A_311, %dma_start3A_312] : memref<40x128xf32, #tpu.memory_space<vmem>> -> memref<24x128xf32, #tpu.memory_space<vmem>>
      tpu.enqueue_dma source(%dma_start3A_313 : memref<24x128xf32, #tpu.memory_space<vmem>>) target(%dma_start3A_310 : memref<24x128xf32, #tpu.memory_space<vmem_shared>>) target_semaphore(%run_scoped3A : memref<!tpu.dma_semaphore, #tpu.memory_space<semaphore_mem>>)
      %dma_wait3A_314 = arith.constant 0 : i32
      %dma_wait3A_315 = arith.constant 0 : i32
      %dma_wait3A_316 = tpu.memref_slice %arg19[%dma_wait3A_314, %dma_wait3A_315] : memref<40x128xf32, #tpu.memory_space<vmem>> -> memref<24x128xf32, #tpu.memory_space<vmem>>
      %dma_wait3A_317 = arith.constant 0 : i32
      %dma_wait3A_318 = tpu.memref_slice %arg43[%add3A_40, %dma_wait3A_317] : memref<10000x128xf32, #tpu.memory_space<vmem_shared>> -> memref<24x128xf32, #tpu.memory_space<vmem_shared>>
      %dma_wait3A_319 = arith.constant 0 : i32
      %dma_wait3A_320 = tpu.memref_slice %arg43[%add3A_40, %dma_wait3A_319] : memref<10000x128xf32, #tpu.memory_space<vmem_shared>> -> memref<24x128xf32, #tpu.memory_space<vmem_shared>>
      %dma_wait3A_321 = arith.constant 0 : i32
      %dma_wait3A_322 = arith.constant 0 : i32
      %dma_wait3A_323 = tpu.memref_slice %arg19[%dma_wait3A_321, %dma_wait3A_322] : memref<40x128xf32, #tpu.memory_space<vmem>> -> memref<24x128xf32, #tpu.memory_space<vmem>>
      tpu.wait_dma2 semaphore(%run_scoped3A : memref<!tpu.dma_semaphore, #tpu.memory_space<semaphore_mem>>) src(%dma_wait3A_323 : memref<24x128xf32, #tpu.memory_space<vmem>>) dst(%dma_wait3A_320 : memref<24x128xf32, #tpu.memory_space<vmem_shared>>)
      tpu.yield
    }) : () -> ()
    %eq3A = arith.constant 15 : i32
    %eq3A_41 = arith.cmpi eq, %arg1, %eq3A : i32
    %convert_element_type3A = arith.extui %eq3A_41 : i1 to i32
    %cond3A = arith.constant 0 : i32
    %cond3A_42 = arith.cmpi ne, %convert_element_type3A, %cond3A : i32
    scf.if %cond3A_42 {
      %add3A_304 = arith.constant 624 : i32
      %add3A_305 = arith.addi %mul3A_8, %add3A_304 : i32
      "tpu.region"() ({
        %run_scoped3A = tpu.sem_alloc : memref<!tpu.dma_semaphore, #tpu.memory_space<semaphore_mem>>
        %dma_start3A_306 = arith.constant 0 : i32
        %dma_start3A_307 = arith.constant 0 : i32
        %dma_start3A_308 = tpu.memref_slice %arg19[%dma_start3A_306, %dma_start3A_307] : memref<40x128xf32, #tpu.memory_space<vmem>> -> memref<16x128xf32, #tpu.memory_space<vmem>>
        %dma_start3A_309 = arith.constant 0 : i32
        %dma_start3A_310 = tpu.memref_slice %arg43[%add3A_305, %dma_start3A_309] : memref<10000x128xf32, #tpu.memory_space<vmem_shared>> -> memref<16x128xf32, #tpu.memory_space<vmem_shared>>
        %dma_start3A_311 = arith.constant 0 : i32
        %dma_start3A_312 = tpu.memref_slice %arg43[%add3A_305, %dma_start3A_311] : memref<10000x128xf32, #tpu.memory_space<vmem_shared>> -> memref<16x128xf32, #tpu.memory_space<vmem_shared>>
        %dma_start3A_313 = arith.constant 0 : i32
        %dma_start3A_314 = arith.constant 0 : i32
        %dma_start3A_315 = tpu.memref_slice %arg19[%dma_start3A_313, %dma_start3A_314] : memref<40x128xf32, #tpu.memory_space<vmem>> -> memref<16x128xf32, #tpu.memory_space<vmem>>
        tpu.enqueue_dma source(%dma_start3A_315 : memref<16x128xf32, #tpu.memory_space<vmem>>) target(%dma_start3A_312 : memref<16x128xf32, #tpu.memory_space<vmem_shared>>) target_semaphore(%run_scoped3A : memref<!tpu.dma_semaphore, #tpu.memory_space<semaphore_mem>>)
        %dma_wait3A_316 = arith.constant 0 : i32
        %dma_wait3A_317 = arith.constant 0 : i32
        %dma_wait3A_318 = tpu.memref_slice %arg19[%dma_wait3A_316, %dma_wait3A_317] : memref<40x128xf32, #tpu.memory_space<vmem>> -> memref<16x128xf32, #tpu.memory_space<vmem>>
        %dma_wait3A_319 = arith.constant 0 : i32
        %dma_wait3A_320 = tpu.memref_slice %arg43[%add3A_305, %dma_wait3A_319] : memref<10000x128xf32, #tpu.memory_space<vmem_shared>> -> memref<16x128xf32, #tpu.memory_space<vmem_shared>>
        %dma_wait3A_321 = arith.constant 0 : i32
        %dma_wait3A_322 = tpu.memref_slice %arg43[%add3A_305, %dma_wait3A_321] : memref<10000x128xf32, #tpu.memory_space<vmem_shared>> -> memref<16x128xf32, #tpu.memory_space<vmem_shared>>
        %dma_wait3A_323 = arith.constant 0 : i32
        %dma_wait3A_324 = arith.constant 0 : i32
        %dma_wait3A_325 = tpu.memref_slice %arg19[%dma_wait3A_323, %dma_wait3A_324] : memref<40x128xf32, #tpu.memory_space<vmem>> -> memref<16x128xf32, #tpu.memory_space<vmem>>
        tpu.wait_dma2 semaphore(%run_scoped3A : memref<!tpu.dma_semaphore, #tpu.memory_space<semaphore_mem>>) src(%dma_wait3A_325 : memref<16x128xf32, #tpu.memory_space<vmem>>) dst(%dma_wait3A_322 : memref<16x128xf32, #tpu.memory_space<vmem_shared>>)
        tpu.yield
      }) : () -> ()
    } else {
    }
    %barrier3A = arith.constant 0 : index
    tpu.barrier barrier_id(%barrier3A)
    %add3A_43 = arith.constant 0 : i32
    %add3A_44 = arith.addi %add3A_4, %add3A_43 : i32
    %dma_start3A = arith.constant 0 : i32
    %dma_start3A_45 = arith.constant 0 : i32
    %dma_start3A_46 = tpu.memref_slice %arg7[%dma_start3A, %dma_start3A_45] : memref<2x40xi32, #tpu.memory_space<vmem>> -> memref<1x40xi32, #tpu.memory_space<vmem>>
    %dma_start3A_47 = tpu.memref_squeeze %dma_start3A_46 : memref<1x40xi32, #tpu.memory_space<vmem>> -> memref<40xi32, #tpu.memory_space<vmem>>
    %dma_start3A_48 = tpu.memref_slice %arg4[%add3A_44] : memref<320000xi32, #tpu.memory_space<hbm>> -> memref<40xi32, #tpu.memory_space<hbm>>
    %dma_start3A_49 = arith.constant 0 : i32
    %dma_start3A_50 = tpu.memref_slice %arg7[%dma_start3A, %dma_start3A_49] : memref<2x40xi32, #tpu.memory_space<vmem>> -> memref<1x40xi32, #tpu.memory_space<vmem>>
    %dma_start3A_51 = tpu.memref_squeeze %dma_start3A_50 : memref<1x40xi32, #tpu.memory_space<vmem>> -> memref<40xi32, #tpu.memory_space<vmem>>
    %dma_start3A_52 = tpu.memref_slice %arg4[%add3A_44] : memref<320000xi32, #tpu.memory_space<hbm>> -> memref<40xi32, #tpu.memory_space<hbm>>
    tpu.enqueue_dma source(%dma_start3A_52 : memref<40xi32, #tpu.memory_space<hbm>>) target(%dma_start3A_51 : memref<40xi32, #tpu.memory_space<vmem>>) target_semaphore(%arg23 : memref<!tpu.dma_semaphore, #tpu.memory_space<semaphore_mem>>)
    %add3A_53 = arith.constant 0 : i32
    %add3A_54 = arith.addi %add3A_4, %add3A_53 : i32
    %dma_start3A_55 = arith.constant 1 : i32
    %dma_start3A_56 = arith.constant 0 : i32
    %dma_start3A_57 = tpu.memref_slice %arg7[%dma_start3A_55, %dma_start3A_56] : memref<2x40xi32, #tpu.memory_space<vmem>> -> memref<1x40xi32, #tpu.memory_space<vmem>>
    %dma_start3A_58 = tpu.memref_squeeze %dma_start3A_57 : memref<1x40xi32, #tpu.memory_space<vmem>> -> memref<40xi32, #tpu.memory_space<vmem>>
    %dma_start3A_59 = tpu.memref_slice %arg5[%add3A_54] : memref<320000xi32, #tpu.memory_space<hbm>> -> memref<40xi32, #tpu.memory_space<hbm>>
    %dma_start3A_60 = arith.constant 0 : i32
    %dma_start3A_61 = tpu.memref_slice %arg7[%dma_start3A_55, %dma_start3A_60] : memref<2x40xi32, #tpu.memory_space<vmem>> -> memref<1x40xi32, #tpu.memory_space<vmem>>
    %dma_start3A_62 = tpu.memref_squeeze %dma_start3A_61 : memref<1x40xi32, #tpu.memory_space<vmem>> -> memref<40xi32, #tpu.memory_space<vmem>>
    %dma_start3A_63 = tpu.memref_slice %arg5[%add3A_54] : memref<320000xi32, #tpu.memory_space<hbm>> -> memref<40xi32, #tpu.memory_space<hbm>>
    tpu.enqueue_dma source(%dma_start3A_63 : memref<40xi32, #tpu.memory_space<hbm>>) target(%dma_start3A_62 : memref<40xi32, #tpu.memory_space<vmem>>) target_semaphore(%arg23 : memref<!tpu.dma_semaphore, #tpu.memory_space<semaphore_mem>>)
    %add3A_64 = arith.constant 40 : i32
    %add3A_65 = arith.addi %add3A_4, %add3A_64 : i32
    %dma_start3A_66 = arith.constant 0 : i32
    %dma_start3A_67 = arith.constant 0 : i32
    %dma_start3A_68 = tpu.memref_slice %arg8[%dma_start3A_66, %dma_start3A_67] : memref<2x40xi32, #tpu.memory_space<vmem>> -> memref<1x40xi32, #tpu.memory_space<vmem>>
    %dma_start3A_69 = tpu.memref_squeeze %dma_start3A_68 : memref<1x40xi32, #tpu.memory_space<vmem>> -> memref<40xi32, #tpu.memory_space<vmem>>
    %dma_start3A_70 = tpu.memref_slice %arg4[%add3A_65] : memref<320000xi32, #tpu.memory_space<hbm>> -> memref<40xi32, #tpu.memory_space<hbm>>
    %dma_start3A_71 = arith.constant 0 : i32
    %dma_start3A_72 = tpu.memref_slice %arg8[%dma_start3A_66, %dma_start3A_71] : memref<2x40xi32, #tpu.memory_space<vmem>> -> memref<1x40xi32, #tpu.memory_space<vmem>>
    %dma_start3A_73 = tpu.memref_squeeze %dma_start3A_72 : memref<1x40xi32, #tpu.memory_space<vmem>> -> memref<40xi32, #tpu.memory_space<vmem>>
    %dma_start3A_74 = tpu.memref_slice %arg4[%add3A_65] : memref<320000xi32, #tpu.memory_space<hbm>> -> memref<40xi32, #tpu.memory_space<hbm>>
    tpu.enqueue_dma source(%dma_start3A_74 : memref<40xi32, #tpu.memory_space<hbm>>) target(%dma_start3A_73 : memref<40xi32, #tpu.memory_space<vmem>>) target_semaphore(%arg24 : memref<!tpu.dma_semaphore, #tpu.memory_space<semaphore_mem>>)
    %add3A_75 = arith.constant 40 : i32
    %add3A_76 = arith.addi %add3A_4, %add3A_75 : i32
    %dma_start3A_77 = arith.constant 1 : i32
    %dma_start3A_78 = arith.constant 0 : i32
    %dma_start3A_79 = tpu.memref_slice %arg8[%dma_start3A_77, %dma_start3A_78] : memref<2x40xi32, #tpu.memory_space<vmem>> -> memref<1x40xi32, #tpu.memory_space<vmem>>
    %dma_start3A_80 = tpu.memref_squeeze %dma_start3A_79 : memref<1x40xi32, #tpu.memory_space<vmem>> -> memref<40xi32, #tpu.memory_space<vmem>>
    %dma_start3A_81 = tpu.memref_slice %arg5[%add3A_76] : memref<320000xi32, #tpu.memory_space<hbm>> -> memref<40xi32, #tpu.memory_space<hbm>>
    %dma_start3A_82 = arith.constant 0 : i32
    %dma_start3A_83 = tpu.memref_slice %arg8[%dma_start3A_77, %dma_start3A_82] : memref<2x40xi32, #tpu.memory_space<vmem>> -> memref<1x40xi32, #tpu.memory_space<vmem>>
    %dma_start3A_84 = tpu.memref_squeeze %dma_start3A_83 : memref<1x40xi32, #tpu.memory_space<vmem>> -> memref<40xi32, #tpu.memory_space<vmem>>
    %dma_start3A_85 = tpu.memref_slice %arg5[%add3A_76] : memref<320000xi32, #tpu.memory_space<hbm>> -> memref<40xi32, #tpu.memory_space<hbm>>
    tpu.enqueue_dma source(%dma_start3A_85 : memref<40xi32, #tpu.memory_space<hbm>>) target(%dma_start3A_84 : memref<40xi32, #tpu.memory_space<vmem>>) target_semaphore(%arg24 : memref<!tpu.dma_semaphore, #tpu.memory_space<semaphore_mem>>)
    %add3A_86 = arith.constant 80 : i32
    %add3A_87 = arith.addi %add3A_4, %add3A_86 : i32
    %dma_start3A_88 = arith.constant 0 : i32
    %dma_start3A_89 = arith.constant 0 : i32
    %dma_start3A_90 = tpu.memref_slice %arg9[%dma_start3A_88, %dma_start3A_89] : memref<2x40xi32, #tpu.memory_space<vmem>> -> memref<1x40xi32, #tpu.memory_space<vmem>>
    %dma_start3A_91 = tpu.memref_squeeze %dma_start3A_90 : memref<1x40xi32, #tpu.memory_space<vmem>> -> memref<40xi32, #tpu.memory_space<vmem>>
    %dma_start3A_92 = tpu.memref_slice %arg4[%add3A_87] : memref<320000xi32, #tpu.memory_space<hbm>> -> memref<40xi32, #tpu.memory_space<hbm>>
    %dma_start3A_93 = arith.constant 0 : i32
    %dma_start3A_94 = tpu.memref_slice %arg9[%dma_start3A_88, %dma_start3A_93] : memref<2x40xi32, #tpu.memory_space<vmem>> -> memref<1x40xi32, #tpu.memory_space<vmem>>
    %dma_start3A_95 = tpu.memref_squeeze %dma_start3A_94 : memref<1x40xi32, #tpu.memory_space<vmem>> -> memref<40xi32, #tpu.memory_space<vmem>>
    %dma_start3A_96 = tpu.memref_slice %arg4[%add3A_87] : memref<320000xi32, #tpu.memory_space<hbm>> -> memref<40xi32, #tpu.memory_space<hbm>>
    tpu.enqueue_dma source(%dma_start3A_96 : memref<40xi32, #tpu.memory_space<hbm>>) target(%dma_start3A_95 : memref<40xi32, #tpu.memory_space<vmem>>) target_semaphore(%arg25 : memref<!tpu.dma_semaphore, #tpu.memory_space<semaphore_mem>>)
    %add3A_97 = arith.constant 80 : i32
    %add3A_98 = arith.addi %add3A_4, %add3A_97 : i32
    %dma_start3A_99 = arith.constant 1 : i32
    %dma_start3A_100 = arith.constant 0 : i32
    %dma_start3A_101 = tpu.memref_slice %arg9[%dma_start3A_99, %dma_start3A_100] : memref<2x40xi32, #tpu.memory_space<vmem>> -> memref<1x40xi32, #tpu.memory_space<vmem>>
    %dma_start3A_102 = tpu.memref_squeeze %dma_start3A_101 : memref<1x40xi32, #tpu.memory_space<vmem>> -> memref<40xi32, #tpu.memory_space<vmem>>
    %dma_start3A_103 = tpu.memref_slice %arg5[%add3A_98] : memref<320000xi32, #tpu.memory_space<hbm>> -> memref<40xi32, #tpu.memory_space<hbm>>
    %dma_start3A_104 = arith.constant 0 : i32
    %dma_start3A_105 = tpu.memref_slice %arg9[%dma_start3A_99, %dma_start3A_104] : memref<2x40xi32, #tpu.memory_space<vmem>> -> memref<1x40xi32, #tpu.memory_space<vmem>>
    %dma_start3A_106 = tpu.memref_squeeze %dma_start3A_105 : memref<1x40xi32, #tpu.memory_space<vmem>> -> memref<40xi32, #tpu.memory_space<vmem>>
    %dma_start3A_107 = tpu.memref_slice %arg5[%add3A_98] : memref<320000xi32, #tpu.memory_space<hbm>> -> memref<40xi32, #tpu.memory_space<hbm>>
    tpu.enqueue_dma source(%dma_start3A_107 : memref<40xi32, #tpu.memory_space<hbm>>) target(%dma_start3A_106 : memref<40xi32, #tpu.memory_space<vmem>>) target_semaphore(%arg25 : memref<!tpu.dma_semaphore, #tpu.memory_space<semaphore_mem>>)
    %dma_wait3A = arith.constant 0 : i32
    %dma_wait3A_108 = arith.constant 0 : i32
    %dma_wait3A_109 = tpu.memref_slice %arg7[%dma_wait3A, %dma_wait3A_108] : memref<2x40xi32, #tpu.memory_space<vmem>> -> memref<1x40xi32, #tpu.memory_space<vmem>>
    %dma_wait3A_110 = tpu.memref_squeeze %dma_wait3A_109 : memref<1x40xi32, #tpu.memory_space<vmem>> -> memref<40xi32, #tpu.memory_space<vmem>>
    %dma_wait3A_111 = arith.constant 0 : i32
    %dma_wait3A_112 = tpu.memref_slice %arg4[%dma_wait3A_111] : memref<320000xi32, #tpu.memory_space<hbm>> -> memref<40xi32, #tpu.memory_space<hbm>>
    %dma_wait3A_113 = arith.constant 0 : i32
    %dma_wait3A_114 = tpu.memref_slice %arg7[%dma_wait3A, %dma_wait3A_113] : memref<2x40xi32, #tpu.memory_space<vmem>> -> memref<1x40xi32, #tpu.memory_space<vmem>>
    %dma_wait3A_115 = tpu.memref_squeeze %dma_wait3A_114 : memref<1x40xi32, #tpu.memory_space<vmem>> -> memref<40xi32, #tpu.memory_space<vmem>>
    %dma_wait3A_116 = arith.constant 0 : i32
    %dma_wait3A_117 = tpu.memref_slice %arg4[%dma_wait3A_116] : memref<320000xi32, #tpu.memory_space<hbm>> -> memref<40xi32, #tpu.memory_space<hbm>>
    tpu.wait_dma2 semaphore(%arg23 : memref<!tpu.dma_semaphore, #tpu.memory_space<semaphore_mem>>) src(%dma_wait3A_117 : memref<40xi32, #tpu.memory_space<hbm>>) dst(%dma_wait3A_115 : memref<40xi32, #tpu.memory_space<vmem>>)
    %dma_wait3A_118 = arith.constant 1 : i32
    %dma_wait3A_119 = arith.constant 0 : i32
    %dma_wait3A_120 = tpu.memref_slice %arg7[%dma_wait3A_118, %dma_wait3A_119] : memref<2x40xi32, #tpu.memory_space<vmem>> -> memref<1x40xi32, #tpu.memory_space<vmem>>
    %dma_wait3A_121 = tpu.memref_squeeze %dma_wait3A_120 : memref<1x40xi32, #tpu.memory_space<vmem>> -> memref<40xi32, #tpu.memory_space<vmem>>
    %dma_wait3A_122 = arith.constant 0 : i32
    %dma_wait3A_123 = tpu.memref_slice %arg4[%dma_wait3A_122] : memref<320000xi32, #tpu.memory_space<hbm>> -> memref<40xi32, #tpu.memory_space<hbm>>
    %dma_wait3A_124 = arith.constant 0 : i32
    %dma_wait3A_125 = tpu.memref_slice %arg7[%dma_wait3A_118, %dma_wait3A_124] : memref<2x40xi32, #tpu.memory_space<vmem>> -> memref<1x40xi32, #tpu.memory_space<vmem>>
    %dma_wait3A_126 = tpu.memref_squeeze %dma_wait3A_125 : memref<1x40xi32, #tpu.memory_space<vmem>> -> memref<40xi32, #tpu.memory_space<vmem>>
    %dma_wait3A_127 = arith.constant 0 : i32
    %dma_wait3A_128 = tpu.memref_slice %arg4[%dma_wait3A_127] : memref<320000xi32, #tpu.memory_space<hbm>> -> memref<40xi32, #tpu.memory_space<hbm>>
    tpu.wait_dma2 semaphore(%arg23 : memref<!tpu.dma_semaphore, #tpu.memory_space<semaphore_mem>>) src(%dma_wait3A_128 : memref<40xi32, #tpu.memory_space<hbm>>) dst(%dma_wait3A_126 : memref<40xi32, #tpu.memory_space<vmem>>)
    %dma_start3A_129 = arith.constant 0 : i32
    %dma_start3A_130 = arith.constant 0 : i32
    %dma_start3A_131 = tpu.memref_slice %arg7[%dma_start3A_129, %dma_start3A_130] : memref<2x40xi32, #tpu.memory_space<vmem>> -> memref<1x40xi32, #tpu.memory_space<vmem>>
    %dma_start3A_132 = tpu.memref_squeeze %dma_start3A_131 : memref<1x40xi32, #tpu.memory_space<vmem>> -> memref<40xi32, #tpu.memory_space<vmem>>
    %dma_start3A_133 = arith.constant 0 : i32
    %dma_start3A_134 = arith.constant 0 : i32
    %dma_start3A_135 = tpu.memref_slice %arg2[%dma_start3A_133, %dma_start3A_134] : memref<10000x128xf32, #tpu.memory_space<hbm>> -> memref<10000x128xf32, #tpu.memory_space<hbm>>
    tpu.enqueue_indirect_dma source(%dma_start3A_135 : memref<10000x128xf32, #tpu.memory_space<hbm>>) target(%arg15 : memref<40x128xf32, #tpu.memory_space<vmem>>) offsets(%dma_start3A_132 : memref<40xi32, #tpu.memory_space<vmem>>) semaphore(%arg31 : memref<!tpu.dma_semaphore, #tpu.memory_space<semaphore_mem>>)
    %add3A_136 = arith.constant 0 : i32
    %add3A_137 = arith.addi %mul3A_2, %add3A_136 : i32
    %dma_start3A_138 = arith.constant 0 : i32
    %dma_start3A_139 = tpu.memref_slice %arg3[%add3A_137, %dma_start3A_138] : memref<320000x128xf32, #tpu.memory_space<hbm>> -> memref<40x128xf32, #tpu.memory_space<hbm>>
    %dma_start3A_140 = arith.constant 0 : i32
    %dma_start3A_141 = tpu.memref_slice %arg3[%add3A_137, %dma_start3A_140] : memref<320000x128xf32, #tpu.memory_space<hbm>> -> memref<40x128xf32, #tpu.memory_space<hbm>>
    tpu.enqueue_dma source(%dma_start3A_141 : memref<40x128xf32, #tpu.memory_space<hbm>>) target(%arg19 : memref<40x128xf32, #tpu.memory_space<vmem>>) target_semaphore(%arg35 : memref<!tpu.dma_semaphore, #tpu.memory_space<semaphore_mem>>)
    %dma_wait3A_142 = arith.constant 0 : i32
    %dma_wait3A_143 = arith.constant 0 : i32
    %dma_wait3A_144 = tpu.memref_slice %arg8[%dma_wait3A_142, %dma_wait3A_143] : memref<2x40xi32, #tpu.memory_space<vmem>> -> memref<1x40xi32, #tpu.memory_space<vmem>>
    %dma_wait3A_145 = tpu.memref_squeeze %dma_wait3A_144 : memref<1x40xi32, #tpu.memory_space<vmem>> -> memref<40xi32, #tpu.memory_space<vmem>>
    %dma_wait3A_146 = arith.constant 0 : i32
    %dma_wait3A_147 = tpu.memref_slice %arg4[%dma_wait3A_146] : memref<320000xi32, #tpu.memory_space<hbm>> -> memref<40xi32, #tpu.memory_space<hbm>>
    %dma_wait3A_148 = arith.constant 0 : i32
    %dma_wait3A_149 = tpu.memref_slice %arg8[%dma_wait3A_142, %dma_wait3A_148] : memref<2x40xi32, #tpu.memory_space<vmem>> -> memref<1x40xi32, #tpu.memory_space<vmem>>
    %dma_wait3A_150 = tpu.memref_squeeze %dma_wait3A_149 : memref<1x40xi32, #tpu.memory_space<vmem>> -> memref<40xi32, #tpu.memory_space<vmem>>
    %dma_wait3A_151 = arith.constant 0 : i32
    %dma_wait3A_152 = tpu.memref_slice %arg4[%dma_wait3A_151] : memref<320000xi32, #tpu.memory_space<hbm>> -> memref<40xi32, #tpu.memory_space<hbm>>
    tpu.wait_dma2 semaphore(%arg24 : memref<!tpu.dma_semaphore, #tpu.memory_space<semaphore_mem>>) src(%dma_wait3A_152 : memref<40xi32, #tpu.memory_space<hbm>>) dst(%dma_wait3A_150 : memref<40xi32, #tpu.memory_space<vmem>>)
    %dma_wait3A_153 = arith.constant 1 : i32
    %dma_wait3A_154 = arith.constant 0 : i32
    %dma_wait3A_155 = tpu.memref_slice %arg8[%dma_wait3A_153, %dma_wait3A_154] : memref<2x40xi32, #tpu.memory_space<vmem>> -> memref<1x40xi32, #tpu.memory_space<vmem>>
    %dma_wait3A_156 = tpu.memref_squeeze %dma_wait3A_155 : memref<1x40xi32, #tpu.memory_space<vmem>> -> memref<40xi32, #tpu.memory_space<vmem>>
    %dma_wait3A_157 = arith.constant 0 : i32
    %dma_wait3A_158 = tpu.memref_slice %arg4[%dma_wait3A_157] : memref<320000xi32, #tpu.memory_space<hbm>> -> memref<40xi32, #tpu.memory_space<hbm>>
    %dma_wait3A_159 = arith.constant 0 : i32
    %dma_wait3A_160 = tpu.memref_slice %arg8[%dma_wait3A_153, %dma_wait3A_159] : memref<2x40xi32, #tpu.memory_space<vmem>> -> memref<1x40xi32, #tpu.memory_space<vmem>>
    %dma_wait3A_161 = tpu.memref_squeeze %dma_wait3A_160 : memref<1x40xi32, #tpu.memory_space<vmem>> -> memref<40xi32, #tpu.memory_space<vmem>>
    %dma_wait3A_162 = arith.constant 0 : i32
    %dma_wait3A_163 = tpu.memref_slice %arg4[%dma_wait3A_162] : memref<320000xi32, #tpu.memory_space<hbm>> -> memref<40xi32, #tpu.memory_space<hbm>>
    tpu.wait_dma2 semaphore(%arg24 : memref<!tpu.dma_semaphore, #tpu.memory_space<semaphore_mem>>) src(%dma_wait3A_163 : memref<40xi32, #tpu.memory_space<hbm>>) dst(%dma_wait3A_161 : memref<40xi32, #tpu.memory_space<vmem>>)
    %dma_start3A_164 = arith.constant 0 : i32
    %dma_start3A_165 = arith.constant 0 : i32
    %dma_start3A_166 = tpu.memref_slice %arg8[%dma_start3A_164, %dma_start3A_165] : memref<2x40xi32, #tpu.memory_space<vmem>> -> memref<1x40xi32, #tpu.memory_space<vmem>>
    %dma_start3A_167 = tpu.memref_squeeze %dma_start3A_166 : memref<1x40xi32, #tpu.memory_space<vmem>> -> memref<40xi32, #tpu.memory_space<vmem>>
    %dma_start3A_168 = arith.constant 0 : i32
    %dma_start3A_169 = arith.constant 0 : i32
    %dma_start3A_170 = tpu.memref_slice %arg2[%dma_start3A_168, %dma_start3A_169] : memref<10000x128xf32, #tpu.memory_space<hbm>> -> memref<10000x128xf32, #tpu.memory_space<hbm>>
    tpu.enqueue_indirect_dma source(%dma_start3A_170 : memref<10000x128xf32, #tpu.memory_space<hbm>>) target(%arg16 : memref<40x128xf32, #tpu.memory_space<vmem>>) offsets(%dma_start3A_167 : memref<40xi32, #tpu.memory_space<vmem>>) semaphore(%arg32 : memref<!tpu.dma_semaphore, #tpu.memory_space<semaphore_mem>>)
    %add3A_171 = arith.constant 40 : i32
    %add3A_172 = arith.addi %mul3A_2, %add3A_171 : i32
    %dma_start3A_173 = arith.constant 0 : i32
    %dma_start3A_174 = tpu.memref_slice %arg3[%add3A_172, %dma_start3A_173] : memref<320000x128xf32, #tpu.memory_space<hbm>> -> memref<40x128xf32, #tpu.memory_space<hbm>>
    %dma_start3A_175 = arith.constant 0 : i32
    %dma_start3A_176 = tpu.memref_slice %arg3[%add3A_172, %dma_start3A_175] : memref<320000x128xf32, #tpu.memory_space<hbm>> -> memref<40x128xf32, #tpu.memory_space<hbm>>
    tpu.enqueue_dma source(%dma_start3A_176 : memref<40x128xf32, #tpu.memory_space<hbm>>) target(%arg20 : memref<40x128xf32, #tpu.memory_space<vmem>>) target_semaphore(%arg36 : memref<!tpu.dma_semaphore, #tpu.memory_space<semaphore_mem>>)
    %scan3A = arith.constant 0 : i32
    %scan3A_177 = arith.constant 0 : i32
    %scan3A_178 = arith.constant 31 : i32
    %scan3A_179 = arith.addi %scan3A_177, %scan3A_178 : i32
    %scan3A_180 = arith.constant 1 : i32
    scf.for %scan3A_304 = %scan3A_177 to %scan3A_179 step %scan3A_180  : i32 {
      %mul3A_305 = arith.constant 8 : i32
      %mul3A_306 = arith.muli %scan3A_304, %mul3A_305 : i32
      %add3A_307 = arith.constant 0 : i32
      %add3A_308 = arith.addi %mul3A_306, %add3A_307 : i32
      %add3A_309 = arith.constant 2 : i32
      %add3A_310 = arith.addi %add3A_308, %add3A_309 : i32
      %add3A_311 = arith.constant 3 : i32
      %add3A_312 = arith.addi %add3A_308, %add3A_311 : i32
      %lt3A_313 = arith.constant 250 : i32
      %lt3A_314 = arith.cmpi slt, %add3A_312, %lt3A_313 : i32
      %convert_element_type3A_315 = arith.extui %lt3A_314 : i1 to i32
      %cond3A_316 = arith.constant 0 : i32
      %cond3A_317 = arith.cmpi ne, %convert_element_type3A_315, %cond3A_316 : i32
      scf.if %cond3A_317 {
        %mul3A_657 = arith.constant 40 : i32
        %mul3A_658 = arith.muli %add3A_312, %mul3A_657 : i32
        %add3A_659 = arith.addi %add3A_4, %mul3A_658 : i32
        %dma_start3A_660 = arith.constant 0 : i32
        %dma_start3A_661 = arith.constant 0 : i32
        %dma_start3A_662 = tpu.memref_slice %arg10[%dma_start3A_660, %dma_start3A_661] : memref<2x40xi32, #tpu.memory_space<vmem>> -> memref<1x40xi32, #tpu.memory_space<vmem>>
        %dma_start3A_663 = tpu.memref_squeeze %dma_start3A_662 : memref<1x40xi32, #tpu.memory_space<vmem>> -> memref<40xi32, #tpu.memory_space<vmem>>
        %dma_start3A_664 = tpu.memref_slice %arg4[%add3A_659] : memref<320000xi32, #tpu.memory_space<hbm>> -> memref<40xi32, #tpu.memory_space<hbm>>
        %dma_start3A_665 = arith.constant 0 : i32
        %dma_start3A_666 = tpu.memref_slice %arg10[%dma_start3A_660, %dma_start3A_665] : memref<2x40xi32, #tpu.memory_space<vmem>> -> memref<1x40xi32, #tpu.memory_space<vmem>>
        %dma_start3A_667 = tpu.memref_squeeze %dma_start3A_666 : memref<1x40xi32, #tpu.memory_space<vmem>> -> memref<40xi32, #tpu.memory_space<vmem>>
        %dma_start3A_668 = tpu.memref_slice %arg4[%add3A_659] : memref<320000xi32, #tpu.memory_space<hbm>> -> memref<40xi32, #tpu.memory_space<hbm>>
        tpu.enqueue_dma source(%dma_start3A_668 : memref<40xi32, #tpu.memory_space<hbm>>) target(%dma_start3A_667 : memref<40xi32, #tpu.memory_space<vmem>>) target_semaphore(%arg26 : memref<!tpu.dma_semaphore, #tpu.memory_space<semaphore_mem>>)
        %mul3A_669 = arith.constant 40 : i32
        %mul3A_670 = arith.muli %add3A_312, %mul3A_669 : i32
        %add3A_671 = arith.addi %add3A_4, %mul3A_670 : i32
        %dma_start3A_672 = arith.constant 1 : i32
        %dma_start3A_673 = arith.constant 0 : i32
        %dma_start3A_674 = tpu.memref_slice %arg10[%dma_start3A_672, %dma_start3A_673] : memref<2x40xi32, #tpu.memory_space<vmem>> -> memref<1x40xi32, #tpu.memory_space<vmem>>
        %dma_start3A_675 = tpu.memref_squeeze %dma_start3A_674 : memref<1x40xi32, #tpu.memory_space<vmem>> -> memref<40xi32, #tpu.memory_space<vmem>>
        %dma_start3A_676 = tpu.memref_slice %arg5[%add3A_671] : memref<320000xi32, #tpu.memory_space<hbm>> -> memref<40xi32, #tpu.memory_space<hbm>>
        %dma_start3A_677 = arith.constant 0 : i32
        %dma_start3A_678 = tpu.memref_slice %arg10[%dma_start3A_672, %dma_start3A_677] : memref<2x40xi32, #tpu.memory_space<vmem>> -> memref<1x40xi32, #tpu.memory_space<vmem>>
        %dma_start3A_679 = tpu.memref_squeeze %dma_start3A_678 : memref<1x40xi32, #tpu.memory_space<vmem>> -> memref<40xi32, #tpu.memory_space<vmem>>
        %dma_start3A_680 = tpu.memref_slice %arg5[%add3A_671] : memref<320000xi32, #tpu.memory_space<hbm>> -> memref<40xi32, #tpu.memory_space<hbm>>
        tpu.enqueue_dma source(%dma_start3A_680 : memref<40xi32, #tpu.memory_space<hbm>>) target(%dma_start3A_679 : memref<40xi32, #tpu.memory_space<vmem>>) target_semaphore(%arg26 : memref<!tpu.dma_semaphore, #tpu.memory_space<semaphore_mem>>)
      } else {
      }
      %lt3A_318 = arith.constant 250 : i32
      %lt3A_319 = arith.cmpi slt, %add3A_310, %lt3A_318 : i32
      %convert_element_type3A_320 = arith.extui %lt3A_319 : i1 to i32
      %cond3A_321 = arith.constant 0 : i32
      %cond3A_322 = arith.cmpi ne, %convert_element_type3A_320, %cond3A_321 : i32
      scf.if %cond3A_322 {
        %ge3A = arith.constant 2 : i32
        %ge3A_657 = arith.cmpi sge, %add3A_308, %ge3A : i32
        %convert_element_type3A_658 = arith.extui %ge3A_657 : i1 to i32
        %cond3A_659 = arith.constant 0 : i32
        %cond3A_660 = arith.cmpi ne, %convert_element_type3A_658, %cond3A_659 : i32
        scf.if %cond3A_660 {
          %dma_wait3A_697 = arith.constant 1 : i32
          %dma_wait3A_698 = arith.constant 0 : i32
          %dma_wait3A_699 = tpu.memref_slice %arg7[%dma_wait3A_697, %dma_wait3A_698] : memref<2x40xi32, #tpu.memory_space<vmem>> -> memref<1x40xi32, #tpu.memory_space<vmem>>
          %dma_wait3A_700 = tpu.memref_squeeze %dma_wait3A_699 : memref<1x40xi32, #tpu.memory_space<vmem>> -> memref<40xi32, #tpu.memory_space<vmem>>
          %dma_wait3A_701 = arith.constant 0 : i32
          %dma_wait3A_702 = arith.constant 0 : i32
          %dma_wait3A_703 = tpu.memref_slice %arg43[%dma_wait3A_701, %dma_wait3A_702] : memref<10000x128xf32, #tpu.memory_space<vmem_shared>> -> memref<10000x128xf32, #tpu.memory_space<vmem_shared>>
          tpu.wait_indirect_dma semaphore(%arg41 : memref<!tpu.dma_semaphore, #tpu.memory_space<semaphore_mem>>) src(%arg21 : memref<40x128xf32, #tpu.memory_space<vmem>>) dst(%dma_wait3A_703 : memref<10000x128xf32, #tpu.memory_space<vmem_shared>>)
        } else {
        }
        %dma_wait3A_661 = arith.constant 0 : i32
        %dma_wait3A_662 = arith.constant 0 : i32
        %dma_wait3A_663 = tpu.memref_slice %arg9[%dma_wait3A_661, %dma_wait3A_662] : memref<2x40xi32, #tpu.memory_space<vmem>> -> memref<1x40xi32, #tpu.memory_space<vmem>>
        %dma_wait3A_664 = tpu.memref_squeeze %dma_wait3A_663 : memref<1x40xi32, #tpu.memory_space<vmem>> -> memref<40xi32, #tpu.memory_space<vmem>>
        %dma_wait3A_665 = arith.constant 0 : i32
        %dma_wait3A_666 = tpu.memref_slice %arg4[%dma_wait3A_665] : memref<320000xi32, #tpu.memory_space<hbm>> -> memref<40xi32, #tpu.memory_space<hbm>>
        %dma_wait3A_667 = arith.constant 0 : i32
        %dma_wait3A_668 = tpu.memref_slice %arg9[%dma_wait3A_661, %dma_wait3A_667] : memref<2x40xi32, #tpu.memory_space<vmem>> -> memref<1x40xi32, #tpu.memory_space<vmem>>
        %dma_wait3A_669 = tpu.memref_squeeze %dma_wait3A_668 : memref<1x40xi32, #tpu.memory_space<vmem>> -> memref<40xi32, #tpu.memory_space<vmem>>
        %dma_wait3A_670 = arith.constant 0 : i32
        %dma_wait3A_671 = tpu.memref_slice %arg4[%dma_wait3A_670] : memref<320000xi32, #tpu.memory_space<hbm>> -> memref<40xi32, #tpu.memory_space<hbm>>
        tpu.wait_dma2 semaphore(%arg25 : memref<!tpu.dma_semaphore, #tpu.memory_space<semaphore_mem>>) src(%dma_wait3A_671 : memref<40xi32, #tpu.memory_space<hbm>>) dst(%dma_wait3A_669 : memref<40xi32, #tpu.memory_space<vmem>>)
        %dma_wait3A_672 = arith.constant 1 : i32
        %dma_wait3A_673 = arith.constant 0 : i32
        %dma_wait3A_674 = tpu.memref_slice %arg9[%dma_wait3A_672, %dma_wait3A_673] : memref<2x40xi32, #tpu.memory_space<vmem>> -> memref<1x40xi32, #tpu.memory_space<vmem>>
        %dma_wait3A_675 = tpu.memref_squeeze %dma_wait3A_674 : memref<1x40xi32, #tpu.memory_space<vmem>> -> memref<40xi32, #tpu.memory_space<vmem>>
        %dma_wait3A_676 = arith.constant 0 : i32
        %dma_wait3A_677 = tpu.memref_slice %arg4[%dma_wait3A_676] : memref<320000xi32, #tpu.memory_space<hbm>> -> memref<40xi32, #tpu.memory_space<hbm>>
        %dma_wait3A_678 = arith.constant 0 : i32
        %dma_wait3A_679 = tpu.memref_slice %arg9[%dma_wait3A_672, %dma_wait3A_678] : memref<2x40xi32, #tpu.memory_space<vmem>> -> memref<1x40xi32, #tpu.memory_space<vmem>>
        %dma_wait3A_680 = tpu.memref_squeeze %dma_wait3A_679 : memref<1x40xi32, #tpu.memory_space<vmem>> -> memref<40xi32, #tpu.memory_space<vmem>>
        %dma_wait3A_681 = arith.constant 0 : i32
        %dma_wait3A_682 = tpu.memref_slice %arg4[%dma_wait3A_681] : memref<320000xi32, #tpu.memory_space<hbm>> -> memref<40xi32, #tpu.memory_space<hbm>>
        tpu.wait_dma2 semaphore(%arg25 : memref<!tpu.dma_semaphore, #tpu.memory_space<semaphore_mem>>) src(%dma_wait3A_682 : memref<40xi32, #tpu.memory_space<hbm>>) dst(%dma_wait3A_680 : memref<40xi32, #tpu.memory_space<vmem>>)
        %dma_start3A_683 = arith.constant 0 : i32
        %dma_start3A_684 = arith.constant 0 : i32
        %dma_start3A_685 = tpu.memref_slice %arg9[%dma_start3A_683, %dma_start3A_684] : memref<2x40xi32, #tpu.memory_space<vmem>> -> memref<1x40xi32, #tpu.memory_space<vmem>>
        %dma_start3A_686 = tpu.memref_squeeze %dma_start3A_685 : memref<1x40xi32, #tpu.memory_space<vmem>> -> memref<40xi32, #tpu.memory_space<vmem>>
        %dma_start3A_687 = arith.constant 0 : i32
        %dma_start3A_688 = arith.constant 0 : i32
        %dma_start3A_689 = tpu.memref_slice %arg2[%dma_start3A_687, %dma_start3A_688] : memref<10000x128xf32, #tpu.memory_space<hbm>> -> memref<10000x128xf32, #tpu.memory_space<hbm>>
        tpu.enqueue_indirect_dma source(%dma_start3A_689 : memref<10000x128xf32, #tpu.memory_space<hbm>>) target(%arg17 : memref<40x128xf32, #tpu.memory_space<vmem>>) offsets(%dma_start3A_686 : memref<40xi32, #tpu.memory_space<vmem>>) semaphore(%arg33 : memref<!tpu.dma_semaphore, #tpu.memory_space<semaphore_mem>>)
        %mul3A_690 = arith.constant 40 : i32
        %mul3A_691 = arith.muli %add3A_310, %mul3A_690 : i32
        %add3A_692 = arith.addi %mul3A_2, %mul3A_691 : i32
        %dma_start3A_693 = arith.constant 0 : i32
        %dma_start3A_694 = tpu.memref_slice %arg3[%add3A_692, %dma_start3A_693] : memref<320000x128xf32, #tpu.memory_space<hbm>> -> memref<40x128xf32, #tpu.memory_space<hbm>>
        %dma_start3A_695 = arith.constant 0 : i32
        %dma_start3A_696 = tpu.memref_slice %arg3[%add3A_692, %dma_start3A_695] : memref<320000x128xf32, #tpu.memory_space<hbm>> -> memref<40x128xf32, #tpu.memory_space<hbm>>
        tpu.enqueue_dma source(%dma_start3A_696 : memref<40x128xf32, #tpu.memory_space<hbm>>) target(%arg21 : memref<40x128xf32, #tpu.memory_space<vmem>>) target_semaphore(%arg37 : memref<!tpu.dma_semaphore, #tpu.memory_space<semaphore_mem>>)
      } else {
      }
      %dma_wait3A_323 = arith.constant 0 : i32
      %dma_wait3A_324 = arith.constant 0 : i32
      %dma_wait3A_325 = tpu.memref_slice %arg7[%dma_wait3A_323, %dma_wait3A_324] : memref<2x40xi32, #tpu.memory_space<vmem>> -> memref<1x40xi32, #tpu.memory_space<vmem>>
      %dma_wait3A_326 = tpu.memref_squeeze %dma_wait3A_325 : memref<1x40xi32, #tpu.memory_space<vmem>> -> memref<40xi32, #tpu.memory_space<vmem>>
      %dma_wait3A_327 = arith.constant 0 : i32
      %dma_wait3A_328 = arith.constant 0 : i32
      %dma_wait3A_329 = tpu.memref_slice %arg2[%dma_wait3A_327, %dma_wait3A_328] : memref<10000x128xf32, #tpu.memory_space<hbm>> -> memref<10000x128xf32, #tpu.memory_space<hbm>>
      tpu.wait_indirect_dma semaphore(%arg31 : memref<!tpu.dma_semaphore, #tpu.memory_space<semaphore_mem>>) src(%dma_wait3A_329 : memref<10000x128xf32, #tpu.memory_space<hbm>>) dst(%arg15 : memref<40x128xf32, #tpu.memory_space<vmem>>)
      %dma_wait3A_330 = arith.constant 0 : i32
      %dma_wait3A_331 = arith.constant 0 : i32
      %dma_wait3A_332 = tpu.memref_slice %arg3[%dma_wait3A_330, %dma_wait3A_331] : memref<320000x128xf32, #tpu.memory_space<hbm>> -> memref<40x128xf32, #tpu.memory_space<hbm>>
      %dma_wait3A_333 = arith.constant 0 : i32
      %dma_wait3A_334 = arith.constant 0 : i32
      %dma_wait3A_335 = tpu.memref_slice %arg3[%dma_wait3A_333, %dma_wait3A_334] : memref<320000x128xf32, #tpu.memory_space<hbm>> -> memref<40x128xf32, #tpu.memory_space<hbm>>
      tpu.wait_dma2 semaphore(%arg35 : memref<!tpu.dma_semaphore, #tpu.memory_space<semaphore_mem>>) src(%dma_wait3A_335 : memref<40x128xf32, #tpu.memory_space<hbm>>) dst(%arg19 : memref<40x128xf32, #tpu.memory_space<vmem>>)
      %scan3A_336 = arith.constant 0 : i32
      %scan3A_337 = arith.constant 0 : i32
      %scan3A_338 = arith.constant 40 : i32
      %scan3A_339 = arith.addi %scan3A_337, %scan3A_338 : i32
      %scan3A_340 = arith.constant 1 : i32
      scf.for %scan3A_657 = %scan3A_337 to %scan3A_339 step %scan3A_340  : i32 {
        %get3A = arith.index_cast %scan3A_657 : i32 to index
        %get3A_658 = arith.constant 0 : index
        %get3A_659 = tpu.vector_load %arg15[%get3A, %get3A_658] {strides = array<i32>} : memref<40x128xf32, #tpu.memory_space<vmem>>, vector<1x16xf32>,
        %get3A_660 = vector.shape_cast %get3A_659 : vector<1x16xf32> to vector<16xf32>
        %get3A_661 = arith.index_cast %scan3A_657 : i32 to index
        %get3A_662 = arith.constant 0 : index
        %get3A_663 = tpu.vector_load %arg19[%get3A_661, %get3A_662] {strides = array<i32>} : memref<40x128xf32, #tpu.memory_space<vmem>>, vector<1x16xf32>,
        %get3A_664 = vector.shape_cast %get3A_663 : vector<1x16xf32> to vector<16xf32>
        %add3A_665 = arith.addf %get3A_660, %get3A_664 : vector<16xf32>
        %mul3A_666 = arith.constant 0.00999999977 : f32
        %mul3A_667 = vector.broadcast %mul3A_666 : f32 to vector<16xf32>
        %mul3A_668 = arith.mulf %mul3A_667, %add3A_665 : vector<16xf32>
        %max3A = arith.maximumf %add3A_665, %mul3A_668 : vector<16xf32>
        %swap3A = arith.index_cast %scan3A_657 : i32 to index
        %swap3A_669 = arith.constant 0 : index
        %swap3A_670 = tpu.vector_load %arg19[%swap3A, %swap3A_669] {strides = array<i32>} : memref<40x128xf32, #tpu.memory_space<vmem>>, vector<1x16xf32>,
        %swap3A_671 = vector.shape_cast %swap3A_670 : vector<1x16xf32> to vector<16xf32>
        %swap3A_672 = vector.shape_cast %max3A : vector<16xf32> to vector<1x16xf32>
        tpu.vector_store %arg19[%swap3A, %swap3A_669], %swap3A_672 {strides = array<i32>} : memref<40x128xf32, #tpu.memory_space<vmem>>, vector<1x16xf32>,
        %get3A_673 = arith.index_cast %scan3A_657 : i32 to index
        %get3A_674 = arith.constant 16 : index
        %get3A_675 = tpu.vector_load %arg15[%get3A_673, %get3A_674] {strides = array<i32>} : memref<40x128xf32, #tpu.memory_space<vmem>>, vector<1x16xf32>,
        %get3A_676 = vector.shape_cast %get3A_675 : vector<1x16xf32> to vector<16xf32>
        %get3A_677 = arith.index_cast %scan3A_657 : i32 to index
        %get3A_678 = arith.constant 16 : index
        %get3A_679 = tpu.vector_load %arg19[%get3A_677, %get3A_678] {strides = array<i32>} : memref<40x128xf32, #tpu.memory_space<vmem>>, vector<1x16xf32>,
        %get3A_680 = vector.shape_cast %get3A_679 : vector<1x16xf32> to vector<16xf32>
        %add3A_681 = arith.addf %get3A_676, %get3A_680 : vector<16xf32>
        %mul3A_682 = arith.constant 0.00999999977 : f32
        %mul3A_683 = vector.broadcast %mul3A_682 : f32 to vector<16xf32>
        %mul3A_684 = arith.mulf %mul3A_683, %add3A_681 : vector<16xf32>
        %max3A_685 = arith.maximumf %add3A_681, %mul3A_684 : vector<16xf32>
        %swap3A_686 = arith.index_cast %scan3A_657 : i32 to index
        %swap3A_687 = arith.constant 16 : index
        %swap3A_688 = tpu.vector_load %arg19[%swap3A_686, %swap3A_687] {strides = array<i32>} : memref<40x128xf32, #tpu.memory_space<vmem>>, vector<1x16xf32>,
        %swap3A_689 = vector.shape_cast %swap3A_688 : vector<1x16xf32> to vector<16xf32>
        %swap3A_690 = vector.shape_cast %max3A_685 : vector<16xf32> to vector<1x16xf32>
        tpu.vector_store %arg19[%swap3A_686, %swap3A_687], %swap3A_690 {strides = array<i32>} : memref<40x128xf32, #tpu.memory_space<vmem>>, vector<1x16xf32>,
        %get3A_691 = arith.index_cast %scan3A_657 : i32 to index
        %get3A_692 = arith.constant 32 : index
        %get3A_693 = tpu.vector_load %arg15[%get3A_691, %get3A_692] {strides = array<i32>} : memref<40x128xf32, #tpu.memory_space<vmem>>, vector<1x16xf32>,
        %get3A_694 = vector.shape_cast %get3A_693 : vector<1x16xf32> to vector<16xf32>
        %get3A_695 = arith.index_cast %scan3A_657 : i32 to index
        %get3A_696 = arith.constant 32 : index
        %get3A_697 = tpu.vector_load %arg19[%get3A_695, %get3A_696] {strides = array<i32>} : memref<40x128xf32, #tpu.memory_space<vmem>>, vector<1x16xf32>,
        %get3A_698 = vector.shape_cast %get3A_697 : vector<1x16xf32> to vector<16xf32>
        %add3A_699 = arith.addf %get3A_694, %get3A_698 : vector<16xf32>
        %mul3A_700 = arith.constant 0.00999999977 : f32
        %mul3A_701 = vector.broadcast %mul3A_700 : f32 to vector<16xf32>
        %mul3A_702 = arith.mulf %mul3A_701, %add3A_699 : vector<16xf32>
        %max3A_703 = arith.maximumf %add3A_699, %mul3A_702 : vector<16xf32>
        %swap3A_704 = arith.index_cast %scan3A_657 : i32 to index
        %swap3A_705 = arith.constant 32 : index
        %swap3A_706 = tpu.vector_load %arg19[%swap3A_704, %swap3A_705] {strides = array<i32>} : memref<40x128xf32, #tpu.memory_space<vmem>>, vector<1x16xf32>,
        %swap3A_707 = vector.shape_cast %swap3A_706 : vector<1x16xf32> to vector<16xf32>
        %swap3A_708 = vector.shape_cast %max3A_703 : vector<16xf32> to vector<1x16xf32>
        tpu.vector_store %arg19[%swap3A_704, %swap3A_705], %swap3A_708 {strides = array<i32>} : memref<40x128xf32, #tpu.memory_space<vmem>>, vector<1x16xf32>,
        %get3A_709 = arith.index_cast %scan3A_657 : i32 to index
        %get3A_710 = arith.constant 48 : index
        %get3A_711 = tpu.vector_load %arg15[%get3A_709, %get3A_710] {strides = array<i32>} : memref<40x128xf32, #tpu.memory_space<vmem>>, vector<1x16xf32>,
        %get3A_712 = vector.shape_cast %get3A_711 : vector<1x16xf32> to vector<16xf32>
        %get3A_713 = arith.index_cast %scan3A_657 : i32 to index
        %get3A_714 = arith.constant 48 : index
        %get3A_715 = tpu.vector_load %arg19[%get3A_713, %get3A_714] {strides = array<i32>} : memref<40x128xf32, #tpu.memory_space<vmem>>, vector<1x16xf32>,
        %get3A_716 = vector.shape_cast %get3A_715 : vector<1x16xf32> to vector<16xf32>
        %add3A_717 = arith.addf %get3A_712, %get3A_716 : vector<16xf32>
        %mul3A_718 = arith.constant 0.00999999977 : f32
        %mul3A_719 = vector.broadcast %mul3A_718 : f32 to vector<16xf32>
        %mul3A_720 = arith.mulf %mul3A_719, %add3A_717 : vector<16xf32>
        %max3A_721 = arith.maximumf %add3A_717, %mul3A_720 : vector<16xf32>
        %swap3A_722 = arith.index_cast %scan3A_657 : i32 to index
        %swap3A_723 = arith.constant 48 : index
        %swap3A_724 = tpu.vector_load %arg19[%swap3A_722, %swap3A_723] {strides = array<i32>} : memref<40x128xf32, #tpu.memory_space<vmem>>, vector<1x16xf32>,
        %swap3A_725 = vector.shape_cast %swap3A_724 : vector<1x16xf32> to vector<16xf32>
        %swap3A_726 = vector.shape_cast %max3A_721 : vector<16xf32> to vector<1x16xf32>
        tpu.vector_store %arg19[%swap3A_722, %swap3A_723], %swap3A_726 {strides = array<i32>} : memref<40x128xf32, #tpu.memory_space<vmem>>, vector<1x16xf32>,
        %get3A_727 = arith.index_cast %scan3A_657 : i32 to index
        %get3A_728 = arith.constant 64 : index
        %get3A_729 = tpu.vector_load %arg15[%get3A_727, %get3A_728] {strides = array<i32>} : memref<40x128xf32, #tpu.memory_space<vmem>>, vector<1x16xf32>,
        %get3A_730 = vector.shape_cast %get3A_729 : vector<1x16xf32> to vector<16xf32>
        %get3A_731 = arith.index_cast %scan3A_657 : i32 to index
        %get3A_732 = arith.constant 64 : index
        %get3A_733 = tpu.vector_load %arg19[%get3A_731, %get3A_732] {strides = array<i32>} : memref<40x128xf32, #tpu.memory_space<vmem>>, vector<1x16xf32>,
        %get3A_734 = vector.shape_cast %get3A_733 : vector<1x16xf32> to vector<16xf32>
        %add3A_735 = arith.addf %get3A_730, %get3A_734 : vector<16xf32>
        %mul3A_736 = arith.constant 0.00999999977 : f32
        %mul3A_737 = vector.broadcast %mul3A_736 : f32 to vector<16xf32>
        %mul3A_738 = arith.mulf %mul3A_737, %add3A_735 : vector<16xf32>
        %max3A_739 = arith.maximumf %add3A_735, %mul3A_738 : vector<16xf32>
        %swap3A_740 = arith.index_cast %scan3A_657 : i32 to index
        %swap3A_741 = arith.constant 64 : index
        %swap3A_742 = tpu.vector_load %arg19[%swap3A_740, %swap3A_741] {strides = array<i32>} : memref<40x128xf32, #tpu.memory_space<vmem>>, vector<1x16xf32>,
        %swap3A_743 = vector.shape_cast %swap3A_742 : vector<1x16xf32> to vector<16xf32>
        %swap3A_744 = vector.shape_cast %max3A_739 : vector<16xf32> to vector<1x16xf32>
        tpu.vector_store %arg19[%swap3A_740, %swap3A_741], %swap3A_744 {strides = array<i32>} : memref<40x128xf32, #tpu.memory_space<vmem>>, vector<1x16xf32>,
        %get3A_745 = arith.index_cast %scan3A_657 : i32 to index
        %get3A_746 = arith.constant 80 : index
        %get3A_747 = tpu.vector_load %arg15[%get3A_745, %get3A_746] {strides = array<i32>} : memref<40x128xf32, #tpu.memory_space<vmem>>, vector<1x16xf32>,
        %get3A_748 = vector.shape_cast %get3A_747 : vector<1x16xf32> to vector<16xf32>
        %get3A_749 = arith.index_cast %scan3A_657 : i32 to index
        %get3A_750 = arith.constant 80 : index
        %get3A_751 = tpu.vector_load %arg19[%get3A_749, %get3A_750] {strides = array<i32>} : memref<40x128xf32, #tpu.memory_space<vmem>>, vector<1x16xf32>,
        %get3A_752 = vector.shape_cast %get3A_751 : vector<1x16xf32> to vector<16xf32>
        %add3A_753 = arith.addf %get3A_748, %get3A_752 : vector<16xf32>
        %mul3A_754 = arith.constant 0.00999999977 : f32
        %mul3A_755 = vector.broadcast %mul3A_754 : f32 to vector<16xf32>
        %mul3A_756 = arith.mulf %mul3A_755, %add3A_753 : vector<16xf32>
        %max3A_757 = arith.maximumf %add3A_753, %mul3A_756 : vector<16xf32>
        %swap3A_758 = arith.index_cast %scan3A_657 : i32 to index
        %swap3A_759 = arith.constant 80 : index
        %swap3A_760 = tpu.vector_load %arg19[%swap3A_758, %swap3A_759] {strides = array<i32>} : memref<40x128xf32, #tpu.memory_space<vmem>>, vector<1x16xf32>,
        %swap3A_761 = vector.shape_cast %swap3A_760 : vector<1x16xf32> to vector<16xf32>
        %swap3A_762 = vector.shape_cast %max3A_757 : vector<16xf32> to vector<1x16xf32>
        tpu.vector_store %arg19[%swap3A_758, %swap3A_759], %swap3A_762 {strides = array<i32>} : memref<40x128xf32, #tpu.memory_space<vmem>>, vector<1x16xf32>,
        %get3A_763 = arith.index_cast %scan3A_657 : i32 to index
        %get3A_764 = arith.constant 96 : index
        %get3A_765 = tpu.vector_load %arg15[%get3A_763, %get3A_764] {strides = array<i32>} : memref<40x128xf32, #tpu.memory_space<vmem>>, vector<1x16xf32>,
        %get3A_766 = vector.shape_cast %get3A_765 : vector<1x16xf32> to vector<16xf32>
        %get3A_767 = arith.index_cast %scan3A_657 : i32 to index
        %get3A_768 = arith.constant 96 : index
        %get3A_769 = tpu.vector_load %arg19[%get3A_767, %get3A_768] {strides = array<i32>} : memref<40x128xf32, #tpu.memory_space<vmem>>, vector<1x16xf32>,
        %get3A_770 = vector.shape_cast %get3A_769 : vector<1x16xf32> to vector<16xf32>
        %add3A_771 = arith.addf %get3A_766, %get3A_770 : vector<16xf32>
        %mul3A_772 = arith.constant 0.00999999977 : f32
        %mul3A_773 = vector.broadcast %mul3A_772 : f32 to vector<16xf32>
        %mul3A_774 = arith.mulf %mul3A_773, %add3A_771 : vector<16xf32>
        %max3A_775 = arith.maximumf %add3A_771, %mul3A_774 : vector<16xf32>
        %swap3A_776 = arith.index_cast %scan3A_657 : i32 to index
        %swap3A_777 = arith.constant 96 : index
        %swap3A_778 = tpu.vector_load %arg19[%swap3A_776, %swap3A_777] {strides = array<i32>} : memref<40x128xf32, #tpu.memory_space<vmem>>, vector<1x16xf32>,
        %swap3A_779 = vector.shape_cast %swap3A_778 : vector<1x16xf32> to vector<16xf32>
        %swap3A_780 = vector.shape_cast %max3A_775 : vector<16xf32> to vector<1x16xf32>
        tpu.vector_store %arg19[%swap3A_776, %swap3A_777], %swap3A_780 {strides = array<i32>} : memref<40x128xf32, #tpu.memory_space<vmem>>, vector<1x16xf32>,
        %get3A_781 = arith.index_cast %scan3A_657 : i32 to index
        %get3A_782 = arith.constant 112 : index
        %get3A_783 = tpu.vector_load %arg15[%get3A_781, %get3A_782] {strides = array<i32>} : memref<40x128xf32, #tpu.memory_space<vmem>>, vector<1x16xf32>,
        %get3A_784 = vector.shape_cast %get3A_783 : vector<1x16xf32> to vector<16xf32>
        %get3A_785 = arith.index_cast %scan3A_657 : i32 to index
        %get3A_786 = arith.constant 112 : index
        %get3A_787 = tpu.vector_load %arg19[%get3A_785, %get3A_786] {strides = array<i32>} : memref<40x128xf32, #tpu.memory_space<vmem>>, vector<1x16xf32>,
        %get3A_788 = vector.shape_cast %get3A_787 : vector<1x16xf32> to vector<16xf32>
        %add3A_789 = arith.addf %get3A_784, %get3A_788 : vector<16xf32>
        %mul3A_790 = arith.constant 0.00999999977 : f32
        %mul3A_791 = vector.broadcast %mul3A_790 : f32 to vector<16xf32>
        %mul3A_792 = arith.mulf %mul3A_791, %add3A_789 : vector<16xf32>
        %max3A_793 = arith.maximumf %add3A_789, %mul3A_792 : vector<16xf32>
        %swap3A_794 = arith.index_cast %scan3A_657 : i32 to index
        %swap3A_795 = arith.constant 112 : index
        %swap3A_796 = tpu.vector_load %arg19[%swap3A_794, %swap3A_795] {strides = array<i32>} : memref<40x128xf32, #tpu.memory_space<vmem>>, vector<1x16xf32>,
        %swap3A_797 = vector.shape_cast %swap3A_796 : vector<1x16xf32> to vector<16xf32>
        %swap3A_798 = vector.shape_cast %max3A_793 : vector<16xf32> to vector<1x16xf32>
        tpu.vector_store %arg19[%swap3A_794, %swap3A_795], %swap3A_798 {strides = array<i32>} : memref<40x128xf32, #tpu.memory_space<vmem>>, vector<1x16xf32>,
      }
      %scan3A_341 = arith.constant 40 : i32
      %dma_start3A_342 = arith.constant 1 : i32
      %dma_start3A_343 = arith.constant 0 : i32
      %dma_start3A_344 = tpu.memref_slice %arg7[%dma_start3A_342, %dma_start3A_343] : memref<2x40xi32, #tpu.memory_space<vmem>> -> memref<1x40xi32, #tpu.memory_space<vmem>>
      %dma_start3A_345 = tpu.memref_squeeze %dma_start3A_344 : memref<1x40xi32, #tpu.memory_space<vmem>> -> memref<40xi32, #tpu.memory_space<vmem>>
      %dma_start3A_346 = arith.constant 0 : i32
      %dma_start3A_347 = arith.constant 0 : i32
      %dma_start3A_348 = tpu.memref_slice %arg43[%dma_start3A_346, %dma_start3A_347] : memref<10000x128xf32, #tpu.memory_space<vmem_shared>> -> memref<10000x128xf32, #tpu.memory_space<vmem_shared>>
      tpu.enqueue_indirect_dma source(%arg19 : memref<40x128xf32, #tpu.memory_space<vmem>>) target(%dma_start3A_348 : memref<10000x128xf32, #tpu.memory_space<vmem_shared>>) offsets(%dma_start3A_345 : memref<40xi32, #tpu.memory_space<vmem>>) semaphore(%arg39 : memref<!tpu.dma_semaphore, #tpu.memory_space<semaphore_mem>>) {add = true}
      %mul3A_349 = arith.constant 8 : i32
      %mul3A_350 = arith.muli %scan3A_304, %mul3A_349 : i32
      %add3A_351 = arith.constant 1 : i32
      %add3A_352 = arith.addi %mul3A_350, %add3A_351 : i32
      %add3A_353 = arith.constant 2 : i32
      %add3A_354 = arith.addi %add3A_352, %add3A_353 : i32
      %add3A_355 = arith.constant 3 : i32
      %add3A_356 = arith.addi %add3A_352, %add3A_355 : i32
      %lt3A_357 = arith.constant 250 : i32
      %lt3A_358 = arith.cmpi slt, %add3A_356, %lt3A_357 : i32
      %convert_element_type3A_359 = arith.extui %lt3A_358 : i1 to i32
      %cond3A_360 = arith.constant 0 : i32
      %cond3A_361 = arith.cmpi ne, %convert_element_type3A_359, %cond3A_360 : i32
      scf.if %cond3A_361 {
        %mul3A_657 = arith.constant 40 : i32
        %mul3A_658 = arith.muli %add3A_356, %mul3A_657 : i32
        %add3A_659 = arith.addi %add3A_4, %mul3A_658 : i32
        %dma_start3A_660 = arith.constant 0 : i32
        %dma_start3A_661 = arith.constant 0 : i32
        %dma_start3A_662 = tpu.memref_slice %arg11[%dma_start3A_660, %dma_start3A_661] : memref<2x40xi32, #tpu.memory_space<vmem>> -> memref<1x40xi32, #tpu.memory_space<vmem>>
        %dma_start3A_663 = tpu.memref_squeeze %dma_start3A_662 : memref<1x40xi32, #tpu.memory_space<vmem>> -> memref<40xi32, #tpu.memory_space<vmem>>
        %dma_start3A_664 = tpu.memref_slice %arg4[%add3A_659] : memref<320000xi32, #tpu.memory_space<hbm>> -> memref<40xi32, #tpu.memory_space<hbm>>
        %dma_start3A_665 = arith.constant 0 : i32
        %dma_start3A_666 = tpu.memref_slice %arg11[%dma_start3A_660, %dma_start3A_665] : memref<2x40xi32, #tpu.memory_space<vmem>> -> memref<1x40xi32, #tpu.memory_space<vmem>>
        %dma_start3A_667 = tpu.memref_squeeze %dma_start3A_666 : memref<1x40xi32, #tpu.memory_space<vmem>> -> memref<40xi32, #tpu.memory_space<vmem>>
        %dma_start3A_668 = tpu.memref_slice %arg4[%add3A_659] : memref<320000xi32, #tpu.memory_space<hbm>> -> memref<40xi32, #tpu.memory_space<hbm>>
        tpu.enqueue_dma source(%dma_start3A_668 : memref<40xi32, #tpu.memory_space<hbm>>) target(%dma_start3A_667 : memref<40xi32, #tpu.memory_space<vmem>>) target_semaphore(%arg27 : memref<!tpu.dma_semaphore, #tpu.memory_space<semaphore_mem>>)
        %mul3A_669 = arith.constant 40 : i32
        %mul3A_670 = arith.muli %add3A_356, %mul3A_669 : i32
        %add3A_671 = arith.addi %add3A_4, %mul3A_670 : i32
        %dma_start3A_672 = arith.constant 1 : i32
        %dma_start3A_673 = arith.constant 0 : i32
        %dma_start3A_674 = tpu.memref_slice %arg11[%dma_start3A_672, %dma_start3A_673] : memref<2x40xi32, #tpu.memory_space<vmem>> -> memref<1x40xi32, #tpu.memory_space<vmem>>
        %dma_start3A_675 = tpu.memref_squeeze %dma_start3A_674 : memref<1x40xi32, #tpu.memory_space<vmem>> -> memref<40xi32, #tpu.memory_space<vmem>>
        %dma_start3A_676 = tpu.memref_slice %arg5[%add3A_671] : memref<320000xi32, #tpu.memory_space<hbm>> -> memref<40xi32, #tpu.memory_space<hbm>>
        %dma_start3A_677 = arith.constant 0 : i32
        %dma_start3A_678 = tpu.memref_slice %arg11[%dma_start3A_672, %dma_start3A_677] : memref<2x40xi32, #tpu.memory_space<vmem>> -> memref<1x40xi32, #tpu.memory_space<vmem>>
        %dma_start3A_679 = tpu.memref_squeeze %dma_start3A_678 : memref<1x40xi32, #tpu.memory_space<vmem>> -> memref<40xi32, #tpu.memory_space<vmem>>
        %dma_start3A_680 = tpu.memref_slice %arg5[%add3A_671] : memref<320000xi32, #tpu.memory_space<hbm>> -> memref<40xi32, #tpu.memory_space<hbm>>
        tpu.enqueue_dma source(%dma_start3A_680 : memref<40xi32, #tpu.memory_space<hbm>>) target(%dma_start3A_679 : memref<40xi32, #tpu.memory_space<vmem>>) target_semaphore(%arg27 : memref<!tpu.dma_semaphore, #tpu.memory_space<semaphore_mem>>)
      } else {
      }
      %lt3A_362 = arith.constant 250 : i32
      %lt3A_363 = arith.cmpi slt, %add3A_354, %lt3A_362 : i32
      %convert_element_type3A_364 = arith.extui %lt3A_363 : i1 to i32
      %cond3A_365 = arith.constant 0 : i32
      %cond3A_366 = arith.cmpi ne, %convert_element_type3A_364, %cond3A_365 : i32
      scf.if %cond3A_366 {
        %ge3A = arith.constant 2 : i32
        %ge3A_657 = arith.cmpi sge, %add3A_352, %ge3A : i32
        %convert_element_type3A_658 = arith.extui %ge3A_657 : i1 to i32
        %cond3A_659 = arith.constant 0 : i32
        %cond3A_660 = arith.cmpi ne, %convert_element_type3A_658, %cond3A_659 : i32
        scf.if %cond3A_660 {
          %dma_wait3A_697 = arith.constant 1 : i32
          %dma_wait3A_698 = arith.constant 0 : i32
          %dma_wait3A_699 = tpu.memref_slice %arg7[%dma_wait3A_697, %dma_wait3A_698] : memref<2x40xi32, #tpu.memory_space<vmem>> -> memref<1x40xi32, #tpu.memory_space<vmem>>
          %dma_wait3A_700 = tpu.memref_squeeze %dma_wait3A_699 : memref<1x40xi32, #tpu.memory_space<vmem>> -> memref<40xi32, #tpu.memory_space<vmem>>
          %dma_wait3A_701 = arith.constant 0 : i32
          %dma_wait3A_702 = arith.constant 0 : i32
          %dma_wait3A_703 = tpu.memref_slice %arg43[%dma_wait3A_701, %dma_wait3A_702] : memref<10000x128xf32, #tpu.memory_space<vmem_shared>> -> memref<10000x128xf32, #tpu.memory_space<vmem_shared>>
          tpu.wait_indirect_dma semaphore(%arg42 : memref<!tpu.dma_semaphore, #tpu.memory_space<semaphore_mem>>) src(%arg22 : memref<40x128xf32, #tpu.memory_space<vmem>>) dst(%dma_wait3A_703 : memref<10000x128xf32, #tpu.memory_space<vmem_shared>>)
        } else {
        }
        %dma_wait3A_661 = arith.constant 0 : i32
        %dma_wait3A_662 = arith.constant 0 : i32
        %dma_wait3A_663 = tpu.memref_slice %arg10[%dma_wait3A_661, %dma_wait3A_662] : memref<2x40xi32, #tpu.memory_space<vmem>> -> memref<1x40xi32, #tpu.memory_space<vmem>>
        %dma_wait3A_664 = tpu.memref_squeeze %dma_wait3A_663 : memref<1x40xi32, #tpu.memory_space<vmem>> -> memref<40xi32, #tpu.memory_space<vmem>>
        %dma_wait3A_665 = arith.constant 0 : i32
        %dma_wait3A_666 = tpu.memref_slice %arg4[%dma_wait3A_665] : memref<320000xi32, #tpu.memory_space<hbm>> -> memref<40xi32, #tpu.memory_space<hbm>>
        %dma_wait3A_667 = arith.constant 0 : i32
        %dma_wait3A_668 = tpu.memref_slice %arg10[%dma_wait3A_661, %dma_wait3A_667] : memref<2x40xi32, #tpu.memory_space<vmem>> -> memref<1x40xi32, #tpu.memory_space<vmem>>
        %dma_wait3A_669 = tpu.memref_squeeze %dma_wait3A_668 : memref<1x40xi32, #tpu.memory_space<vmem>> -> memref<40xi32, #tpu.memory_space<vmem>>
        %dma_wait3A_670 = arith.constant 0 : i32
        %dma_wait3A_671 = tpu.memref_slice %arg4[%dma_wait3A_670] : memref<320000xi32, #tpu.memory_space<hbm>> -> memref<40xi32, #tpu.memory_space<hbm>>
        tpu.wait_dma2 semaphore(%arg26 : memref<!tpu.dma_semaphore, #tpu.memory_space<semaphore_mem>>) src(%dma_wait3A_671 : memref<40xi32, #tpu.memory_space<hbm>>) dst(%dma_wait3A_669 : memref<40xi32, #tpu.memory_space<vmem>>)
        %dma_wait3A_672 = arith.constant 1 : i32
        %dma_wait3A_673 = arith.constant 0 : i32
        %dma_wait3A_674 = tpu.memref_slice %arg10[%dma_wait3A_672, %dma_wait3A_673] : memref<2x40xi32, #tpu.memory_space<vmem>> -> memref<1x40xi32, #tpu.memory_space<vmem>>
        %dma_wait3A_675 = tpu.memref_squeeze %dma_wait3A_674 : memref<1x40xi32, #tpu.memory_space<vmem>> -> memref<40xi32, #tpu.memory_space<vmem>>
        %dma_wait3A_676 = arith.constant 0 : i32
        %dma_wait3A_677 = tpu.memref_slice %arg4[%dma_wait3A_676] : memref<320000xi32, #tpu.memory_space<hbm>> -> memref<40xi32, #tpu.memory_space<hbm>>
        %dma_wait3A_678 = arith.constant 0 : i32
        %dma_wait3A_679 = tpu.memref_slice %arg10[%dma_wait3A_672, %dma_wait3A_678] : memref<2x40xi32, #tpu.memory_space<vmem>> -> memref<1x40xi32, #tpu.memory_space<vmem>>
        %dma_wait3A_680 = tpu.memref_squeeze %dma_wait3A_679 : memref<1x40xi32, #tpu.memory_space<vmem>> -> memref<40xi32, #tpu.memory_space<vmem>>
        %dma_wait3A_681 = arith.constant 0 : i32
        %dma_wait3A_682 = tpu.memref_slice %arg4[%dma_wait3A_681] : memref<320000xi32, #tpu.memory_space<hbm>> -> memref<40xi32, #tpu.memory_space<hbm>>
        tpu.wait_dma2 semaphore(%arg26 : memref<!tpu.dma_semaphore, #tpu.memory_space<semaphore_mem>>) src(%dma_wait3A_682 : memref<40xi32, #tpu.memory_space<hbm>>) dst(%dma_wait3A_680 : memref<40xi32, #tpu.memory_space<vmem>>)
        %dma_start3A_683 = arith.constant 0 : i32
        %dma_start3A_684 = arith.constant 0 : i32
        %dma_start3A_685 = tpu.memref_slice %arg10[%dma_start3A_683, %dma_start3A_684] : memref<2x40xi32, #tpu.memory_space<vmem>> -> memref<1x40xi32, #tpu.memory_space<vmem>>
        %dma_start3A_686 = tpu.memref_squeeze %dma_start3A_685 : memref<1x40xi32, #tpu.memory_space<vmem>> -> memref<40xi32, #tpu.memory_space<vmem>>
        %dma_start3A_687 = arith.constant 0 : i32
        %dma_start3A_688 = arith.constant 0 : i32
        %dma_start3A_689 = tpu.memref_slice %arg2[%dma_start3A_687, %dma_start3A_688] : memref<10000x128xf32, #tpu.memory_space<hbm>> -> memref<10000x128xf32, #tpu.memory_space<hbm>>
        tpu.enqueue_indirect_dma source(%dma_start3A_689 : memref<10000x128xf32, #tpu.memory_space<hbm>>) target(%arg18 : memref<40x128xf32, #tpu.memory_space<vmem>>) offsets(%dma_start3A_686 : memref<40xi32, #tpu.memory_space<vmem>>) semaphore(%arg34 : memref<!tpu.dma_semaphore, #tpu.memory_space<semaphore_mem>>)
        %mul3A_690 = arith.constant 40 : i32
        %mul3A_691 = arith.muli %add3A_354, %mul3A_690 : i32
        %add3A_692 = arith.addi %mul3A_2, %mul3A_691 : i32
        %dma_start3A_693 = arith.constant 0 : i32
        %dma_start3A_694 = tpu.memref_slice %arg3[%add3A_692, %dma_start3A_693] : memref<320000x128xf32, #tpu.memory_space<hbm>> -> memref<40x128xf32, #tpu.memory_space<hbm>>
        %dma_start3A_695 = arith.constant 0 : i32
        %dma_start3A_696 = tpu.memref_slice %arg3[%add3A_692, %dma_start3A_695] : memref<320000x128xf32, #tpu.memory_space<hbm>> -> memref<40x128xf32, #tpu.memory_space<hbm>>
        tpu.enqueue_dma source(%dma_start3A_696 : memref<40x128xf32, #tpu.memory_space<hbm>>) target(%arg22 : memref<40x128xf32, #tpu.memory_space<vmem>>) target_semaphore(%arg38 : memref<!tpu.dma_semaphore, #tpu.memory_space<semaphore_mem>>)
      } else {
      }
      %dma_wait3A_367 = arith.constant 0 : i32
      %dma_wait3A_368 = arith.constant 0 : i32
      %dma_wait3A_369 = tpu.memref_slice %arg8[%dma_wait3A_367, %dma_wait3A_368] : memref<2x40xi32, #tpu.memory_space<vmem>> -> memref<1x40xi32, #tpu.memory_space<vmem>>
      %dma_wait3A_370 = tpu.memref_squeeze %dma_wait3A_369 : memref<1x40xi32, #tpu.memory_space<vmem>> -> memref<40xi32, #tpu.memory_space<vmem>>
      %dma_wait3A_371 = arith.constant 0 : i32
      %dma_wait3A_372 = arith.constant 0 : i32
      %dma_wait3A_373 = tpu.memref_slice %arg2[%dma_wait3A_371, %dma_wait3A_372] : memref<10000x128xf32, #tpu.memory_space<hbm>> -> memref<10000x128xf32, #tpu.memory_space<hbm>>
      tpu.wait_indirect_dma semaphore(%arg32 : memref<!tpu.dma_semaphore, #tpu.memory_space<semaphore_mem>>) src(%dma_wait3A_373 : memref<10000x128xf32, #tpu.memory_space<hbm>>) dst(%arg16 : memref<40x128xf32, #tpu.memory_space<vmem>>)
      %dma_wait3A_374 = arith.constant 0 : i32
      %dma_wait3A_375 = arith.constant 0 : i32
      %dma_wait3A_376 = tpu.memref_slice %arg3[%dma_wait3A_374, %dma_wait3A_375] : memref<320000x128xf32, #tpu.memory_space<hbm>> -> memref<40x128xf32, #tpu.memory_space<hbm>>
      %dma_wait3A_377 = arith.constant 0 : i32
      %dma_wait3A_378 = arith.constant 0 : i32
      %dma_wait3A_379 = tpu.memref_slice %arg3[%dma_wait3A_377, %dma_wait3A_378] : memref<320000x128xf32, #tpu.memory_space<hbm>> -> memref<40x128xf32, #tpu.memory_space<hbm>>
      tpu.wait_dma2 semaphore(%arg36 : memref<!tpu.dma_semaphore, #tpu.memory_space<semaphore_mem>>) src(%dma_wait3A_379 : memref<40x128xf32, #tpu.memory_space<hbm>>) dst(%arg20 : memref<40x128xf32, #tpu.memory_space<vmem>>)
      %scan3A_380 = arith.constant 0 : i32
      %scan3A_381 = arith.constant 0 : i32
      %scan3A_382 = arith.constant 40 : i32
      %scan3A_383 = arith.addi %scan3A_381, %scan3A_382 : i32
      %scan3A_384 = arith.constant 1 : i32
      scf.for %scan3A_657 = %scan3A_381 to %scan3A_383 step %scan3A_384  : i32 {
        %get3A = arith.index_cast %scan3A_657 : i32 to index
        %get3A_658 = arith.constant 0 : index
        %get3A_659 = tpu.vector_load %arg16[%get3A, %get3A_658] {strides = array<i32>} : memref<40x128xf32, #tpu.memory_space<vmem>>, vector<1x16xf32>,
        %get3A_660 = vector.shape_cast %get3A_659 : vector<1x16xf32> to vector<16xf32>
        %get3A_661 = arith.index_cast %scan3A_657 : i32 to index
        %get3A_662 = arith.constant 0 : index
        %get3A_663 = tpu.vector_load %arg20[%get3A_661, %get3A_662] {strides = array<i32>} : memref<40x128xf32, #tpu.memory_space<vmem>>, vector<1x16xf32>,
        %get3A_664 = vector.shape_cast %get3A_663 : vector<1x16xf32> to vector<16xf32>
        %add3A_665 = arith.addf %get3A_660, %get3A_664 : vector<16xf32>
        %mul3A_666 = arith.constant 0.00999999977 : f32
        %mul3A_667 = vector.broadcast %mul3A_666 : f32 to vector<16xf32>
        %mul3A_668 = arith.mulf %mul3A_667, %add3A_665 : vector<16xf32>
        %max3A = arith.maximumf %add3A_665, %mul3A_668 : vector<16xf32>
        %swap3A = arith.index_cast %scan3A_657 : i32 to index
        %swap3A_669 = arith.constant 0 : index
        %swap3A_670 = tpu.vector_load %arg20[%swap3A, %swap3A_669] {strides = array<i32>} : memref<40x128xf32, #tpu.memory_space<vmem>>, vector<1x16xf32>,
        %swap3A_671 = vector.shape_cast %swap3A_670 : vector<1x16xf32> to vector<16xf32>
        %swap3A_672 = vector.shape_cast %max3A : vector<16xf32> to vector<1x16xf32>
        tpu.vector_store %arg20[%swap3A, %swap3A_669], %swap3A_672 {strides = array<i32>} : memref<40x128xf32, #tpu.memory_space<vmem>>, vector<1x16xf32>,
        %get3A_673 = arith.index_cast %scan3A_657 : i32 to index
        %get3A_674 = arith.constant 16 : index
        %get3A_675 = tpu.vector_load %arg16[%get3A_673, %get3A_674] {strides = array<i32>} : memref<40x128xf32, #tpu.memory_space<vmem>>, vector<1x16xf32>,
        %get3A_676 = vector.shape_cast %get3A_675 : vector<1x16xf32> to vector<16xf32>
        %get3A_677 = arith.index_cast %scan3A_657 : i32 to index
        %get3A_678 = arith.constant 16 : index
        %get3A_679 = tpu.vector_load %arg20[%get3A_677, %get3A_678] {strides = array<i32>} : memref<40x128xf32, #tpu.memory_space<vmem>>, vector<1x16xf32>,
        %get3A_680 = vector.shape_cast %get3A_679 : vector<1x16xf32> to vector<16xf32>
        %add3A_681 = arith.addf %get3A_676, %get3A_680 : vector<16xf32>
        %mul3A_682 = arith.constant 0.00999999977 : f32
        %mul3A_683 = vector.broadcast %mul3A_682 : f32 to vector<16xf32>
        %mul3A_684 = arith.mulf %mul3A_683, %add3A_681 : vector<16xf32>
        %max3A_685 = arith.maximumf %add3A_681, %mul3A_684 : vector<16xf32>
        %swap3A_686 = arith.index_cast %scan3A_657 : i32 to index
        %swap3A_687 = arith.constant 16 : index
        %swap3A_688 = tpu.vector_load %arg20[%swap3A_686, %swap3A_687] {strides = array<i32>} : memref<40x128xf32, #tpu.memory_space<vmem>>, vector<1x16xf32>,
        %swap3A_689 = vector.shape_cast %swap3A_688 : vector<1x16xf32> to vector<16xf32>
        %swap3A_690 = vector.shape_cast %max3A_685 : vector<16xf32> to vector<1x16xf32>
        tpu.vector_store %arg20[%swap3A_686, %swap3A_687], %swap3A_690 {strides = array<i32>} : memref<40x128xf32, #tpu.memory_space<vmem>>, vector<1x16xf32>,
        %get3A_691 = arith.index_cast %scan3A_657 : i32 to index
        %get3A_692 = arith.constant 32 : index
        %get3A_693 = tpu.vector_load %arg16[%get3A_691, %get3A_692] {strides = array<i32>} : memref<40x128xf32, #tpu.memory_space<vmem>>, vector<1x16xf32>,
        %get3A_694 = vector.shape_cast %get3A_693 : vector<1x16xf32> to vector<16xf32>
        %get3A_695 = arith.index_cast %scan3A_657 : i32 to index
        %get3A_696 = arith.constant 32 : index
        %get3A_697 = tpu.vector_load %arg20[%get3A_695, %get3A_696] {strides = array<i32>} : memref<40x128xf32, #tpu.memory_space<vmem>>, vector<1x16xf32>,
        %get3A_698 = vector.shape_cast %get3A_697 : vector<1x16xf32> to vector<16xf32>
        %add3A_699 = arith.addf %get3A_694, %get3A_698 : vector<16xf32>
        %mul3A_700 = arith.constant 0.00999999977 : f32
        %mul3A_701 = vector.broadcast %mul3A_700 : f32 to vector<16xf32>
        %mul3A_702 = arith.mulf %mul3A_701, %add3A_699 : vector<16xf32>
        %max3A_703 = arith.maximumf %add3A_699, %mul3A_702 : vector<16xf32>
        %swap3A_704 = arith.index_cast %scan3A_657 : i32 to index
        %swap3A_705 = arith.constant 32 : index
        %swap3A_706 = tpu.vector_load %arg20[%swap3A_704, %swap3A_705] {strides = array<i32>} : memref<40x128xf32, #tpu.memory_space<vmem>>, vector<1x16xf32>,
        %swap3A_707 = vector.shape_cast %swap3A_706 : vector<1x16xf32> to vector<16xf32>
        %swap3A_708 = vector.shape_cast %max3A_703 : vector<16xf32> to vector<1x16xf32>
        tpu.vector_store %arg20[%swap3A_704, %swap3A_705], %swap3A_708 {strides = array<i32>} : memref<40x128xf32, #tpu.memory_space<vmem>>, vector<1x16xf32>,
        %get3A_709 = arith.index_cast %scan3A_657 : i32 to index
        %get3A_710 = arith.constant 48 : index
        %get3A_711 = tpu.vector_load %arg16[%get3A_709, %get3A_710] {strides = array<i32>} : memref<40x128xf32, #tpu.memory_space<vmem>>, vector<1x16xf32>,
        %get3A_712 = vector.shape_cast %get3A_711 : vector<1x16xf32> to vector<16xf32>
        %get3A_713 = arith.index_cast %scan3A_657 : i32 to index
        %get3A_714 = arith.constant 48 : index
        %get3A_715 = tpu.vector_load %arg20[%get3A_713, %get3A_714] {strides = array<i32>} : memref<40x128xf32, #tpu.memory_space<vmem>>, vector<1x16xf32>,
        %get3A_716 = vector.shape_cast %get3A_715 : vector<1x16xf32> to vector<16xf32>
        %add3A_717 = arith.addf %get3A_712, %get3A_716 : vector<16xf32>
        %mul3A_718 = arith.constant 0.00999999977 : f32
        %mul3A_719 = vector.broadcast %mul3A_718 : f32 to vector<16xf32>
        %mul3A_720 = arith.mulf %mul3A_719, %add3A_717 : vector<16xf32>
        %max3A_721 = arith.maximumf %add3A_717, %mul3A_720 : vector<16xf32>
        %swap3A_722 = arith.index_cast %scan3A_657 : i32 to index
        %swap3A_723 = arith.constant 48 : index
        %swap3A_724 = tpu.vector_load %arg20[%swap3A_722, %swap3A_723] {strides = array<i32>} : memref<40x128xf32, #tpu.memory_space<vmem>>, vector<1x16xf32>,
        %swap3A_725 = vector.shape_cast %swap3A_724 : vector<1x16xf32> to vector<16xf32>
        %swap3A_726 = vector.shape_cast %max3A_721 : vector<16xf32> to vector<1x16xf32>
        tpu.vector_store %arg20[%swap3A_722, %swap3A_723], %swap3A_726 {strides = array<i32>} : memref<40x128xf32, #tpu.memory_space<vmem>>, vector<1x16xf32>,
        %get3A_727 = arith.index_cast %scan3A_657 : i32 to index
        %get3A_728 = arith.constant 64 : index
        %get3A_729 = tpu.vector_load %arg16[%get3A_727, %get3A_728] {strides = array<i32>} : memref<40x128xf32, #tpu.memory_space<vmem>>, vector<1x16xf32>,
        %get3A_730 = vector.shape_cast %get3A_729 : vector<1x16xf32> to vector<16xf32>
        %get3A_731 = arith.index_cast %scan3A_657 : i32 to index
        %get3A_732 = arith.constant 64 : index
        %get3A_733 = tpu.vector_load %arg20[%get3A_731, %get3A_732] {strides = array<i32>} : memref<40x128xf32, #tpu.memory_space<vmem>>, vector<1x16xf32>,
        %get3A_734 = vector.shape_cast %get3A_733 : vector<1x16xf32> to vector<16xf32>
        %add3A_735 = arith.addf %get3A_730, %get3A_734 : vector<16xf32>
        %mul3A_736 = arith.constant 0.00999999977 : f32
        %mul3A_737 = vector.broadcast %mul3A_736 : f32 to vector<16xf32>
        %mul3A_738 = arith.mulf %mul3A_737, %add3A_735 : vector<16xf32>
        %max3A_739 = arith.maximumf %add3A_735, %mul3A_738 : vector<16xf32>
        %swap3A_740 = arith.index_cast %scan3A_657 : i32 to index
        %swap3A_741 = arith.constant 64 : index
        %swap3A_742 = tpu.vector_load %arg20[%swap3A_740, %swap3A_741] {strides = array<i32>} : memref<40x128xf32, #tpu.memory_space<vmem>>, vector<1x16xf32>,
        %swap3A_743 = vector.shape_cast %swap3A_742 : vector<1x16xf32> to vector<16xf32>
        %swap3A_744 = vector.shape_cast %max3A_739 : vector<16xf32> to vector<1x16xf32>
        tpu.vector_store %arg20[%swap3A_740, %swap3A_741], %swap3A_744 {strides = array<i32>} : memref<40x128xf32, #tpu.memory_space<vmem>>, vector<1x16xf32>,
        %get3A_745 = arith.index_cast %scan3A_657 : i32 to index
        %get3A_746 = arith.constant 80 : index
        %get3A_747 = tpu.vector_load %arg16[%get3A_745, %get3A_746] {strides = array<i32>} : memref<40x128xf32, #tpu.memory_space<vmem>>, vector<1x16xf32>,
        %get3A_748 = vector.shape_cast %get3A_747 : vector<1x16xf32> to vector<16xf32>
        %get3A_749 = arith.index_cast %scan3A_657 : i32 to index
        %get3A_750 = arith.constant 80 : index
        %get3A_751 = tpu.vector_load %arg20[%get3A_749, %get3A_750] {strides = array<i32>} : memref<40x128xf32, #tpu.memory_space<vmem>>, vector<1x16xf32>,
        %get3A_752 = vector.shape_cast %get3A_751 : vector<1x16xf32> to vector<16xf32>
        %add3A_753 = arith.addf %get3A_748, %get3A_752 : vector<16xf32>
        %mul3A_754 = arith.constant 0.00999999977 : f32
        %mul3A_755 = vector.broadcast %mul3A_754 : f32 to vector<16xf32>
        %mul3A_756 = arith.mulf %mul3A_755, %add3A_753 : vector<16xf32>
        %max3A_757 = arith.maximumf %add3A_753, %mul3A_756 : vector<16xf32>
        %swap3A_758 = arith.index_cast %scan3A_657 : i32 to index
        %swap3A_759 = arith.constant 80 : index
        %swap3A_760 = tpu.vector_load %arg20[%swap3A_758, %swap3A_759] {strides = array<i32>} : memref<40x128xf32, #tpu.memory_space<vmem>>, vector<1x16xf32>,
        %swap3A_761 = vector.shape_cast %swap3A_760 : vector<1x16xf32> to vector<16xf32>
        %swap3A_762 = vector.shape_cast %max3A_757 : vector<16xf32> to vector<1x16xf32>
        tpu.vector_store %arg20[%swap3A_758, %swap3A_759], %swap3A_762 {strides = array<i32>} : memref<40x128xf32, #tpu.memory_space<vmem>>, vector<1x16xf32>,
        %get3A_763 = arith.index_cast %scan3A_657 : i32 to index
        %get3A_764 = arith.constant 96 : index
        %get3A_765 = tpu.vector_load %arg16[%get3A_763, %get3A_764] {strides = array<i32>} : memref<40x128xf32, #tpu.memory_space<vmem>>, vector<1x16xf32>,
        %get3A_766 = vector.shape_cast %get3A_765 : vector<1x16xf32> to vector<16xf32>
        %get3A_767 = arith.index_cast %scan3A_657 : i32 to index
        %get3A_768 = arith.constant 96 : index
        %get3A_769 = tpu.vector_load %arg20[%get3A_767, %get3A_768] {strides = array<i32>} : memref<40x128xf32, #tpu.memory_space<vmem>>, vector<1x16xf32>,
        %get3A_770 = vector.shape_cast %get3A_769 : vector<1x16xf32> to vector<16xf32>
        %add3A_771 = arith.addf %get3A_766, %get3A_770 : vector<16xf32>
        %mul3A_772 = arith.constant 0.00999999977 : f32
        %mul3A_773 = vector.broadcast %mul3A_772 : f32 to vector<16xf32>
        %mul3A_774 = arith.mulf %mul3A_773, %add3A_771 : vector<16xf32>
        %max3A_775 = arith.maximumf %add3A_771, %mul3A_774 : vector<16xf32>
        %swap3A_776 = arith.index_cast %scan3A_657 : i32 to index
        %swap3A_777 = arith.constant 96 : index
        %swap3A_778 = tpu.vector_load %arg20[%swap3A_776, %swap3A_777] {strides = array<i32>} : memref<40x128xf32, #tpu.memory_space<vmem>>, vector<1x16xf32>,
        %swap3A_779 = vector.shape_cast %swap3A_778 : vector<1x16xf32> to vector<16xf32>
        %swap3A_780 = vector.shape_cast %max3A_775 : vector<16xf32> to vector<1x16xf32>
        tpu.vector_store %arg20[%swap3A_776, %swap3A_777], %swap3A_780 {strides = array<i32>} : memref<40x128xf32, #tpu.memory_space<vmem>>, vector<1x16xf32>,
        %get3A_781 = arith.index_cast %scan3A_657 : i32 to index
        %get3A_782 = arith.constant 112 : index
        %get3A_783 = tpu.vector_load %arg16[%get3A_781, %get3A_782] {strides = array<i32>} : memref<40x128xf32, #tpu.memory_space<vmem>>, vector<1x16xf32>,
        %get3A_784 = vector.shape_cast %get3A_783 : vector<1x16xf32> to vector<16xf32>
        %get3A_785 = arith.index_cast %scan3A_657 : i32 to index
        %get3A_786 = arith.constant 112 : index
        %get3A_787 = tpu.vector_load %arg20[%get3A_785, %get3A_786] {strides = array<i32>} : memref<40x128xf32, #tpu.memory_space<vmem>>, vector<1x16xf32>,
        %get3A_788 = vector.shape_cast %get3A_787 : vector<1x16xf32> to vector<16xf32>
        %add3A_789 = arith.addf %get3A_784, %get3A_788 : vector<16xf32>
        %mul3A_790 = arith.constant 0.00999999977 : f32
        %mul3A_791 = vector.broadcast %mul3A_790 : f32 to vector<16xf32>
        %mul3A_792 = arith.mulf %mul3A_791, %add3A_789 : vector<16xf32>
        %max3A_793 = arith.maximumf %add3A_789, %mul3A_792 : vector<16xf32>
        %swap3A_794 = arith.index_cast %scan3A_657 : i32 to index
        %swap3A_795 = arith.constant 112 : index
        %swap3A_796 = tpu.vector_load %arg20[%swap3A_794, %swap3A_795] {strides = array<i32>} : memref<40x128xf32, #tpu.memory_space<vmem>>, vector<1x16xf32>,
        %swap3A_797 = vector.shape_cast %swap3A_796 : vector<1x16xf32> to vector<16xf32>
        %swap3A_798 = vector.shape_cast %max3A_793 : vector<16xf32> to vector<1x16xf32>
        tpu.vector_store %arg20[%swap3A_794, %swap3A_795], %swap3A_798 {strides = array<i32>} : memref<40x128xf32, #tpu.memory_space<vmem>>, vector<1x16xf32>,
      }
      %scan3A_385 = arith.constant 40 : i32
      %dma_start3A_386 = arith.constant 1 : i32
      %dma_start3A_387 = arith.constant 0 : i32
      %dma_start3A_388 = tpu.memref_slice %arg8[%dma_start3A_386, %dma_start3A_387] : memref<2x40xi32, #tpu.memory_space<vmem>> -> memref<1x40xi32, #tpu.memory_space<vmem>>
      %dma_start3A_389 = tpu.memref_squeeze %dma_start3A_388 : memref<1x40xi32, #tpu.memory_space<vmem>> -> memref<40xi32, #tpu.memory_space<vmem>>
      %dma_start3A_390 = arith.constant 0 : i32
      %dma_start3A_391 = arith.constant 0 : i32
      %dma_start3A_392 = tpu.memref_slice %arg43[%dma_start3A_390, %dma_start3A_391] : memref<10000x128xf32, #tpu.memory_space<vmem_shared>> -> memref<10000x128xf32, #tpu.memory_space<vmem_shared>>
      tpu.enqueue_indirect_dma source(%arg20 : memref<40x128xf32, #tpu.memory_space<vmem>>) target(%dma_start3A_392 : memref<10000x128xf32, #tpu.memory_space<vmem_shared>>) offsets(%dma_start3A_389 : memref<40xi32, #tpu.memory_space<vmem>>) semaphore(%arg40 : memref<!tpu.dma_semaphore, #tpu.memory_space<semaphore_mem>>) {add = true}
      %mul3A_393 = arith.constant 8 : i32
      %mul3A_394 = arith.muli %scan3A_304, %mul3A_393 : i32
      %add3A_395 = arith.constant 2 : i32
      %add3A_396 = arith.addi %mul3A_394, %add3A_395 : i32
      %add3A_397 = arith.constant 2 : i32
      %add3A_398 = arith.addi %add3A_396, %add3A_397 : i32
      %add3A_399 = arith.constant 3 : i32
      %add3A_400 = arith.addi %add3A_396, %add3A_399 : i32
      %lt3A_401 = arith.constant 250 : i32
      %lt3A_402 = arith.cmpi slt, %add3A_400, %lt3A_401 : i32
      %convert_element_type3A_403 = arith.extui %lt3A_402 : i1 to i32
      %cond3A_404 = arith.constant 0 : i32
      %cond3A_405 = arith.cmpi ne, %convert_element_type3A_403, %cond3A_404 : i32
      scf.if %cond3A_405 {
        %mul3A_657 = arith.constant 40 : i32
        %mul3A_658 = arith.muli %add3A_400, %mul3A_657 : i32
        %add3A_659 = arith.addi %add3A_4, %mul3A_658 : i32
        %dma_start3A_660 = arith.constant 0 : i32
        %dma_start3A_661 = arith.constant 0 : i32
        %dma_start3A_662 = tpu.memref_slice %arg12[%dma_start3A_660, %dma_start3A_661] : memref<2x40xi32, #tpu.memory_space<vmem>> -> memref<1x40xi32, #tpu.memory_space<vmem>>
        %dma_start3A_663 = tpu.memref_squeeze %dma_start3A_662 : memref<1x40xi32, #tpu.memory_space<vmem>> -> memref<40xi32, #tpu.memory_space<vmem>>
        %dma_start3A_664 = tpu.memref_slice %arg4[%add3A_659] : memref<320000xi32, #tpu.memory_space<hbm>> -> memref<40xi32, #tpu.memory_space<hbm>>
        %dma_start3A_665 = arith.constant 0 : i32
        %dma_start3A_666 = tpu.memref_slice %arg12[%dma_start3A_660, %dma_start3A_665] : memref<2x40xi32, #tpu.memory_space<vmem>> -> memref<1x40xi32, #tpu.memory_space<vmem>>
        %dma_start3A_667 = tpu.memref_squeeze %dma_start3A_666 : memref<1x40xi32, #tpu.memory_space<vmem>> -> memref<40xi32, #tpu.memory_space<vmem>>
        %dma_start3A_668 = tpu.memref_slice %arg4[%add3A_659] : memref<320000xi32, #tpu.memory_space<hbm>> -> memref<40xi32, #tpu.memory_space<hbm>>
        tpu.enqueue_dma source(%dma_start3A_668 : memref<40xi32, #tpu.memory_space<hbm>>) target(%dma_start3A_667 : memref<40xi32, #tpu.memory_space<vmem>>) target_semaphore(%arg28 : memref<!tpu.dma_semaphore, #tpu.memory_space<semaphore_mem>>)
        %mul3A_669 = arith.constant 40 : i32
        %mul3A_670 = arith.muli %add3A_400, %mul3A_669 : i32
        %add3A_671 = arith.addi %add3A_4, %mul3A_670 : i32
        %dma_start3A_672 = arith.constant 1 : i32
        %dma_start3A_673 = arith.constant 0 : i32
        %dma_start3A_674 = tpu.memref_slice %arg12[%dma_start3A_672, %dma_start3A_673] : memref<2x40xi32, #tpu.memory_space<vmem>> -> memref<1x40xi32, #tpu.memory_space<vmem>>
        %dma_start3A_675 = tpu.memref_squeeze %dma_start3A_674 : memref<1x40xi32, #tpu.memory_space<vmem>> -> memref<40xi32, #tpu.memory_space<vmem>>
        %dma_start3A_676 = tpu.memref_slice %arg5[%add3A_671] : memref<320000xi32, #tpu.memory_space<hbm>> -> memref<40xi32, #tpu.memory_space<hbm>>
        %dma_start3A_677 = arith.constant 0 : i32
        %dma_start3A_678 = tpu.memref_slice %arg12[%dma_start3A_672, %dma_start3A_677] : memref<2x40xi32, #tpu.memory_space<vmem>> -> memref<1x40xi32, #tpu.memory_space<vmem>>
        %dma_start3A_679 = tpu.memref_squeeze %dma_start3A_678 : memref<1x40xi32, #tpu.memory_space<vmem>> -> memref<40xi32, #tpu.memory_space<vmem>>
        %dma_start3A_680 = tpu.memref_slice %arg5[%add3A_671] : memref<320000xi32, #tpu.memory_space<hbm>> -> memref<40xi32, #tpu.memory_space<hbm>>
        tpu.enqueue_dma source(%dma_start3A_680 : memref<40xi32, #tpu.memory_space<hbm>>) target(%dma_start3A_679 : memref<40xi32, #tpu.memory_space<vmem>>) target_semaphore(%arg28 : memref<!tpu.dma_semaphore, #tpu.memory_space<semaphore_mem>>)
      } else {
      }
      %lt3A_406 = arith.constant 250 : i32
      %lt3A_407 = arith.cmpi slt, %add3A_398, %lt3A_406 : i32
      %convert_element_type3A_408 = arith.extui %lt3A_407 : i1 to i32
      %cond3A_409 = arith.constant 0 : i32
      %cond3A_410 = arith.cmpi ne, %convert_element_type3A_408, %cond3A_409 : i32
      scf.if %cond3A_410 {
        %ge3A = arith.constant 2 : i32
        %ge3A_657 = arith.cmpi sge, %add3A_396, %ge3A : i32
        %convert_element_type3A_658 = arith.extui %ge3A_657 : i1 to i32
        %cond3A_659 = arith.constant 0 : i32
        %cond3A_660 = arith.cmpi ne, %convert_element_type3A_658, %cond3A_659 : i32
        scf.if %cond3A_660 {
          %dma_wait3A_697 = arith.constant 1 : i32
          %dma_wait3A_698 = arith.constant 0 : i32
          %dma_wait3A_699 = tpu.memref_slice %arg7[%dma_wait3A_697, %dma_wait3A_698] : memref<2x40xi32, #tpu.memory_space<vmem>> -> memref<1x40xi32, #tpu.memory_space<vmem>>
          %dma_wait3A_700 = tpu.memref_squeeze %dma_wait3A_699 : memref<1x40xi32, #tpu.memory_space<vmem>> -> memref<40xi32, #tpu.memory_space<vmem>>
          %dma_wait3A_701 = arith.constant 0 : i32
          %dma_wait3A_702 = arith.constant 0 : i32
          %dma_wait3A_703 = tpu.memref_slice %arg43[%dma_wait3A_701, %dma_wait3A_702] : memref<10000x128xf32, #tpu.memory_space<vmem_shared>> -> memref<10000x128xf32, #tpu.memory_space<vmem_shared>>
          tpu.wait_indirect_dma semaphore(%arg39 : memref<!tpu.dma_semaphore, #tpu.memory_space<semaphore_mem>>) src(%arg19 : memref<40x128xf32, #tpu.memory_space<vmem>>) dst(%dma_wait3A_703 : memref<10000x128xf32, #tpu.memory_space<vmem_shared>>)
        } else {
        }
        %dma_wait3A_661 = arith.constant 0 : i32
        %dma_wait3A_662 = arith.constant 0 : i32
        %dma_wait3A_663 = tpu.memref_slice %arg11[%dma_wait3A_661, %dma_wait3A_662] : memref<2x40xi32, #tpu.memory_space<vmem>> -> memref<1x40xi32, #tpu.memory_space<vmem>>
        %dma_wait3A_664 = tpu.memref_squeeze %dma_wait3A_663 : memref<1x40xi32, #tpu.memory_space<vmem>> -> memref<40xi32, #tpu.memory_space<vmem>>
        %dma_wait3A_665 = arith.constant 0 : i32
        %dma_wait3A_666 = tpu.memref_slice %arg4[%dma_wait3A_665] : memref<320000xi32, #tpu.memory_space<hbm>> -> memref<40xi32, #tpu.memory_space<hbm>>
        %dma_wait3A_667 = arith.constant 0 : i32
        %dma_wait3A_668 = tpu.memref_slice %arg11[%dma_wait3A_661, %dma_wait3A_667] : memref<2x40xi32, #tpu.memory_space<vmem>> -> memref<1x40xi32, #tpu.memory_space<vmem>>
        %dma_wait3A_669 = tpu.memref_squeeze %dma_wait3A_668 : memref<1x40xi32, #tpu.memory_space<vmem>> -> memref<40xi32, #tpu.memory_space<vmem>>
        %dma_wait3A_670 = arith.constant 0 : i32
        %dma_wait3A_671 = tpu.memref_slice %arg4[%dma_wait3A_670] : memref<320000xi32, #tpu.memory_space<hbm>> -> memref<40xi32, #tpu.memory_space<hbm>>
        tpu.wait_dma2 semaphore(%arg27 : memref<!tpu.dma_semaphore, #tpu.memory_space<semaphore_mem>>) src(%dma_wait3A_671 : memref<40xi32, #tpu.memory_space<hbm>>) dst(%dma_wait3A_669 : memref<40xi32, #tpu.memory_space<vmem>>)
        %dma_wait3A_672 = arith.constant 1 : i32
        %dma_wait3A_673 = arith.constant 0 : i32
        %dma_wait3A_674 = tpu.memref_slice %arg11[%dma_wait3A_672, %dma_wait3A_673] : memref<2x40xi32, #tpu.memory_space<vmem>> -> memref<1x40xi32, #tpu.memory_space<vmem>>
        %dma_wait3A_675 = tpu.memref_squeeze %dma_wait3A_674 : memref<1x40xi32, #tpu.memory_space<vmem>> -> memref<40xi32, #tpu.memory_space<vmem>>
        %dma_wait3A_676 = arith.constant 0 : i32
        %dma_wait3A_677 = tpu.memref_slice %arg4[%dma_wait3A_676] : memref<320000xi32, #tpu.memory_space<hbm>> -> memref<40xi32, #tpu.memory_space<hbm>>
        %dma_wait3A_678 = arith.constant 0 : i32
        %dma_wait3A_679 = tpu.memref_slice %arg11[%dma_wait3A_672, %dma_wait3A_678] : memref<2x40xi32, #tpu.memory_space<vmem>> -> memref<1x40xi32, #tpu.memory_space<vmem>>
        %dma_wait3A_680 = tpu.memref_squeeze %dma_wait3A_679 : memref<1x40xi32, #tpu.memory_space<vmem>> -> memref<40xi32, #tpu.memory_space<vmem>>
        %dma_wait3A_681 = arith.constant 0 : i32
        %dma_wait3A_682 = tpu.memref_slice %arg4[%dma_wait3A_681] : memref<320000xi32, #tpu.memory_space<hbm>> -> memref<40xi32, #tpu.memory_space<hbm>>
        tpu.wait_dma2 semaphore(%arg27 : memref<!tpu.dma_semaphore, #tpu.memory_space<semaphore_mem>>) src(%dma_wait3A_682 : memref<40xi32, #tpu.memory_space<hbm>>) dst(%dma_wait3A_680 : memref<40xi32, #tpu.memory_space<vmem>>)
        %dma_start3A_683 = arith.constant 0 : i32
        %dma_start3A_684 = arith.constant 0 : i32
        %dma_start3A_685 = tpu.memref_slice %arg11[%dma_start3A_683, %dma_start3A_684] : memref<2x40xi32, #tpu.memory_space<vmem>> -> memref<1x40xi32, #tpu.memory_space<vmem>>
        %dma_start3A_686 = tpu.memref_squeeze %dma_start3A_685 : memref<1x40xi32, #tpu.memory_space<vmem>> -> memref<40xi32, #tpu.memory_space<vmem>>
        %dma_start3A_687 = arith.constant 0 : i32
        %dma_start3A_688 = arith.constant 0 : i32
        %dma_start3A_689 = tpu.memref_slice %arg2[%dma_start3A_687, %dma_start3A_688] : memref<10000x128xf32, #tpu.memory_space<hbm>> -> memref<10000x128xf32, #tpu.memory_space<hbm>>
        tpu.enqueue_indirect_dma source(%dma_start3A_689 : memref<10000x128xf32, #tpu.memory_space<hbm>>) target(%arg15 : memref<40x128xf32, #tpu.memory_space<vmem>>) offsets(%dma_start3A_686 : memref<40xi32, #tpu.memory_space<vmem>>) semaphore(%arg31 : memref<!tpu.dma_semaphore, #tpu.memory_space<semaphore_mem>>)
        %mul3A_690 = arith.constant 40 : i32
        %mul3A_691 = arith.muli %add3A_398, %mul3A_690 : i32
        %add3A_692 = arith.addi %mul3A_2, %mul3A_691 : i32
        %dma_start3A_693 = arith.constant 0 : i32
        %dma_start3A_694 = tpu.memref_slice %arg3[%add3A_692, %dma_start3A_693] : memref<320000x128xf32, #tpu.memory_space<hbm>> -> memref<40x128xf32, #tpu.memory_space<hbm>>
        %dma_start3A_695 = arith.constant 0 : i32
        %dma_start3A_696 = tpu.memref_slice %arg3[%add3A_692, %dma_start3A_695] : memref<320000x128xf32, #tpu.memory_space<hbm>> -> memref<40x128xf32, #tpu.memory_space<hbm>>
        tpu.enqueue_dma source(%dma_start3A_696 : memref<40x128xf32, #tpu.memory_space<hbm>>) target(%arg19 : memref<40x128xf32, #tpu.memory_space<vmem>>) target_semaphore(%arg35 : memref<!tpu.dma_semaphore, #tpu.memory_space<semaphore_mem>>)
      } else {
      }
      %dma_wait3A_411 = arith.constant 0 : i32
      %dma_wait3A_412 = arith.constant 0 : i32
      %dma_wait3A_413 = tpu.memref_slice %arg9[%dma_wait3A_411, %dma_wait3A_412] : memref<2x40xi32, #tpu.memory_space<vmem>> -> memref<1x40xi32, #tpu.memory_space<vmem>>
      %dma_wait3A_414 = tpu.memref_squeeze %dma_wait3A_413 : memref<1x40xi32, #tpu.memory_space<vmem>> -> memref<40xi32, #tpu.memory_space<vmem>>
      %dma_wait3A_415 = arith.constant 0 : i32
      %dma_wait3A_416 = arith.constant 0 : i32
      %dma_wait3A_417 = tpu.memref_slice %arg2[%dma_wait3A_415, %dma_wait3A_416] : memref<10000x128xf32, #tpu.memory_space<hbm>> -> memref<10000x128xf32, #tpu.memory_space<hbm>>
      tpu.wait_indirect_dma semaphore(%arg33 : memref<!tpu.dma_semaphore, #tpu.memory_space<semaphore_mem>>) src(%dma_wait3A_417 : memref<10000x128xf32, #tpu.memory_space<hbm>>) dst(%arg17 : memref<40x128xf32, #tpu.memory_space<vmem>>)
      %dma_wait3A_418 = arith.constant 0 : i32
      %dma_wait3A_419 = arith.constant 0 : i32
      %dma_wait3A_420 = tpu.memref_slice %arg3[%dma_wait3A_418, %dma_wait3A_419] : memref<320000x128xf32, #tpu.memory_space<hbm>> -> memref<40x128xf32, #tpu.memory_space<hbm>>
      %dma_wait3A_421 = arith.constant 0 : i32
      %dma_wait3A_422 = arith.constant 0 : i32
      %dma_wait3A_423 = tpu.memref_slice %arg3[%dma_wait3A_421, %dma_wait3A_422] : memref<320000x128xf32, #tpu.memory_space<hbm>> -> memref<40x128xf32, #tpu.memory_space<hbm>>
      tpu.wait_dma2 semaphore(%arg37 : memref<!tpu.dma_semaphore, #tpu.memory_space<semaphore_mem>>) src(%dma_wait3A_423 : memref<40x128xf32, #tpu.memory_space<hbm>>) dst(%arg21 : memref<40x128xf32, #tpu.memory_space<vmem>>)
      %scan3A_424 = arith.constant 0 : i32
      %scan3A_425 = arith.constant 0 : i32
      %scan3A_426 = arith.constant 40 : i32
      %scan3A_427 = arith.addi %scan3A_425, %scan3A_426 : i32
      %scan3A_428 = arith.constant 1 : i32
      scf.for %scan3A_657 = %scan3A_425 to %scan3A_427 step %scan3A_428  : i32 {
        %get3A = arith.index_cast %scan3A_657 : i32 to index
        %get3A_658 = arith.constant 0 : index
        %get3A_659 = tpu.vector_load %arg17[%get3A, %get3A_658] {strides = array<i32>} : memref<40x128xf32, #tpu.memory_space<vmem>>, vector<1x16xf32>,
        %get3A_660 = vector.shape_cast %get3A_659 : vector<1x16xf32> to vector<16xf32>
        %get3A_661 = arith.index_cast %scan3A_657 : i32 to index
        %get3A_662 = arith.constant 0 : index
        %get3A_663 = tpu.vector_load %arg21[%get3A_661, %get3A_662] {strides = array<i32>} : memref<40x128xf32, #tpu.memory_space<vmem>>, vector<1x16xf32>,
        %get3A_664 = vector.shape_cast %get3A_663 : vector<1x16xf32> to vector<16xf32>
        %add3A_665 = arith.addf %get3A_660, %get3A_664 : vector<16xf32>
        %mul3A_666 = arith.constant 0.00999999977 : f32
        %mul3A_667 = vector.broadcast %mul3A_666 : f32 to vector<16xf32>
        %mul3A_668 = arith.mulf %mul3A_667, %add3A_665 : vector<16xf32>
        %max3A = arith.maximumf %add3A_665, %mul3A_668 : vector<16xf32>
        %swap3A = arith.index_cast %scan3A_657 : i32 to index
        %swap3A_669 = arith.constant 0 : index
        %swap3A_670 = tpu.vector_load %arg21[%swap3A, %swap3A_669] {strides = array<i32>} : memref<40x128xf32, #tpu.memory_space<vmem>>, vector<1x16xf32>,
        %swap3A_671 = vector.shape_cast %swap3A_670 : vector<1x16xf32> to vector<16xf32>
        %swap3A_672 = vector.shape_cast %max3A : vector<16xf32> to vector<1x16xf32>
        tpu.vector_store %arg21[%swap3A, %swap3A_669], %swap3A_672 {strides = array<i32>} : memref<40x128xf32, #tpu.memory_space<vmem>>, vector<1x16xf32>,
        %get3A_673 = arith.index_cast %scan3A_657 : i32 to index
        %get3A_674 = arith.constant 16 : index
        %get3A_675 = tpu.vector_load %arg17[%get3A_673, %get3A_674] {strides = array<i32>} : memref<40x128xf32, #tpu.memory_space<vmem>>, vector<1x16xf32>,
        %get3A_676 = vector.shape_cast %get3A_675 : vector<1x16xf32> to vector<16xf32>
        %get3A_677 = arith.index_cast %scan3A_657 : i32 to index
        %get3A_678 = arith.constant 16 : index
        %get3A_679 = tpu.vector_load %arg21[%get3A_677, %get3A_678] {strides = array<i32>} : memref<40x128xf32, #tpu.memory_space<vmem>>, vector<1x16xf32>,
        %get3A_680 = vector.shape_cast %get3A_679 : vector<1x16xf32> to vector<16xf32>
        %add3A_681 = arith.addf %get3A_676, %get3A_680 : vector<16xf32>
        %mul3A_682 = arith.constant 0.00999999977 : f32
        %mul3A_683 = vector.broadcast %mul3A_682 : f32 to vector<16xf32>
        %mul3A_684 = arith.mulf %mul3A_683, %add3A_681 : vector<16xf32>
        %max3A_685 = arith.maximumf %add3A_681, %mul3A_684 : vector<16xf32>
        %swap3A_686 = arith.index_cast %scan3A_657 : i32 to index
        %swap3A_687 = arith.constant 16 : index
        %swap3A_688 = tpu.vector_load %arg21[%swap3A_686, %swap3A_687] {strides = array<i32>} : memref<40x128xf32, #tpu.memory_space<vmem>>, vector<1x16xf32>,
        %swap3A_689 = vector.shape_cast %swap3A_688 : vector<1x16xf32> to vector<16xf32>
        %swap3A_690 = vector.shape_cast %max3A_685 : vector<16xf32> to vector<1x16xf32>
        tpu.vector_store %arg21[%swap3A_686, %swap3A_687], %swap3A_690 {strides = array<i32>} : memref<40x128xf32, #tpu.memory_space<vmem>>, vector<1x16xf32>,
        %get3A_691 = arith.index_cast %scan3A_657 : i32 to index
        %get3A_692 = arith.constant 32 : index
        %get3A_693 = tpu.vector_load %arg17[%get3A_691, %get3A_692] {strides = array<i32>} : memref<40x128xf32, #tpu.memory_space<vmem>>, vector<1x16xf32>,
        %get3A_694 = vector.shape_cast %get3A_693 : vector<1x16xf32> to vector<16xf32>
        %get3A_695 = arith.index_cast %scan3A_657 : i32 to index
        %get3A_696 = arith.constant 32 : index
        %get3A_697 = tpu.vector_load %arg21[%get3A_695, %get3A_696] {strides = array<i32>} : memref<40x128xf32, #tpu.memory_space<vmem>>, vector<1x16xf32>,
        %get3A_698 = vector.shape_cast %get3A_697 : vector<1x16xf32> to vector<16xf32>
        %add3A_699 = arith.addf %get3A_694, %get3A_698 : vector<16xf32>
        %mul3A_700 = arith.constant 0.00999999977 : f32
        %mul3A_701 = vector.broadcast %mul3A_700 : f32 to vector<16xf32>
        %mul3A_702 = arith.mulf %mul3A_701, %add3A_699 : vector<16xf32>
        %max3A_703 = arith.maximumf %add3A_699, %mul3A_702 : vector<16xf32>
        %swap3A_704 = arith.index_cast %scan3A_657 : i32 to index
        %swap3A_705 = arith.constant 32 : index
        %swap3A_706 = tpu.vector_load %arg21[%swap3A_704, %swap3A_705] {strides = array<i32>} : memref<40x128xf32, #tpu.memory_space<vmem>>, vector<1x16xf32>,
        %swap3A_707 = vector.shape_cast %swap3A_706 : vector<1x16xf32> to vector<16xf32>
        %swap3A_708 = vector.shape_cast %max3A_703 : vector<16xf32> to vector<1x16xf32>
        tpu.vector_store %arg21[%swap3A_704, %swap3A_705], %swap3A_708 {strides = array<i32>} : memref<40x128xf32, #tpu.memory_space<vmem>>, vector<1x16xf32>,
        %get3A_709 = arith.index_cast %scan3A_657 : i32 to index
        %get3A_710 = arith.constant 48 : index
        %get3A_711 = tpu.vector_load %arg17[%get3A_709, %get3A_710] {strides = array<i32>} : memref<40x128xf32, #tpu.memory_space<vmem>>, vector<1x16xf32>,
        %get3A_712 = vector.shape_cast %get3A_711 : vector<1x16xf32> to vector<16xf32>
        %get3A_713 = arith.index_cast %scan3A_657 : i32 to index
        %get3A_714 = arith.constant 48 : index
        %get3A_715 = tpu.vector_load %arg21[%get3A_713, %get3A_714] {strides = array<i32>} : memref<40x128xf32, #tpu.memory_space<vmem>>, vector<1x16xf32>,
        %get3A_716 = vector.shape_cast %get3A_715 : vector<1x16xf32> to vector<16xf32>
        %add3A_717 = arith.addf %get3A_712, %get3A_716 : vector<16xf32>
        %mul3A_718 = arith.constant 0.00999999977 : f32
        %mul3A_719 = vector.broadcast %mul3A_718 : f32 to vector<16xf32>
        %mul3A_720 = arith.mulf %mul3A_719, %add3A_717 : vector<16xf32>
        %max3A_721 = arith.maximumf %add3A_717, %mul3A_720 : vector<16xf32>
        %swap3A_722 = arith.index_cast %scan3A_657 : i32 to index
        %swap3A_723 = arith.constant 48 : index
        %swap3A_724 = tpu.vector_load %arg21[%swap3A_722, %swap3A_723] {strides = array<i32>} : memref<40x128xf32, #tpu.memory_space<vmem>>, vector<1x16xf32>,
        %swap3A_725 = vector.shape_cast %swap3A_724 : vector<1x16xf32> to vector<16xf32>
        %swap3A_726 = vector.shape_cast %max3A_721 : vector<16xf32> to vector<1x16xf32>
        tpu.vector_store %arg21[%swap3A_722, %swap3A_723], %swap3A_726 {strides = array<i32>} : memref<40x128xf32, #tpu.memory_space<vmem>>, vector<1x16xf32>,
        %get3A_727 = arith.index_cast %scan3A_657 : i32 to index
        %get3A_728 = arith.constant 64 : index
        %get3A_729 = tpu.vector_load %arg17[%get3A_727, %get3A_728] {strides = array<i32>} : memref<40x128xf32, #tpu.memory_space<vmem>>, vector<1x16xf32>,
        %get3A_730 = vector.shape_cast %get3A_729 : vector<1x16xf32> to vector<16xf32>
        %get3A_731 = arith.index_cast %scan3A_657 : i32 to index
        %get3A_732 = arith.constant 64 : index
        %get3A_733 = tpu.vector_load %arg21[%get3A_731, %get3A_732] {strides = array<i32>} : memref<40x128xf32, #tpu.memory_space<vmem>>, vector<1x16xf32>,
        %get3A_734 = vector.shape_cast %get3A_733 : vector<1x16xf32> to vector<16xf32>
        %add3A_735 = arith.addf %get3A_730, %get3A_734 : vector<16xf32>
        %mul3A_736 = arith.constant 0.00999999977 : f32
        %mul3A_737 = vector.broadcast %mul3A_736 : f32 to vector<16xf32>
        %mul3A_738 = arith.mulf %mul3A_737, %add3A_735 : vector<16xf32>
        %max3A_739 = arith.maximumf %add3A_735, %mul3A_738 : vector<16xf32>
        %swap3A_740 = arith.index_cast %scan3A_657 : i32 to index
        %swap3A_741 = arith.constant 64 : index
        %swap3A_742 = tpu.vector_load %arg21[%swap3A_740, %swap3A_741] {strides = array<i32>} : memref<40x128xf32, #tpu.memory_space<vmem>>, vector<1x16xf32>,
        %swap3A_743 = vector.shape_cast %swap3A_742 : vector<1x16xf32> to vector<16xf32>
        %swap3A_744 = vector.shape_cast %max3A_739 : vector<16xf32> to vector<1x16xf32>
        tpu.vector_store %arg21[%swap3A_740, %swap3A_741], %swap3A_744 {strides = array<i32>} : memref<40x128xf32, #tpu.memory_space<vmem>>, vector<1x16xf32>,
        %get3A_745 = arith.index_cast %scan3A_657 : i32 to index
        %get3A_746 = arith.constant 80 : index
        %get3A_747 = tpu.vector_load %arg17[%get3A_745, %get3A_746] {strides = array<i32>} : memref<40x128xf32, #tpu.memory_space<vmem>>, vector<1x16xf32>,
        %get3A_748 = vector.shape_cast %get3A_747 : vector<1x16xf32> to vector<16xf32>
        %get3A_749 = arith.index_cast %scan3A_657 : i32 to index
        %get3A_750 = arith.constant 80 : index
        %get3A_751 = tpu.vector_load %arg21[%get3A_749, %get3A_750] {strides = array<i32>} : memref<40x128xf32, #tpu.memory_space<vmem>>, vector<1x16xf32>,
        %get3A_752 = vector.shape_cast %get3A_751 : vector<1x16xf32> to vector<16xf32>
        %add3A_753 = arith.addf %get3A_748, %get3A_752 : vector<16xf32>
        %mul3A_754 = arith.constant 0.00999999977 : f32
        %mul3A_755 = vector.broadcast %mul3A_754 : f32 to vector<16xf32>
        %mul3A_756 = arith.mulf %mul3A_755, %add3A_753 : vector<16xf32>
        %max3A_757 = arith.maximumf %add3A_753, %mul3A_756 : vector<16xf32>
        %swap3A_758 = arith.index_cast %scan3A_657 : i32 to index
        %swap3A_759 = arith.constant 80 : index
        %swap3A_760 = tpu.vector_load %arg21[%swap3A_758, %swap3A_759] {strides = array<i32>} : memref<40x128xf32, #tpu.memory_space<vmem>>, vector<1x16xf32>,
        %swap3A_761 = vector.shape_cast %swap3A_760 : vector<1x16xf32> to vector<16xf32>
        %swap3A_762 = vector.shape_cast %max3A_757 : vector<16xf32> to vector<1x16xf32>
        tpu.vector_store %arg21[%swap3A_758, %swap3A_759], %swap3A_762 {strides = array<i32>} : memref<40x128xf32, #tpu.memory_space<vmem>>, vector<1x16xf32>,
        %get3A_763 = arith.index_cast %scan3A_657 : i32 to index
        %get3A_764 = arith.constant 96 : index
        %get3A_765 = tpu.vector_load %arg17[%get3A_763, %get3A_764] {strides = array<i32>} : memref<40x128xf32, #tpu.memory_space<vmem>>, vector<1x16xf32>,
        %get3A_766 = vector.shape_cast %get3A_765 : vector<1x16xf32> to vector<16xf32>
        %get3A_767 = arith.index_cast %scan3A_657 : i32 to index
        %get3A_768 = arith.constant 96 : index
        %get3A_769 = tpu.vector_load %arg21[%get3A_767, %get3A_768] {strides = array<i32>} : memref<40x128xf32, #tpu.memory_space<vmem>>, vector<1x16xf32>,
        %get3A_770 = vector.shape_cast %get3A_769 : vector<1x16xf32> to vector<16xf32>
        %add3A_771 = arith.addf %get3A_766, %get3A_770 : vector<16xf32>
        %mul3A_772 = arith.constant 0.00999999977 : f32
        %mul3A_773 = vector.broadcast %mul3A_772 : f32 to vector<16xf32>
        %mul3A_774 = arith.mulf %mul3A_773, %add3A_771 : vector<16xf32>
        %max3A_775 = arith.maximumf %add3A_771, %mul3A_774 : vector<16xf32>
        %swap3A_776 = arith.index_cast %scan3A_657 : i32 to index
        %swap3A_777 = arith.constant 96 : index
        %swap3A_778 = tpu.vector_load %arg21[%swap3A_776, %swap3A_777] {strides = array<i32>} : memref<40x128xf32, #tpu.memory_space<vmem>>, vector<1x16xf32>,
        %swap3A_779 = vector.shape_cast %swap3A_778 : vector<1x16xf32> to vector<16xf32>
        %swap3A_780 = vector.shape_cast %max3A_775 : vector<16xf32> to vector<1x16xf32>
        tpu.vector_store %arg21[%swap3A_776, %swap3A_777], %swap3A_780 {strides = array<i32>} : memref<40x128xf32, #tpu.memory_space<vmem>>, vector<1x16xf32>,
        %get3A_781 = arith.index_cast %scan3A_657 : i32 to index
        %get3A_782 = arith.constant 112 : index
        %get3A_783 = tpu.vector_load %arg17[%get3A_781, %get3A_782] {strides = array<i32>} : memref<40x128xf32, #tpu.memory_space<vmem>>, vector<1x16xf32>,
        %get3A_784 = vector.shape_cast %get3A_783 : vector<1x16xf32> to vector<16xf32>
        %get3A_785 = arith.index_cast %scan3A_657 : i32 to index
        %get3A_786 = arith.constant 112 : index
        %get3A_787 = tpu.vector_load %arg21[%get3A_785, %get3A_786] {strides = array<i32>} : memref<40x128xf32, #tpu.memory_space<vmem>>, vector<1x16xf32>,
        %get3A_788 = vector.shape_cast %get3A_787 : vector<1x16xf32> to vector<16xf32>
        %add3A_789 = arith.addf %get3A_784, %get3A_788 : vector<16xf32>
        %mul3A_790 = arith.constant 0.00999999977 : f32
        %mul3A_791 = vector.broadcast %mul3A_790 : f32 to vector<16xf32>
        %mul3A_792 = arith.mulf %mul3A_791, %add3A_789 : vector<16xf32>
        %max3A_793 = arith.maximumf %add3A_789, %mul3A_792 : vector<16xf32>
        %swap3A_794 = arith.index_cast %scan3A_657 : i32 to index
        %swap3A_795 = arith.constant 112 : index
        %swap3A_796 = tpu.vector_load %arg21[%swap3A_794, %swap3A_795] {strides = array<i32>} : memref<40x128xf32, #tpu.memory_space<vmem>>, vector<1x16xf32>,
        %swap3A_797 = vector.shape_cast %swap3A_796 : vector<1x16xf32> to vector<16xf32>
        %swap3A_798 = vector.shape_cast %max3A_793 : vector<16xf32> to vector<1x16xf32>
        tpu.vector_store %arg21[%swap3A_794, %swap3A_795], %swap3A_798 {strides = array<i32>} : memref<40x128xf32, #tpu.memory_space<vmem>>, vector<1x16xf32>,
      }
      %scan3A_429 = arith.constant 40 : i32
      %dma_start3A_430 = arith.constant 1 : i32
      %dma_start3A_431 = arith.constant 0 : i32
      %dma_start3A_432 = tpu.memref_slice %arg9[%dma_start3A_430, %dma_start3A_431] : memref<2x40xi32, #tpu.memory_space<vmem>> -> memref<1x40xi32, #tpu.memory_space<vmem>>
      %dma_start3A_433 = tpu.memref_squeeze %dma_start3A_432 : memref<1x40xi32, #tpu.memory_space<vmem>> -> memref<40xi32, #tpu.memory_space<vmem>>
      %dma_start3A_434 = arith.constant 0 : i32
      %dma_start3A_435 = arith.constant 0 : i32
      %dma_start3A_436 = tpu.memref_slice %arg43[%dma_start3A_434, %dma_start3A_435] : memref<10000x128xf32, #tpu.memory_space<vmem_shared>> -> memref<10000x128xf32, #tpu.memory_space<vmem_shared>>
      tpu.enqueue_indirect_dma source(%arg21 : memref<40x128xf32, #tpu.memory_space<vmem>>) target(%dma_start3A_436 : memref<10000x128xf32, #tpu.memory_space<vmem_shared>>) offsets(%dma_start3A_433 : memref<40xi32, #tpu.memory_space<vmem>>) semaphore(%arg41 : memref<!tpu.dma_semaphore, #tpu.memory_space<semaphore_mem>>) {add = true}
      %mul3A_437 = arith.constant 8 : i32
      %mul3A_438 = arith.muli %scan3A_304, %mul3A_437 : i32
      %add3A_439 = arith.constant 3 : i32
      %add3A_440 = arith.addi %mul3A_438, %add3A_439 : i32
      %add3A_441 = arith.constant 2 : i32
      %add3A_442 = arith.addi %add3A_440, %add3A_441 : i32
      %add3A_443 = arith.constant 3 : i32
      %add3A_444 = arith.addi %add3A_440, %add3A_443 : i32
      %lt3A_445 = arith.constant 250 : i32
      %lt3A_446 = arith.cmpi slt, %add3A_444, %lt3A_445 : i32
      %convert_element_type3A_447 = arith.extui %lt3A_446 : i1 to i32
      %cond3A_448 = arith.constant 0 : i32
      %cond3A_449 = arith.cmpi ne, %convert_element_type3A_447, %cond3A_448 : i32
      scf.if %cond3A_449 {
        %mul3A_657 = arith.constant 40 : i32
        %mul3A_658 = arith.muli %add3A_444, %mul3A_657 : i32
        %add3A_659 = arith.addi %add3A_4, %mul3A_658 : i32
        %dma_start3A_660 = arith.constant 0 : i32
        %dma_start3A_661 = arith.constant 0 : i32
        %dma_start3A_662 = tpu.memref_slice %arg13[%dma_start3A_660, %dma_start3A_661] : memref<2x40xi32, #tpu.memory_space<vmem>> -> memref<1x40xi32, #tpu.memory_space<vmem>>
        %dma_start3A_663 = tpu.memref_squeeze %dma_start3A_662 : memref<1x40xi32, #tpu.memory_space<vmem>> -> memref<40xi32, #tpu.memory_space<vmem>>
        %dma_start3A_664 = tpu.memref_slice %arg4[%add3A_659] : memref<320000xi32, #tpu.memory_space<hbm>> -> memref<40xi32, #tpu.memory_space<hbm>>
        %dma_start3A_665 = arith.constant 0 : i32
        %dma_start3A_666 = tpu.memref_slice %arg13[%dma_start3A_660, %dma_start3A_665] : memref<2x40xi32, #tpu.memory_space<vmem>> -> memref<1x40xi32, #tpu.memory_space<vmem>>
        %dma_start3A_667 = tpu.memref_squeeze %dma_start3A_666 : memref<1x40xi32, #tpu.memory_space<vmem>> -> memref<40xi32, #tpu.memory_space<vmem>>
        %dma_start3A_668 = tpu.memref_slice %arg4[%add3A_659] : memref<320000xi32, #tpu.memory_space<hbm>> -> memref<40xi32, #tpu.memory_space<hbm>>
        tpu.enqueue_dma source(%dma_start3A_668 : memref<40xi32, #tpu.memory_space<hbm>>) target(%dma_start3A_667 : memref<40xi32, #tpu.memory_space<vmem>>) target_semaphore(%arg29 : memref<!tpu.dma_semaphore, #tpu.memory_space<semaphore_mem>>)
        %mul3A_669 = arith.constant 40 : i32
        %mul3A_670 = arith.muli %add3A_444, %mul3A_669 : i32
        %add3A_671 = arith.addi %add3A_4, %mul3A_670 : i32
        %dma_start3A_672 = arith.constant 1 : i32
        %dma_start3A_673 = arith.constant 0 : i32
        %dma_start3A_674 = tpu.memref_slice %arg13[%dma_start3A_672, %dma_start3A_673] : memref<2x40xi32, #tpu.memory_space<vmem>> -> memref<1x40xi32, #tpu.memory_space<vmem>>
        %dma_start3A_675 = tpu.memref_squeeze %dma_start3A_674 : memref<1x40xi32, #tpu.memory_space<vmem>> -> memref<40xi32, #tpu.memory_space<vmem>>
        %dma_start3A_676 = tpu.memref_slice %arg5[%add3A_671] : memref<320000xi32, #tpu.memory_space<hbm>> -> memref<40xi32, #tpu.memory_space<hbm>>
        %dma_start3A_677 = arith.constant 0 : i32
        %dma_start3A_678 = tpu.memref_slice %arg13[%dma_start3A_672, %dma_start3A_677] : memref<2x40xi32, #tpu.memory_space<vmem>> -> memref<1x40xi32, #tpu.memory_space<vmem>>
        %dma_start3A_679 = tpu.memref_squeeze %dma_start3A_678 : memref<1x40xi32, #tpu.memory_space<vmem>> -> memref<40xi32, #tpu.memory_space<vmem>>
        %dma_start3A_680 = tpu.memref_slice %arg5[%add3A_671] : memref<320000xi32, #tpu.memory_space<hbm>> -> memref<40xi32, #tpu.memory_space<hbm>>
        tpu.enqueue_dma source(%dma_start3A_680 : memref<40xi32, #tpu.memory_space<hbm>>) target(%dma_start3A_679 : memref<40xi32, #tpu.memory_space<vmem>>) target_semaphore(%arg29 : memref<!tpu.dma_semaphore, #tpu.memory_space<semaphore_mem>>)
      } else {
      }
      %lt3A_450 = arith.constant 250 : i32
      %lt3A_451 = arith.cmpi slt, %add3A_442, %lt3A_450 : i32
      %convert_element_type3A_452 = arith.extui %lt3A_451 : i1 to i32
      %cond3A_453 = arith.constant 0 : i32
      %cond3A_454 = arith.cmpi ne, %convert_element_type3A_452, %cond3A_453 : i32
      scf.if %cond3A_454 {
        %ge3A = arith.constant 2 : i32
        %ge3A_657 = arith.cmpi sge, %add3A_440, %ge3A : i32
        %convert_element_type3A_658 = arith.extui %ge3A_657 : i1 to i32
        %cond3A_659 = arith.constant 0 : i32
        %cond3A_660 = arith.cmpi ne, %convert_element_type3A_658, %cond3A_659 : i32
        scf.if %cond3A_660 {
          %dma_wait3A_697 = arith.constant 1 : i32
          %dma_wait3A_698 = arith.constant 0 : i32
          %dma_wait3A_699 = tpu.memref_slice %arg7[%dma_wait3A_697, %dma_wait3A_698] : memref<2x40xi32, #tpu.memory_space<vmem>> -> memref<1x40xi32, #tpu.memory_space<vmem>>
          %dma_wait3A_700 = tpu.memref_squeeze %dma_wait3A_699 : memref<1x40xi32, #tpu.memory_space<vmem>> -> memref<40xi32, #tpu.memory_space<vmem>>
          %dma_wait3A_701 = arith.constant 0 : i32
          %dma_wait3A_702 = arith.constant 0 : i32
          %dma_wait3A_703 = tpu.memref_slice %arg43[%dma_wait3A_701, %dma_wait3A_702] : memref<10000x128xf32, #tpu.memory_space<vmem_shared>> -> memref<10000x128xf32, #tpu.memory_space<vmem_shared>>
          tpu.wait_indirect_dma semaphore(%arg40 : memref<!tpu.dma_semaphore, #tpu.memory_space<semaphore_mem>>) src(%arg20 : memref<40x128xf32, #tpu.memory_space<vmem>>) dst(%dma_wait3A_703 : memref<10000x128xf32, #tpu.memory_space<vmem_shared>>)
        } else {
        }
        %dma_wait3A_661 = arith.constant 0 : i32
        %dma_wait3A_662 = arith.constant 0 : i32
        %dma_wait3A_663 = tpu.memref_slice %arg12[%dma_wait3A_661, %dma_wait3A_662] : memref<2x40xi32, #tpu.memory_space<vmem>> -> memref<1x40xi32, #tpu.memory_space<vmem>>
        %dma_wait3A_664 = tpu.memref_squeeze %dma_wait3A_663 : memref<1x40xi32, #tpu.memory_space<vmem>> -> memref<40xi32, #tpu.memory_space<vmem>>
        %dma_wait3A_665 = arith.constant 0 : i32
        %dma_wait3A_666 = tpu.memref_slice %arg4[%dma_wait3A_665] : memref<320000xi32, #tpu.memory_space<hbm>> -> memref<40xi32, #tpu.memory_space<hbm>>
        %dma_wait3A_667 = arith.constant 0 : i32
        %dma_wait3A_668 = tpu.memref_slice %arg12[%dma_wait3A_661, %dma_wait3A_667] : memref<2x40xi32, #tpu.memory_space<vmem>> -> memref<1x40xi32, #tpu.memory_space<vmem>>
        %dma_wait3A_669 = tpu.memref_squeeze %dma_wait3A_668 : memref<1x40xi32, #tpu.memory_space<vmem>> -> memref<40xi32, #tpu.memory_space<vmem>>
        %dma_wait3A_670 = arith.constant 0 : i32
        %dma_wait3A_671 = tpu.memref_slice %arg4[%dma_wait3A_670] : memref<320000xi32, #tpu.memory_space<hbm>> -> memref<40xi32, #tpu.memory_space<hbm>>
        tpu.wait_dma2 semaphore(%arg28 : memref<!tpu.dma_semaphore, #tpu.memory_space<semaphore_mem>>) src(%dma_wait3A_671 : memref<40xi32, #tpu.memory_space<hbm>>) dst(%dma_wait3A_669 : memref<40xi32, #tpu.memory_space<vmem>>)
        %dma_wait3A_672 = arith.constant 1 : i32
        %dma_wait3A_673 = arith.constant 0 : i32
        %dma_wait3A_674 = tpu.memref_slice %arg12[%dma_wait3A_672, %dma_wait3A_673] : memref<2x40xi32, #tpu.memory_space<vmem>> -> memref<1x40xi32, #tpu.memory_space<vmem>>
        %dma_wait3A_675 = tpu.memref_squeeze %dma_wait3A_674 : memref<1x40xi32, #tpu.memory_space<vmem>> -> memref<40xi32, #tpu.memory_space<vmem>>
        %dma_wait3A_676 = arith.constant 0 : i32
        %dma_wait3A_677 = tpu.memref_slice %arg4[%dma_wait3A_676] : memref<320000xi32, #tpu.memory_space<hbm>> -> memref<40xi32, #tpu.memory_space<hbm>>
        %dma_wait3A_678 = arith.constant 0 : i32
        %dma_wait3A_679 = tpu.memref_slice %arg12[%dma_wait3A_672, %dma_wait3A_678] : memref<2x40xi32, #tpu.memory_space<vmem>> -> memref<1x40xi32, #tpu.memory_space<vmem>>
        %dma_wait3A_680 = tpu.memref_squeeze %dma_wait3A_679 : memref<1x40xi32, #tpu.memory_space<vmem>> -> memref<40xi32, #tpu.memory_space<vmem>>
        %dma_wait3A_681 = arith.constant 0 : i32
        %dma_wait3A_682 = tpu.memref_slice %arg4[%dma_wait3A_681] : memref<320000xi32, #tpu.memory_space<hbm>> -> memref<40xi32, #tpu.memory_space<hbm>>
        tpu.wait_dma2 semaphore(%arg28 : memref<!tpu.dma_semaphore, #tpu.memory_space<semaphore_mem>>) src(%dma_wait3A_682 : memref<40xi32, #tpu.memory_space<hbm>>) dst(%dma_wait3A_680 : memref<40xi32, #tpu.memory_space<vmem>>)
        %dma_start3A_683 = arith.constant 0 : i32
        %dma_start3A_684 = arith.constant 0 : i32
        %dma_start3A_685 = tpu.memref_slice %arg12[%dma_start3A_683, %dma_start3A_684] : memref<2x40xi32, #tpu.memory_space<vmem>> -> memref<1x40xi32, #tpu.memory_space<vmem>>
        %dma_start3A_686 = tpu.memref_squeeze %dma_start3A_685 : memref<1x40xi32, #tpu.memory_space<vmem>> -> memref<40xi32, #tpu.memory_space<vmem>>
        %dma_start3A_687 = arith.constant 0 : i32
        %dma_start3A_688 = arith.constant 0 : i32
        %dma_start3A_689 = tpu.memref_slice %arg2[%dma_start3A_687, %dma_start3A_688] : memref<10000x128xf32, #tpu.memory_space<hbm>> -> memref<10000x128xf32, #tpu.memory_space<hbm>>
        tpu.enqueue_indirect_dma source(%dma_start3A_689 : memref<10000x128xf32, #tpu.memory_space<hbm>>) target(%arg16 : memref<40x128xf32, #tpu.memory_space<vmem>>) offsets(%dma_start3A_686 : memref<40xi32, #tpu.memory_space<vmem>>) semaphore(%arg32 : memref<!tpu.dma_semaphore, #tpu.memory_space<semaphore_mem>>)
        %mul3A_690 = arith.constant 40 : i32
        %mul3A_691 = arith.muli %add3A_442, %mul3A_690 : i32
        %add3A_692 = arith.addi %mul3A_2, %mul3A_691 : i32
        %dma_start3A_693 = arith.constant 0 : i32
        %dma_start3A_694 = tpu.memref_slice %arg3[%add3A_692, %dma_start3A_693] : memref<320000x128xf32, #tpu.memory_space<hbm>> -> memref<40x128xf32, #tpu.memory_space<hbm>>
        %dma_start3A_695 = arith.constant 0 : i32
        %dma_start3A_696 = tpu.memref_slice %arg3[%add3A_692, %dma_start3A_695] : memref<320000x128xf32, #tpu.memory_space<hbm>> -> memref<40x128xf32, #tpu.memory_space<hbm>>
        tpu.enqueue_dma source(%dma_start3A_696 : memref<40x128xf32, #tpu.memory_space<hbm>>) target(%arg20 : memref<40x128xf32, #tpu.memory_space<vmem>>) target_semaphore(%arg36 : memref<!tpu.dma_semaphore, #tpu.memory_space<semaphore_mem>>)
      } else {
      }
      %dma_wait3A_455 = arith.constant 0 : i32
      %dma_wait3A_456 = arith.constant 0 : i32
      %dma_wait3A_457 = tpu.memref_slice %arg10[%dma_wait3A_455, %dma_wait3A_456] : memref<2x40xi32, #tpu.memory_space<vmem>> -> memref<1x40xi32, #tpu.memory_space<vmem>>
      %dma_wait3A_458 = tpu.memref_squeeze %dma_wait3A_457 : memref<1x40xi32, #tpu.memory_space<vmem>> -> memref<40xi32, #tpu.memory_space<vmem>>
      %dma_wait3A_459 = arith.constant 0 : i32
      %dma_wait3A_460 = arith.constant 0 : i32
      %dma_wait3A_461 = tpu.memref_slice %arg2[%dma_wait3A_459, %dma_wait3A_460] : memref<10000x128xf32, #tpu.memory_space<hbm>> -> memref<10000x128xf32, #tpu.memory_space<hbm>>
      tpu.wait_indirect_dma semaphore(%arg34 : memref<!tpu.dma_semaphore, #tpu.memory_space<semaphore_mem>>) src(%dma_wait3A_461 : memref<10000x128xf32, #tpu.memory_space<hbm>>) dst(%arg18 : memref<40x128xf32, #tpu.memory_space<vmem>>)
      %dma_wait3A_462 = arith.constant 0 : i32
      %dma_wait3A_463 = arith.constant 0 : i32
      %dma_wait3A_464 = tpu.memref_slice %arg3[%dma_wait3A_462, %dma_wait3A_463] : memref<320000x128xf32, #tpu.memory_space<hbm>> -> memref<40x128xf32, #tpu.memory_space<hbm>>
      %dma_wait3A_465 = arith.constant 0 : i32
      %dma_wait3A_466 = arith.constant 0 : i32
      %dma_wait3A_467 = tpu.memref_slice %arg3[%dma_wait3A_465, %dma_wait3A_466] : memref<320000x128xf32, #tpu.memory_space<hbm>> -> memref<40x128xf32, #tpu.memory_space<hbm>>
      tpu.wait_dma2 semaphore(%arg38 : memref<!tpu.dma_semaphore, #tpu.memory_space<semaphore_mem>>) src(%dma_wait3A_467 : memref<40x128xf32, #tpu.memory_space<hbm>>) dst(%arg22 : memref<40x128xf32, #tpu.memory_space<vmem>>)
      %scan3A_468 = arith.constant 0 : i32
      %scan3A_469 = arith.constant 0 : i32
      %scan3A_470 = arith.constant 40 : i32
      %scan3A_471 = arith.addi %scan3A_469, %scan3A_470 : i32
      %scan3A_472 = arith.constant 1 : i32
      scf.for %scan3A_657 = %scan3A_469 to %scan3A_471 step %scan3A_472  : i32 {
        %get3A = arith.index_cast %scan3A_657 : i32 to index
        %get3A_658 = arith.constant 0 : index
        %get3A_659 = tpu.vector_load %arg18[%get3A, %get3A_658] {strides = array<i32>} : memref<40x128xf32, #tpu.memory_space<vmem>>, vector<1x16xf32>,
        %get3A_660 = vector.shape_cast %get3A_659 : vector<1x16xf32> to vector<16xf32>
        %get3A_661 = arith.index_cast %scan3A_657 : i32 to index
        %get3A_662 = arith.constant 0 : index
        %get3A_663 = tpu.vector_load %arg22[%get3A_661, %get3A_662] {strides = array<i32>} : memref<40x128xf32, #tpu.memory_space<vmem>>, vector<1x16xf32>,
        %get3A_664 = vector.shape_cast %get3A_663 : vector<1x16xf32> to vector<16xf32>
        %add3A_665 = arith.addf %get3A_660, %get3A_664 : vector<16xf32>
        %mul3A_666 = arith.constant 0.00999999977 : f32
        %mul3A_667 = vector.broadcast %mul3A_666 : f32 to vector<16xf32>
        %mul3A_668 = arith.mulf %mul3A_667, %add3A_665 : vector<16xf32>
        %max3A = arith.maximumf %add3A_665, %mul3A_668 : vector<16xf32>
        %swap3A = arith.index_cast %scan3A_657 : i32 to index
        %swap3A_669 = arith.constant 0 : index
        %swap3A_670 = tpu.vector_load %arg22[%swap3A, %swap3A_669] {strides = array<i32>} : memref<40x128xf32, #tpu.memory_space<vmem>>, vector<1x16xf32>,
        %swap3A_671 = vector.shape_cast %swap3A_670 : vector<1x16xf32> to vector<16xf32>
        %swap3A_672 = vector.shape_cast %max3A : vector<16xf32> to vector<1x16xf32>
        tpu.vector_store %arg22[%swap3A, %swap3A_669], %swap3A_672 {strides = array<i32>} : memref<40x128xf32, #tpu.memory_space<vmem>>, vector<1x16xf32>,
        %get3A_673 = arith.index_cast %scan3A_657 : i32 to index
        %get3A_674 = arith.constant 16 : index
        %get3A_675 = tpu.vector_load %arg18[%get3A_673, %get3A_674] {strides = array<i32>} : memref<40x128xf32, #tpu.memory_space<vmem>>, vector<1x16xf32>,
        %get3A_676 = vector.shape_cast %get3A_675 : vector<1x16xf32> to vector<16xf32>
        %get3A_677 = arith.index_cast %scan3A_657 : i32 to index
        %get3A_678 = arith.constant 16 : index
        %get3A_679 = tpu.vector_load %arg22[%get3A_677, %get3A_678] {strides = array<i32>} : memref<40x128xf32, #tpu.memory_space<vmem>>, vector<1x16xf32>,
        %get3A_680 = vector.shape_cast %get3A_679 : vector<1x16xf32> to vector<16xf32>
        %add3A_681 = arith.addf %get3A_676, %get3A_680 : vector<16xf32>
        %mul3A_682 = arith.constant 0.00999999977 : f32
        %mul3A_683 = vector.broadcast %mul3A_682 : f32 to vector<16xf32>
        %mul3A_684 = arith.mulf %mul3A_683, %add3A_681 : vector<16xf32>
        %max3A_685 = arith.maximumf %add3A_681, %mul3A_684 : vector<16xf32>
        %swap3A_686 = arith.index_cast %scan3A_657 : i32 to index
        %swap3A_687 = arith.constant 16 : index
        %swap3A_688 = tpu.vector_load %arg22[%swap3A_686, %swap3A_687] {strides = array<i32>} : memref<40x128xf32, #tpu.memory_space<vmem>>, vector<1x16xf32>,
        %swap3A_689 = vector.shape_cast %swap3A_688 : vector<1x16xf32> to vector<16xf32>
        %swap3A_690 = vector.shape_cast %max3A_685 : vector<16xf32> to vector<1x16xf32>
        tpu.vector_store %arg22[%swap3A_686, %swap3A_687], %swap3A_690 {strides = array<i32>} : memref<40x128xf32, #tpu.memory_space<vmem>>, vector<1x16xf32>,
        %get3A_691 = arith.index_cast %scan3A_657 : i32 to index
        %get3A_692 = arith.constant 32 : index
        %get3A_693 = tpu.vector_load %arg18[%get3A_691, %get3A_692] {strides = array<i32>} : memref<40x128xf32, #tpu.memory_space<vmem>>, vector<1x16xf32>,
        %get3A_694 = vector.shape_cast %get3A_693 : vector<1x16xf32> to vector<16xf32>
        %get3A_695 = arith.index_cast %scan3A_657 : i32 to index
        %get3A_696 = arith.constant 32 : index
        %get3A_697 = tpu.vector_load %arg22[%get3A_695, %get3A_696] {strides = array<i32>} : memref<40x128xf32, #tpu.memory_space<vmem>>, vector<1x16xf32>,
        %get3A_698 = vector.shape_cast %get3A_697 : vector<1x16xf32> to vector<16xf32>
        %add3A_699 = arith.addf %get3A_694, %get3A_698 : vector<16xf32>
        %mul3A_700 = arith.constant 0.00999999977 : f32
        %mul3A_701 = vector.broadcast %mul3A_700 : f32 to vector<16xf32>
        %mul3A_702 = arith.mulf %mul3A_701, %add3A_699 : vector<16xf32>
        %max3A_703 = arith.maximumf %add3A_699, %mul3A_702 : vector<16xf32>
        %swap3A_704 = arith.index_cast %scan3A_657 : i32 to index
        %swap3A_705 = arith.constant 32 : index
        %swap3A_706 = tpu.vector_load %arg22[%swap3A_704, %swap3A_705] {strides = array<i32>} : memref<40x128xf32, #tpu.memory_space<vmem>>, vector<1x16xf32>,
        %swap3A_707 = vector.shape_cast %swap3A_706 : vector<1x16xf32> to vector<16xf32>
        %swap3A_708 = vector.shape_cast %max3A_703 : vector<16xf32> to vector<1x16xf32>
        tpu.vector_store %arg22[%swap3A_704, %swap3A_705], %swap3A_708 {strides = array<i32>} : memref<40x128xf32, #tpu.memory_space<vmem>>, vector<1x16xf32>,
        %get3A_709 = arith.index_cast %scan3A_657 : i32 to index
        %get3A_710 = arith.constant 48 : index
        %get3A_711 = tpu.vector_load %arg18[%get3A_709, %get3A_710] {strides = array<i32>} : memref<40x128xf32, #tpu.memory_space<vmem>>, vector<1x16xf32>,
        %get3A_712 = vector.shape_cast %get3A_711 : vector<1x16xf32> to vector<16xf32>
        %get3A_713 = arith.index_cast %scan3A_657 : i32 to index
        %get3A_714 = arith.constant 48 : index
        %get3A_715 = tpu.vector_load %arg22[%get3A_713, %get3A_714] {strides = array<i32>} : memref<40x128xf32, #tpu.memory_space<vmem>>, vector<1x16xf32>,
        %get3A_716 = vector.shape_cast %get3A_715 : vector<1x16xf32> to vector<16xf32>
        %add3A_717 = arith.addf %get3A_712, %get3A_716 : vector<16xf32>
        %mul3A_718 = arith.constant 0.00999999977 : f32
        %mul3A_719 = vector.broadcast %mul3A_718 : f32 to vector<16xf32>
        %mul3A_720 = arith.mulf %mul3A_719, %add3A_717 : vector<16xf32>
        %max3A_721 = arith.maximumf %add3A_717, %mul3A_720 : vector<16xf32>
        %swap3A_722 = arith.index_cast %scan3A_657 : i32 to index
        %swap3A_723 = arith.constant 48 : index
        %swap3A_724 = tpu.vector_load %arg22[%swap3A_722, %swap3A_723] {strides = array<i32>} : memref<40x128xf32, #tpu.memory_space<vmem>>, vector<1x16xf32>,
        %swap3A_725 = vector.shape_cast %swap3A_724 : vector<1x16xf32> to vector<16xf32>
        %swap3A_726 = vector.shape_cast %max3A_721 : vector<16xf32> to vector<1x16xf32>
        tpu.vector_store %arg22[%swap3A_722, %swap3A_723], %swap3A_726 {strides = array<i32>} : memref<40x128xf32, #tpu.memory_space<vmem>>, vector<1x16xf32>,
        %get3A_727 = arith.index_cast %scan3A_657 : i32 to index
        %get3A_728 = arith.constant 64 : index
        %get3A_729 = tpu.vector_load %arg18[%get3A_727, %get3A_728] {strides = array<i32>} : memref<40x128xf32, #tpu.memory_space<vmem>>, vector<1x16xf32>,
        %get3A_730 = vector.shape_cast %get3A_729 : vector<1x16xf32> to vector<16xf32>
        %get3A_731 = arith.index_cast %scan3A_657 : i32 to index
        %get3A_732 = arith.constant 64 : index
        %get3A_733 = tpu.vector_load %arg22[%get3A_731, %get3A_732] {strides = array<i32>} : memref<40x128xf32, #tpu.memory_space<vmem>>, vector<1x16xf32>,
        %get3A_734 = vector.shape_cast %get3A_733 : vector<1x16xf32> to vector<16xf32>
        %add3A_735 = arith.addf %get3A_730, %get3A_734 : vector<16xf32>
        %mul3A_736 = arith.constant 0.00999999977 : f32
        %mul3A_737 = vector.broadcast %mul3A_736 : f32 to vector<16xf32>
        %mul3A_738 = arith.mulf %mul3A_737, %add3A_735 : vector<16xf32>
        %max3A_739 = arith.maximumf %add3A_735, %mul3A_738 : vector<16xf32>
        %swap3A_740 = arith.index_cast %scan3A_657 : i32 to index
        %swap3A_741 = arith.constant 64 : index
        %swap3A_742 = tpu.vector_load %arg22[%swap3A_740, %swap3A_741] {strides = array<i32>} : memref<40x128xf32, #tpu.memory_space<vmem>>, vector<1x16xf32>,
        %swap3A_743 = vector.shape_cast %swap3A_742 : vector<1x16xf32> to vector<16xf32>
        %swap3A_744 = vector.shape_cast %max3A_739 : vector<16xf32> to vector<1x16xf32>
        tpu.vector_store %arg22[%swap3A_740, %swap3A_741], %swap3A_744 {strides = array<i32>} : memref<40x128xf32, #tpu.memory_space<vmem>>, vector<1x16xf32>,
        %get3A_745 = arith.index_cast %scan3A_657 : i32 to index
        %get3A_746 = arith.constant 80 : index
        %get3A_747 = tpu.vector_load %arg18[%get3A_745, %get3A_746] {strides = array<i32>} : memref<40x128xf32, #tpu.memory_space<vmem>>, vector<1x16xf32>,
        %get3A_748 = vector.shape_cast %get3A_747 : vector<1x16xf32> to vector<16xf32>
        %get3A_749 = arith.index_cast %scan3A_657 : i32 to index
        %get3A_750 = arith.constant 80 : index
        %get3A_751 = tpu.vector_load %arg22[%get3A_749, %get3A_750] {strides = array<i32>} : memref<40x128xf32, #tpu.memory_space<vmem>>, vector<1x16xf32>,
        %get3A_752 = vector.shape_cast %get3A_751 : vector<1x16xf32> to vector<16xf32>
        %add3A_753 = arith.addf %get3A_748, %get3A_752 : vector<16xf32>
        %mul3A_754 = arith.constant 0.00999999977 : f32
        %mul3A_755 = vector.broadcast %mul3A_754 : f32 to vector<16xf32>
        %mul3A_756 = arith.mulf %mul3A_755, %add3A_753 : vector<16xf32>
        %max3A_757 = arith.maximumf %add3A_753, %mul3A_756 : vector<16xf32>
        %swap3A_758 = arith.index_cast %scan3A_657 : i32 to index
        %swap3A_759 = arith.constant 80 : index
        %swap3A_760 = tpu.vector_load %arg22[%swap3A_758, %swap3A_759] {strides = array<i32>} : memref<40x128xf32, #tpu.memory_space<vmem>>, vector<1x16xf32>,
        %swap3A_761 = vector.shape_cast %swap3A_760 : vector<1x16xf32> to vector<16xf32>
        %swap3A_762 = vector.shape_cast %max3A_757 : vector<16xf32> to vector<1x16xf32>
        tpu.vector_store %arg22[%swap3A_758, %swap3A_759], %swap3A_762 {strides = array<i32>} : memref<40x128xf32, #tpu.memory_space<vmem>>, vector<1x16xf32>,
        %get3A_763 = arith.index_cast %scan3A_657 : i32 to index
        %get3A_764 = arith.constant 96 : index
        %get3A_765 = tpu.vector_load %arg18[%get3A_763, %get3A_764] {strides = array<i32>} : memref<40x128xf32, #tpu.memory_space<vmem>>, vector<1x16xf32>,
        %get3A_766 = vector.shape_cast %get3A_765 : vector<1x16xf32> to vector<16xf32>
        %get3A_767 = arith.index_cast %scan3A_657 : i32 to index
        %get3A_768 = arith.constant 96 : index
        %get3A_769 = tpu.vector_load %arg22[%get3A_767, %get3A_768] {strides = array<i32>} : memref<40x128xf32, #tpu.memory_space<vmem>>, vector<1x16xf32>,
        %get3A_770 = vector.shape_cast %get3A_769 : vector<1x16xf32> to vector<16xf32>
        %add3A_771 = arith.addf %get3A_766, %get3A_770 : vector<16xf32>
        %mul3A_772 = arith.constant 0.00999999977 : f32
        %mul3A_773 = vector.broadcast %mul3A_772 : f32 to vector<16xf32>
        %mul3A_774 = arith.mulf %mul3A_773, %add3A_771 : vector<16xf32>
        %max3A_775 = arith.maximumf %add3A_771, %mul3A_774 : vector<16xf32>
        %swap3A_776 = arith.index_cast %scan3A_657 : i32 to index
        %swap3A_777 = arith.constant 96 : index
        %swap3A_778 = tpu.vector_load %arg22[%swap3A_776, %swap3A_777] {strides = array<i32>} : memref<40x128xf32, #tpu.memory_space<vmem>>, vector<1x16xf32>,
        %swap3A_779 = vector.shape_cast %swap3A_778 : vector<1x16xf32> to vector<16xf32>
        %swap3A_780 = vector.shape_cast %max3A_775 : vector<16xf32> to vector<1x16xf32>
        tpu.vector_store %arg22[%swap3A_776, %swap3A_777], %swap3A_780 {strides = array<i32>} : memref<40x128xf32, #tpu.memory_space<vmem>>, vector<1x16xf32>,
        %get3A_781 = arith.index_cast %scan3A_657 : i32 to index
        %get3A_782 = arith.constant 112 : index
        %get3A_783 = tpu.vector_load %arg18[%get3A_781, %get3A_782] {strides = array<i32>} : memref<40x128xf32, #tpu.memory_space<vmem>>, vector<1x16xf32>,
        %get3A_784 = vector.shape_cast %get3A_783 : vector<1x16xf32> to vector<16xf32>
        %get3A_785 = arith.index_cast %scan3A_657 : i32 to index
        %get3A_786 = arith.constant 112 : index
        %get3A_787 = tpu.vector_load %arg22[%get3A_785, %get3A_786] {strides = array<i32>} : memref<40x128xf32, #tpu.memory_space<vmem>>, vector<1x16xf32>,
        %get3A_788 = vector.shape_cast %get3A_787 : vector<1x16xf32> to vector<16xf32>
        %add3A_789 = arith.addf %get3A_784, %get3A_788 : vector<16xf32>
        %mul3A_790 = arith.constant 0.00999999977 : f32
        %mul3A_791 = vector.broadcast %mul3A_790 : f32 to vector<16xf32>
        %mul3A_792 = arith.mulf %mul3A_791, %add3A_789 : vector<16xf32>
        %max3A_793 = arith.maximumf %add3A_789, %mul3A_792 : vector<16xf32>
        %swap3A_794 = arith.index_cast %scan3A_657 : i32 to index
        %swap3A_795 = arith.constant 112 : index
        %swap3A_796 = tpu.vector_load %arg22[%swap3A_794, %swap3A_795] {strides = array<i32>} : memref<40x128xf32, #tpu.memory_space<vmem>>, vector<1x16xf32>,
        %swap3A_797 = vector.shape_cast %swap3A_796 : vector<1x16xf32> to vector<16xf32>
        %swap3A_798 = vector.shape_cast %max3A_793 : vector<16xf32> to vector<1x16xf32>
        tpu.vector_store %arg22[%swap3A_794, %swap3A_795], %swap3A_798 {strides = array<i32>} : memref<40x128xf32, #tpu.memory_space<vmem>>, vector<1x16xf32>,
      }
      %scan3A_473 = arith.constant 40 : i32
      %dma_start3A_474 = arith.constant 1 : i32
      %dma_start3A_475 = arith.constant 0 : i32
      %dma_start3A_476 = tpu.memref_slice %arg10[%dma_start3A_474, %dma_start3A_475] : memref<2x40xi32, #tpu.memory_space<vmem>> -> memref<1x40xi32, #tpu.memory_space<vmem>>
      %dma_start3A_477 = tpu.memref_squeeze %dma_start3A_476 : memref<1x40xi32, #tpu.memory_space<vmem>> -> memref<40xi32, #tpu.memory_space<vmem>>
      %dma_start3A_478 = arith.constant 0 : i32
      %dma_start3A_479 = arith.constant 0 : i32
      %dma_start3A_480 = tpu.memref_slice %arg43[%dma_start3A_478, %dma_start3A_479] : memref<10000x128xf32, #tpu.memory_space<vmem_shared>> -> memref<10000x128xf32, #tpu.memory_space<vmem_shared>>
      tpu.enqueue_indirect_dma source(%arg22 : memref<40x128xf32, #tpu.memory_space<vmem>>) target(%dma_start3A_480 : memref<10000x128xf32, #tpu.memory_space<vmem_shared>>) offsets(%dma_start3A_477 : memref<40xi32, #tpu.memory_space<vmem>>) semaphore(%arg42 : memref<!tpu.dma_semaphore, #tpu.memory_space<semaphore_mem>>) {add = true}
      %mul3A_481 = arith.constant 8 : i32
      %mul3A_482 = arith.muli %scan3A_304, %mul3A_481 : i32
      %add3A_483 = arith.constant 4 : i32
      %add3A_484 = arith.addi %mul3A_482, %add3A_483 : i32
      %add3A_485 = arith.constant 2 : i32
      %add3A_486 = arith.addi %add3A_484, %add3A_485 : i32
      %add3A_487 = arith.constant 3 : i32
      %add3A_488 = arith.addi %add3A_484, %add3A_487 : i32
      %lt3A_489 = arith.constant 250 : i32
      %lt3A_490 = arith.cmpi slt, %add3A_488, %lt3A_489 : i32
      %convert_element_type3A_491 = arith.extui %lt3A_490 : i1 to i32
      %cond3A_492 = arith.constant 0 : i32
      %cond3A_493 = arith.cmpi ne, %convert_element_type3A_491, %cond3A_492 : i32
      scf.if %cond3A_493 {
        %mul3A_657 = arith.constant 40 : i32
        %mul3A_658 = arith.muli %add3A_488, %mul3A_657 : i32
        %add3A_659 = arith.addi %add3A_4, %mul3A_658 : i32
        %dma_start3A_660 = arith.constant 0 : i32
        %dma_start3A_661 = arith.constant 0 : i32
        %dma_start3A_662 = tpu.memref_slice %arg14[%dma_start3A_660, %dma_start3A_661] : memref<2x40xi32, #tpu.memory_space<vmem>> -> memref<1x40xi32, #tpu.memory_space<vmem>>
        %dma_start3A_663 = tpu.memref_squeeze %dma_start3A_662 : memref<1x40xi32, #tpu.memory_space<vmem>> -> memref<40xi32, #tpu.memory_space<vmem>>
        %dma_start3A_664 = tpu.memref_slice %arg4[%add3A_659] : memref<320000xi32, #tpu.memory_space<hbm>> -> memref<40xi32, #tpu.memory_space<hbm>>
        %dma_start3A_665 = arith.constant 0 : i32
        %dma_start3A_666 = tpu.memref_slice %arg14[%dma_start3A_660, %dma_start3A_665] : memref<2x40xi32, #tpu.memory_space<vmem>> -> memref<1x40xi32, #tpu.memory_space<vmem>>
        %dma_start3A_667 = tpu.memref_squeeze %dma_start3A_666 : memref<1x40xi32, #tpu.memory_space<vmem>> -> memref<40xi32, #tpu.memory_space<vmem>>
        %dma_start3A_668 = tpu.memref_slice %arg4[%add3A_659] : memref<320000xi32, #tpu.memory_space<hbm>> -> memref<40xi32, #tpu.memory_space<hbm>>
        tpu.enqueue_dma source(%dma_start3A_668 : memref<40xi32, #tpu.memory_space<hbm>>) target(%dma_start3A_667 : memref<40xi32, #tpu.memory_space<vmem>>) target_semaphore(%arg30 : memref<!tpu.dma_semaphore, #tpu.memory_space<semaphore_mem>>)
        %mul3A_669 = arith.constant 40 : i32
        %mul3A_670 = arith.muli %add3A_488, %mul3A_669 : i32
        %add3A_671 = arith.addi %add3A_4, %mul3A_670 : i32
        %dma_start3A_672 = arith.constant 1 : i32
        %dma_start3A_673 = arith.constant 0 : i32
        %dma_start3A_674 = tpu.memref_slice %arg14[%dma_start3A_672, %dma_start3A_673] : memref<2x40xi32, #tpu.memory_space<vmem>> -> memref<1x40xi32, #tpu.memory_space<vmem>>
        %dma_start3A_675 = tpu.memref_squeeze %dma_start3A_674 : memref<1x40xi32, #tpu.memory_space<vmem>> -> memref<40xi32, #tpu.memory_space<vmem>>
        %dma_start3A_676 = tpu.memref_slice %arg5[%add3A_671] : memref<320000xi32, #tpu.memory_space<hbm>> -> memref<40xi32, #tpu.memory_space<hbm>>
        %dma_start3A_677 = arith.constant 0 : i32
        %dma_start3A_678 = tpu.memref_slice %arg14[%dma_start3A_672, %dma_start3A_677] : memref<2x40xi32, #tpu.memory_space<vmem>> -> memref<1x40xi32, #tpu.memory_space<vmem>>
        %dma_start3A_679 = tpu.memref_squeeze %dma_start3A_678 : memref<1x40xi32, #tpu.memory_space<vmem>> -> memref<40xi32, #tpu.memory_space<vmem>>
        %dma_start3A_680 = tpu.memref_slice %arg5[%add3A_671] : memref<320000xi32, #tpu.memory_space<hbm>> -> memref<40xi32, #tpu.memory_space<hbm>>
        tpu.enqueue_dma source(%dma_start3A_680 : memref<40xi32, #tpu.memory_space<hbm>>) target(%dma_start3A_679 : memref<40xi32, #tpu.memory_space<vmem>>) target_semaphore(%arg30 : memref<!tpu.dma_semaphore, #tpu.memory_space<semaphore_mem>>)
      } else {
      }
      %lt3A_494 = arith.constant 250 : i32
      %lt3A_495 = arith.cmpi slt, %add3A_486, %lt3A_494 : i32
      %convert_element_type3A_496 = arith.extui %lt3A_495 : i1 to i32
      %cond3A_497 = arith.constant 0 : i32
      %cond3A_498 = arith.cmpi ne, %convert_element_type3A_496, %cond3A_497 : i32
      scf.if %cond3A_498 {
        %ge3A = arith.constant 2 : i32
        %ge3A_657 = arith.cmpi sge, %add3A_484, %ge3A : i32
        %convert_element_type3A_658 = arith.extui %ge3A_657 : i1 to i32
        %cond3A_659 = arith.constant 0 : i32
        %cond3A_660 = arith.cmpi ne, %convert_element_type3A_658, %cond3A_659 : i32
        scf.if %cond3A_660 {
          %dma_wait3A_697 = arith.constant 1 : i32
          %dma_wait3A_698 = arith.constant 0 : i32
          %dma_wait3A_699 = tpu.memref_slice %arg7[%dma_wait3A_697, %dma_wait3A_698] : memref<2x40xi32, #tpu.memory_space<vmem>> -> memref<1x40xi32, #tpu.memory_space<vmem>>
          %dma_wait3A_700 = tpu.memref_squeeze %dma_wait3A_699 : memref<1x40xi32, #tpu.memory_space<vmem>> -> memref<40xi32, #tpu.memory_space<vmem>>
          %dma_wait3A_701 = arith.constant 0 : i32
          %dma_wait3A_702 = arith.constant 0 : i32
          %dma_wait3A_703 = tpu.memref_slice %arg43[%dma_wait3A_701, %dma_wait3A_702] : memref<10000x128xf32, #tpu.memory_space<vmem_shared>> -> memref<10000x128xf32, #tpu.memory_space<vmem_shared>>
          tpu.wait_indirect_dma semaphore(%arg41 : memref<!tpu.dma_semaphore, #tpu.memory_space<semaphore_mem>>) src(%arg21 : memref<40x128xf32, #tpu.memory_space<vmem>>) dst(%dma_wait3A_703 : memref<10000x128xf32, #tpu.memory_space<vmem_shared>>)
        } else {
        }
        %dma_wait3A_661 = arith.constant 0 : i32
        %dma_wait3A_662 = arith.constant 0 : i32
        %dma_wait3A_663 = tpu.memref_slice %arg13[%dma_wait3A_661, %dma_wait3A_662] : memref<2x40xi32, #tpu.memory_space<vmem>> -> memref<1x40xi32, #tpu.memory_space<vmem>>
        %dma_wait3A_664 = tpu.memref_squeeze %dma_wait3A_663 : memref<1x40xi32, #tpu.memory_space<vmem>> -> memref<40xi32, #tpu.memory_space<vmem>>
        %dma_wait3A_665 = arith.constant 0 : i32
        %dma_wait3A_666 = tpu.memref_slice %arg4[%dma_wait3A_665] : memref<320000xi32, #tpu.memory_space<hbm>> -> memref<40xi32, #tpu.memory_space<hbm>>
        %dma_wait3A_667 = arith.constant 0 : i32
        %dma_wait3A_668 = tpu.memref_slice %arg13[%dma_wait3A_661, %dma_wait3A_667] : memref<2x40xi32, #tpu.memory_space<vmem>> -> memref<1x40xi32, #tpu.memory_space<vmem>>
        %dma_wait3A_669 = tpu.memref_squeeze %dma_wait3A_668 : memref<1x40xi32, #tpu.memory_space<vmem>> -> memref<40xi32, #tpu.memory_space<vmem>>
        %dma_wait3A_670 = arith.constant 0 : i32
        %dma_wait3A_671 = tpu.memref_slice %arg4[%dma_wait3A_670] : memref<320000xi32, #tpu.memory_space<hbm>> -> memref<40xi32, #tpu.memory_space<hbm>>
        tpu.wait_dma2 semaphore(%arg29 : memref<!tpu.dma_semaphore, #tpu.memory_space<semaphore_mem>>) src(%dma_wait3A_671 : memref<40xi32, #tpu.memory_space<hbm>>) dst(%dma_wait3A_669 : memref<40xi32, #tpu.memory_space<vmem>>)
        %dma_wait3A_672 = arith.constant 1 : i32
        %dma_wait3A_673 = arith.constant 0 : i32
        %dma_wait3A_674 = tpu.memref_slice %arg13[%dma_wait3A_672, %dma_wait3A_673] : memref<2x40xi32, #tpu.memory_space<vmem>> -> memref<1x40xi32, #tpu.memory_space<vmem>>
        %dma_wait3A_675 = tpu.memref_squeeze %dma_wait3A_674 : memref<1x40xi32, #tpu.memory_space<vmem>> -> memref<40xi32, #tpu.memory_space<vmem>>
        %dma_wait3A_676 = arith.constant 0 : i32
        %dma_wait3A_677 = tpu.memref_slice %arg4[%dma_wait3A_676] : memref<320000xi32, #tpu.memory_space<hbm>> -> memref<40xi32, #tpu.memory_space<hbm>>
        %dma_wait3A_678 = arith.constant 0 : i32
        %dma_wait3A_679 = tpu.memref_slice %arg13[%dma_wait3A_672, %dma_wait3A_678] : memref<2x40xi32, #tpu.memory_space<vmem>> -> memref<1x40xi32, #tpu.memory_space<vmem>>
        %dma_wait3A_680 = tpu.memref_squeeze %dma_wait3A_679 : memref<1x40xi32, #tpu.memory_space<vmem>> -> memref<40xi32, #tpu.memory_space<vmem>>
        %dma_wait3A_681 = arith.constant 0 : i32
        %dma_wait3A_682 = tpu.memref_slice %arg4[%dma_wait3A_681] : memref<320000xi32, #tpu.memory_space<hbm>> -> memref<40xi32, #tpu.memory_space<hbm>>
        tpu.wait_dma2 semaphore(%arg29 : memref<!tpu.dma_semaphore, #tpu.memory_space<semaphore_mem>>) src(%dma_wait3A_682 : memref<40xi32, #tpu.memory_space<hbm>>) dst(%dma_wait3A_680 : memref<40xi32, #tpu.memory_space<vmem>>)
        %dma_start3A_683 = arith.constant 0 : i32
        %dma_start3A_684 = arith.constant 0 : i32
        %dma_start3A_685 = tpu.memref_slice %arg13[%dma_start3A_683, %dma_start3A_684] : memref<2x40xi32, #tpu.memory_space<vmem>> -> memref<1x40xi32, #tpu.memory_space<vmem>>
        %dma_start3A_686 = tpu.memref_squeeze %dma_start3A_685 : memref<1x40xi32, #tpu.memory_space<vmem>> -> memref<40xi32, #tpu.memory_space<vmem>>
        %dma_start3A_687 = arith.constant 0 : i32
        %dma_start3A_688 = arith.constant 0 : i32
        %dma_start3A_689 = tpu.memref_slice %arg2[%dma_start3A_687, %dma_start3A_688] : memref<10000x128xf32, #tpu.memory_space<hbm>> -> memref<10000x128xf32, #tpu.memory_space<hbm>>
        tpu.enqueue_indirect_dma source(%dma_start3A_689 : memref<10000x128xf32, #tpu.memory_space<hbm>>) target(%arg17 : memref<40x128xf32, #tpu.memory_space<vmem>>) offsets(%dma_start3A_686 : memref<40xi32, #tpu.memory_space<vmem>>) semaphore(%arg33 : memref<!tpu.dma_semaphore, #tpu.memory_space<semaphore_mem>>)
        %mul3A_690 = arith.constant 40 : i32
        %mul3A_691 = arith.muli %add3A_486, %mul3A_690 : i32
        %add3A_692 = arith.addi %mul3A_2, %mul3A_691 : i32
        %dma_start3A_693 = arith.constant 0 : i32
        %dma_start3A_694 = tpu.memref_slice %arg3[%add3A_692, %dma_start3A_693] : memref<320000x128xf32, #tpu.memory_space<hbm>> -> memref<40x128xf32, #tpu.memory_space<hbm>>
        %dma_start3A_695 = arith.constant 0 : i32
        %dma_start3A_696 = tpu.memref_slice %arg3[%add3A_692, %dma_start3A_695] : memref<320000x128xf32, #tpu.memory_space<hbm>> -> memref<40x128xf32, #tpu.memory_space<hbm>>
        tpu.enqueue_dma source(%dma_start3A_696 : memref<40x128xf32, #tpu.memory_space<hbm>>) target(%arg21 : memref<40x128xf32, #tpu.memory_space<vmem>>) target_semaphore(%arg37 : memref<!tpu.dma_semaphore, #tpu.memory_space<semaphore_mem>>)
      } else {
      }
      %dma_wait3A_499 = arith.constant 0 : i32
      %dma_wait3A_500 = arith.constant 0 : i32
      %dma_wait3A_501 = tpu.memref_slice %arg11[%dma_wait3A_499, %dma_wait3A_500] : memref<2x40xi32, #tpu.memory_space<vmem>> -> memref<1x40xi32, #tpu.memory_space<vmem>>
      %dma_wait3A_502 = tpu.memref_squeeze %dma_wait3A_501 : memref<1x40xi32, #tpu.memory_space<vmem>> -> memref<40xi32, #tpu.memory_space<vmem>>
      %dma_wait3A_503 = arith.constant 0 : i32
      %dma_wait3A_504 = arith.constant 0 : i32
      %dma_wait3A_505 = tpu.memref_slice %arg2[%dma_wait3A_503, %dma_wait3A_504] : memref<10000x128xf32, #tpu.memory_space<hbm>> -> memref<10000x128xf32, #tpu.memory_space<hbm>>
      tpu.wait_indirect_dma semaphore(%arg31 : memref<!tpu.dma_semaphore, #tpu.memory_space<semaphore_mem>>) src(%dma_wait3A_505 : memref<10000x128xf32, #tpu.memory_space<hbm>>) dst(%arg15 : memref<40x128xf32, #tpu.memory_space<vmem>>)
      %dma_wait3A_506 = arith.constant 0 : i32
      %dma_wait3A_507 = arith.constant 0 : i32
      %dma_wait3A_508 = tpu.memref_slice %arg3[%dma_wait3A_506, %dma_wait3A_507] : memref<320000x128xf32, #tpu.memory_space<hbm>> -> memref<40x128xf32, #tpu.memory_space<hbm>>
      %dma_wait3A_509 = arith.constant 0 : i32
      %dma_wait3A_510 = arith.constant 0 : i32
      %dma_wait3A_511 = tpu.memref_slice %arg3[%dma_wait3A_509, %dma_wait3A_510] : memref<320000x128xf32, #tpu.memory_space<hbm>> -> memref<40x128xf32, #tpu.memory_space<hbm>>
      tpu.wait_dma2 semaphore(%arg35 : memref<!tpu.dma_semaphore, #tpu.memory_space<semaphore_mem>>) src(%dma_wait3A_511 : memref<40x128xf32, #tpu.memory_space<hbm>>) dst(%arg19 : memref<40x128xf32, #tpu.memory_space<vmem>>)
      %scan3A_512 = arith.constant 0 : i32
      %scan3A_513 = arith.constant 0 : i32
      %scan3A_514 = arith.constant 40 : i32
      %scan3A_515 = arith.addi %scan3A_513, %scan3A_514 : i32
      %scan3A_516 = arith.constant 1 : i32
      scf.for %scan3A_657 = %scan3A_513 to %scan3A_515 step %scan3A_516  : i32 {
        %get3A = arith.index_cast %scan3A_657 : i32 to index
        %get3A_658 = arith.constant 0 : index
        %get3A_659 = tpu.vector_load %arg15[%get3A, %get3A_658] {strides = array<i32>} : memref<40x128xf32, #tpu.memory_space<vmem>>, vector<1x16xf32>,
        %get3A_660 = vector.shape_cast %get3A_659 : vector<1x16xf32> to vector<16xf32>
        %get3A_661 = arith.index_cast %scan3A_657 : i32 to index
        %get3A_662 = arith.constant 0 : index
        %get3A_663 = tpu.vector_load %arg19[%get3A_661, %get3A_662] {strides = array<i32>} : memref<40x128xf32, #tpu.memory_space<vmem>>, vector<1x16xf32>,
        %get3A_664 = vector.shape_cast %get3A_663 : vector<1x16xf32> to vector<16xf32>
        %add3A_665 = arith.addf %get3A_660, %get3A_664 : vector<16xf32>
        %mul3A_666 = arith.constant 0.00999999977 : f32
        %mul3A_667 = vector.broadcast %mul3A_666 : f32 to vector<16xf32>
        %mul3A_668 = arith.mulf %mul3A_667, %add3A_665 : vector<16xf32>
        %max3A = arith.maximumf %add3A_665, %mul3A_668 : vector<16xf32>
        %swap3A = arith.index_cast %scan3A_657 : i32 to index
        %swap3A_669 = arith.constant 0 : index
        %swap3A_670 = tpu.vector_load %arg19[%swap3A, %swap3A_669] {strides = array<i32>} : memref<40x128xf32, #tpu.memory_space<vmem>>, vector<1x16xf32>,
        %swap3A_671 = vector.shape_cast %swap3A_670 : vector<1x16xf32> to vector<16xf32>
        %swap3A_672 = vector.shape_cast %max3A : vector<16xf32> to vector<1x16xf32>
        tpu.vector_store %arg19[%swap3A, %swap3A_669], %swap3A_672 {strides = array<i32>} : memref<40x128xf32, #tpu.memory_space<vmem>>, vector<1x16xf32>,
        %get3A_673 = arith.index_cast %scan3A_657 : i32 to index
        %get3A_674 = arith.constant 16 : index
        %get3A_675 = tpu.vector_load %arg15[%get3A_673, %get3A_674] {strides = array<i32>} : memref<40x128xf32, #tpu.memory_space<vmem>>, vector<1x16xf32>,
        %get3A_676 = vector.shape_cast %get3A_675 : vector<1x16xf32> to vector<16xf32>
        %get3A_677 = arith.index_cast %scan3A_657 : i32 to index
        %get3A_678 = arith.constant 16 : index
        %get3A_679 = tpu.vector_load %arg19[%get3A_677, %get3A_678] {strides = array<i32>} : memref<40x128xf32, #tpu.memory_space<vmem>>, vector<1x16xf32>,
        %get3A_680 = vector.shape_cast %get3A_679 : vector<1x16xf32> to vector<16xf32>
        %add3A_681 = arith.addf %get3A_676, %get3A_680 : vector<16xf32>
        %mul3A_682 = arith.constant 0.00999999977 : f32
        %mul3A_683 = vector.broadcast %mul3A_682 : f32 to vector<16xf32>
        %mul3A_684 = arith.mulf %mul3A_683, %add3A_681 : vector<16xf32>
        %max3A_685 = arith.maximumf %add3A_681, %mul3A_684 : vector<16xf32>
        %swap3A_686 = arith.index_cast %scan3A_657 : i32 to index
        %swap3A_687 = arith.constant 16 : index
        %swap3A_688 = tpu.vector_load %arg19[%swap3A_686, %swap3A_687] {strides = array<i32>} : memref<40x128xf32, #tpu.memory_space<vmem>>, vector<1x16xf32>,
        %swap3A_689 = vector.shape_cast %swap3A_688 : vector<1x16xf32> to vector<16xf32>
        %swap3A_690 = vector.shape_cast %max3A_685 : vector<16xf32> to vector<1x16xf32>
        tpu.vector_store %arg19[%swap3A_686, %swap3A_687], %swap3A_690 {strides = array<i32>} : memref<40x128xf32, #tpu.memory_space<vmem>>, vector<1x16xf32>,
        %get3A_691 = arith.index_cast %scan3A_657 : i32 to index
        %get3A_692 = arith.constant 32 : index
        %get3A_693 = tpu.vector_load %arg15[%get3A_691, %get3A_692] {strides = array<i32>} : memref<40x128xf32, #tpu.memory_space<vmem>>, vector<1x16xf32>,
        %get3A_694 = vector.shape_cast %get3A_693 : vector<1x16xf32> to vector<16xf32>
        %get3A_695 = arith.index_cast %scan3A_657 : i32 to index
        %get3A_696 = arith.constant 32 : index
        %get3A_697 = tpu.vector_load %arg19[%get3A_695, %get3A_696] {strides = array<i32>} : memref<40x128xf32, #tpu.memory_space<vmem>>, vector<1x16xf32>,
        %get3A_698 = vector.shape_cast %get3A_697 : vector<1x16xf32> to vector<16xf32>
        %add3A_699 = arith.addf %get3A_694, %get3A_698 : vector<16xf32>
        %mul3A_700 = arith.constant 0.00999999977 : f32
        %mul3A_701 = vector.broadcast %mul3A_700 : f32 to vector<16xf32>
        %mul3A_702 = arith.mulf %mul3A_701, %add3A_699 : vector<16xf32>
        %max3A_703 = arith.maximumf %add3A_699, %mul3A_702 : vector<16xf32>
        %swap3A_704 = arith.index_cast %scan3A_657 : i32 to index
        %swap3A_705 = arith.constant 32 : index
        %swap3A_706 = tpu.vector_load %arg19[%swap3A_704, %swap3A_705] {strides = array<i32>} : memref<40x128xf32, #tpu.memory_space<vmem>>, vector<1x16xf32>,
        %swap3A_707 = vector.shape_cast %swap3A_706 : vector<1x16xf32> to vector<16xf32>
        %swap3A_708 = vector.shape_cast %max3A_703 : vector<16xf32> to vector<1x16xf32>
        tpu.vector_store %arg19[%swap3A_704, %swap3A_705], %swap3A_708 {strides = array<i32>} : memref<40x128xf32, #tpu.memory_space<vmem>>, vector<1x16xf32>,
        %get3A_709 = arith.index_cast %scan3A_657 : i32 to index
        %get3A_710 = arith.constant 48 : index
        %get3A_711 = tpu.vector_load %arg15[%get3A_709, %get3A_710] {strides = array<i32>} : memref<40x128xf32, #tpu.memory_space<vmem>>, vector<1x16xf32>,
        %get3A_712 = vector.shape_cast %get3A_711 : vector<1x16xf32> to vector<16xf32>
        %get3A_713 = arith.index_cast %scan3A_657 : i32 to index
        %get3A_714 = arith.constant 48 : index
        %get3A_715 = tpu.vector_load %arg19[%get3A_713, %get3A_714] {strides = array<i32>} : memref<40x128xf32, #tpu.memory_space<vmem>>, vector<1x16xf32>,
        %get3A_716 = vector.shape_cast %get3A_715 : vector<1x16xf32> to vector<16xf32>
        %add3A_717 = arith.addf %get3A_712, %get3A_716 : vector<16xf32>
        %mul3A_718 = arith.constant 0.00999999977 : f32
        %mul3A_719 = vector.broadcast %mul3A_718 : f32 to vector<16xf32>
        %mul3A_720 = arith.mulf %mul3A_719, %add3A_717 : vector<16xf32>
        %max3A_721 = arith.maximumf %add3A_717, %mul3A_720 : vector<16xf32>
        %swap3A_722 = arith.index_cast %scan3A_657 : i32 to index
        %swap3A_723 = arith.constant 48 : index
        %swap3A_724 = tpu.vector_load %arg19[%swap3A_722, %swap3A_723] {strides = array<i32>} : memref<40x128xf32, #tpu.memory_space<vmem>>, vector<1x16xf32>,
        %swap3A_725 = vector.shape_cast %swap3A_724 : vector<1x16xf32> to vector<16xf32>
        %swap3A_726 = vector.shape_cast %max3A_721 : vector<16xf32> to vector<1x16xf32>
        tpu.vector_store %arg19[%swap3A_722, %swap3A_723], %swap3A_726 {strides = array<i32>} : memref<40x128xf32, #tpu.memory_space<vmem>>, vector<1x16xf32>,
        %get3A_727 = arith.index_cast %scan3A_657 : i32 to index
        %get3A_728 = arith.constant 64 : index
        %get3A_729 = tpu.vector_load %arg15[%get3A_727, %get3A_728] {strides = array<i32>} : memref<40x128xf32, #tpu.memory_space<vmem>>, vector<1x16xf32>,
        %get3A_730 = vector.shape_cast %get3A_729 : vector<1x16xf32> to vector<16xf32>
        %get3A_731 = arith.index_cast %scan3A_657 : i32 to index
        %get3A_732 = arith.constant 64 : index
        %get3A_733 = tpu.vector_load %arg19[%get3A_731, %get3A_732] {strides = array<i32>} : memref<40x128xf32, #tpu.memory_space<vmem>>, vector<1x16xf32>,
        %get3A_734 = vector.shape_cast %get3A_733 : vector<1x16xf32> to vector<16xf32>
        %add3A_735 = arith.addf %get3A_730, %get3A_734 : vector<16xf32>
        %mul3A_736 = arith.constant 0.00999999977 : f32
        %mul3A_737 = vector.broadcast %mul3A_736 : f32 to vector<16xf32>
        %mul3A_738 = arith.mulf %mul3A_737, %add3A_735 : vector<16xf32>
        %max3A_739 = arith.maximumf %add3A_735, %mul3A_738 : vector<16xf32>
        %swap3A_740 = arith.index_cast %scan3A_657 : i32 to index
        %swap3A_741 = arith.constant 64 : index
        %swap3A_742 = tpu.vector_load %arg19[%swap3A_740, %swap3A_741] {strides = array<i32>} : memref<40x128xf32, #tpu.memory_space<vmem>>, vector<1x16xf32>,
        %swap3A_743 = vector.shape_cast %swap3A_742 : vector<1x16xf32> to vector<16xf32>
        %swap3A_744 = vector.shape_cast %max3A_739 : vector<16xf32> to vector<1x16xf32>
        tpu.vector_store %arg19[%swap3A_740, %swap3A_741], %swap3A_744 {strides = array<i32>} : memref<40x128xf32, #tpu.memory_space<vmem>>, vector<1x16xf32>,
        %get3A_745 = arith.index_cast %scan3A_657 : i32 to index
        %get3A_746 = arith.constant 80 : index
        %get3A_747 = tpu.vector_load %arg15[%get3A_745, %get3A_746] {strides = array<i32>} : memref<40x128xf32, #tpu.memory_space<vmem>>, vector<1x16xf32>,
        %get3A_748 = vector.shape_cast %get3A_747 : vector<1x16xf32> to vector<16xf32>
        %get3A_749 = arith.index_cast %scan3A_657 : i32 to index
        %get3A_750 = arith.constant 80 : index
        %get3A_751 = tpu.vector_load %arg19[%get3A_749, %get3A_750] {strides = array<i32>} : memref<40x128xf32, #tpu.memory_space<vmem>>, vector<1x16xf32>,
        %get3A_752 = vector.shape_cast %get3A_751 : vector<1x16xf32> to vector<16xf32>
        %add3A_753 = arith.addf %get3A_748, %get3A_752 : vector<16xf32>
        %mul3A_754 = arith.constant 0.00999999977 : f32
        %mul3A_755 = vector.broadcast %mul3A_754 : f32 to vector<16xf32>
        %mul3A_756 = arith.mulf %mul3A_755, %add3A_753 : vector<16xf32>
        %max3A_757 = arith.maximumf %add3A_753, %mul3A_756 : vector<16xf32>
        %swap3A_758 = arith.index_cast %scan3A_657 : i32 to index
        %swap3A_759 = arith.constant 80 : index
        %swap3A_760 = tpu.vector_load %arg19[%swap3A_758, %swap3A_759] {strides = array<i32>} : memref<40x128xf32, #tpu.memory_space<vmem>>, vector<1x16xf32>,
        %swap3A_761 = vector.shape_cast %swap3A_760 : vector<1x16xf32> to vector<16xf32>
        %swap3A_762 = vector.shape_cast %max3A_757 : vector<16xf32> to vector<1x16xf32>
        tpu.vector_store %arg19[%swap3A_758, %swap3A_759], %swap3A_762 {strides = array<i32>} : memref<40x128xf32, #tpu.memory_space<vmem>>, vector<1x16xf32>,
        %get3A_763 = arith.index_cast %scan3A_657 : i32 to index
        %get3A_764 = arith.constant 96 : index
        %get3A_765 = tpu.vector_load %arg15[%get3A_763, %get3A_764] {strides = array<i32>} : memref<40x128xf32, #tpu.memory_space<vmem>>, vector<1x16xf32>,
        %get3A_766 = vector.shape_cast %get3A_765 : vector<1x16xf32> to vector<16xf32>
        %get3A_767 = arith.index_cast %scan3A_657 : i32 to index
        %get3A_768 = arith.constant 96 : index
        %get3A_769 = tpu.vector_load %arg19[%get3A_767, %get3A_768] {strides = array<i32>} : memref<40x128xf32, #tpu.memory_space<vmem>>, vector<1x16xf32>,
        %get3A_770 = vector.shape_cast %get3A_769 : vector<1x16xf32> to vector<16xf32>
        %add3A_771 = arith.addf %get3A_766, %get3A_770 : vector<16xf32>
        %mul3A_772 = arith.constant 0.00999999977 : f32
        %mul3A_773 = vector.broadcast %mul3A_772 : f32 to vector<16xf32>
        %mul3A_774 = arith.mulf %mul3A_773, %add3A_771 : vector<16xf32>
        %max3A_775 = arith.maximumf %add3A_771, %mul3A_774 : vector<16xf32>
        %swap3A_776 = arith.index_cast %scan3A_657 : i32 to index
        %swap3A_777 = arith.constant 96 : index
        %swap3A_778 = tpu.vector_load %arg19[%swap3A_776, %swap3A_777] {strides = array<i32>} : memref<40x128xf32, #tpu.memory_space<vmem>>, vector<1x16xf32>,
        %swap3A_779 = vector.shape_cast %swap3A_778 : vector<1x16xf32> to vector<16xf32>
        %swap3A_780 = vector.shape_cast %max3A_775 : vector<16xf32> to vector<1x16xf32>
        tpu.vector_store %arg19[%swap3A_776, %swap3A_777], %swap3A_780 {strides = array<i32>} : memref<40x128xf32, #tpu.memory_space<vmem>>, vector<1x16xf32>,
        %get3A_781 = arith.index_cast %scan3A_657 : i32 to index
        %get3A_782 = arith.constant 112 : index
        %get3A_783 = tpu.vector_load %arg15[%get3A_781, %get3A_782] {strides = array<i32>} : memref<40x128xf32, #tpu.memory_space<vmem>>, vector<1x16xf32>,
        %get3A_784 = vector.shape_cast %get3A_783 : vector<1x16xf32> to vector<16xf32>
        %get3A_785 = arith.index_cast %scan3A_657 : i32 to index
        %get3A_786 = arith.constant 112 : index
        %get3A_787 = tpu.vector_load %arg19[%get3A_785, %get3A_786] {strides = array<i32>} : memref<40x128xf32, #tpu.memory_space<vmem>>, vector<1x16xf32>,
        %get3A_788 = vector.shape_cast %get3A_787 : vector<1x16xf32> to vector<16xf32>
        %add3A_789 = arith.addf %get3A_784, %get3A_788 : vector<16xf32>
        %mul3A_790 = arith.constant 0.00999999977 : f32
        %mul3A_791 = vector.broadcast %mul3A_790 : f32 to vector<16xf32>
        %mul3A_792 = arith.mulf %mul3A_791, %add3A_789 : vector<16xf32>
        %max3A_793 = arith.maximumf %add3A_789, %mul3A_792 : vector<16xf32>
        %swap3A_794 = arith.index_cast %scan3A_657 : i32 to index
        %swap3A_795 = arith.constant 112 : index
        %swap3A_796 = tpu.vector_load %arg19[%swap3A_794, %swap3A_795] {strides = array<i32>} : memref<40x128xf32, #tpu.memory_space<vmem>>, vector<1x16xf32>,
        %swap3A_797 = vector.shape_cast %swap3A_796 : vector<1x16xf32> to vector<16xf32>
        %swap3A_798 = vector.shape_cast %max3A_793 : vector<16xf32> to vector<1x16xf32>
        tpu.vector_store %arg19[%swap3A_794, %swap3A_795], %swap3A_798 {strides = array<i32>} : memref<40x128xf32, #tpu.memory_space<vmem>>, vector<1x16xf32>,
      }
      %scan3A_517 = arith.constant 40 : i32
      %dma_start3A_518 = arith.constant 1 : i32
      %dma_start3A_519 = arith.constant 0 : i32
      %dma_start3A_520 = tpu.memref_slice %arg11[%dma_start3A_518, %dma_start3A_519] : memref<2x40xi32, #tpu.memory_space<vmem>> -> memref<1x40xi32, #tpu.memory_space<vmem>>
      %dma_start3A_521 = tpu.memref_squeeze %dma_start3A_520 : memref<1x40xi32, #tpu.memory_space<vmem>> -> memref<40xi32, #tpu.memory_space<vmem>>
      %dma_start3A_522 = arith.constant 0 : i32
      %dma_start3A_523 = arith.constant 0 : i32
      %dma_start3A_524 = tpu.memref_slice %arg43[%dma_start3A_522, %dma_start3A_523] : memref<10000x128xf32, #tpu.memory_space<vmem_shared>> -> memref<10000x128xf32, #tpu.memory_space<vmem_shared>>
      tpu.enqueue_indirect_dma source(%arg19 : memref<40x128xf32, #tpu.memory_space<vmem>>) target(%dma_start3A_524 : memref<10000x128xf32, #tpu.memory_space<vmem_shared>>) offsets(%dma_start3A_521 : memref<40xi32, #tpu.memory_space<vmem>>) semaphore(%arg39 : memref<!tpu.dma_semaphore, #tpu.memory_space<semaphore_mem>>) {add = true}
      %mul3A_525 = arith.constant 8 : i32
      %mul3A_526 = arith.muli %scan3A_304, %mul3A_525 : i32
      %add3A_527 = arith.constant 5 : i32
      %add3A_528 = arith.addi %mul3A_526, %add3A_527 : i32
      %add3A_529 = arith.constant 2 : i32
      %add3A_530 = arith.addi %add3A_528, %add3A_529 : i32
      %add3A_531 = arith.constant 3 : i32
      %add3A_532 = arith.addi %add3A_528, %add3A_531 : i32
      %lt3A_533 = arith.constant 250 : i32
      %lt3A_534 = arith.cmpi slt, %add3A_532, %lt3A_533 : i32
      %convert_element_type3A_535 = arith.extui %lt3A_534 : i1 to i32
      %cond3A_536 = arith.constant 0 : i32
      %cond3A_537 = arith.cmpi ne, %convert_element_type3A_535, %cond3A_536 : i32
      scf.if %cond3A_537 {
        %mul3A_657 = arith.constant 40 : i32
        %mul3A_658 = arith.muli %add3A_532, %mul3A_657 : i32
        %add3A_659 = arith.addi %add3A_4, %mul3A_658 : i32
        %dma_start3A_660 = arith.constant 0 : i32
        %dma_start3A_661 = arith.constant 0 : i32
        %dma_start3A_662 = tpu.memref_slice %arg7[%dma_start3A_660, %dma_start3A_661] : memref<2x40xi32, #tpu.memory_space<vmem>> -> memref<1x40xi32, #tpu.memory_space<vmem>>
        %dma_start3A_663 = tpu.memref_squeeze %dma_start3A_662 : memref<1x40xi32, #tpu.memory_space<vmem>> -> memref<40xi32, #tpu.memory_space<vmem>>
        %dma_start3A_664 = tpu.memref_slice %arg4[%add3A_659] : memref<320000xi32, #tpu.memory_space<hbm>> -> memref<40xi32, #tpu.memory_space<hbm>>
        %dma_start3A_665 = arith.constant 0 : i32
        %dma_start3A_666 = tpu.memref_slice %arg7[%dma_start3A_660, %dma_start3A_665] : memref<2x40xi32, #tpu.memory_space<vmem>> -> memref<1x40xi32, #tpu.memory_space<vmem>>
        %dma_start3A_667 = tpu.memref_squeeze %dma_start3A_666 : memref<1x40xi32, #tpu.memory_space<vmem>> -> memref<40xi32, #tpu.memory_space<vmem>>
        %dma_start3A_668 = tpu.memref_slice %arg4[%add3A_659] : memref<320000xi32, #tpu.memory_space<hbm>> -> memref<40xi32, #tpu.memory_space<hbm>>
        tpu.enqueue_dma source(%dma_start3A_668 : memref<40xi32, #tpu.memory_space<hbm>>) target(%dma_start3A_667 : memref<40xi32, #tpu.memory_space<vmem>>) target_semaphore(%arg23 : memref<!tpu.dma_semaphore, #tpu.memory_space<semaphore_mem>>)
        %mul3A_669 = arith.constant 40 : i32
        %mul3A_670 = arith.muli %add3A_532, %mul3A_669 : i32
        %add3A_671 = arith.addi %add3A_4, %mul3A_670 : i32
        %dma_start3A_672 = arith.constant 1 : i32
        %dma_start3A_673 = arith.constant 0 : i32
        %dma_start3A_674 = tpu.memref_slice %arg7[%dma_start3A_672, %dma_start3A_673] : memref<2x40xi32, #tpu.memory_space<vmem>> -> memref<1x40xi32, #tpu.memory_space<vmem>>
        %dma_start3A_675 = tpu.memref_squeeze %dma_start3A_674 : memref<1x40xi32, #tpu.memory_space<vmem>> -> memref<40xi32, #tpu.memory_space<vmem>>
        %dma_start3A_676 = tpu.memref_slice %arg5[%add3A_671] : memref<320000xi32, #tpu.memory_space<hbm>> -> memref<40xi32, #tpu.memory_space<hbm>>
        %dma_start3A_677 = arith.constant 0 : i32
        %dma_start3A_678 = tpu.memref_slice %arg7[%dma_start3A_672, %dma_start3A_677] : memref<2x40xi32, #tpu.memory_space<vmem>> -> memref<1x40xi32, #tpu.memory_space<vmem>>
        %dma_start3A_679 = tpu.memref_squeeze %dma_start3A_678 : memref<1x40xi32, #tpu.memory_space<vmem>> -> memref<40xi32, #tpu.memory_space<vmem>>
        %dma_start3A_680 = tpu.memref_slice %arg5[%add3A_671] : memref<320000xi32, #tpu.memory_space<hbm>> -> memref<40xi32, #tpu.memory_space<hbm>>
        tpu.enqueue_dma source(%dma_start3A_680 : memref<40xi32, #tpu.memory_space<hbm>>) target(%dma_start3A_679 : memref<40xi32, #tpu.memory_space<vmem>>) target_semaphore(%arg23 : memref<!tpu.dma_semaphore, #tpu.memory_space<semaphore_mem>>)
      } else {
      }
      %lt3A_538 = arith.constant 250 : i32
      %lt3A_539 = arith.cmpi slt, %add3A_530, %lt3A_538 : i32
      %convert_element_type3A_540 = arith.extui %lt3A_539 : i1 to i32
      %cond3A_541 = arith.constant 0 : i32
      %cond3A_542 = arith.cmpi ne, %convert_element_type3A_540, %cond3A_541 : i32
      scf.if %cond3A_542 {
        %ge3A = arith.constant 2 : i32
        %ge3A_657 = arith.cmpi sge, %add3A_528, %ge3A : i32
        %convert_element_type3A_658 = arith.extui %ge3A_657 : i1 to i32
        %cond3A_659 = arith.constant 0 : i32
        %cond3A_660 = arith.cmpi ne, %convert_element_type3A_658, %cond3A_659 : i32
        scf.if %cond3A_660 {
          %dma_wait3A_697 = arith.constant 1 : i32
          %dma_wait3A_698 = arith.constant 0 : i32
          %dma_wait3A_699 = tpu.memref_slice %arg7[%dma_wait3A_697, %dma_wait3A_698] : memref<2x40xi32, #tpu.memory_space<vmem>> -> memref<1x40xi32, #tpu.memory_space<vmem>>
          %dma_wait3A_700 = tpu.memref_squeeze %dma_wait3A_699 : memref<1x40xi32, #tpu.memory_space<vmem>> -> memref<40xi32, #tpu.memory_space<vmem>>
          %dma_wait3A_701 = arith.constant 0 : i32
          %dma_wait3A_702 = arith.constant 0 : i32
          %dma_wait3A_703 = tpu.memref_slice %arg43[%dma_wait3A_701, %dma_wait3A_702] : memref<10000x128xf32, #tpu.memory_space<vmem_shared>> -> memref<10000x128xf32, #tpu.memory_space<vmem_shared>>
          tpu.wait_indirect_dma semaphore(%arg42 : memref<!tpu.dma_semaphore, #tpu.memory_space<semaphore_mem>>) src(%arg22 : memref<40x128xf32, #tpu.memory_space<vmem>>) dst(%dma_wait3A_703 : memref<10000x128xf32, #tpu.memory_space<vmem_shared>>)
        } else {
        }
        %dma_wait3A_661 = arith.constant 0 : i32
        %dma_wait3A_662 = arith.constant 0 : i32
        %dma_wait3A_663 = tpu.memref_slice %arg14[%dma_wait3A_661, %dma_wait3A_662] : memref<2x40xi32, #tpu.memory_space<vmem>> -> memref<1x40xi32, #tpu.memory_space<vmem>>
        %dma_wait3A_664 = tpu.memref_squeeze %dma_wait3A_663 : memref<1x40xi32, #tpu.memory_space<vmem>> -> memref<40xi32, #tpu.memory_space<vmem>>
        %dma_wait3A_665 = arith.constant 0 : i32
        %dma_wait3A_666 = tpu.memref_slice %arg4[%dma_wait3A_665] : memref<320000xi32, #tpu.memory_space<hbm>> -> memref<40xi32, #tpu.memory_space<hbm>>
        %dma_wait3A_667 = arith.constant 0 : i32
        %dma_wait3A_668 = tpu.memref_slice %arg14[%dma_wait3A_661, %dma_wait3A_667] : memref<2x40xi32, #tpu.memory_space<vmem>> -> memref<1x40xi32, #tpu.memory_space<vmem>>
        %dma_wait3A_669 = tpu.memref_squeeze %dma_wait3A_668 : memref<1x40xi32, #tpu.memory_space<vmem>> -> memref<40xi32, #tpu.memory_space<vmem>>
        %dma_wait3A_670 = arith.constant 0 : i32
        %dma_wait3A_671 = tpu.memref_slice %arg4[%dma_wait3A_670] : memref<320000xi32, #tpu.memory_space<hbm>> -> memref<40xi32, #tpu.memory_space<hbm>>
        tpu.wait_dma2 semaphore(%arg30 : memref<!tpu.dma_semaphore, #tpu.memory_space<semaphore_mem>>) src(%dma_wait3A_671 : memref<40xi32, #tpu.memory_space<hbm>>) dst(%dma_wait3A_669 : memref<40xi32, #tpu.memory_space<vmem>>)
        %dma_wait3A_672 = arith.constant 1 : i32
        %dma_wait3A_673 = arith.constant 0 : i32
        %dma_wait3A_674 = tpu.memref_slice %arg14[%dma_wait3A_672, %dma_wait3A_673] : memref<2x40xi32, #tpu.memory_space<vmem>> -> memref<1x40xi32, #tpu.memory_space<vmem>>
        %dma_wait3A_675 = tpu.memref_squeeze %dma_wait3A_674 : memref<1x40xi32, #tpu.memory_space<vmem>> -> memref<40xi32, #tpu.memory_space<vmem>>
        %dma_wait3A_676 = arith.constant 0 : i32
        %dma_wait3A_677 = tpu.memref_slice %arg4[%dma_wait3A_676] : memref<320000xi32, #tpu.memory_space<hbm>> -> memref<40xi32, #tpu.memory_space<hbm>>
        %dma_wait3A_678 = arith.constant 0 : i32
        %dma_wait3A_679 = tpu.memref_slice %arg14[%dma_wait3A_672, %dma_wait3A_678] : memref<2x40xi32, #tpu.memory_space<vmem>> -> memref<1x40xi32, #tpu.memory_space<vmem>>
        %dma_wait3A_680 = tpu.memref_squeeze %dma_wait3A_679 : memref<1x40xi32, #tpu.memory_space<vmem>> -> memref<40xi32, #tpu.memory_space<vmem>>
        %dma_wait3A_681 = arith.constant 0 : i32
        %dma_wait3A_682 = tpu.memref_slice %arg4[%dma_wait3A_681] : memref<320000xi32, #tpu.memory_space<hbm>> -> memref<40xi32, #tpu.memory_space<hbm>>
        tpu.wait_dma2 semaphore(%arg30 : memref<!tpu.dma_semaphore, #tpu.memory_space<semaphore_mem>>) src(%dma_wait3A_682 : memref<40xi32, #tpu.memory_space<hbm>>) dst(%dma_wait3A_680 : memref<40xi32, #tpu.memory_space<vmem>>)
        %dma_start3A_683 = arith.constant 0 : i32
        %dma_start3A_684 = arith.constant 0 : i32
        %dma_start3A_685 = tpu.memref_slice %arg14[%dma_start3A_683, %dma_start3A_684] : memref<2x40xi32, #tpu.memory_space<vmem>> -> memref<1x40xi32, #tpu.memory_space<vmem>>
        %dma_start3A_686 = tpu.memref_squeeze %dma_start3A_685 : memref<1x40xi32, #tpu.memory_space<vmem>> -> memref<40xi32, #tpu.memory_space<vmem>>
        %dma_start3A_687 = arith.constant 0 : i32
        %dma_start3A_688 = arith.constant 0 : i32
        %dma_start3A_689 = tpu.memref_slice %arg2[%dma_start3A_687, %dma_start3A_688] : memref<10000x128xf32, #tpu.memory_space<hbm>> -> memref<10000x128xf32, #tpu.memory_space<hbm>>
        tpu.enqueue_indirect_dma source(%dma_start3A_689 : memref<10000x128xf32, #tpu.memory_space<hbm>>) target(%arg18 : memref<40x128xf32, #tpu.memory_space<vmem>>) offsets(%dma_start3A_686 : memref<40xi32, #tpu.memory_space<vmem>>) semaphore(%arg34 : memref<!tpu.dma_semaphore, #tpu.memory_space<semaphore_mem>>)
        %mul3A_690 = arith.constant 40 : i32
        %mul3A_691 = arith.muli %add3A_530, %mul3A_690 : i32
        %add3A_692 = arith.addi %mul3A_2, %mul3A_691 : i32
        %dma_start3A_693 = arith.constant 0 : i32
        %dma_start3A_694 = tpu.memref_slice %arg3[%add3A_692, %dma_start3A_693] : memref<320000x128xf32, #tpu.memory_space<hbm>> -> memref<40x128xf32, #tpu.memory_space<hbm>>
        %dma_start3A_695 = arith.constant 0 : i32
        %dma_start3A_696 = tpu.memref_slice %arg3[%add3A_692, %dma_start3A_695] : memref<320000x128xf32, #tpu.memory_space<hbm>> -> memref<40x128xf32, #tpu.memory_space<hbm>>
        tpu.enqueue_dma source(%dma_start3A_696 : memref<40x128xf32, #tpu.memory_space<hbm>>) target(%arg22 : memref<40x128xf32, #tpu.memory_space<vmem>>) target_semaphore(%arg38 : memref<!tpu.dma_semaphore, #tpu.memory_space<semaphore_mem>>)
      } else {
      }
      %dma_wait3A_543 = arith.constant 0 : i32
      %dma_wait3A_544 = arith.constant 0 : i32
      %dma_wait3A_545 = tpu.memref_slice %arg12[%dma_wait3A_543, %dma_wait3A_544] : memref<2x40xi32, #tpu.memory_space<vmem>> -> memref<1x40xi32, #tpu.memory_space<vmem>>
      %dma_wait3A_546 = tpu.memref_squeeze %dma_wait3A_545 : memref<1x40xi32, #tpu.memory_space<vmem>> -> memref<40xi32, #tpu.memory_space<vmem>>
      %dma_wait3A_547 = arith.constant 0 : i32
      %dma_wait3A_548 = arith.constant 0 : i32
      %dma_wait3A_549 = tpu.memref_slice %arg2[%dma_wait3A_547, %dma_wait3A_548] : memref<10000x128xf32, #tpu.memory_space<hbm>> -> memref<10000x128xf32, #tpu.memory_space<hbm>>
      tpu.wait_indirect_dma semaphore(%arg32 : memref<!tpu.dma_semaphore, #tpu.memory_space<semaphore_mem>>) src(%dma_wait3A_549 : memref<10000x128xf32, #tpu.memory_space<hbm>>) dst(%arg16 : memref<40x128xf32, #tpu.memory_space<vmem>>)
      %dma_wait3A_550 = arith.constant 0 : i32
      %dma_wait3A_551 = arith.constant 0 : i32
      %dma_wait3A_552 = tpu.memref_slice %arg3[%dma_wait3A_550, %dma_wait3A_551] : memref<320000x128xf32, #tpu.memory_space<hbm>> -> memref<40x128xf32, #tpu.memory_space<hbm>>
      %dma_wait3A_553 = arith.constant 0 : i32
      %dma_wait3A_554 = arith.constant 0 : i32
      %dma_wait3A_555 = tpu.memref_slice %arg3[%dma_wait3A_553, %dma_wait3A_554] : memref<320000x128xf32, #tpu.memory_space<hbm>> -> memref<40x128xf32, #tpu.memory_space<hbm>>
      tpu.wait_dma2 semaphore(%arg36 : memref<!tpu.dma_semaphore, #tpu.memory_space<semaphore_mem>>) src(%dma_wait3A_555 : memref<40x128xf32, #tpu.memory_space<hbm>>) dst(%arg20 : memref<40x128xf32, #tpu.memory_space<vmem>>)
      %scan3A_556 = arith.constant 0 : i32
      %scan3A_557 = arith.constant 0 : i32
      %scan3A_558 = arith.constant 40 : i32
      %scan3A_559 = arith.addi %scan3A_557, %scan3A_558 : i32
      %scan3A_560 = arith.constant 1 : i32
      scf.for %scan3A_657 = %scan3A_557 to %scan3A_559 step %scan3A_560  : i32 {
        %get3A = arith.index_cast %scan3A_657 : i32 to index
        %get3A_658 = arith.constant 0 : index
        %get3A_659 = tpu.vector_load %arg16[%get3A, %get3A_658] {strides = array<i32>} : memref<40x128xf32, #tpu.memory_space<vmem>>, vector<1x16xf32>,
        %get3A_660 = vector.shape_cast %get3A_659 : vector<1x16xf32> to vector<16xf32>
        %get3A_661 = arith.index_cast %scan3A_657 : i32 to index
        %get3A_662 = arith.constant 0 : index
        %get3A_663 = tpu.vector_load %arg20[%get3A_661, %get3A_662] {strides = array<i32>} : memref<40x128xf32, #tpu.memory_space<vmem>>, vector<1x16xf32>,
        %get3A_664 = vector.shape_cast %get3A_663 : vector<1x16xf32> to vector<16xf32>
        %add3A_665 = arith.addf %get3A_660, %get3A_664 : vector<16xf32>
        %mul3A_666 = arith.constant 0.00999999977 : f32
        %mul3A_667 = vector.broadcast %mul3A_666 : f32 to vector<16xf32>
        %mul3A_668 = arith.mulf %mul3A_667, %add3A_665 : vector<16xf32>
        %max3A = arith.maximumf %add3A_665, %mul3A_668 : vector<16xf32>
        %swap3A = arith.index_cast %scan3A_657 : i32 to index
        %swap3A_669 = arith.constant 0 : index
        %swap3A_670 = tpu.vector_load %arg20[%swap3A, %swap3A_669] {strides = array<i32>} : memref<40x128xf32, #tpu.memory_space<vmem>>, vector<1x16xf32>,
        %swap3A_671 = vector.shape_cast %swap3A_670 : vector<1x16xf32> to vector<16xf32>
        %swap3A_672 = vector.shape_cast %max3A : vector<16xf32> to vector<1x16xf32>
        tpu.vector_store %arg20[%swap3A, %swap3A_669], %swap3A_672 {strides = array<i32>} : memref<40x128xf32, #tpu.memory_space<vmem>>, vector<1x16xf32>,
        %get3A_673 = arith.index_cast %scan3A_657 : i32 to index
        %get3A_674 = arith.constant 16 : index
        %get3A_675 = tpu.vector_load %arg16[%get3A_673, %get3A_674] {strides = array<i32>} : memref<40x128xf32, #tpu.memory_space<vmem>>, vector<1x16xf32>,
        %get3A_676 = vector.shape_cast %get3A_675 : vector<1x16xf32> to vector<16xf32>
        %get3A_677 = arith.index_cast %scan3A_657 : i32 to index
        %get3A_678 = arith.constant 16 : index
        %get3A_679 = tpu.vector_load %arg20[%get3A_677, %get3A_678] {strides = array<i32>} : memref<40x128xf32, #tpu.memory_space<vmem>>, vector<1x16xf32>,
        %get3A_680 = vector.shape_cast %get3A_679 : vector<1x16xf32> to vector<16xf32>
        %add3A_681 = arith.addf %get3A_676, %get3A_680 : vector<16xf32>
        %mul3A_682 = arith.constant 0.00999999977 : f32
        %mul3A_683 = vector.broadcast %mul3A_682 : f32 to vector<16xf32>
        %mul3A_684 = arith.mulf %mul3A_683, %add3A_681 : vector<16xf32>
        %max3A_685 = arith.maximumf %add3A_681, %mul3A_684 : vector<16xf32>
        %swap3A_686 = arith.index_cast %scan3A_657 : i32 to index
        %swap3A_687 = arith.constant 16 : index
        %swap3A_688 = tpu.vector_load %arg20[%swap3A_686, %swap3A_687] {strides = array<i32>} : memref<40x128xf32, #tpu.memory_space<vmem>>, vector<1x16xf32>,
        %swap3A_689 = vector.shape_cast %swap3A_688 : vector<1x16xf32> to vector<16xf32>
        %swap3A_690 = vector.shape_cast %max3A_685 : vector<16xf32> to vector<1x16xf32>
        tpu.vector_store %arg20[%swap3A_686, %swap3A_687], %swap3A_690 {strides = array<i32>} : memref<40x128xf32, #tpu.memory_space<vmem>>, vector<1x16xf32>,
        %get3A_691 = arith.index_cast %scan3A_657 : i32 to index
        %get3A_692 = arith.constant 32 : index
        %get3A_693 = tpu.vector_load %arg16[%get3A_691, %get3A_692] {strides = array<i32>} : memref<40x128xf32, #tpu.memory_space<vmem>>, vector<1x16xf32>,
        %get3A_694 = vector.shape_cast %get3A_693 : vector<1x16xf32> to vector<16xf32>
        %get3A_695 = arith.index_cast %scan3A_657 : i32 to index
        %get3A_696 = arith.constant 32 : index
        %get3A_697 = tpu.vector_load %arg20[%get3A_695, %get3A_696] {strides = array<i32>} : memref<40x128xf32, #tpu.memory_space<vmem>>, vector<1x16xf32>,
        %get3A_698 = vector.shape_cast %get3A_697 : vector<1x16xf32> to vector<16xf32>
        %add3A_699 = arith.addf %get3A_694, %get3A_698 : vector<16xf32>
        %mul3A_700 = arith.constant 0.00999999977 : f32
        %mul3A_701 = vector.broadcast %mul3A_700 : f32 to vector<16xf32>
        %mul3A_702 = arith.mulf %mul3A_701, %add3A_699 : vector<16xf32>
        %max3A_703 = arith.maximumf %add3A_699, %mul3A_702 : vector<16xf32>
        %swap3A_704 = arith.index_cast %scan3A_657 : i32 to index
        %swap3A_705 = arith.constant 32 : index
        %swap3A_706 = tpu.vector_load %arg20[%swap3A_704, %swap3A_705] {strides = array<i32>} : memref<40x128xf32, #tpu.memory_space<vmem>>, vector<1x16xf32>,
        %swap3A_707 = vector.shape_cast %swap3A_706 : vector<1x16xf32> to vector<16xf32>
        %swap3A_708 = vector.shape_cast %max3A_703 : vector<16xf32> to vector<1x16xf32>
        tpu.vector_store %arg20[%swap3A_704, %swap3A_705], %swap3A_708 {strides = array<i32>} : memref<40x128xf32, #tpu.memory_space<vmem>>, vector<1x16xf32>,
        %get3A_709 = arith.index_cast %scan3A_657 : i32 to index
        %get3A_710 = arith.constant 48 : index
        %get3A_711 = tpu.vector_load %arg16[%get3A_709, %get3A_710] {strides = array<i32>} : memref<40x128xf32, #tpu.memory_space<vmem>>, vector<1x16xf32>,
        %get3A_712 = vector.shape_cast %get3A_711 : vector<1x16xf32> to vector<16xf32>
        %get3A_713 = arith.index_cast %scan3A_657 : i32 to index
        %get3A_714 = arith.constant 48 : index
        %get3A_715 = tpu.vector_load %arg20[%get3A_713, %get3A_714] {strides = array<i32>} : memref<40x128xf32, #tpu.memory_space<vmem>>, vector<1x16xf32>,
        %get3A_716 = vector.shape_cast %get3A_715 : vector<1x16xf32> to vector<16xf32>
        %add3A_717 = arith.addf %get3A_712, %get3A_716 : vector<16xf32>
        %mul3A_718 = arith.constant 0.00999999977 : f32
        %mul3A_719 = vector.broadcast %mul3A_718 : f32 to vector<16xf32>
        %mul3A_720 = arith.mulf %mul3A_719, %add3A_717 : vector<16xf32>
        %max3A_721 = arith.maximumf %add3A_717, %mul3A_720 : vector<16xf32>
        %swap3A_722 = arith.index_cast %scan3A_657 : i32 to index
        %swap3A_723 = arith.constant 48 : index
        %swap3A_724 = tpu.vector_load %arg20[%swap3A_722, %swap3A_723] {strides = array<i32>} : memref<40x128xf32, #tpu.memory_space<vmem>>, vector<1x16xf32>,
        %swap3A_725 = vector.shape_cast %swap3A_724 : vector<1x16xf32> to vector<16xf32>
        %swap3A_726 = vector.shape_cast %max3A_721 : vector<16xf32> to vector<1x16xf32>
        tpu.vector_store %arg20[%swap3A_722, %swap3A_723], %swap3A_726 {strides = array<i32>} : memref<40x128xf32, #tpu.memory_space<vmem>>, vector<1x16xf32>,
        %get3A_727 = arith.index_cast %scan3A_657 : i32 to index
        %get3A_728 = arith.constant 64 : index
        %get3A_729 = tpu.vector_load %arg16[%get3A_727, %get3A_728] {strides = array<i32>} : memref<40x128xf32, #tpu.memory_space<vmem>>, vector<1x16xf32>,
        %get3A_730 = vector.shape_cast %get3A_729 : vector<1x16xf32> to vector<16xf32>
        %get3A_731 = arith.index_cast %scan3A_657 : i32 to index
        %get3A_732 = arith.constant 64 : index
        %get3A_733 = tpu.vector_load %arg20[%get3A_731, %get3A_732] {strides = array<i32>} : memref<40x128xf32, #tpu.memory_space<vmem>>, vector<1x16xf32>,
        %get3A_734 = vector.shape_cast %get3A_733 : vector<1x16xf32> to vector<16xf32>
        %add3A_735 = arith.addf %get3A_730, %get3A_734 : vector<16xf32>
        %mul3A_736 = arith.constant 0.00999999977 : f32
        %mul3A_737 = vector.broadcast %mul3A_736 : f32 to vector<16xf32>
        %mul3A_738 = arith.mulf %mul3A_737, %add3A_735 : vector<16xf32>
        %max3A_739 = arith.maximumf %add3A_735, %mul3A_738 : vector<16xf32>
        %swap3A_740 = arith.index_cast %scan3A_657 : i32 to index
        %swap3A_741 = arith.constant 64 : index
        %swap3A_742 = tpu.vector_load %arg20[%swap3A_740, %swap3A_741] {strides = array<i32>} : memref<40x128xf32, #tpu.memory_space<vmem>>, vector<1x16xf32>,
        %swap3A_743 = vector.shape_cast %swap3A_742 : vector<1x16xf32> to vector<16xf32>
        %swap3A_744 = vector.shape_cast %max3A_739 : vector<16xf32> to vector<1x16xf32>
        tpu.vector_store %arg20[%swap3A_740, %swap3A_741], %swap3A_744 {strides = array<i32>} : memref<40x128xf32, #tpu.memory_space<vmem>>, vector<1x16xf32>,
        %get3A_745 = arith.index_cast %scan3A_657 : i32 to index
        %get3A_746 = arith.constant 80 : index
        %get3A_747 = tpu.vector_load %arg16[%get3A_745, %get3A_746] {strides = array<i32>} : memref<40x128xf32, #tpu.memory_space<vmem>>, vector<1x16xf32>,
        %get3A_748 = vector.shape_cast %get3A_747 : vector<1x16xf32> to vector<16xf32>
        %get3A_749 = arith.index_cast %scan3A_657 : i32 to index
        %get3A_750 = arith.constant 80 : index
        %get3A_751 = tpu.vector_load %arg20[%get3A_749, %get3A_750] {strides = array<i32>} : memref<40x128xf32, #tpu.memory_space<vmem>>, vector<1x16xf32>,
        %get3A_752 = vector.shape_cast %get3A_751 : vector<1x16xf32> to vector<16xf32>
        %add3A_753 = arith.addf %get3A_748, %get3A_752 : vector<16xf32>
        %mul3A_754 = arith.constant 0.00999999977 : f32
        %mul3A_755 = vector.broadcast %mul3A_754 : f32 to vector<16xf32>
        %mul3A_756 = arith.mulf %mul3A_755, %add3A_753 : vector<16xf32>
        %max3A_757 = arith.maximumf %add3A_753, %mul3A_756 : vector<16xf32>
        %swap3A_758 = arith.index_cast %scan3A_657 : i32 to index
        %swap3A_759 = arith.constant 80 : index
        %swap3A_760 = tpu.vector_load %arg20[%swap3A_758, %swap3A_759] {strides = array<i32>} : memref<40x128xf32, #tpu.memory_space<vmem>>, vector<1x16xf32>,
        %swap3A_761 = vector.shape_cast %swap3A_760 : vector<1x16xf32> to vector<16xf32>
        %swap3A_762 = vector.shape_cast %max3A_757 : vector<16xf32> to vector<1x16xf32>
        tpu.vector_store %arg20[%swap3A_758, %swap3A_759], %swap3A_762 {strides = array<i32>} : memref<40x128xf32, #tpu.memory_space<vmem>>, vector<1x16xf32>,
        %get3A_763 = arith.index_cast %scan3A_657 : i32 to index
        %get3A_764 = arith.constant 96 : index
        %get3A_765 = tpu.vector_load %arg16[%get3A_763, %get3A_764] {strides = array<i32>} : memref<40x128xf32, #tpu.memory_space<vmem>>, vector<1x16xf32>,
        %get3A_766 = vector.shape_cast %get3A_765 : vector<1x16xf32> to vector<16xf32>
        %get3A_767 = arith.index_cast %scan3A_657 : i32 to index
        %get3A_768 = arith.constant 96 : index
        %get3A_769 = tpu.vector_load %arg20[%get3A_767, %get3A_768] {strides = array<i32>} : memref<40x128xf32, #tpu.memory_space<vmem>>, vector<1x16xf32>,
        %get3A_770 = vector.shape_cast %get3A_769 : vector<1x16xf32> to vector<16xf32>
        %add3A_771 = arith.addf %get3A_766, %get3A_770 : vector<16xf32>
        %mul3A_772 = arith.constant 0.00999999977 : f32
        %mul3A_773 = vector.broadcast %mul3A_772 : f32 to vector<16xf32>
        %mul3A_774 = arith.mulf %mul3A_773, %add3A_771 : vector<16xf32>
        %max3A_775 = arith.maximumf %add3A_771, %mul3A_774 : vector<16xf32>
        %swap3A_776 = arith.index_cast %scan3A_657 : i32 to index
        %swap3A_777 = arith.constant 96 : index
        %swap3A_778 = tpu.vector_load %arg20[%swap3A_776, %swap3A_777] {strides = array<i32>} : memref<40x128xf32, #tpu.memory_space<vmem>>, vector<1x16xf32>,
        %swap3A_779 = vector.shape_cast %swap3A_778 : vector<1x16xf32> to vector<16xf32>
        %swap3A_780 = vector.shape_cast %max3A_775 : vector<16xf32> to vector<1x16xf32>
        tpu.vector_store %arg20[%swap3A_776, %swap3A_777], %swap3A_780 {strides = array<i32>} : memref<40x128xf32, #tpu.memory_space<vmem>>, vector<1x16xf32>,
        %get3A_781 = arith.index_cast %scan3A_657 : i32 to index
        %get3A_782 = arith.constant 112 : index
        %get3A_783 = tpu.vector_load %arg16[%get3A_781, %get3A_782] {strides = array<i32>} : memref<40x128xf32, #tpu.memory_space<vmem>>, vector<1x16xf32>,
        %get3A_784 = vector.shape_cast %get3A_783 : vector<1x16xf32> to vector<16xf32>
        %get3A_785 = arith.index_cast %scan3A_657 : i32 to index
        %get3A_786 = arith.constant 112 : index
        %get3A_787 = tpu.vector_load %arg20[%get3A_785, %get3A_786] {strides = array<i32>} : memref<40x128xf32, #tpu.memory_space<vmem>>, vector<1x16xf32>,
        %get3A_788 = vector.shape_cast %get3A_787 : vector<1x16xf32> to vector<16xf32>
        %add3A_789 = arith.addf %get3A_784, %get3A_788 : vector<16xf32>
        %mul3A_790 = arith.constant 0.00999999977 : f32
        %mul3A_791 = vector.broadcast %mul3A_790 : f32 to vector<16xf32>
        %mul3A_792 = arith.mulf %mul3A_791, %add3A_789 : vector<16xf32>
        %max3A_793 = arith.maximumf %add3A_789, %mul3A_792 : vector<16xf32>
        %swap3A_794 = arith.index_cast %scan3A_657 : i32 to index
        %swap3A_795 = arith.constant 112 : index
        %swap3A_796 = tpu.vector_load %arg20[%swap3A_794, %swap3A_795] {strides = array<i32>} : memref<40x128xf32, #tpu.memory_space<vmem>>, vector<1x16xf32>,
        %swap3A_797 = vector.shape_cast %swap3A_796 : vector<1x16xf32> to vector<16xf32>
        %swap3A_798 = vector.shape_cast %max3A_793 : vector<16xf32> to vector<1x16xf32>
        tpu.vector_store %arg20[%swap3A_794, %swap3A_795], %swap3A_798 {strides = array<i32>} : memref<40x128xf32, #tpu.memory_space<vmem>>, vector<1x16xf32>,
      }
      %scan3A_561 = arith.constant 40 : i32
      %dma_start3A_562 = arith.constant 1 : i32
      %dma_start3A_563 = arith.constant 0 : i32
      %dma_start3A_564 = tpu.memref_slice %arg12[%dma_start3A_562, %dma_start3A_563] : memref<2x40xi32, #tpu.memory_space<vmem>> -> memref<1x40xi32, #tpu.memory_space<vmem>>
      %dma_start3A_565 = tpu.memref_squeeze %dma_start3A_564 : memref<1x40xi32, #tpu.memory_space<vmem>> -> memref<40xi32, #tpu.memory_space<vmem>>
      %dma_start3A_566 = arith.constant 0 : i32
      %dma_start3A_567 = arith.constant 0 : i32
      %dma_start3A_568 = tpu.memref_slice %arg43[%dma_start3A_566, %dma_start3A_567] : memref<10000x128xf32, #tpu.memory_space<vmem_shared>> -> memref<10000x128xf32, #tpu.memory_space<vmem_shared>>
      tpu.enqueue_indirect_dma source(%arg20 : memref<40x128xf32, #tpu.memory_space<vmem>>) target(%dma_start3A_568 : memref<10000x128xf32, #tpu.memory_space<vmem_shared>>) offsets(%dma_start3A_565 : memref<40xi32, #tpu.memory_space<vmem>>) semaphore(%arg40 : memref<!tpu.dma_semaphore, #tpu.memory_space<semaphore_mem>>) {add = true}
      %mul3A_569 = arith.constant 8 : i32
      %mul3A_570 = arith.muli %scan3A_304, %mul3A_569 : i32
      %add3A_571 = arith.constant 6 : i32
      %add3A_572 = arith.addi %mul3A_570, %add3A_571 : i32
      %add3A_573 = arith.constant 2 : i32
      %add3A_574 = arith.addi %add3A_572, %add3A_573 : i32
      %add3A_575 = arith.constant 3 : i32
      %add3A_576 = arith.addi %add3A_572, %add3A_575 : i32
      %lt3A_577 = arith.constant 250 : i32
      %lt3A_578 = arith.cmpi slt, %add3A_576, %lt3A_577 : i32
      %convert_element_type3A_579 = arith.extui %lt3A_578 : i1 to i32
      %cond3A_580 = arith.constant 0 : i32
      %cond3A_581 = arith.cmpi ne, %convert_element_type3A_579, %cond3A_580 : i32
      scf.if %cond3A_581 {
        %mul3A_657 = arith.constant 40 : i32
        %mul3A_658 = arith.muli %add3A_576, %mul3A_657 : i32
        %add3A_659 = arith.addi %add3A_4, %mul3A_658 : i32
        %dma_start3A_660 = arith.constant 0 : i32
        %dma_start3A_661 = arith.constant 0 : i32
        %dma_start3A_662 = tpu.memref_slice %arg8[%dma_start3A_660, %dma_start3A_661] : memref<2x40xi32, #tpu.memory_space<vmem>> -> memref<1x40xi32, #tpu.memory_space<vmem>>
        %dma_start3A_663 = tpu.memref_squeeze %dma_start3A_662 : memref<1x40xi32, #tpu.memory_space<vmem>> -> memref<40xi32, #tpu.memory_space<vmem>>
        %dma_start3A_664 = tpu.memref_slice %arg4[%add3A_659] : memref<320000xi32, #tpu.memory_space<hbm>> -> memref<40xi32, #tpu.memory_space<hbm>>
        %dma_start3A_665 = arith.constant 0 : i32
        %dma_start3A_666 = tpu.memref_slice %arg8[%dma_start3A_660, %dma_start3A_665] : memref<2x40xi32, #tpu.memory_space<vmem>> -> memref<1x40xi32, #tpu.memory_space<vmem>>
        %dma_start3A_667 = tpu.memref_squeeze %dma_start3A_666 : memref<1x40xi32, #tpu.memory_space<vmem>> -> memref<40xi32, #tpu.memory_space<vmem>>
        %dma_start3A_668 = tpu.memref_slice %arg4[%add3A_659] : memref<320000xi32, #tpu.memory_space<hbm>> -> memref<40xi32, #tpu.memory_space<hbm>>
        tpu.enqueue_dma source(%dma_start3A_668 : memref<40xi32, #tpu.memory_space<hbm>>) target(%dma_start3A_667 : memref<40xi32, #tpu.memory_space<vmem>>) target_semaphore(%arg24 : memref<!tpu.dma_semaphore, #tpu.memory_space<semaphore_mem>>)
        %mul3A_669 = arith.constant 40 : i32
        %mul3A_670 = arith.muli %add3A_576, %mul3A_669 : i32
        %add3A_671 = arith.addi %add3A_4, %mul3A_670 : i32
        %dma_start3A_672 = arith.constant 1 : i32
        %dma_start3A_673 = arith.constant 0 : i32
        %dma_start3A_674 = tpu.memref_slice %arg8[%dma_start3A_672, %dma_start3A_673] : memref<2x40xi32, #tpu.memory_space<vmem>> -> memref<1x40xi32, #tpu.memory_space<vmem>>
        %dma_start3A_675 = tpu.memref_squeeze %dma_start3A_674 : memref<1x40xi32, #tpu.memory_space<vmem>> -> memref<40xi32, #tpu.memory_space<vmem>>
        %dma_start3A_676 = tpu.memref_slice %arg5[%add3A_671] : memref<320000xi32, #tpu.memory_space<hbm>> -> memref<40xi32, #tpu.memory_space<hbm>>
        %dma_start3A_677 = arith.constant 0 : i32
        %dma_start3A_678 = tpu.memref_slice %arg8[%dma_start3A_672, %dma_start3A_677] : memref<2x40xi32, #tpu.memory_space<vmem>> -> memref<1x40xi32, #tpu.memory_space<vmem>>
        %dma_start3A_679 = tpu.memref_squeeze %dma_start3A_678 : memref<1x40xi32, #tpu.memory_space<vmem>> -> memref<40xi32, #tpu.memory_space<vmem>>
        %dma_start3A_680 = tpu.memref_slice %arg5[%add3A_671] : memref<320000xi32, #tpu.memory_space<hbm>> -> memref<40xi32, #tpu.memory_space<hbm>>
        tpu.enqueue_dma source(%dma_start3A_680 : memref<40xi32, #tpu.memory_space<hbm>>) target(%dma_start3A_679 : memref<40xi32, #tpu.memory_space<vmem>>) target_semaphore(%arg24 : memref<!tpu.dma_semaphore, #tpu.memory_space<semaphore_mem>>)
      } else {
      }
      %lt3A_582 = arith.constant 250 : i32
      %lt3A_583 = arith.cmpi slt, %add3A_574, %lt3A_582 : i32
      %convert_element_type3A_584 = arith.extui %lt3A_583 : i1 to i32
      %cond3A_585 = arith.constant 0 : i32
      %cond3A_586 = arith.cmpi ne, %convert_element_type3A_584, %cond3A_585 : i32
      scf.if %cond3A_586 {
        %ge3A = arith.constant 2 : i32
        %ge3A_657 = arith.cmpi sge, %add3A_572, %ge3A : i32
        %convert_element_type3A_658 = arith.extui %ge3A_657 : i1 to i32
        %cond3A_659 = arith.constant 0 : i32
        %cond3A_660 = arith.cmpi ne, %convert_element_type3A_658, %cond3A_659 : i32
        scf.if %cond3A_660 {
          %dma_wait3A_697 = arith.constant 1 : i32
          %dma_wait3A_698 = arith.constant 0 : i32
          %dma_wait3A_699 = tpu.memref_slice %arg7[%dma_wait3A_697, %dma_wait3A_698] : memref<2x40xi32, #tpu.memory_space<vmem>> -> memref<1x40xi32, #tpu.memory_space<vmem>>
          %dma_wait3A_700 = tpu.memref_squeeze %dma_wait3A_699 : memref<1x40xi32, #tpu.memory_space<vmem>> -> memref<40xi32, #tpu.memory_space<vmem>>
          %dma_wait3A_701 = arith.constant 0 : i32
          %dma_wait3A_702 = arith.constant 0 : i32
          %dma_wait3A_703 = tpu.memref_slice %arg43[%dma_wait3A_701, %dma_wait3A_702] : memref<10000x128xf32, #tpu.memory_space<vmem_shared>> -> memref<10000x128xf32, #tpu.memory_space<vmem_shared>>
          tpu.wait_indirect_dma semaphore(%arg39 : memref<!tpu.dma_semaphore, #tpu.memory_space<semaphore_mem>>) src(%arg19 : memref<40x128xf32, #tpu.memory_space<vmem>>) dst(%dma_wait3A_703 : memref<10000x128xf32, #tpu.memory_space<vmem_shared>>)
        } else {
        }
        %dma_wait3A_661 = arith.constant 0 : i32
        %dma_wait3A_662 = arith.constant 0 : i32
        %dma_wait3A_663 = tpu.memref_slice %arg7[%dma_wait3A_661, %dma_wait3A_662] : memref<2x40xi32, #tpu.memory_space<vmem>> -> memref<1x40xi32, #tpu.memory_space<vmem>>
        %dma_wait3A_664 = tpu.memref_squeeze %dma_wait3A_663 : memref<1x40xi32, #tpu.memory_space<vmem>> -> memref<40xi32, #tpu.memory_space<vmem>>
        %dma_wait3A_665 = arith.constant 0 : i32
        %dma_wait3A_666 = tpu.memref_slice %arg4[%dma_wait3A_665] : memref<320000xi32, #tpu.memory_space<hbm>> -> memref<40xi32, #tpu.memory_space<hbm>>
        %dma_wait3A_667 = arith.constant 0 : i32
        %dma_wait3A_668 = tpu.memref_slice %arg7[%dma_wait3A_661, %dma_wait3A_667] : memref<2x40xi32, #tpu.memory_space<vmem>> -> memref<1x40xi32, #tpu.memory_space<vmem>>
        %dma_wait3A_669 = tpu.memref_squeeze %dma_wait3A_668 : memref<1x40xi32, #tpu.memory_space<vmem>> -> memref<40xi32, #tpu.memory_space<vmem>>
        %dma_wait3A_670 = arith.constant 0 : i32
        %dma_wait3A_671 = tpu.memref_slice %arg4[%dma_wait3A_670] : memref<320000xi32, #tpu.memory_space<hbm>> -> memref<40xi32, #tpu.memory_space<hbm>>
        tpu.wait_dma2 semaphore(%arg23 : memref<!tpu.dma_semaphore, #tpu.memory_space<semaphore_mem>>) src(%dma_wait3A_671 : memref<40xi32, #tpu.memory_space<hbm>>) dst(%dma_wait3A_669 : memref<40xi32, #tpu.memory_space<vmem>>)
        %dma_wait3A_672 = arith.constant 1 : i32
        %dma_wait3A_673 = arith.constant 0 : i32
        %dma_wait3A_674 = tpu.memref_slice %arg7[%dma_wait3A_672, %dma_wait3A_673] : memref<2x40xi32, #tpu.memory_space<vmem>> -> memref<1x40xi32, #tpu.memory_space<vmem>>
        %dma_wait3A_675 = tpu.memref_squeeze %dma_wait3A_674 : memref<1x40xi32, #tpu.memory_space<vmem>> -> memref<40xi32, #tpu.memory_space<vmem>>
        %dma_wait3A_676 = arith.constant 0 : i32
        %dma_wait3A_677 = tpu.memref_slice %arg4[%dma_wait3A_676] : memref<320000xi32, #tpu.memory_space<hbm>> -> memref<40xi32, #tpu.memory_space<hbm>>
        %dma_wait3A_678 = arith.constant 0 : i32
        %dma_wait3A_679 = tpu.memref_slice %arg7[%dma_wait3A_672, %dma_wait3A_678] : memref<2x40xi32, #tpu.memory_space<vmem>> -> memref<1x40xi32, #tpu.memory_space<vmem>>
        %dma_wait3A_680 = tpu.memref_squeeze %dma_wait3A_679 : memref<1x40xi32, #tpu.memory_space<vmem>> -> memref<40xi32, #tpu.memory_space<vmem>>
        %dma_wait3A_681 = arith.constant 0 : i32
        %dma_wait3A_682 = tpu.memref_slice %arg4[%dma_wait3A_681] : memref<320000xi32, #tpu.memory_space<hbm>> -> memref<40xi32, #tpu.memory_space<hbm>>
        tpu.wait_dma2 semaphore(%arg23 : memref<!tpu.dma_semaphore, #tpu.memory_space<semaphore_mem>>) src(%dma_wait3A_682 : memref<40xi32, #tpu.memory_space<hbm>>) dst(%dma_wait3A_680 : memref<40xi32, #tpu.memory_space<vmem>>)
        %dma_start3A_683 = arith.constant 0 : i32
        %dma_start3A_684 = arith.constant 0 : i32
        %dma_start3A_685 = tpu.memref_slice %arg7[%dma_start3A_683, %dma_start3A_684] : memref<2x40xi32, #tpu.memory_space<vmem>> -> memref<1x40xi32, #tpu.memory_space<vmem>>
        %dma_start3A_686 = tpu.memref_squeeze %dma_start3A_685 : memref<1x40xi32, #tpu.memory_space<vmem>> -> memref<40xi32, #tpu.memory_space<vmem>>
        %dma_start3A_687 = arith.constant 0 : i32
        %dma_start3A_688 = arith.constant 0 : i32
        %dma_start3A_689 = tpu.memref_slice %arg2[%dma_start3A_687, %dma_start3A_688] : memref<10000x128xf32, #tpu.memory_space<hbm>> -> memref<10000x128xf32, #tpu.memory_space<hbm>>
        tpu.enqueue_indirect_dma source(%dma_start3A_689 : memref<10000x128xf32, #tpu.memory_space<hbm>>) target(%arg15 : memref<40x128xf32, #tpu.memory_space<vmem>>) offsets(%dma_start3A_686 : memref<40xi32, #tpu.memory_space<vmem>>) semaphore(%arg31 : memref<!tpu.dma_semaphore, #tpu.memory_space<semaphore_mem>>)
        %mul3A_690 = arith.constant 40 : i32
        %mul3A_691 = arith.muli %add3A_574, %mul3A_690 : i32
        %add3A_692 = arith.addi %mul3A_2, %mul3A_691 : i32
        %dma_start3A_693 = arith.constant 0 : i32
        %dma_start3A_694 = tpu.memref_slice %arg3[%add3A_692, %dma_start3A_693] : memref<320000x128xf32, #tpu.memory_space<hbm>> -> memref<40x128xf32, #tpu.memory_space<hbm>>
        %dma_start3A_695 = arith.constant 0 : i32
        %dma_start3A_696 = tpu.memref_slice %arg3[%add3A_692, %dma_start3A_695] : memref<320000x128xf32, #tpu.memory_space<hbm>> -> memref<40x128xf32, #tpu.memory_space<hbm>>
        tpu.enqueue_dma source(%dma_start3A_696 : memref<40x128xf32, #tpu.memory_space<hbm>>) target(%arg19 : memref<40x128xf32, #tpu.memory_space<vmem>>) target_semaphore(%arg35 : memref<!tpu.dma_semaphore, #tpu.memory_space<semaphore_mem>>)
      } else {
      }
      %dma_wait3A_587 = arith.constant 0 : i32
      %dma_wait3A_588 = arith.constant 0 : i32
      %dma_wait3A_589 = tpu.memref_slice %arg13[%dma_wait3A_587, %dma_wait3A_588] : memref<2x40xi32, #tpu.memory_space<vmem>> -> memref<1x40xi32, #tpu.memory_space<vmem>>
      %dma_wait3A_590 = tpu.memref_squeeze %dma_wait3A_589 : memref<1x40xi32, #tpu.memory_space<vmem>> -> memref<40xi32, #tpu.memory_space<vmem>>
      %dma_wait3A_591 = arith.constant 0 : i32
      %dma_wait3A_592 = arith.constant 0 : i32
      %dma_wait3A_593 = tpu.memref_slice %arg2[%dma_wait3A_591, %dma_wait3A_592] : memref<10000x128xf32, #tpu.memory_space<hbm>> -> memref<10000x128xf32, #tpu.memory_space<hbm>>
      tpu.wait_indirect_dma semaphore(%arg33 : memref<!tpu.dma_semaphore, #tpu.memory_space<semaphore_mem>>) src(%dma_wait3A_593 : memref<10000x128xf32, #tpu.memory_space<hbm>>) dst(%arg17 : memref<40x128xf32, #tpu.memory_space<vmem>>)
      %dma_wait3A_594 = arith.constant 0 : i32
      %dma_wait3A_595 = arith.constant 0 : i32
      %dma_wait3A_596 = tpu.memref_slice %arg3[%dma_wait3A_594, %dma_wait3A_595] : memref<320000x128xf32, #tpu.memory_space<hbm>> -> memref<40x128xf32, #tpu.memory_space<hbm>>
      %dma_wait3A_597 = arith.constant 0 : i32
      %dma_wait3A_598 = arith.constant 0 : i32
      %dma_wait3A_599 = tpu.memref_slice %arg3[%dma_wait3A_597, %dma_wait3A_598] : memref<320000x128xf32, #tpu.memory_space<hbm>> -> memref<40x128xf32, #tpu.memory_space<hbm>>
      tpu.wait_dma2 semaphore(%arg37 : memref<!tpu.dma_semaphore, #tpu.memory_space<semaphore_mem>>) src(%dma_wait3A_599 : memref<40x128xf32, #tpu.memory_space<hbm>>) dst(%arg21 : memref<40x128xf32, #tpu.memory_space<vmem>>)
      %scan3A_600 = arith.constant 0 : i32
      %scan3A_601 = arith.constant 0 : i32
      %scan3A_602 = arith.constant 40 : i32
      %scan3A_603 = arith.addi %scan3A_601, %scan3A_602 : i32
      %scan3A_604 = arith.constant 1 : i32
      scf.for %scan3A_657 = %scan3A_601 to %scan3A_603 step %scan3A_604  : i32 {
        %get3A = arith.index_cast %scan3A_657 : i32 to index
        %get3A_658 = arith.constant 0 : index
        %get3A_659 = tpu.vector_load %arg17[%get3A, %get3A_658] {strides = array<i32>} : memref<40x128xf32, #tpu.memory_space<vmem>>, vector<1x16xf32>,
        %get3A_660 = vector.shape_cast %get3A_659 : vector<1x16xf32> to vector<16xf32>
        %get3A_661 = arith.index_cast %scan3A_657 : i32 to index
        %get3A_662 = arith.constant 0 : index
        %get3A_663 = tpu.vector_load %arg21[%get3A_661, %get3A_662] {strides = array<i32>} : memref<40x128xf32, #tpu.memory_space<vmem>>, vector<1x16xf32>,
        %get3A_664 = vector.shape_cast %get3A_663 : vector<1x16xf32> to vector<16xf32>
        %add3A_665 = arith.addf %get3A_660, %get3A_664 : vector<16xf32>
        %mul3A_666 = arith.constant 0.00999999977 : f32
        %mul3A_667 = vector.broadcast %mul3A_666 : f32 to vector<16xf32>
        %mul3A_668 = arith.mulf %mul3A_667, %add3A_665 : vector<16xf32>
        %max3A = arith.maximumf %add3A_665, %mul3A_668 : vector<16xf32>
        %swap3A = arith.index_cast %scan3A_657 : i32 to index
        %swap3A_669 = arith.constant 0 : index
        %swap3A_670 = tpu.vector_load %arg21[%swap3A, %swap3A_669] {strides = array<i32>} : memref<40x128xf32, #tpu.memory_space<vmem>>, vector<1x16xf32>,
        %swap3A_671 = vector.shape_cast %swap3A_670 : vector<1x16xf32> to vector<16xf32>
        %swap3A_672 = vector.shape_cast %max3A : vector<16xf32> to vector<1x16xf32>
        tpu.vector_store %arg21[%swap3A, %swap3A_669], %swap3A_672 {strides = array<i32>} : memref<40x128xf32, #tpu.memory_space<vmem>>, vector<1x16xf32>,
        %get3A_673 = arith.index_cast %scan3A_657 : i32 to index
        %get3A_674 = arith.constant 16 : index
        %get3A_675 = tpu.vector_load %arg17[%get3A_673, %get3A_674] {strides = array<i32>} : memref<40x128xf32, #tpu.memory_space<vmem>>, vector<1x16xf32>,
        %get3A_676 = vector.shape_cast %get3A_675 : vector<1x16xf32> to vector<16xf32>
        %get3A_677 = arith.index_cast %scan3A_657 : i32 to index
        %get3A_678 = arith.constant 16 : index
        %get3A_679 = tpu.vector_load %arg21[%get3A_677, %get3A_678] {strides = array<i32>} : memref<40x128xf32, #tpu.memory_space<vmem>>, vector<1x16xf32>,
        %get3A_680 = vector.shape_cast %get3A_679 : vector<1x16xf32> to vector<16xf32>
        %add3A_681 = arith.addf %get3A_676, %get3A_680 : vector<16xf32>
        %mul3A_682 = arith.constant 0.00999999977 : f32
        %mul3A_683 = vector.broadcast %mul3A_682 : f32 to vector<16xf32>
        %mul3A_684 = arith.mulf %mul3A_683, %add3A_681 : vector<16xf32>
        %max3A_685 = arith.maximumf %add3A_681, %mul3A_684 : vector<16xf32>
        %swap3A_686 = arith.index_cast %scan3A_657 : i32 to index
        %swap3A_687 = arith.constant 16 : index
        %swap3A_688 = tpu.vector_load %arg21[%swap3A_686, %swap3A_687] {strides = array<i32>} : memref<40x128xf32, #tpu.memory_space<vmem>>, vector<1x16xf32>,
        %swap3A_689 = vector.shape_cast %swap3A_688 : vector<1x16xf32> to vector<16xf32>
        %swap3A_690 = vector.shape_cast %max3A_685 : vector<16xf32> to vector<1x16xf32>
        tpu.vector_store %arg21[%swap3A_686, %swap3A_687], %swap3A_690 {strides = array<i32>} : memref<40x128xf32, #tpu.memory_space<vmem>>, vector<1x16xf32>,
        %get3A_691 = arith.index_cast %scan3A_657 : i32 to index
        %get3A_692 = arith.constant 32 : index
        %get3A_693 = tpu.vector_load %arg17[%get3A_691, %get3A_692] {strides = array<i32>} : memref<40x128xf32, #tpu.memory_space<vmem>>, vector<1x16xf32>,
        %get3A_694 = vector.shape_cast %get3A_693 : vector<1x16xf32> to vector<16xf32>
        %get3A_695 = arith.index_cast %scan3A_657 : i32 to index
        %get3A_696 = arith.constant 32 : index
        %get3A_697 = tpu.vector_load %arg21[%get3A_695, %get3A_696] {strides = array<i32>} : memref<40x128xf32, #tpu.memory_space<vmem>>, vector<1x16xf32>,
        %get3A_698 = vector.shape_cast %get3A_697 : vector<1x16xf32> to vector<16xf32>
        %add3A_699 = arith.addf %get3A_694, %get3A_698 : vector<16xf32>
        %mul3A_700 = arith.constant 0.00999999977 : f32
        %mul3A_701 = vector.broadcast %mul3A_700 : f32 to vector<16xf32>
        %mul3A_702 = arith.mulf %mul3A_701, %add3A_699 : vector<16xf32>
        %max3A_703 = arith.maximumf %add3A_699, %mul3A_702 : vector<16xf32>
        %swap3A_704 = arith.index_cast %scan3A_657 : i32 to index
        %swap3A_705 = arith.constant 32 : index
        %swap3A_706 = tpu.vector_load %arg21[%swap3A_704, %swap3A_705] {strides = array<i32>} : memref<40x128xf32, #tpu.memory_space<vmem>>, vector<1x16xf32>,
        %swap3A_707 = vector.shape_cast %swap3A_706 : vector<1x16xf32> to vector<16xf32>
        %swap3A_708 = vector.shape_cast %max3A_703 : vector<16xf32> to vector<1x16xf32>
        tpu.vector_store %arg21[%swap3A_704, %swap3A_705], %swap3A_708 {strides = array<i32>} : memref<40x128xf32, #tpu.memory_space<vmem>>, vector<1x16xf32>,
        %get3A_709 = arith.index_cast %scan3A_657 : i32 to index
        %get3A_710 = arith.constant 48 : index
        %get3A_711 = tpu.vector_load %arg17[%get3A_709, %get3A_710] {strides = array<i32>} : memref<40x128xf32, #tpu.memory_space<vmem>>, vector<1x16xf32>,
        %get3A_712 = vector.shape_cast %get3A_711 : vector<1x16xf32> to vector<16xf32>
        %get3A_713 = arith.index_cast %scan3A_657 : i32 to index
        %get3A_714 = arith.constant 48 : index
        %get3A_715 = tpu.vector_load %arg21[%get3A_713, %get3A_714] {strides = array<i32>} : memref<40x128xf32, #tpu.memory_space<vmem>>, vector<1x16xf32>,
        %get3A_716 = vector.shape_cast %get3A_715 : vector<1x16xf32> to vector<16xf32>
        %add3A_717 = arith.addf %get3A_712, %get3A_716 : vector<16xf32>
        %mul3A_718 = arith.constant 0.00999999977 : f32
        %mul3A_719 = vector.broadcast %mul3A_718 : f32 to vector<16xf32>
        %mul3A_720 = arith.mulf %mul3A_719, %add3A_717 : vector<16xf32>
        %max3A_721 = arith.maximumf %add3A_717, %mul3A_720 : vector<16xf32>
        %swap3A_722 = arith.index_cast %scan3A_657 : i32 to index
        %swap3A_723 = arith.constant 48 : index
        %swap3A_724 = tpu.vector_load %arg21[%swap3A_722, %swap3A_723] {strides = array<i32>} : memref<40x128xf32, #tpu.memory_space<vmem>>, vector<1x16xf32>,
        %swap3A_725 = vector.shape_cast %swap3A_724 : vector<1x16xf32> to vector<16xf32>
        %swap3A_726 = vector.shape_cast %max3A_721 : vector<16xf32> to vector<1x16xf32>
        tpu.vector_store %arg21[%swap3A_722, %swap3A_723], %swap3A_726 {strides = array<i32>} : memref<40x128xf32, #tpu.memory_space<vmem>>, vector<1x16xf32>,
        %get3A_727 = arith.index_cast %scan3A_657 : i32 to index
        %get3A_728 = arith.constant 64 : index
        %get3A_729 = tpu.vector_load %arg17[%get3A_727, %get3A_728] {strides = array<i32>} : memref<40x128xf32, #tpu.memory_space<vmem>>, vector<1x16xf32>,
        %get3A_730 = vector.shape_cast %get3A_729 : vector<1x16xf32> to vector<16xf32>
        %get3A_731 = arith.index_cast %scan3A_657 : i32 to index
        %get3A_732 = arith.constant 64 : index
        %get3A_733 = tpu.vector_load %arg21[%get3A_731, %get3A_732] {strides = array<i32>} : memref<40x128xf32, #tpu.memory_space<vmem>>, vector<1x16xf32>,
        %get3A_734 = vector.shape_cast %get3A_733 : vector<1x16xf32> to vector<16xf32>
        %add3A_735 = arith.addf %get3A_730, %get3A_734 : vector<16xf32>
        %mul3A_736 = arith.constant 0.00999999977 : f32
        %mul3A_737 = vector.broadcast %mul3A_736 : f32 to vector<16xf32>
        %mul3A_738 = arith.mulf %mul3A_737, %add3A_735 : vector<16xf32>
        %max3A_739 = arith.maximumf %add3A_735, %mul3A_738 : vector<16xf32>
        %swap3A_740 = arith.index_cast %scan3A_657 : i32 to index
        %swap3A_741 = arith.constant 64 : index
        %swap3A_742 = tpu.vector_load %arg21[%swap3A_740, %swap3A_741] {strides = array<i32>} : memref<40x128xf32, #tpu.memory_space<vmem>>, vector<1x16xf32>,
        %swap3A_743 = vector.shape_cast %swap3A_742 : vector<1x16xf32> to vector<16xf32>
        %swap3A_744 = vector.shape_cast %max3A_739 : vector<16xf32> to vector<1x16xf32>
        tpu.vector_store %arg21[%swap3A_740, %swap3A_741], %swap3A_744 {strides = array<i32>} : memref<40x128xf32, #tpu.memory_space<vmem>>, vector<1x16xf32>,
        %get3A_745 = arith.index_cast %scan3A_657 : i32 to index
        %get3A_746 = arith.constant 80 : index
        %get3A_747 = tpu.vector_load %arg17[%get3A_745, %get3A_746] {strides = array<i32>} : memref<40x128xf32, #tpu.memory_space<vmem>>, vector<1x16xf32>,
        %get3A_748 = vector.shape_cast %get3A_747 : vector<1x16xf32> to vector<16xf32>
        %get3A_749 = arith.index_cast %scan3A_657 : i32 to index
        %get3A_750 = arith.constant 80 : index
        %get3A_751 = tpu.vector_load %arg21[%get3A_749, %get3A_750] {strides = array<i32>} : memref<40x128xf32, #tpu.memory_space<vmem>>, vector<1x16xf32>,
        %get3A_752 = vector.shape_cast %get3A_751 : vector<1x16xf32> to vector<16xf32>
        %add3A_753 = arith.addf %get3A_748, %get3A_752 : vector<16xf32>
        %mul3A_754 = arith.constant 0.00999999977 : f32
        %mul3A_755 = vector.broadcast %mul3A_754 : f32 to vector<16xf32>
        %mul3A_756 = arith.mulf %mul3A_755, %add3A_753 : vector<16xf32>
        %max3A_757 = arith.maximumf %add3A_753, %mul3A_756 : vector<16xf32>
        %swap3A_758 = arith.index_cast %scan3A_657 : i32 to index
        %swap3A_759 = arith.constant 80 : index
        %swap3A_760 = tpu.vector_load %arg21[%swap3A_758, %swap3A_759] {strides = array<i32>} : memref<40x128xf32, #tpu.memory_space<vmem>>, vector<1x16xf32>,
        %swap3A_761 = vector.shape_cast %swap3A_760 : vector<1x16xf32> to vector<16xf32>
        %swap3A_762 = vector.shape_cast %max3A_757 : vector<16xf32> to vector<1x16xf32>
        tpu.vector_store %arg21[%swap3A_758, %swap3A_759], %swap3A_762 {strides = array<i32>} : memref<40x128xf32, #tpu.memory_space<vmem>>, vector<1x16xf32>,
        %get3A_763 = arith.index_cast %scan3A_657 : i32 to index
        %get3A_764 = arith.constant 96 : index
        %get3A_765 = tpu.vector_load %arg17[%get3A_763, %get3A_764] {strides = array<i32>} : memref<40x128xf32, #tpu.memory_space<vmem>>, vector<1x16xf32>,
        %get3A_766 = vector.shape_cast %get3A_765 : vector<1x16xf32> to vector<16xf32>
        %get3A_767 = arith.index_cast %scan3A_657 : i32 to index
        %get3A_768 = arith.constant 96 : index
        %get3A_769 = tpu.vector_load %arg21[%get3A_767, %get3A_768] {strides = array<i32>} : memref<40x128xf32, #tpu.memory_space<vmem>>, vector<1x16xf32>,
        %get3A_770 = vector.shape_cast %get3A_769 : vector<1x16xf32> to vector<16xf32>
        %add3A_771 = arith.addf %get3A_766, %get3A_770 : vector<16xf32>
        %mul3A_772 = arith.constant 0.00999999977 : f32
        %mul3A_773 = vector.broadcast %mul3A_772 : f32 to vector<16xf32>
        %mul3A_774 = arith.mulf %mul3A_773, %add3A_771 : vector<16xf32>
        %max3A_775 = arith.maximumf %add3A_771, %mul3A_774 : vector<16xf32>
        %swap3A_776 = arith.index_cast %scan3A_657 : i32 to index
        %swap3A_777 = arith.constant 96 : index
        %swap3A_778 = tpu.vector_load %arg21[%swap3A_776, %swap3A_777] {strides = array<i32>} : memref<40x128xf32, #tpu.memory_space<vmem>>, vector<1x16xf32>,
        %swap3A_779 = vector.shape_cast %swap3A_778 : vector<1x16xf32> to vector<16xf32>
        %swap3A_780 = vector.shape_cast %max3A_775 : vector<16xf32> to vector<1x16xf32>
        tpu.vector_store %arg21[%swap3A_776, %swap3A_777], %swap3A_780 {strides = array<i32>} : memref<40x128xf32, #tpu.memory_space<vmem>>, vector<1x16xf32>,
        %get3A_781 = arith.index_cast %scan3A_657 : i32 to index
        %get3A_782 = arith.constant 112 : index
        %get3A_783 = tpu.vector_load %arg17[%get3A_781, %get3A_782] {strides = array<i32>} : memref<40x128xf32, #tpu.memory_space<vmem>>, vector<1x16xf32>,
        %get3A_784 = vector.shape_cast %get3A_783 : vector<1x16xf32> to vector<16xf32>
        %get3A_785 = arith.index_cast %scan3A_657 : i32 to index
        %get3A_786 = arith.constant 112 : index
        %get3A_787 = tpu.vector_load %arg21[%get3A_785, %get3A_786] {strides = array<i32>} : memref<40x128xf32, #tpu.memory_space<vmem>>, vector<1x16xf32>,
        %get3A_788 = vector.shape_cast %get3A_787 : vector<1x16xf32> to vector<16xf32>
        %add3A_789 = arith.addf %get3A_784, %get3A_788 : vector<16xf32>
        %mul3A_790 = arith.constant 0.00999999977 : f32
        %mul3A_791 = vector.broadcast %mul3A_790 : f32 to vector<16xf32>
        %mul3A_792 = arith.mulf %mul3A_791, %add3A_789 : vector<16xf32>
        %max3A_793 = arith.maximumf %add3A_789, %mul3A_792 : vector<16xf32>
        %swap3A_794 = arith.index_cast %scan3A_657 : i32 to index
        %swap3A_795 = arith.constant 112 : index
        %swap3A_796 = tpu.vector_load %arg21[%swap3A_794, %swap3A_795] {strides = array<i32>} : memref<40x128xf32, #tpu.memory_space<vmem>>, vector<1x16xf32>,
        %swap3A_797 = vector.shape_cast %swap3A_796 : vector<1x16xf32> to vector<16xf32>
        %swap3A_798 = vector.shape_cast %max3A_793 : vector<16xf32> to vector<1x16xf32>
        tpu.vector_store %arg21[%swap3A_794, %swap3A_795], %swap3A_798 {strides = array<i32>} : memref<40x128xf32, #tpu.memory_space<vmem>>, vector<1x16xf32>,
      }
      %scan3A_605 = arith.constant 40 : i32
      %dma_start3A_606 = arith.constant 1 : i32
      %dma_start3A_607 = arith.constant 0 : i32
      %dma_start3A_608 = tpu.memref_slice %arg13[%dma_start3A_606, %dma_start3A_607] : memref<2x40xi32, #tpu.memory_space<vmem>> -> memref<1x40xi32, #tpu.memory_space<vmem>>
      %dma_start3A_609 = tpu.memref_squeeze %dma_start3A_608 : memref<1x40xi32, #tpu.memory_space<vmem>> -> memref<40xi32, #tpu.memory_space<vmem>>
      %dma_start3A_610 = arith.constant 0 : i32
      %dma_start3A_611 = arith.constant 0 : i32
      %dma_start3A_612 = tpu.memref_slice %arg43[%dma_start3A_610, %dma_start3A_611] : memref<10000x128xf32, #tpu.memory_space<vmem_shared>> -> memref<10000x128xf32, #tpu.memory_space<vmem_shared>>
      tpu.enqueue_indirect_dma source(%arg21 : memref<40x128xf32, #tpu.memory_space<vmem>>) target(%dma_start3A_612 : memref<10000x128xf32, #tpu.memory_space<vmem_shared>>) offsets(%dma_start3A_609 : memref<40xi32, #tpu.memory_space<vmem>>) semaphore(%arg41 : memref<!tpu.dma_semaphore, #tpu.memory_space<semaphore_mem>>) {add = true}
      %mul3A_613 = arith.constant 8 : i32
      %mul3A_614 = arith.muli %scan3A_304, %mul3A_613 : i32
      %add3A_615 = arith.constant 7 : i32
      %add3A_616 = arith.addi %mul3A_614, %add3A_615 : i32
      %add3A_617 = arith.constant 2 : i32
      %add3A_618 = arith.addi %add3A_616, %add3A_617 : i32
      %add3A_619 = arith.constant 3 : i32
      %add3A_620 = arith.addi %add3A_616, %add3A_619 : i32
      %lt3A_621 = arith.constant 250 : i32
      %lt3A_622 = arith.cmpi slt, %add3A_620, %lt3A_621 : i32
      %convert_element_type3A_623 = arith.extui %lt3A_622 : i1 to i32
      %cond3A_624 = arith.constant 0 : i32
      %cond3A_625 = arith.cmpi ne, %convert_element_type3A_623, %cond3A_624 : i32
      scf.if %cond3A_625 {
        %mul3A_657 = arith.constant 40 : i32
        %mul3A_658 = arith.muli %add3A_620, %mul3A_657 : i32
        %add3A_659 = arith.addi %add3A_4, %mul3A_658 : i32
        %dma_start3A_660 = arith.constant 0 : i32
        %dma_start3A_661 = arith.constant 0 : i32
        %dma_start3A_662 = tpu.memref_slice %arg9[%dma_start3A_660, %dma_start3A_661] : memref<2x40xi32, #tpu.memory_space<vmem>> -> memref<1x40xi32, #tpu.memory_space<vmem>>
        %dma_start3A_663 = tpu.memref_squeeze %dma_start3A_662 : memref<1x40xi32, #tpu.memory_space<vmem>> -> memref<40xi32, #tpu.memory_space<vmem>>
        %dma_start3A_664 = tpu.memref_slice %arg4[%add3A_659] : memref<320000xi32, #tpu.memory_space<hbm>> -> memref<40xi32, #tpu.memory_space<hbm>>
        %dma_start3A_665 = arith.constant 0 : i32
        %dma_start3A_666 = tpu.memref_slice %arg9[%dma_start3A_660, %dma_start3A_665] : memref<2x40xi32, #tpu.memory_space<vmem>> -> memref<1x40xi32, #tpu.memory_space<vmem>>
        %dma_start3A_667 = tpu.memref_squeeze %dma_start3A_666 : memref<1x40xi32, #tpu.memory_space<vmem>> -> memref<40xi32, #tpu.memory_space<vmem>>
        %dma_start3A_668 = tpu.memref_slice %arg4[%add3A_659] : memref<320000xi32, #tpu.memory_space<hbm>> -> memref<40xi32, #tpu.memory_space<hbm>>
        tpu.enqueue_dma source(%dma_start3A_668 : memref<40xi32, #tpu.memory_space<hbm>>) target(%dma_start3A_667 : memref<40xi32, #tpu.memory_space<vmem>>) target_semaphore(%arg25 : memref<!tpu.dma_semaphore, #tpu.memory_space<semaphore_mem>>)
        %mul3A_669 = arith.constant 40 : i32
        %mul3A_670 = arith.muli %add3A_620, %mul3A_669 : i32
        %add3A_671 = arith.addi %add3A_4, %mul3A_670 : i32
        %dma_start3A_672 = arith.constant 1 : i32
        %dma_start3A_673 = arith.constant 0 : i32
        %dma_start3A_674 = tpu.memref_slice %arg9[%dma_start3A_672, %dma_start3A_673] : memref<2x40xi32, #tpu.memory_space<vmem>> -> memref<1x40xi32, #tpu.memory_space<vmem>>
        %dma_start3A_675 = tpu.memref_squeeze %dma_start3A_674 : memref<1x40xi32, #tpu.memory_space<vmem>> -> memref<40xi32, #tpu.memory_space<vmem>>
        %dma_start3A_676 = tpu.memref_slice %arg5[%add3A_671] : memref<320000xi32, #tpu.memory_space<hbm>> -> memref<40xi32, #tpu.memory_space<hbm>>
        %dma_start3A_677 = arith.constant 0 : i32
        %dma_start3A_678 = tpu.memref_slice %arg9[%dma_start3A_672, %dma_start3A_677] : memref<2x40xi32, #tpu.memory_space<vmem>> -> memref<1x40xi32, #tpu.memory_space<vmem>>
        %dma_start3A_679 = tpu.memref_squeeze %dma_start3A_678 : memref<1x40xi32, #tpu.memory_space<vmem>> -> memref<40xi32, #tpu.memory_space<vmem>>
        %dma_start3A_680 = tpu.memref_slice %arg5[%add3A_671] : memref<320000xi32, #tpu.memory_space<hbm>> -> memref<40xi32, #tpu.memory_space<hbm>>
        tpu.enqueue_dma source(%dma_start3A_680 : memref<40xi32, #tpu.memory_space<hbm>>) target(%dma_start3A_679 : memref<40xi32, #tpu.memory_space<vmem>>) target_semaphore(%arg25 : memref<!tpu.dma_semaphore, #tpu.memory_space<semaphore_mem>>)
      } else {
      }
      %lt3A_626 = arith.constant 250 : i32
      %lt3A_627 = arith.cmpi slt, %add3A_618, %lt3A_626 : i32
      %convert_element_type3A_628 = arith.extui %lt3A_627 : i1 to i32
      %cond3A_629 = arith.constant 0 : i32
      %cond3A_630 = arith.cmpi ne, %convert_element_type3A_628, %cond3A_629 : i32
      scf.if %cond3A_630 {
        %ge3A = arith.constant 2 : i32
        %ge3A_657 = arith.cmpi sge, %add3A_616, %ge3A : i32
        %convert_element_type3A_658 = arith.extui %ge3A_657 : i1 to i32
        %cond3A_659 = arith.constant 0 : i32
        %cond3A_660 = arith.cmpi ne, %convert_element_type3A_658, %cond3A_659 : i32
        scf.if %cond3A_660 {
          %dma_wait3A_697 = arith.constant 1 : i32
          %dma_wait3A_698 = arith.constant 0 : i32
          %dma_wait3A_699 = tpu.memref_slice %arg7[%dma_wait3A_697, %dma_wait3A_698] : memref<2x40xi32, #tpu.memory_space<vmem>> -> memref<1x40xi32, #tpu.memory_space<vmem>>
          %dma_wait3A_700 = tpu.memref_squeeze %dma_wait3A_699 : memref<1x40xi32, #tpu.memory_space<vmem>> -> memref<40xi32, #tpu.memory_space<vmem>>
          %dma_wait3A_701 = arith.constant 0 : i32
          %dma_wait3A_702 = arith.constant 0 : i32
          %dma_wait3A_703 = tpu.memref_slice %arg43[%dma_wait3A_701, %dma_wait3A_702] : memref<10000x128xf32, #tpu.memory_space<vmem_shared>> -> memref<10000x128xf32, #tpu.memory_space<vmem_shared>>
          tpu.wait_indirect_dma semaphore(%arg40 : memref<!tpu.dma_semaphore, #tpu.memory_space<semaphore_mem>>) src(%arg20 : memref<40x128xf32, #tpu.memory_space<vmem>>) dst(%dma_wait3A_703 : memref<10000x128xf32, #tpu.memory_space<vmem_shared>>)
        } else {
        }
        %dma_wait3A_661 = arith.constant 0 : i32
        %dma_wait3A_662 = arith.constant 0 : i32
        %dma_wait3A_663 = tpu.memref_slice %arg8[%dma_wait3A_661, %dma_wait3A_662] : memref<2x40xi32, #tpu.memory_space<vmem>> -> memref<1x40xi32, #tpu.memory_space<vmem>>
        %dma_wait3A_664 = tpu.memref_squeeze %dma_wait3A_663 : memref<1x40xi32, #tpu.memory_space<vmem>> -> memref<40xi32, #tpu.memory_space<vmem>>
        %dma_wait3A_665 = arith.constant 0 : i32
        %dma_wait3A_666 = tpu.memref_slice %arg4[%dma_wait3A_665] : memref<320000xi32, #tpu.memory_space<hbm>> -> memref<40xi32, #tpu.memory_space<hbm>>
        %dma_wait3A_667 = arith.constant 0 : i32
        %dma_wait3A_668 = tpu.memref_slice %arg8[%dma_wait3A_661, %dma_wait3A_667] : memref<2x40xi32, #tpu.memory_space<vmem>> -> memref<1x40xi32, #tpu.memory_space<vmem>>
        %dma_wait3A_669 = tpu.memref_squeeze %dma_wait3A_668 : memref<1x40xi32, #tpu.memory_space<vmem>> -> memref<40xi32, #tpu.memory_space<vmem>>
        %dma_wait3A_670 = arith.constant 0 : i32
        %dma_wait3A_671 = tpu.memref_slice %arg4[%dma_wait3A_670] : memref<320000xi32, #tpu.memory_space<hbm>> -> memref<40xi32, #tpu.memory_space<hbm>>
        tpu.wait_dma2 semaphore(%arg24 : memref<!tpu.dma_semaphore, #tpu.memory_space<semaphore_mem>>) src(%dma_wait3A_671 : memref<40xi32, #tpu.memory_space<hbm>>) dst(%dma_wait3A_669 : memref<40xi32, #tpu.memory_space<vmem>>)
        %dma_wait3A_672 = arith.constant 1 : i32
        %dma_wait3A_673 = arith.constant 0 : i32
        %dma_wait3A_674 = tpu.memref_slice %arg8[%dma_wait3A_672, %dma_wait3A_673] : memref<2x40xi32, #tpu.memory_space<vmem>> -> memref<1x40xi32, #tpu.memory_space<vmem>>
        %dma_wait3A_675 = tpu.memref_squeeze %dma_wait3A_674 : memref<1x40xi32, #tpu.memory_space<vmem>> -> memref<40xi32, #tpu.memory_space<vmem>>
        %dma_wait3A_676 = arith.constant 0 : i32
        %dma_wait3A_677 = tpu.memref_slice %arg4[%dma_wait3A_676] : memref<320000xi32, #tpu.memory_space<hbm>> -> memref<40xi32, #tpu.memory_space<hbm>>
        %dma_wait3A_678 = arith.constant 0 : i32
        %dma_wait3A_679 = tpu.memref_slice %arg8[%dma_wait3A_672, %dma_wait3A_678] : memref<2x40xi32, #tpu.memory_space<vmem>> -> memref<1x40xi32, #tpu.memory_space<vmem>>
        %dma_wait3A_680 = tpu.memref_squeeze %dma_wait3A_679 : memref<1x40xi32, #tpu.memory_space<vmem>> -> memref<40xi32, #tpu.memory_space<vmem>>
        %dma_wait3A_681 = arith.constant 0 : i32
        %dma_wait3A_682 = tpu.memref_slice %arg4[%dma_wait3A_681] : memref<320000xi32, #tpu.memory_space<hbm>> -> memref<40xi32, #tpu.memory_space<hbm>>
        tpu.wait_dma2 semaphore(%arg24 : memref<!tpu.dma_semaphore, #tpu.memory_space<semaphore_mem>>) src(%dma_wait3A_682 : memref<40xi32, #tpu.memory_space<hbm>>) dst(%dma_wait3A_680 : memref<40xi32, #tpu.memory_space<vmem>>)
        %dma_start3A_683 = arith.constant 0 : i32
        %dma_start3A_684 = arith.constant 0 : i32
        %dma_start3A_685 = tpu.memref_slice %arg8[%dma_start3A_683, %dma_start3A_684] : memref<2x40xi32, #tpu.memory_space<vmem>> -> memref<1x40xi32, #tpu.memory_space<vmem>>
        %dma_start3A_686 = tpu.memref_squeeze %dma_start3A_685 : memref<1x40xi32, #tpu.memory_space<vmem>> -> memref<40xi32, #tpu.memory_space<vmem>>
        %dma_start3A_687 = arith.constant 0 : i32
        %dma_start3A_688 = arith.constant 0 : i32
        %dma_start3A_689 = tpu.memref_slice %arg2[%dma_start3A_687, %dma_start3A_688] : memref<10000x128xf32, #tpu.memory_space<hbm>> -> memref<10000x128xf32, #tpu.memory_space<hbm>>
        tpu.enqueue_indirect_dma source(%dma_start3A_689 : memref<10000x128xf32, #tpu.memory_space<hbm>>) target(%arg16 : memref<40x128xf32, #tpu.memory_space<vmem>>) offsets(%dma_start3A_686 : memref<40xi32, #tpu.memory_space<vmem>>) semaphore(%arg32 : memref<!tpu.dma_semaphore, #tpu.memory_space<semaphore_mem>>)
        %mul3A_690 = arith.constant 40 : i32
        %mul3A_691 = arith.muli %add3A_618, %mul3A_690 : i32
        %add3A_692 = arith.addi %mul3A_2, %mul3A_691 : i32
        %dma_start3A_693 = arith.constant 0 : i32
        %dma_start3A_694 = tpu.memref_slice %arg3[%add3A_692, %dma_start3A_693] : memref<320000x128xf32, #tpu.memory_space<hbm>> -> memref<40x128xf32, #tpu.memory_space<hbm>>
        %dma_start3A_695 = arith.constant 0 : i32
        %dma_start3A_696 = tpu.memref_slice %arg3[%add3A_692, %dma_start3A_695] : memref<320000x128xf32, #tpu.memory_space<hbm>> -> memref<40x128xf32, #tpu.memory_space<hbm>>
        tpu.enqueue_dma source(%dma_start3A_696 : memref<40x128xf32, #tpu.memory_space<hbm>>) target(%arg20 : memref<40x128xf32, #tpu.memory_space<vmem>>) target_semaphore(%arg36 : memref<!tpu.dma_semaphore, #tpu.memory_space<semaphore_mem>>)
      } else {
      }
      %dma_wait3A_631 = arith.constant 0 : i32
      %dma_wait3A_632 = arith.constant 0 : i32
      %dma_wait3A_633 = tpu.memref_slice %arg14[%dma_wait3A_631, %dma_wait3A_632] : memref<2x40xi32, #tpu.memory_space<vmem>> -> memref<1x40xi32, #tpu.memory_space<vmem>>
      %dma_wait3A_634 = tpu.memref_squeeze %dma_wait3A_633 : memref<1x40xi32, #tpu.memory_space<vmem>> -> memref<40xi32, #tpu.memory_space<vmem>>
      %dma_wait3A_635 = arith.constant 0 : i32
      %dma_wait3A_636 = arith.constant 0 : i32
      %dma_wait3A_637 = tpu.memref_slice %arg2[%dma_wait3A_635, %dma_wait3A_636] : memref<10000x128xf32, #tpu.memory_space<hbm>> -> memref<10000x128xf32, #tpu.memory_space<hbm>>
      tpu.wait_indirect_dma semaphore(%arg34 : memref<!tpu.dma_semaphore, #tpu.memory_space<semaphore_mem>>) src(%dma_wait3A_637 : memref<10000x128xf32, #tpu.memory_space<hbm>>) dst(%arg18 : memref<40x128xf32, #tpu.memory_space<vmem>>)
      %dma_wait3A_638 = arith.constant 0 : i32
      %dma_wait3A_639 = arith.constant 0 : i32
      %dma_wait3A_640 = tpu.memref_slice %arg3[%dma_wait3A_638, %dma_wait3A_639] : memref<320000x128xf32, #tpu.memory_space<hbm>> -> memref<40x128xf32, #tpu.memory_space<hbm>>
      %dma_wait3A_641 = arith.constant 0 : i32
      %dma_wait3A_642 = arith.constant 0 : i32
      %dma_wait3A_643 = tpu.memref_slice %arg3[%dma_wait3A_641, %dma_wait3A_642] : memref<320000x128xf32, #tpu.memory_space<hbm>> -> memref<40x128xf32, #tpu.memory_space<hbm>>
      tpu.wait_dma2 semaphore(%arg38 : memref<!tpu.dma_semaphore, #tpu.memory_space<semaphore_mem>>) src(%dma_wait3A_643 : memref<40x128xf32, #tpu.memory_space<hbm>>) dst(%arg22 : memref<40x128xf32, #tpu.memory_space<vmem>>)
      %scan3A_644 = arith.constant 0 : i32
      %scan3A_645 = arith.constant 0 : i32
      %scan3A_646 = arith.constant 40 : i32
      %scan3A_647 = arith.addi %scan3A_645, %scan3A_646 : i32
      %scan3A_648 = arith.constant 1 : i32
      scf.for %scan3A_657 = %scan3A_645 to %scan3A_647 step %scan3A_648  : i32 {
        %get3A = arith.index_cast %scan3A_657 : i32 to index
        %get3A_658 = arith.constant 0 : index
        %get3A_659 = tpu.vector_load %arg18[%get3A, %get3A_658] {strides = array<i32>} : memref<40x128xf32, #tpu.memory_space<vmem>>, vector<1x16xf32>,
        %get3A_660 = vector.shape_cast %get3A_659 : vector<1x16xf32> to vector<16xf32>
        %get3A_661 = arith.index_cast %scan3A_657 : i32 to index
        %get3A_662 = arith.constant 0 : index
        %get3A_663 = tpu.vector_load %arg22[%get3A_661, %get3A_662] {strides = array<i32>} : memref<40x128xf32, #tpu.memory_space<vmem>>, vector<1x16xf32>,
        %get3A_664 = vector.shape_cast %get3A_663 : vector<1x16xf32> to vector<16xf32>
        %add3A_665 = arith.addf %get3A_660, %get3A_664 : vector<16xf32>
        %mul3A_666 = arith.constant 0.00999999977 : f32
        %mul3A_667 = vector.broadcast %mul3A_666 : f32 to vector<16xf32>
        %mul3A_668 = arith.mulf %mul3A_667, %add3A_665 : vector<16xf32>
        %max3A = arith.maximumf %add3A_665, %mul3A_668 : vector<16xf32>
        %swap3A = arith.index_cast %scan3A_657 : i32 to index
        %swap3A_669 = arith.constant 0 : index
        %swap3A_670 = tpu.vector_load %arg22[%swap3A, %swap3A_669] {strides = array<i32>} : memref<40x128xf32, #tpu.memory_space<vmem>>, vector<1x16xf32>,
        %swap3A_671 = vector.shape_cast %swap3A_670 : vector<1x16xf32> to vector<16xf32>
        %swap3A_672 = vector.shape_cast %max3A : vector<16xf32> to vector<1x16xf32>
        tpu.vector_store %arg22[%swap3A, %swap3A_669], %swap3A_672 {strides = array<i32>} : memref<40x128xf32, #tpu.memory_space<vmem>>, vector<1x16xf32>,
        %get3A_673 = arith.index_cast %scan3A_657 : i32 to index
        %get3A_674 = arith.constant 16 : index
        %get3A_675 = tpu.vector_load %arg18[%get3A_673, %get3A_674] {strides = array<i32>} : memref<40x128xf32, #tpu.memory_space<vmem>>, vector<1x16xf32>,
        %get3A_676 = vector.shape_cast %get3A_675 : vector<1x16xf32> to vector<16xf32>
        %get3A_677 = arith.index_cast %scan3A_657 : i32 to index
        %get3A_678 = arith.constant 16 : index
        %get3A_679 = tpu.vector_load %arg22[%get3A_677, %get3A_678] {strides = array<i32>} : memref<40x128xf32, #tpu.memory_space<vmem>>, vector<1x16xf32>,
        %get3A_680 = vector.shape_cast %get3A_679 : vector<1x16xf32> to vector<16xf32>
        %add3A_681 = arith.addf %get3A_676, %get3A_680 : vector<16xf32>
        %mul3A_682 = arith.constant 0.00999999977 : f32
        %mul3A_683 = vector.broadcast %mul3A_682 : f32 to vector<16xf32>
        %mul3A_684 = arith.mulf %mul3A_683, %add3A_681 : vector<16xf32>
        %max3A_685 = arith.maximumf %add3A_681, %mul3A_684 : vector<16xf32>
        %swap3A_686 = arith.index_cast %scan3A_657 : i32 to index
        %swap3A_687 = arith.constant 16 : index
        %swap3A_688 = tpu.vector_load %arg22[%swap3A_686, %swap3A_687] {strides = array<i32>} : memref<40x128xf32, #tpu.memory_space<vmem>>, vector<1x16xf32>,
        %swap3A_689 = vector.shape_cast %swap3A_688 : vector<1x16xf32> to vector<16xf32>
        %swap3A_690 = vector.shape_cast %max3A_685 : vector<16xf32> to vector<1x16xf32>
        tpu.vector_store %arg22[%swap3A_686, %swap3A_687], %swap3A_690 {strides = array<i32>} : memref<40x128xf32, #tpu.memory_space<vmem>>, vector<1x16xf32>,
        %get3A_691 = arith.index_cast %scan3A_657 : i32 to index
        %get3A_692 = arith.constant 32 : index
        %get3A_693 = tpu.vector_load %arg18[%get3A_691, %get3A_692] {strides = array<i32>} : memref<40x128xf32, #tpu.memory_space<vmem>>, vector<1x16xf32>,
        %get3A_694 = vector.shape_cast %get3A_693 : vector<1x16xf32> to vector<16xf32>
        %get3A_695 = arith.index_cast %scan3A_657 : i32 to index
        %get3A_696 = arith.constant 32 : index
        %get3A_697 = tpu.vector_load %arg22[%get3A_695, %get3A_696] {strides = array<i32>} : memref<40x128xf32, #tpu.memory_space<vmem>>, vector<1x16xf32>,
        %get3A_698 = vector.shape_cast %get3A_697 : vector<1x16xf32> to vector<16xf32>
        %add3A_699 = arith.addf %get3A_694, %get3A_698 : vector<16xf32>
        %mul3A_700 = arith.constant 0.00999999977 : f32
        %mul3A_701 = vector.broadcast %mul3A_700 : f32 to vector<16xf32>
        %mul3A_702 = arith.mulf %mul3A_701, %add3A_699 : vector<16xf32>
        %max3A_703 = arith.maximumf %add3A_699, %mul3A_702 : vector<16xf32>
        %swap3A_704 = arith.index_cast %scan3A_657 : i32 to index
        %swap3A_705 = arith.constant 32 : index
        %swap3A_706 = tpu.vector_load %arg22[%swap3A_704, %swap3A_705] {strides = array<i32>} : memref<40x128xf32, #tpu.memory_space<vmem>>, vector<1x16xf32>,
        %swap3A_707 = vector.shape_cast %swap3A_706 : vector<1x16xf32> to vector<16xf32>
        %swap3A_708 = vector.shape_cast %max3A_703 : vector<16xf32> to vector<1x16xf32>
        tpu.vector_store %arg22[%swap3A_704, %swap3A_705], %swap3A_708 {strides = array<i32>} : memref<40x128xf32, #tpu.memory_space<vmem>>, vector<1x16xf32>,
        %get3A_709 = arith.index_cast %scan3A_657 : i32 to index
        %get3A_710 = arith.constant 48 : index
        %get3A_711 = tpu.vector_load %arg18[%get3A_709, %get3A_710] {strides = array<i32>} : memref<40x128xf32, #tpu.memory_space<vmem>>, vector<1x16xf32>,
        %get3A_712 = vector.shape_cast %get3A_711 : vector<1x16xf32> to vector<16xf32>
        %get3A_713 = arith.index_cast %scan3A_657 : i32 to index
        %get3A_714 = arith.constant 48 : index
        %get3A_715 = tpu.vector_load %arg22[%get3A_713, %get3A_714] {strides = array<i32>} : memref<40x128xf32, #tpu.memory_space<vmem>>, vector<1x16xf32>,
        %get3A_716 = vector.shape_cast %get3A_715 : vector<1x16xf32> to vector<16xf32>
        %add3A_717 = arith.addf %get3A_712, %get3A_716 : vector<16xf32>
        %mul3A_718 = arith.constant 0.00999999977 : f32
        %mul3A_719 = vector.broadcast %mul3A_718 : f32 to vector<16xf32>
        %mul3A_720 = arith.mulf %mul3A_719, %add3A_717 : vector<16xf32>
        %max3A_721 = arith.maximumf %add3A_717, %mul3A_720 : vector<16xf32>
        %swap3A_722 = arith.index_cast %scan3A_657 : i32 to index
        %swap3A_723 = arith.constant 48 : index
        %swap3A_724 = tpu.vector_load %arg22[%swap3A_722, %swap3A_723] {strides = array<i32>} : memref<40x128xf32, #tpu.memory_space<vmem>>, vector<1x16xf32>,
        %swap3A_725 = vector.shape_cast %swap3A_724 : vector<1x16xf32> to vector<16xf32>
        %swap3A_726 = vector.shape_cast %max3A_721 : vector<16xf32> to vector<1x16xf32>
        tpu.vector_store %arg22[%swap3A_722, %swap3A_723], %swap3A_726 {strides = array<i32>} : memref<40x128xf32, #tpu.memory_space<vmem>>, vector<1x16xf32>,
        %get3A_727 = arith.index_cast %scan3A_657 : i32 to index
        %get3A_728 = arith.constant 64 : index
        %get3A_729 = tpu.vector_load %arg18[%get3A_727, %get3A_728] {strides = array<i32>} : memref<40x128xf32, #tpu.memory_space<vmem>>, vector<1x16xf32>,
        %get3A_730 = vector.shape_cast %get3A_729 : vector<1x16xf32> to vector<16xf32>
        %get3A_731 = arith.index_cast %scan3A_657 : i32 to index
        %get3A_732 = arith.constant 64 : index
        %get3A_733 = tpu.vector_load %arg22[%get3A_731, %get3A_732] {strides = array<i32>} : memref<40x128xf32, #tpu.memory_space<vmem>>, vector<1x16xf32>,
        %get3A_734 = vector.shape_cast %get3A_733 : vector<1x16xf32> to vector<16xf32>
        %add3A_735 = arith.addf %get3A_730, %get3A_734 : vector<16xf32>
        %mul3A_736 = arith.constant 0.00999999977 : f32
        %mul3A_737 = vector.broadcast %mul3A_736 : f32 to vector<16xf32>
        %mul3A_738 = arith.mulf %mul3A_737, %add3A_735 : vector<16xf32>
        %max3A_739 = arith.maximumf %add3A_735, %mul3A_738 : vector<16xf32>
        %swap3A_740 = arith.index_cast %scan3A_657 : i32 to index
        %swap3A_741 = arith.constant 64 : index
        %swap3A_742 = tpu.vector_load %arg22[%swap3A_740, %swap3A_741] {strides = array<i32>} : memref<40x128xf32, #tpu.memory_space<vmem>>, vector<1x16xf32>,
        %swap3A_743 = vector.shape_cast %swap3A_742 : vector<1x16xf32> to vector<16xf32>
        %swap3A_744 = vector.shape_cast %max3A_739 : vector<16xf32> to vector<1x16xf32>
        tpu.vector_store %arg22[%swap3A_740, %swap3A_741], %swap3A_744 {strides = array<i32>} : memref<40x128xf32, #tpu.memory_space<vmem>>, vector<1x16xf32>,
        %get3A_745 = arith.index_cast %scan3A_657 : i32 to index
        %get3A_746 = arith.constant 80 : index
        %get3A_747 = tpu.vector_load %arg18[%get3A_745, %get3A_746] {strides = array<i32>} : memref<40x128xf32, #tpu.memory_space<vmem>>, vector<1x16xf32>,
        %get3A_748 = vector.shape_cast %get3A_747 : vector<1x16xf32> to vector<16xf32>
        %get3A_749 = arith.index_cast %scan3A_657 : i32 to index
        %get3A_750 = arith.constant 80 : index
        %get3A_751 = tpu.vector_load %arg22[%get3A_749, %get3A_750] {strides = array<i32>} : memref<40x128xf32, #tpu.memory_space<vmem>>, vector<1x16xf32>,
        %get3A_752 = vector.shape_cast %get3A_751 : vector<1x16xf32> to vector<16xf32>
        %add3A_753 = arith.addf %get3A_748, %get3A_752 : vector<16xf32>
        %mul3A_754 = arith.constant 0.00999999977 : f32
        %mul3A_755 = vector.broadcast %mul3A_754 : f32 to vector<16xf32>
        %mul3A_756 = arith.mulf %mul3A_755, %add3A_753 : vector<16xf32>
        %max3A_757 = arith.maximumf %add3A_753, %mul3A_756 : vector<16xf32>
        %swap3A_758 = arith.index_cast %scan3A_657 : i32 to index
        %swap3A_759 = arith.constant 80 : index
        %swap3A_760 = tpu.vector_load %arg22[%swap3A_758, %swap3A_759] {strides = array<i32>} : memref<40x128xf32, #tpu.memory_space<vmem>>, vector<1x16xf32>,
        %swap3A_761 = vector.shape_cast %swap3A_760 : vector<1x16xf32> to vector<16xf32>
        %swap3A_762 = vector.shape_cast %max3A_757 : vector<16xf32> to vector<1x16xf32>
        tpu.vector_store %arg22[%swap3A_758, %swap3A_759], %swap3A_762 {strides = array<i32>} : memref<40x128xf32, #tpu.memory_space<vmem>>, vector<1x16xf32>,
        %get3A_763 = arith.index_cast %scan3A_657 : i32 to index
        %get3A_764 = arith.constant 96 : index
        %get3A_765 = tpu.vector_load %arg18[%get3A_763, %get3A_764] {strides = array<i32>} : memref<40x128xf32, #tpu.memory_space<vmem>>, vector<1x16xf32>,
        %get3A_766 = vector.shape_cast %get3A_765 : vector<1x16xf32> to vector<16xf32>
        %get3A_767 = arith.index_cast %scan3A_657 : i32 to index
        %get3A_768 = arith.constant 96 : index
        %get3A_769 = tpu.vector_load %arg22[%get3A_767, %get3A_768] {strides = array<i32>} : memref<40x128xf32, #tpu.memory_space<vmem>>, vector<1x16xf32>,
        %get3A_770 = vector.shape_cast %get3A_769 : vector<1x16xf32> to vector<16xf32>
        %add3A_771 = arith.addf %get3A_766, %get3A_770 : vector<16xf32>
        %mul3A_772 = arith.constant 0.00999999977 : f32
        %mul3A_773 = vector.broadcast %mul3A_772 : f32 to vector<16xf32>
        %mul3A_774 = arith.mulf %mul3A_773, %add3A_771 : vector<16xf32>
        %max3A_775 = arith.maximumf %add3A_771, %mul3A_774 : vector<16xf32>
        %swap3A_776 = arith.index_cast %scan3A_657 : i32 to index
        %swap3A_777 = arith.constant 96 : index
        %swap3A_778 = tpu.vector_load %arg22[%swap3A_776, %swap3A_777] {strides = array<i32>} : memref<40x128xf32, #tpu.memory_space<vmem>>, vector<1x16xf32>,
        %swap3A_779 = vector.shape_cast %swap3A_778 : vector<1x16xf32> to vector<16xf32>
        %swap3A_780 = vector.shape_cast %max3A_775 : vector<16xf32> to vector<1x16xf32>
        tpu.vector_store %arg22[%swap3A_776, %swap3A_777], %swap3A_780 {strides = array<i32>} : memref<40x128xf32, #tpu.memory_space<vmem>>, vector<1x16xf32>,
        %get3A_781 = arith.index_cast %scan3A_657 : i32 to index
        %get3A_782 = arith.constant 112 : index
        %get3A_783 = tpu.vector_load %arg18[%get3A_781, %get3A_782] {strides = array<i32>} : memref<40x128xf32, #tpu.memory_space<vmem>>, vector<1x16xf32>,
        %get3A_784 = vector.shape_cast %get3A_783 : vector<1x16xf32> to vector<16xf32>
        %get3A_785 = arith.index_cast %scan3A_657 : i32 to index
        %get3A_786 = arith.constant 112 : index
        %get3A_787 = tpu.vector_load %arg22[%get3A_785, %get3A_786] {strides = array<i32>} : memref<40x128xf32, #tpu.memory_space<vmem>>, vector<1x16xf32>,
        %get3A_788 = vector.shape_cast %get3A_787 : vector<1x16xf32> to vector<16xf32>
        %add3A_789 = arith.addf %get3A_784, %get3A_788 : vector<16xf32>
        %mul3A_790 = arith.constant 0.00999999977 : f32
        %mul3A_791 = vector.broadcast %mul3A_790 : f32 to vector<16xf32>
        %mul3A_792 = arith.mulf %mul3A_791, %add3A_789 : vector<16xf32>
        %max3A_793 = arith.maximumf %add3A_789, %mul3A_792 : vector<16xf32>
        %swap3A_794 = arith.index_cast %scan3A_657 : i32 to index
        %swap3A_795 = arith.constant 112 : index
        %swap3A_796 = tpu.vector_load %arg22[%swap3A_794, %swap3A_795] {strides = array<i32>} : memref<40x128xf32, #tpu.memory_space<vmem>>, vector<1x16xf32>,
        %swap3A_797 = vector.shape_cast %swap3A_796 : vector<1x16xf32> to vector<16xf32>
        %swap3A_798 = vector.shape_cast %max3A_793 : vector<16xf32> to vector<1x16xf32>
        tpu.vector_store %arg22[%swap3A_794, %swap3A_795], %swap3A_798 {strides = array<i32>} : memref<40x128xf32, #tpu.memory_space<vmem>>, vector<1x16xf32>,
      }
      %scan3A_649 = arith.constant 40 : i32
      %dma_start3A_650 = arith.constant 1 : i32
      %dma_start3A_651 = arith.constant 0 : i32
      %dma_start3A_652 = tpu.memref_slice %arg14[%dma_start3A_650, %dma_start3A_651] : memref<2x40xi32, #tpu.memory_space<vmem>> -> memref<1x40xi32, #tpu.memory_space<vmem>>
      %dma_start3A_653 = tpu.memref_squeeze %dma_start3A_652 : memref<1x40xi32, #tpu.memory_space<vmem>> -> memref<40xi32, #tpu.memory_space<vmem>>
      %dma_start3A_654 = arith.constant 0 : i32
      %dma_start3A_655 = arith.constant 0 : i32
      %dma_start3A_656 = tpu.memref_slice %arg43[%dma_start3A_654, %dma_start3A_655] : memref<10000x128xf32, #tpu.memory_space<vmem_shared>> -> memref<10000x128xf32, #tpu.memory_space<vmem_shared>>
      tpu.enqueue_indirect_dma source(%arg22 : memref<40x128xf32, #tpu.memory_space<vmem>>) target(%dma_start3A_656 : memref<10000x128xf32, #tpu.memory_space<vmem_shared>>) offsets(%dma_start3A_653 : memref<40xi32, #tpu.memory_space<vmem>>) semaphore(%arg42 : memref<!tpu.dma_semaphore, #tpu.memory_space<semaphore_mem>>) {add = true}
    }
    %scan3A_181 = arith.constant 31 : i32
    %add3A_182 = arith.constant 248 : i32
    %add3A_183 = arith.constant 2 : i32
    %add3A_184 = arith.addi %add3A_182, %add3A_183 : i32
    %add3A_185 = arith.constant 248 : i32
    %add3A_186 = arith.constant 3 : i32
    %add3A_187 = arith.addi %add3A_185, %add3A_186 : i32
    %lt3A = arith.constant 250 : i32
    %lt3A_188 = arith.cmpi slt, %add3A_187, %lt3A : i32
    %convert_element_type3A_189 = arith.extui %lt3A_188 : i1 to i32
    %cond3A_190 = arith.constant 0 : i32
    %cond3A_191 = arith.cmpi ne, %convert_element_type3A_189, %cond3A_190 : i32
    scf.if %cond3A_191 {
      %mul3A_304 = arith.constant 40 : i32
      %mul3A_305 = arith.muli %add3A_187, %mul3A_304 : i32
      %add3A_306 = arith.addi %add3A_4, %mul3A_305 : i32
      %dma_start3A_307 = arith.constant 0 : i32
      %dma_start3A_308 = arith.constant 0 : i32
      %dma_start3A_309 = tpu.memref_slice %arg10[%dma_start3A_307, %dma_start3A_308] : memref<2x40xi32, #tpu.memory_space<vmem>> -> memref<1x40xi32, #tpu.memory_space<vmem>>
      %dma_start3A_310 = tpu.memref_squeeze %dma_start3A_309 : memref<1x40xi32, #tpu.memory_space<vmem>> -> memref<40xi32, #tpu.memory_space<vmem>>
      %dma_start3A_311 = tpu.memref_slice %arg4[%add3A_306] : memref<320000xi32, #tpu.memory_space<hbm>> -> memref<40xi32, #tpu.memory_space<hbm>>
      %dma_start3A_312 = arith.constant 0 : i32
      %dma_start3A_313 = tpu.memref_slice %arg10[%dma_start3A_307, %dma_start3A_312] : memref<2x40xi32, #tpu.memory_space<vmem>> -> memref<1x40xi32, #tpu.memory_space<vmem>>
      %dma_start3A_314 = tpu.memref_squeeze %dma_start3A_313 : memref<1x40xi32, #tpu.memory_space<vmem>> -> memref<40xi32, #tpu.memory_space<vmem>>
      %dma_start3A_315 = tpu.memref_slice %arg4[%add3A_306] : memref<320000xi32, #tpu.memory_space<hbm>> -> memref<40xi32, #tpu.memory_space<hbm>>
      tpu.enqueue_dma source(%dma_start3A_315 : memref<40xi32, #tpu.memory_space<hbm>>) target(%dma_start3A_314 : memref<40xi32, #tpu.memory_space<vmem>>) target_semaphore(%arg26 : memref<!tpu.dma_semaphore, #tpu.memory_space<semaphore_mem>>)
      %mul3A_316 = arith.constant 40 : i32
      %mul3A_317 = arith.muli %add3A_187, %mul3A_316 : i32
      %add3A_318 = arith.addi %add3A_4, %mul3A_317 : i32
      %dma_start3A_319 = arith.constant 1 : i32
      %dma_start3A_320 = arith.constant 0 : i32
      %dma_start3A_321 = tpu.memref_slice %arg10[%dma_start3A_319, %dma_start3A_320] : memref<2x40xi32, #tpu.memory_space<vmem>> -> memref<1x40xi32, #tpu.memory_space<vmem>>
      %dma_start3A_322 = tpu.memref_squeeze %dma_start3A_321 : memref<1x40xi32, #tpu.memory_space<vmem>> -> memref<40xi32, #tpu.memory_space<vmem>>
      %dma_start3A_323 = tpu.memref_slice %arg5[%add3A_318] : memref<320000xi32, #tpu.memory_space<hbm>> -> memref<40xi32, #tpu.memory_space<hbm>>
      %dma_start3A_324 = arith.constant 0 : i32
      %dma_start3A_325 = tpu.memref_slice %arg10[%dma_start3A_319, %dma_start3A_324] : memref<2x40xi32, #tpu.memory_space<vmem>> -> memref<1x40xi32, #tpu.memory_space<vmem>>
      %dma_start3A_326 = tpu.memref_squeeze %dma_start3A_325 : memref<1x40xi32, #tpu.memory_space<vmem>> -> memref<40xi32, #tpu.memory_space<vmem>>
      %dma_start3A_327 = tpu.memref_slice %arg5[%add3A_318] : memref<320000xi32, #tpu.memory_space<hbm>> -> memref<40xi32, #tpu.memory_space<hbm>>
      tpu.enqueue_dma source(%dma_start3A_327 : memref<40xi32, #tpu.memory_space<hbm>>) target(%dma_start3A_326 : memref<40xi32, #tpu.memory_space<vmem>>) target_semaphore(%arg26 : memref<!tpu.dma_semaphore, #tpu.memory_space<semaphore_mem>>)
    } else {
    }
    %lt3A_192 = arith.constant 250 : i32
    %lt3A_193 = arith.cmpi slt, %add3A_184, %lt3A_192 : i32
    %convert_element_type3A_194 = arith.extui %lt3A_193 : i1 to i32
    %cond3A_195 = arith.constant 248 : i32
    %cond3A_196 = arith.constant 0 : i32
    %cond3A_197 = arith.cmpi ne, %convert_element_type3A_194, %cond3A_196 : i32
    scf.if %cond3A_197 {
      %ge3A = arith.constant 2 : i32
      %ge3A_304 = arith.cmpi sge, %cond3A_195, %ge3A : i32
      %convert_element_type3A_305 = arith.extui %ge3A_304 : i1 to i32
      %cond3A_306 = arith.constant 0 : i32
      %cond3A_307 = arith.cmpi ne, %convert_element_type3A_305, %cond3A_306 : i32
      scf.if %cond3A_307 {
        %dma_wait3A_344 = arith.constant 1 : i32
        %dma_wait3A_345 = arith.constant 0 : i32
        %dma_wait3A_346 = tpu.memref_slice %arg7[%dma_wait3A_344, %dma_wait3A_345] : memref<2x40xi32, #tpu.memory_space<vmem>> -> memref<1x40xi32, #tpu.memory_space<vmem>>
        %dma_wait3A_347 = tpu.memref_squeeze %dma_wait3A_346 : memref<1x40xi32, #tpu.memory_space<vmem>> -> memref<40xi32, #tpu.memory_space<vmem>>
        %dma_wait3A_348 = arith.constant 0 : i32
        %dma_wait3A_349 = arith.constant 0 : i32
        %dma_wait3A_350 = tpu.memref_slice %arg43[%dma_wait3A_348, %dma_wait3A_349] : memref<10000x128xf32, #tpu.memory_space<vmem_shared>> -> memref<10000x128xf32, #tpu.memory_space<vmem_shared>>
        tpu.wait_indirect_dma semaphore(%arg41 : memref<!tpu.dma_semaphore, #tpu.memory_space<semaphore_mem>>) src(%arg21 : memref<40x128xf32, #tpu.memory_space<vmem>>) dst(%dma_wait3A_350 : memref<10000x128xf32, #tpu.memory_space<vmem_shared>>)
      } else {
      }
      %dma_wait3A_308 = arith.constant 0 : i32
      %dma_wait3A_309 = arith.constant 0 : i32
      %dma_wait3A_310 = tpu.memref_slice %arg9[%dma_wait3A_308, %dma_wait3A_309] : memref<2x40xi32, #tpu.memory_space<vmem>> -> memref<1x40xi32, #tpu.memory_space<vmem>>
      %dma_wait3A_311 = tpu.memref_squeeze %dma_wait3A_310 : memref<1x40xi32, #tpu.memory_space<vmem>> -> memref<40xi32, #tpu.memory_space<vmem>>
      %dma_wait3A_312 = arith.constant 0 : i32
      %dma_wait3A_313 = tpu.memref_slice %arg4[%dma_wait3A_312] : memref<320000xi32, #tpu.memory_space<hbm>> -> memref<40xi32, #tpu.memory_space<hbm>>
      %dma_wait3A_314 = arith.constant 0 : i32
      %dma_wait3A_315 = tpu.memref_slice %arg9[%dma_wait3A_308, %dma_wait3A_314] : memref<2x40xi32, #tpu.memory_space<vmem>> -> memref<1x40xi32, #tpu.memory_space<vmem>>
      %dma_wait3A_316 = tpu.memref_squeeze %dma_wait3A_315 : memref<1x40xi32, #tpu.memory_space<vmem>> -> memref<40xi32, #tpu.memory_space<vmem>>
      %dma_wait3A_317 = arith.constant 0 : i32
      %dma_wait3A_318 = tpu.memref_slice %arg4[%dma_wait3A_317] : memref<320000xi32, #tpu.memory_space<hbm>> -> memref<40xi32, #tpu.memory_space<hbm>>
      tpu.wait_dma2 semaphore(%arg25 : memref<!tpu.dma_semaphore, #tpu.memory_space<semaphore_mem>>) src(%dma_wait3A_318 : memref<40xi32, #tpu.memory_space<hbm>>) dst(%dma_wait3A_316 : memref<40xi32, #tpu.memory_space<vmem>>)
      %dma_wait3A_319 = arith.constant 1 : i32
      %dma_wait3A_320 = arith.constant 0 : i32
      %dma_wait3A_321 = tpu.memref_slice %arg9[%dma_wait3A_319, %dma_wait3A_320] : memref<2x40xi32, #tpu.memory_space<vmem>> -> memref<1x40xi32, #tpu.memory_space<vmem>>
      %dma_wait3A_322 = tpu.memref_squeeze %dma_wait3A_321 : memref<1x40xi32, #tpu.memory_space<vmem>> -> memref<40xi32, #tpu.memory_space<vmem>>
      %dma_wait3A_323 = arith.constant 0 : i32
      %dma_wait3A_324 = tpu.memref_slice %arg4[%dma_wait3A_323] : memref<320000xi32, #tpu.memory_space<hbm>> -> memref<40xi32, #tpu.memory_space<hbm>>
      %dma_wait3A_325 = arith.constant 0 : i32
      %dma_wait3A_326 = tpu.memref_slice %arg9[%dma_wait3A_319, %dma_wait3A_325] : memref<2x40xi32, #tpu.memory_space<vmem>> -> memref<1x40xi32, #tpu.memory_space<vmem>>
      %dma_wait3A_327 = tpu.memref_squeeze %dma_wait3A_326 : memref<1x40xi32, #tpu.memory_space<vmem>> -> memref<40xi32, #tpu.memory_space<vmem>>
      %dma_wait3A_328 = arith.constant 0 : i32
      %dma_wait3A_329 = tpu.memref_slice %arg4[%dma_wait3A_328] : memref<320000xi32, #tpu.memory_space<hbm>> -> memref<40xi32, #tpu.memory_space<hbm>>
      tpu.wait_dma2 semaphore(%arg25 : memref<!tpu.dma_semaphore, #tpu.memory_space<semaphore_mem>>) src(%dma_wait3A_329 : memref<40xi32, #tpu.memory_space<hbm>>) dst(%dma_wait3A_327 : memref<40xi32, #tpu.memory_space<vmem>>)
      %dma_start3A_330 = arith.constant 0 : i32
      %dma_start3A_331 = arith.constant 0 : i32
      %dma_start3A_332 = tpu.memref_slice %arg9[%dma_start3A_330, %dma_start3A_331] : memref<2x40xi32, #tpu.memory_space<vmem>> -> memref<1x40xi32, #tpu.memory_space<vmem>>
      %dma_start3A_333 = tpu.memref_squeeze %dma_start3A_332 : memref<1x40xi32, #tpu.memory_space<vmem>> -> memref<40xi32, #tpu.memory_space<vmem>>
      %dma_start3A_334 = arith.constant 0 : i32
      %dma_start3A_335 = arith.constant 0 : i32
      %dma_start3A_336 = tpu.memref_slice %arg2[%dma_start3A_334, %dma_start3A_335] : memref<10000x128xf32, #tpu.memory_space<hbm>> -> memref<10000x128xf32, #tpu.memory_space<hbm>>
      tpu.enqueue_indirect_dma source(%dma_start3A_336 : memref<10000x128xf32, #tpu.memory_space<hbm>>) target(%arg17 : memref<40x128xf32, #tpu.memory_space<vmem>>) offsets(%dma_start3A_333 : memref<40xi32, #tpu.memory_space<vmem>>) semaphore(%arg33 : memref<!tpu.dma_semaphore, #tpu.memory_space<semaphore_mem>>)
      %mul3A_337 = arith.constant 40 : i32
      %mul3A_338 = arith.muli %add3A_184, %mul3A_337 : i32
      %add3A_339 = arith.addi %mul3A_2, %mul3A_338 : i32
      %dma_start3A_340 = arith.constant 0 : i32
      %dma_start3A_341 = tpu.memref_slice %arg3[%add3A_339, %dma_start3A_340] : memref<320000x128xf32, #tpu.memory_space<hbm>> -> memref<40x128xf32, #tpu.memory_space<hbm>>
      %dma_start3A_342 = arith.constant 0 : i32
      %dma_start3A_343 = tpu.memref_slice %arg3[%add3A_339, %dma_start3A_342] : memref<320000x128xf32, #tpu.memory_space<hbm>> -> memref<40x128xf32, #tpu.memory_space<hbm>>
      tpu.enqueue_dma source(%dma_start3A_343 : memref<40x128xf32, #tpu.memory_space<hbm>>) target(%arg21 : memref<40x128xf32, #tpu.memory_space<vmem>>) target_semaphore(%arg37 : memref<!tpu.dma_semaphore, #tpu.memory_space<semaphore_mem>>)
    } else {
    }
    %dma_wait3A_198 = arith.constant 0 : i32
    %dma_wait3A_199 = arith.constant 0 : i32
    %dma_wait3A_200 = tpu.memref_slice %arg7[%dma_wait3A_198, %dma_wait3A_199] : memref<2x40xi32, #tpu.memory_space<vmem>> -> memref<1x40xi32, #tpu.memory_space<vmem>>
    %dma_wait3A_201 = tpu.memref_squeeze %dma_wait3A_200 : memref<1x40xi32, #tpu.memory_space<vmem>> -> memref<40xi32, #tpu.memory_space<vmem>>
    %dma_wait3A_202 = arith.constant 0 : i32
    %dma_wait3A_203 = arith.constant 0 : i32
    %dma_wait3A_204 = tpu.memref_slice %arg2[%dma_wait3A_202, %dma_wait3A_203] : memref<10000x128xf32, #tpu.memory_space<hbm>> -> memref<10000x128xf32, #tpu.memory_space<hbm>>
    tpu.wait_indirect_dma semaphore(%arg31 : memref<!tpu.dma_semaphore, #tpu.memory_space<semaphore_mem>>) src(%dma_wait3A_204 : memref<10000x128xf32, #tpu.memory_space<hbm>>) dst(%arg15 : memref<40x128xf32, #tpu.memory_space<vmem>>)
    %dma_wait3A_205 = arith.constant 0 : i32
    %dma_wait3A_206 = arith.constant 0 : i32
    %dma_wait3A_207 = tpu.memref_slice %arg3[%dma_wait3A_205, %dma_wait3A_206] : memref<320000x128xf32, #tpu.memory_space<hbm>> -> memref<40x128xf32, #tpu.memory_space<hbm>>
    %dma_wait3A_208 = arith.constant 0 : i32
    %dma_wait3A_209 = arith.constant 0 : i32
    %dma_wait3A_210 = tpu.memref_slice %arg3[%dma_wait3A_208, %dma_wait3A_209] : memref<320000x128xf32, #tpu.memory_space<hbm>> -> memref<40x128xf32, #tpu.memory_space<hbm>>
    tpu.wait_dma2 semaphore(%arg35 : memref<!tpu.dma_semaphore, #tpu.memory_space<semaphore_mem>>) src(%dma_wait3A_210 : memref<40x128xf32, #tpu.memory_space<hbm>>) dst(%arg19 : memref<40x128xf32, #tpu.memory_space<vmem>>)
    %scan3A_211 = arith.constant 0 : i32
    %scan3A_212 = arith.constant 0 : i32
    %scan3A_213 = arith.constant 40 : i32
    %scan3A_214 = arith.addi %scan3A_212, %scan3A_213 : i32
    %scan3A_215 = arith.constant 1 : i32
    scf.for %scan3A_304 = %scan3A_212 to %scan3A_214 step %scan3A_215  : i32 {
      %get3A = arith.index_cast %scan3A_304 : i32 to index
      %get3A_305 = arith.constant 0 : index
      %get3A_306 = tpu.vector_load %arg15[%get3A, %get3A_305] {strides = array<i32>} : memref<40x128xf32, #tpu.memory_space<vmem>>, vector<1x16xf32>,
      %get3A_307 = vector.shape_cast %get3A_306 : vector<1x16xf32> to vector<16xf32>
      %get3A_308 = arith.index_cast %scan3A_304 : i32 to index
      %get3A_309 = arith.constant 0 : index
      %get3A_310 = tpu.vector_load %arg19[%get3A_308, %get3A_309] {strides = array<i32>} : memref<40x128xf32, #tpu.memory_space<vmem>>, vector<1x16xf32>,
      %get3A_311 = vector.shape_cast %get3A_310 : vector<1x16xf32> to vector<16xf32>
      %add3A_312 = arith.addf %get3A_307, %get3A_311 : vector<16xf32>
      %mul3A_313 = arith.constant 0.00999999977 : f32
      %mul3A_314 = vector.broadcast %mul3A_313 : f32 to vector<16xf32>
      %mul3A_315 = arith.mulf %mul3A_314, %add3A_312 : vector<16xf32>
      %max3A = arith.maximumf %add3A_312, %mul3A_315 : vector<16xf32>
      %swap3A = arith.index_cast %scan3A_304 : i32 to index
      %swap3A_316 = arith.constant 0 : index
      %swap3A_317 = tpu.vector_load %arg19[%swap3A, %swap3A_316] {strides = array<i32>} : memref<40x128xf32, #tpu.memory_space<vmem>>, vector<1x16xf32>,
      %swap3A_318 = vector.shape_cast %swap3A_317 : vector<1x16xf32> to vector<16xf32>
      %swap3A_319 = vector.shape_cast %max3A : vector<16xf32> to vector<1x16xf32>
      tpu.vector_store %arg19[%swap3A, %swap3A_316], %swap3A_319 {strides = array<i32>} : memref<40x128xf32, #tpu.memory_space<vmem>>, vector<1x16xf32>,
      %get3A_320 = arith.index_cast %scan3A_304 : i32 to index
      %get3A_321 = arith.constant 16 : index
      %get3A_322 = tpu.vector_load %arg15[%get3A_320, %get3A_321] {strides = array<i32>} : memref<40x128xf32, #tpu.memory_space<vmem>>, vector<1x16xf32>,
      %get3A_323 = vector.shape_cast %get3A_322 : vector<1x16xf32> to vector<16xf32>
      %get3A_324 = arith.index_cast %scan3A_304 : i32 to index
      %get3A_325 = arith.constant 16 : index
      %get3A_326 = tpu.vector_load %arg19[%get3A_324, %get3A_325] {strides = array<i32>} : memref<40x128xf32, #tpu.memory_space<vmem>>, vector<1x16xf32>,
      %get3A_327 = vector.shape_cast %get3A_326 : vector<1x16xf32> to vector<16xf32>
      %add3A_328 = arith.addf %get3A_323, %get3A_327 : vector<16xf32>
      %mul3A_329 = arith.constant 0.00999999977 : f32
      %mul3A_330 = vector.broadcast %mul3A_329 : f32 to vector<16xf32>
      %mul3A_331 = arith.mulf %mul3A_330, %add3A_328 : vector<16xf32>
      %max3A_332 = arith.maximumf %add3A_328, %mul3A_331 : vector<16xf32>
      %swap3A_333 = arith.index_cast %scan3A_304 : i32 to index
      %swap3A_334 = arith.constant 16 : index
      %swap3A_335 = tpu.vector_load %arg19[%swap3A_333, %swap3A_334] {strides = array<i32>} : memref<40x128xf32, #tpu.memory_space<vmem>>, vector<1x16xf32>,
      %swap3A_336 = vector.shape_cast %swap3A_335 : vector<1x16xf32> to vector<16xf32>
      %swap3A_337 = vector.shape_cast %max3A_332 : vector<16xf32> to vector<1x16xf32>
      tpu.vector_store %arg19[%swap3A_333, %swap3A_334], %swap3A_337 {strides = array<i32>} : memref<40x128xf32, #tpu.memory_space<vmem>>, vector<1x16xf32>,
      %get3A_338 = arith.index_cast %scan3A_304 : i32 to index
      %get3A_339 = arith.constant 32 : index
      %get3A_340 = tpu.vector_load %arg15[%get3A_338, %get3A_339] {strides = array<i32>} : memref<40x128xf32, #tpu.memory_space<vmem>>, vector<1x16xf32>,
      %get3A_341 = vector.shape_cast %get3A_340 : vector<1x16xf32> to vector<16xf32>
      %get3A_342 = arith.index_cast %scan3A_304 : i32 to index
      %get3A_343 = arith.constant 32 : index
      %get3A_344 = tpu.vector_load %arg19[%get3A_342, %get3A_343] {strides = array<i32>} : memref<40x128xf32, #tpu.memory_space<vmem>>, vector<1x16xf32>,
      %get3A_345 = vector.shape_cast %get3A_344 : vector<1x16xf32> to vector<16xf32>
      %add3A_346 = arith.addf %get3A_341, %get3A_345 : vector<16xf32>
      %mul3A_347 = arith.constant 0.00999999977 : f32
      %mul3A_348 = vector.broadcast %mul3A_347 : f32 to vector<16xf32>
      %mul3A_349 = arith.mulf %mul3A_348, %add3A_346 : vector<16xf32>
      %max3A_350 = arith.maximumf %add3A_346, %mul3A_349 : vector<16xf32>
      %swap3A_351 = arith.index_cast %scan3A_304 : i32 to index
      %swap3A_352 = arith.constant 32 : index
      %swap3A_353 = tpu.vector_load %arg19[%swap3A_351, %swap3A_352] {strides = array<i32>} : memref<40x128xf32, #tpu.memory_space<vmem>>, vector<1x16xf32>,
      %swap3A_354 = vector.shape_cast %swap3A_353 : vector<1x16xf32> to vector<16xf32>
      %swap3A_355 = vector.shape_cast %max3A_350 : vector<16xf32> to vector<1x16xf32>
      tpu.vector_store %arg19[%swap3A_351, %swap3A_352], %swap3A_355 {strides = array<i32>} : memref<40x128xf32, #tpu.memory_space<vmem>>, vector<1x16xf32>,
      %get3A_356 = arith.index_cast %scan3A_304 : i32 to index
      %get3A_357 = arith.constant 48 : index
      %get3A_358 = tpu.vector_load %arg15[%get3A_356, %get3A_357] {strides = array<i32>} : memref<40x128xf32, #tpu.memory_space<vmem>>, vector<1x16xf32>,
      %get3A_359 = vector.shape_cast %get3A_358 : vector<1x16xf32> to vector<16xf32>
      %get3A_360 = arith.index_cast %scan3A_304 : i32 to index
      %get3A_361 = arith.constant 48 : index
      %get3A_362 = tpu.vector_load %arg19[%get3A_360, %get3A_361] {strides = array<i32>} : memref<40x128xf32, #tpu.memory_space<vmem>>, vector<1x16xf32>,
      %get3A_363 = vector.shape_cast %get3A_362 : vector<1x16xf32> to vector<16xf32>
      %add3A_364 = arith.addf %get3A_359, %get3A_363 : vector<16xf32>
      %mul3A_365 = arith.constant 0.00999999977 : f32
      %mul3A_366 = vector.broadcast %mul3A_365 : f32 to vector<16xf32>
      %mul3A_367 = arith.mulf %mul3A_366, %add3A_364 : vector<16xf32>
      %max3A_368 = arith.maximumf %add3A_364, %mul3A_367 : vector<16xf32>
      %swap3A_369 = arith.index_cast %scan3A_304 : i32 to index
      %swap3A_370 = arith.constant 48 : index
      %swap3A_371 = tpu.vector_load %arg19[%swap3A_369, %swap3A_370] {strides = array<i32>} : memref<40x128xf32, #tpu.memory_space<vmem>>, vector<1x16xf32>,
      %swap3A_372 = vector.shape_cast %swap3A_371 : vector<1x16xf32> to vector<16xf32>
      %swap3A_373 = vector.shape_cast %max3A_368 : vector<16xf32> to vector<1x16xf32>
      tpu.vector_store %arg19[%swap3A_369, %swap3A_370], %swap3A_373 {strides = array<i32>} : memref<40x128xf32, #tpu.memory_space<vmem>>, vector<1x16xf32>,
      %get3A_374 = arith.index_cast %scan3A_304 : i32 to index
      %get3A_375 = arith.constant 64 : index
      %get3A_376 = tpu.vector_load %arg15[%get3A_374, %get3A_375] {strides = array<i32>} : memref<40x128xf32, #tpu.memory_space<vmem>>, vector<1x16xf32>,
      %get3A_377 = vector.shape_cast %get3A_376 : vector<1x16xf32> to vector<16xf32>
      %get3A_378 = arith.index_cast %scan3A_304 : i32 to index
      %get3A_379 = arith.constant 64 : index
      %get3A_380 = tpu.vector_load %arg19[%get3A_378, %get3A_379] {strides = array<i32>} : memref<40x128xf32, #tpu.memory_space<vmem>>, vector<1x16xf32>,
      %get3A_381 = vector.shape_cast %get3A_380 : vector<1x16xf32> to vector<16xf32>
      %add3A_382 = arith.addf %get3A_377, %get3A_381 : vector<16xf32>
      %mul3A_383 = arith.constant 0.00999999977 : f32
      %mul3A_384 = vector.broadcast %mul3A_383 : f32 to vector<16xf32>
      %mul3A_385 = arith.mulf %mul3A_384, %add3A_382 : vector<16xf32>
      %max3A_386 = arith.maximumf %add3A_382, %mul3A_385 : vector<16xf32>
      %swap3A_387 = arith.index_cast %scan3A_304 : i32 to index
      %swap3A_388 = arith.constant 64 : index
      %swap3A_389 = tpu.vector_load %arg19[%swap3A_387, %swap3A_388] {strides = array<i32>} : memref<40x128xf32, #tpu.memory_space<vmem>>, vector<1x16xf32>,
      %swap3A_390 = vector.shape_cast %swap3A_389 : vector<1x16xf32> to vector<16xf32>
      %swap3A_391 = vector.shape_cast %max3A_386 : vector<16xf32> to vector<1x16xf32>
      tpu.vector_store %arg19[%swap3A_387, %swap3A_388], %swap3A_391 {strides = array<i32>} : memref<40x128xf32, #tpu.memory_space<vmem>>, vector<1x16xf32>,
      %get3A_392 = arith.index_cast %scan3A_304 : i32 to index
      %get3A_393 = arith.constant 80 : index
      %get3A_394 = tpu.vector_load %arg15[%get3A_392, %get3A_393] {strides = array<i32>} : memref<40x128xf32, #tpu.memory_space<vmem>>, vector<1x16xf32>,
      %get3A_395 = vector.shape_cast %get3A_394 : vector<1x16xf32> to vector<16xf32>
      %get3A_396 = arith.index_cast %scan3A_304 : i32 to index
      %get3A_397 = arith.constant 80 : index
      %get3A_398 = tpu.vector_load %arg19[%get3A_396, %get3A_397] {strides = array<i32>} : memref<40x128xf32, #tpu.memory_space<vmem>>, vector<1x16xf32>,
      %get3A_399 = vector.shape_cast %get3A_398 : vector<1x16xf32> to vector<16xf32>
      %add3A_400 = arith.addf %get3A_395, %get3A_399 : vector<16xf32>
      %mul3A_401 = arith.constant 0.00999999977 : f32
      %mul3A_402 = vector.broadcast %mul3A_401 : f32 to vector<16xf32>
      %mul3A_403 = arith.mulf %mul3A_402, %add3A_400 : vector<16xf32>
      %max3A_404 = arith.maximumf %add3A_400, %mul3A_403 : vector<16xf32>
      %swap3A_405 = arith.index_cast %scan3A_304 : i32 to index
      %swap3A_406 = arith.constant 80 : index
      %swap3A_407 = tpu.vector_load %arg19[%swap3A_405, %swap3A_406] {strides = array<i32>} : memref<40x128xf32, #tpu.memory_space<vmem>>, vector<1x16xf32>,
      %swap3A_408 = vector.shape_cast %swap3A_407 : vector<1x16xf32> to vector<16xf32>
      %swap3A_409 = vector.shape_cast %max3A_404 : vector<16xf32> to vector<1x16xf32>
      tpu.vector_store %arg19[%swap3A_405, %swap3A_406], %swap3A_409 {strides = array<i32>} : memref<40x128xf32, #tpu.memory_space<vmem>>, vector<1x16xf32>,
      %get3A_410 = arith.index_cast %scan3A_304 : i32 to index
      %get3A_411 = arith.constant 96 : index
      %get3A_412 = tpu.vector_load %arg15[%get3A_410, %get3A_411] {strides = array<i32>} : memref<40x128xf32, #tpu.memory_space<vmem>>, vector<1x16xf32>,
      %get3A_413 = vector.shape_cast %get3A_412 : vector<1x16xf32> to vector<16xf32>
      %get3A_414 = arith.index_cast %scan3A_304 : i32 to index
      %get3A_415 = arith.constant 96 : index
      %get3A_416 = tpu.vector_load %arg19[%get3A_414, %get3A_415] {strides = array<i32>} : memref<40x128xf32, #tpu.memory_space<vmem>>, vector<1x16xf32>,
      %get3A_417 = vector.shape_cast %get3A_416 : vector<1x16xf32> to vector<16xf32>
      %add3A_418 = arith.addf %get3A_413, %get3A_417 : vector<16xf32>
      %mul3A_419 = arith.constant 0.00999999977 : f32
      %mul3A_420 = vector.broadcast %mul3A_419 : f32 to vector<16xf32>
      %mul3A_421 = arith.mulf %mul3A_420, %add3A_418 : vector<16xf32>
      %max3A_422 = arith.maximumf %add3A_418, %mul3A_421 : vector<16xf32>
      %swap3A_423 = arith.index_cast %scan3A_304 : i32 to index
      %swap3A_424 = arith.constant 96 : index
      %swap3A_425 = tpu.vector_load %arg19[%swap3A_423, %swap3A_424] {strides = array<i32>} : memref<40x128xf32, #tpu.memory_space<vmem>>, vector<1x16xf32>,
      %swap3A_426 = vector.shape_cast %swap3A_425 : vector<1x16xf32> to vector<16xf32>
      %swap3A_427 = vector.shape_cast %max3A_422 : vector<16xf32> to vector<1x16xf32>
      tpu.vector_store %arg19[%swap3A_423, %swap3A_424], %swap3A_427 {strides = array<i32>} : memref<40x128xf32, #tpu.memory_space<vmem>>, vector<1x16xf32>,
      %get3A_428 = arith.index_cast %scan3A_304 : i32 to index
      %get3A_429 = arith.constant 112 : index
      %get3A_430 = tpu.vector_load %arg15[%get3A_428, %get3A_429] {strides = array<i32>} : memref<40x128xf32, #tpu.memory_space<vmem>>, vector<1x16xf32>,
      %get3A_431 = vector.shape_cast %get3A_430 : vector<1x16xf32> to vector<16xf32>
      %get3A_432 = arith.index_cast %scan3A_304 : i32 to index
      %get3A_433 = arith.constant 112 : index
      %get3A_434 = tpu.vector_load %arg19[%get3A_432, %get3A_433] {strides = array<i32>} : memref<40x128xf32, #tpu.memory_space<vmem>>, vector<1x16xf32>,
      %get3A_435 = vector.shape_cast %get3A_434 : vector<1x16xf32> to vector<16xf32>
      %add3A_436 = arith.addf %get3A_431, %get3A_435 : vector<16xf32>
      %mul3A_437 = arith.constant 0.00999999977 : f32
      %mul3A_438 = vector.broadcast %mul3A_437 : f32 to vector<16xf32>
      %mul3A_439 = arith.mulf %mul3A_438, %add3A_436 : vector<16xf32>
      %max3A_440 = arith.maximumf %add3A_436, %mul3A_439 : vector<16xf32>
      %swap3A_441 = arith.index_cast %scan3A_304 : i32 to index
      %swap3A_442 = arith.constant 112 : index
      %swap3A_443 = tpu.vector_load %arg19[%swap3A_441, %swap3A_442] {strides = array<i32>} : memref<40x128xf32, #tpu.memory_space<vmem>>, vector<1x16xf32>,
      %swap3A_444 = vector.shape_cast %swap3A_443 : vector<1x16xf32> to vector<16xf32>
      %swap3A_445 = vector.shape_cast %max3A_440 : vector<16xf32> to vector<1x16xf32>
      tpu.vector_store %arg19[%swap3A_441, %swap3A_442], %swap3A_445 {strides = array<i32>} : memref<40x128xf32, #tpu.memory_space<vmem>>, vector<1x16xf32>,
    }
    %scan3A_216 = arith.constant 40 : i32
    %dma_start3A_217 = arith.constant 1 : i32
    %dma_start3A_218 = arith.constant 0 : i32
    %dma_start3A_219 = tpu.memref_slice %arg7[%dma_start3A_217, %dma_start3A_218] : memref<2x40xi32, #tpu.memory_space<vmem>> -> memref<1x40xi32, #tpu.memory_space<vmem>>
    %dma_start3A_220 = tpu.memref_squeeze %dma_start3A_219 : memref<1x40xi32, #tpu.memory_space<vmem>> -> memref<40xi32, #tpu.memory_space<vmem>>
    %dma_start3A_221 = arith.constant 0 : i32
    %dma_start3A_222 = arith.constant 0 : i32
    %dma_start3A_223 = tpu.memref_slice %arg43[%dma_start3A_221, %dma_start3A_222] : memref<10000x128xf32, #tpu.memory_space<vmem_shared>> -> memref<10000x128xf32, #tpu.memory_space<vmem_shared>>
    tpu.enqueue_indirect_dma source(%arg19 : memref<40x128xf32, #tpu.memory_space<vmem>>) target(%dma_start3A_223 : memref<10000x128xf32, #tpu.memory_space<vmem_shared>>) offsets(%dma_start3A_220 : memref<40xi32, #tpu.memory_space<vmem>>) semaphore(%arg39 : memref<!tpu.dma_semaphore, #tpu.memory_space<semaphore_mem>>) {add = true}
    %add3A_224 = arith.constant 249 : i32
    %add3A_225 = arith.constant 2 : i32
    %add3A_226 = arith.addi %add3A_224, %add3A_225 : i32
    %add3A_227 = arith.constant 249 : i32
    %add3A_228 = arith.constant 3 : i32
    %add3A_229 = arith.addi %add3A_227, %add3A_228 : i32
    %lt3A_230 = arith.constant 250 : i32
    %lt3A_231 = arith.cmpi slt, %add3A_229, %lt3A_230 : i32
    %convert_element_type3A_232 = arith.extui %lt3A_231 : i1 to i32
    %cond3A_233 = arith.constant 0 : i32
    %cond3A_234 = arith.cmpi ne, %convert_element_type3A_232, %cond3A_233 : i32
    scf.if %cond3A_234 {
      %mul3A_304 = arith.constant 40 : i32
      %mul3A_305 = arith.muli %add3A_229, %mul3A_304 : i32
      %add3A_306 = arith.addi %add3A_4, %mul3A_305 : i32
      %dma_start3A_307 = arith.constant 0 : i32
      %dma_start3A_308 = arith.constant 0 : i32
      %dma_start3A_309 = tpu.memref_slice %arg11[%dma_start3A_307, %dma_start3A_308] : memref<2x40xi32, #tpu.memory_space<vmem>> -> memref<1x40xi32, #tpu.memory_space<vmem>>
      %dma_start3A_310 = tpu.memref_squeeze %dma_start3A_309 : memref<1x40xi32, #tpu.memory_space<vmem>> -> memref<40xi32, #tpu.memory_space<vmem>>
      %dma_start3A_311 = tpu.memref_slice %arg4[%add3A_306] : memref<320000xi32, #tpu.memory_space<hbm>> -> memref<40xi32, #tpu.memory_space<hbm>>
      %dma_start3A_312 = arith.constant 0 : i32
      %dma_start3A_313 = tpu.memref_slice %arg11[%dma_start3A_307, %dma_start3A_312] : memref<2x40xi32, #tpu.memory_space<vmem>> -> memref<1x40xi32, #tpu.memory_space<vmem>>
      %dma_start3A_314 = tpu.memref_squeeze %dma_start3A_313 : memref<1x40xi32, #tpu.memory_space<vmem>> -> memref<40xi32, #tpu.memory_space<vmem>>
      %dma_start3A_315 = tpu.memref_slice %arg4[%add3A_306] : memref<320000xi32, #tpu.memory_space<hbm>> -> memref<40xi32, #tpu.memory_space<hbm>>
      tpu.enqueue_dma source(%dma_start3A_315 : memref<40xi32, #tpu.memory_space<hbm>>) target(%dma_start3A_314 : memref<40xi32, #tpu.memory_space<vmem>>) target_semaphore(%arg27 : memref<!tpu.dma_semaphore, #tpu.memory_space<semaphore_mem>>)
      %mul3A_316 = arith.constant 40 : i32
      %mul3A_317 = arith.muli %add3A_229, %mul3A_316 : i32
      %add3A_318 = arith.addi %add3A_4, %mul3A_317 : i32
      %dma_start3A_319 = arith.constant 1 : i32
      %dma_start3A_320 = arith.constant 0 : i32
      %dma_start3A_321 = tpu.memref_slice %arg11[%dma_start3A_319, %dma_start3A_320] : memref<2x40xi32, #tpu.memory_space<vmem>> -> memref<1x40xi32, #tpu.memory_space<vmem>>
      %dma_start3A_322 = tpu.memref_squeeze %dma_start3A_321 : memref<1x40xi32, #tpu.memory_space<vmem>> -> memref<40xi32, #tpu.memory_space<vmem>>
      %dma_start3A_323 = tpu.memref_slice %arg5[%add3A_318] : memref<320000xi32, #tpu.memory_space<hbm>> -> memref<40xi32, #tpu.memory_space<hbm>>
      %dma_start3A_324 = arith.constant 0 : i32
      %dma_start3A_325 = tpu.memref_slice %arg11[%dma_start3A_319, %dma_start3A_324] : memref<2x40xi32, #tpu.memory_space<vmem>> -> memref<1x40xi32, #tpu.memory_space<vmem>>
      %dma_start3A_326 = tpu.memref_squeeze %dma_start3A_325 : memref<1x40xi32, #tpu.memory_space<vmem>> -> memref<40xi32, #tpu.memory_space<vmem>>
      %dma_start3A_327 = tpu.memref_slice %arg5[%add3A_318] : memref<320000xi32, #tpu.memory_space<hbm>> -> memref<40xi32, #tpu.memory_space<hbm>>
      tpu.enqueue_dma source(%dma_start3A_327 : memref<40xi32, #tpu.memory_space<hbm>>) target(%dma_start3A_326 : memref<40xi32, #tpu.memory_space<vmem>>) target_semaphore(%arg27 : memref<!tpu.dma_semaphore, #tpu.memory_space<semaphore_mem>>)
    } else {
    }
    %lt3A_235 = arith.constant 250 : i32
    %lt3A_236 = arith.cmpi slt, %add3A_226, %lt3A_235 : i32
    %convert_element_type3A_237 = arith.extui %lt3A_236 : i1 to i32
    %cond3A_238 = arith.constant 249 : i32
    %cond3A_239 = arith.constant 0 : i32
    %cond3A_240 = arith.cmpi ne, %convert_element_type3A_237, %cond3A_239 : i32
    scf.if %cond3A_240 {
      %ge3A = arith.constant 2 : i32
      %ge3A_304 = arith.cmpi sge, %cond3A_238, %ge3A : i32
      %convert_element_type3A_305 = arith.extui %ge3A_304 : i1 to i32
      %cond3A_306 = arith.constant 0 : i32
      %cond3A_307 = arith.cmpi ne, %convert_element_type3A_305, %cond3A_306 : i32
      scf.if %cond3A_307 {
        %dma_wait3A_344 = arith.constant 1 : i32
        %dma_wait3A_345 = arith.constant 0 : i32
        %dma_wait3A_346 = tpu.memref_slice %arg7[%dma_wait3A_344, %dma_wait3A_345] : memref<2x40xi32, #tpu.memory_space<vmem>> -> memref<1x40xi32, #tpu.memory_space<vmem>>
        %dma_wait3A_347 = tpu.memref_squeeze %dma_wait3A_346 : memref<1x40xi32, #tpu.memory_space<vmem>> -> memref<40xi32, #tpu.memory_space<vmem>>
        %dma_wait3A_348 = arith.constant 0 : i32
        %dma_wait3A_349 = arith.constant 0 : i32
        %dma_wait3A_350 = tpu.memref_slice %arg43[%dma_wait3A_348, %dma_wait3A_349] : memref<10000x128xf32, #tpu.memory_space<vmem_shared>> -> memref<10000x128xf32, #tpu.memory_space<vmem_shared>>
        tpu.wait_indirect_dma semaphore(%arg42 : memref<!tpu.dma_semaphore, #tpu.memory_space<semaphore_mem>>) src(%arg22 : memref<40x128xf32, #tpu.memory_space<vmem>>) dst(%dma_wait3A_350 : memref<10000x128xf32, #tpu.memory_space<vmem_shared>>)
      } else {
      }
      %dma_wait3A_308 = arith.constant 0 : i32
      %dma_wait3A_309 = arith.constant 0 : i32
      %dma_wait3A_310 = tpu.memref_slice %arg10[%dma_wait3A_308, %dma_wait3A_309] : memref<2x40xi32, #tpu.memory_space<vmem>> -> memref<1x40xi32, #tpu.memory_space<vmem>>
      %dma_wait3A_311 = tpu.memref_squeeze %dma_wait3A_310 : memref<1x40xi32, #tpu.memory_space<vmem>> -> memref<40xi32, #tpu.memory_space<vmem>>
      %dma_wait3A_312 = arith.constant 0 : i32
      %dma_wait3A_313 = tpu.memref_slice %arg4[%dma_wait3A_312] : memref<320000xi32, #tpu.memory_space<hbm>> -> memref<40xi32, #tpu.memory_space<hbm>>
      %dma_wait3A_314 = arith.constant 0 : i32
      %dma_wait3A_315 = tpu.memref_slice %arg10[%dma_wait3A_308, %dma_wait3A_314] : memref<2x40xi32, #tpu.memory_space<vmem>> -> memref<1x40xi32, #tpu.memory_space<vmem>>
      %dma_wait3A_316 = tpu.memref_squeeze %dma_wait3A_315 : memref<1x40xi32, #tpu.memory_space<vmem>> -> memref<40xi32, #tpu.memory_space<vmem>>
      %dma_wait3A_317 = arith.constant 0 : i32
      %dma_wait3A_318 = tpu.memref_slice %arg4[%dma_wait3A_317] : memref<320000xi32, #tpu.memory_space<hbm>> -> memref<40xi32, #tpu.memory_space<hbm>>
      tpu.wait_dma2 semaphore(%arg26 : memref<!tpu.dma_semaphore, #tpu.memory_space<semaphore_mem>>) src(%dma_wait3A_318 : memref<40xi32, #tpu.memory_space<hbm>>) dst(%dma_wait3A_316 : memref<40xi32, #tpu.memory_space<vmem>>)
      %dma_wait3A_319 = arith.constant 1 : i32
      %dma_wait3A_320 = arith.constant 0 : i32
      %dma_wait3A_321 = tpu.memref_slice %arg10[%dma_wait3A_319, %dma_wait3A_320] : memref<2x40xi32, #tpu.memory_space<vmem>> -> memref<1x40xi32, #tpu.memory_space<vmem>>
      %dma_wait3A_322 = tpu.memref_squeeze %dma_wait3A_321 : memref<1x40xi32, #tpu.memory_space<vmem>> -> memref<40xi32, #tpu.memory_space<vmem>>
      %dma_wait3A_323 = arith.constant 0 : i32
      %dma_wait3A_324 = tpu.memref_slice %arg4[%dma_wait3A_323] : memref<320000xi32, #tpu.memory_space<hbm>> -> memref<40xi32, #tpu.memory_space<hbm>>
      %dma_wait3A_325 = arith.constant 0 : i32
      %dma_wait3A_326 = tpu.memref_slice %arg10[%dma_wait3A_319, %dma_wait3A_325] : memref<2x40xi32, #tpu.memory_space<vmem>> -> memref<1x40xi32, #tpu.memory_space<vmem>>
      %dma_wait3A_327 = tpu.memref_squeeze %dma_wait3A_326 : memref<1x40xi32, #tpu.memory_space<vmem>> -> memref<40xi32, #tpu.memory_space<vmem>>
      %dma_wait3A_328 = arith.constant 0 : i32
      %dma_wait3A_329 = tpu.memref_slice %arg4[%dma_wait3A_328] : memref<320000xi32, #tpu.memory_space<hbm>> -> memref<40xi32, #tpu.memory_space<hbm>>
      tpu.wait_dma2 semaphore(%arg26 : memref<!tpu.dma_semaphore, #tpu.memory_space<semaphore_mem>>) src(%dma_wait3A_329 : memref<40xi32, #tpu.memory_space<hbm>>) dst(%dma_wait3A_327 : memref<40xi32, #tpu.memory_space<vmem>>)
      %dma_start3A_330 = arith.constant 0 : i32
      %dma_start3A_331 = arith.constant 0 : i32
      %dma_start3A_332 = tpu.memref_slice %arg10[%dma_start3A_330, %dma_start3A_331] : memref<2x40xi32, #tpu.memory_space<vmem>> -> memref<1x40xi32, #tpu.memory_space<vmem>>
      %dma_start3A_333 = tpu.memref_squeeze %dma_start3A_332 : memref<1x40xi32, #tpu.memory_space<vmem>> -> memref<40xi32, #tpu.memory_space<vmem>>
      %dma_start3A_334 = arith.constant 0 : i32
      %dma_start3A_335 = arith.constant 0 : i32
      %dma_start3A_336 = tpu.memref_slice %arg2[%dma_start3A_334, %dma_start3A_335] : memref<10000x128xf32, #tpu.memory_space<hbm>> -> memref<10000x128xf32, #tpu.memory_space<hbm>>
      tpu.enqueue_indirect_dma source(%dma_start3A_336 : memref<10000x128xf32, #tpu.memory_space<hbm>>) target(%arg18 : memref<40x128xf32, #tpu.memory_space<vmem>>) offsets(%dma_start3A_333 : memref<40xi32, #tpu.memory_space<vmem>>) semaphore(%arg34 : memref<!tpu.dma_semaphore, #tpu.memory_space<semaphore_mem>>)
      %mul3A_337 = arith.constant 40 : i32
      %mul3A_338 = arith.muli %add3A_226, %mul3A_337 : i32
      %add3A_339 = arith.addi %mul3A_2, %mul3A_338 : i32
      %dma_start3A_340 = arith.constant 0 : i32
      %dma_start3A_341 = tpu.memref_slice %arg3[%add3A_339, %dma_start3A_340] : memref<320000x128xf32, #tpu.memory_space<hbm>> -> memref<40x128xf32, #tpu.memory_space<hbm>>
      %dma_start3A_342 = arith.constant 0 : i32
      %dma_start3A_343 = tpu.memref_slice %arg3[%add3A_339, %dma_start3A_342] : memref<320000x128xf32, #tpu.memory_space<hbm>> -> memref<40x128xf32, #tpu.memory_space<hbm>>
      tpu.enqueue_dma source(%dma_start3A_343 : memref<40x128xf32, #tpu.memory_space<hbm>>) target(%arg22 : memref<40x128xf32, #tpu.memory_space<vmem>>) target_semaphore(%arg38 : memref<!tpu.dma_semaphore, #tpu.memory_space<semaphore_mem>>)
    } else {
    }
    %dma_wait3A_241 = arith.constant 0 : i32
    %dma_wait3A_242 = arith.constant 0 : i32
    %dma_wait3A_243 = tpu.memref_slice %arg8[%dma_wait3A_241, %dma_wait3A_242] : memref<2x40xi32, #tpu.memory_space<vmem>> -> memref<1x40xi32, #tpu.memory_space<vmem>>
    %dma_wait3A_244 = tpu.memref_squeeze %dma_wait3A_243 : memref<1x40xi32, #tpu.memory_space<vmem>> -> memref<40xi32, #tpu.memory_space<vmem>>
    %dma_wait3A_245 = arith.constant 0 : i32
    %dma_wait3A_246 = arith.constant 0 : i32
    %dma_wait3A_247 = tpu.memref_slice %arg2[%dma_wait3A_245, %dma_wait3A_246] : memref<10000x128xf32, #tpu.memory_space<hbm>> -> memref<10000x128xf32, #tpu.memory_space<hbm>>
    tpu.wait_indirect_dma semaphore(%arg32 : memref<!tpu.dma_semaphore, #tpu.memory_space<semaphore_mem>>) src(%dma_wait3A_247 : memref<10000x128xf32, #tpu.memory_space<hbm>>) dst(%arg16 : memref<40x128xf32, #tpu.memory_space<vmem>>)
    %dma_wait3A_248 = arith.constant 0 : i32
    %dma_wait3A_249 = arith.constant 0 : i32
    %dma_wait3A_250 = tpu.memref_slice %arg3[%dma_wait3A_248, %dma_wait3A_249] : memref<320000x128xf32, #tpu.memory_space<hbm>> -> memref<40x128xf32, #tpu.memory_space<hbm>>
    %dma_wait3A_251 = arith.constant 0 : i32
    %dma_wait3A_252 = arith.constant 0 : i32
    %dma_wait3A_253 = tpu.memref_slice %arg3[%dma_wait3A_251, %dma_wait3A_252] : memref<320000x128xf32, #tpu.memory_space<hbm>> -> memref<40x128xf32, #tpu.memory_space<hbm>>
    tpu.wait_dma2 semaphore(%arg36 : memref<!tpu.dma_semaphore, #tpu.memory_space<semaphore_mem>>) src(%dma_wait3A_253 : memref<40x128xf32, #tpu.memory_space<hbm>>) dst(%arg20 : memref<40x128xf32, #tpu.memory_space<vmem>>)
    %scan3A_254 = arith.constant 0 : i32
    %scan3A_255 = arith.constant 0 : i32
    %scan3A_256 = arith.constant 40 : i32
    %scan3A_257 = arith.addi %scan3A_255, %scan3A_256 : i32
    %scan3A_258 = arith.constant 1 : i32
    scf.for %scan3A_304 = %scan3A_255 to %scan3A_257 step %scan3A_258  : i32 {
      %get3A = arith.index_cast %scan3A_304 : i32 to index
      %get3A_305 = arith.constant 0 : index
      %get3A_306 = tpu.vector_load %arg16[%get3A, %get3A_305] {strides = array<i32>} : memref<40x128xf32, #tpu.memory_space<vmem>>, vector<1x16xf32>,
      %get3A_307 = vector.shape_cast %get3A_306 : vector<1x16xf32> to vector<16xf32>
      %get3A_308 = arith.index_cast %scan3A_304 : i32 to index
      %get3A_309 = arith.constant 0 : index
      %get3A_310 = tpu.vector_load %arg20[%get3A_308, %get3A_309] {strides = array<i32>} : memref<40x128xf32, #tpu.memory_space<vmem>>, vector<1x16xf32>,
      %get3A_311 = vector.shape_cast %get3A_310 : vector<1x16xf32> to vector<16xf32>
      %add3A_312 = arith.addf %get3A_307, %get3A_311 : vector<16xf32>
      %mul3A_313 = arith.constant 0.00999999977 : f32
      %mul3A_314 = vector.broadcast %mul3A_313 : f32 to vector<16xf32>
      %mul3A_315 = arith.mulf %mul3A_314, %add3A_312 : vector<16xf32>
      %max3A = arith.maximumf %add3A_312, %mul3A_315 : vector<16xf32>
      %swap3A = arith.index_cast %scan3A_304 : i32 to index
      %swap3A_316 = arith.constant 0 : index
      %swap3A_317 = tpu.vector_load %arg20[%swap3A, %swap3A_316] {strides = array<i32>} : memref<40x128xf32, #tpu.memory_space<vmem>>, vector<1x16xf32>,
      %swap3A_318 = vector.shape_cast %swap3A_317 : vector<1x16xf32> to vector<16xf32>
      %swap3A_319 = vector.shape_cast %max3A : vector<16xf32> to vector<1x16xf32>
      tpu.vector_store %arg20[%swap3A, %swap3A_316], %swap3A_319 {strides = array<i32>} : memref<40x128xf32, #tpu.memory_space<vmem>>, vector<1x16xf32>,
      %get3A_320 = arith.index_cast %scan3A_304 : i32 to index
      %get3A_321 = arith.constant 16 : index
      %get3A_322 = tpu.vector_load %arg16[%get3A_320, %get3A_321] {strides = array<i32>} : memref<40x128xf32, #tpu.memory_space<vmem>>, vector<1x16xf32>,
      %get3A_323 = vector.shape_cast %get3A_322 : vector<1x16xf32> to vector<16xf32>
      %get3A_324 = arith.index_cast %scan3A_304 : i32 to index
      %get3A_325 = arith.constant 16 : index
      %get3A_326 = tpu.vector_load %arg20[%get3A_324, %get3A_325] {strides = array<i32>} : memref<40x128xf32, #tpu.memory_space<vmem>>, vector<1x16xf32>,
      %get3A_327 = vector.shape_cast %get3A_326 : vector<1x16xf32> to vector<16xf32>
      %add3A_328 = arith.addf %get3A_323, %get3A_327 : vector<16xf32>
      %mul3A_329 = arith.constant 0.00999999977 : f32
      %mul3A_330 = vector.broadcast %mul3A_329 : f32 to vector<16xf32>
      %mul3A_331 = arith.mulf %mul3A_330, %add3A_328 : vector<16xf32>
      %max3A_332 = arith.maximumf %add3A_328, %mul3A_331 : vector<16xf32>
      %swap3A_333 = arith.index_cast %scan3A_304 : i32 to index
      %swap3A_334 = arith.constant 16 : index
      %swap3A_335 = tpu.vector_load %arg20[%swap3A_333, %swap3A_334] {strides = array<i32>} : memref<40x128xf32, #tpu.memory_space<vmem>>, vector<1x16xf32>,
      %swap3A_336 = vector.shape_cast %swap3A_335 : vector<1x16xf32> to vector<16xf32>
      %swap3A_337 = vector.shape_cast %max3A_332 : vector<16xf32> to vector<1x16xf32>
      tpu.vector_store %arg20[%swap3A_333, %swap3A_334], %swap3A_337 {strides = array<i32>} : memref<40x128xf32, #tpu.memory_space<vmem>>, vector<1x16xf32>,
      %get3A_338 = arith.index_cast %scan3A_304 : i32 to index
      %get3A_339 = arith.constant 32 : index
      %get3A_340 = tpu.vector_load %arg16[%get3A_338, %get3A_339] {strides = array<i32>} : memref<40x128xf32, #tpu.memory_space<vmem>>, vector<1x16xf32>,
      %get3A_341 = vector.shape_cast %get3A_340 : vector<1x16xf32> to vector<16xf32>
      %get3A_342 = arith.index_cast %scan3A_304 : i32 to index
      %get3A_343 = arith.constant 32 : index
      %get3A_344 = tpu.vector_load %arg20[%get3A_342, %get3A_343] {strides = array<i32>} : memref<40x128xf32, #tpu.memory_space<vmem>>, vector<1x16xf32>,
      %get3A_345 = vector.shape_cast %get3A_344 : vector<1x16xf32> to vector<16xf32>
      %add3A_346 = arith.addf %get3A_341, %get3A_345 : vector<16xf32>
      %mul3A_347 = arith.constant 0.00999999977 : f32
      %mul3A_348 = vector.broadcast %mul3A_347 : f32 to vector<16xf32>
      %mul3A_349 = arith.mulf %mul3A_348, %add3A_346 : vector<16xf32>
      %max3A_350 = arith.maximumf %add3A_346, %mul3A_349 : vector<16xf32>
      %swap3A_351 = arith.index_cast %scan3A_304 : i32 to index
      %swap3A_352 = arith.constant 32 : index
      %swap3A_353 = tpu.vector_load %arg20[%swap3A_351, %swap3A_352] {strides = array<i32>} : memref<40x128xf32, #tpu.memory_space<vmem>>, vector<1x16xf32>,
      %swap3A_354 = vector.shape_cast %swap3A_353 : vector<1x16xf32> to vector<16xf32>
      %swap3A_355 = vector.shape_cast %max3A_350 : vector<16xf32> to vector<1x16xf32>
      tpu.vector_store %arg20[%swap3A_351, %swap3A_352], %swap3A_355 {strides = array<i32>} : memref<40x128xf32, #tpu.memory_space<vmem>>, vector<1x16xf32>,
      %get3A_356 = arith.index_cast %scan3A_304 : i32 to index
      %get3A_357 = arith.constant 48 : index
      %get3A_358 = tpu.vector_load %arg16[%get3A_356, %get3A_357] {strides = array<i32>} : memref<40x128xf32, #tpu.memory_space<vmem>>, vector<1x16xf32>,
      %get3A_359 = vector.shape_cast %get3A_358 : vector<1x16xf32> to vector<16xf32>
      %get3A_360 = arith.index_cast %scan3A_304 : i32 to index
      %get3A_361 = arith.constant 48 : index
      %get3A_362 = tpu.vector_load %arg20[%get3A_360, %get3A_361] {strides = array<i32>} : memref<40x128xf32, #tpu.memory_space<vmem>>, vector<1x16xf32>,
      %get3A_363 = vector.shape_cast %get3A_362 : vector<1x16xf32> to vector<16xf32>
      %add3A_364 = arith.addf %get3A_359, %get3A_363 : vector<16xf32>
      %mul3A_365 = arith.constant 0.00999999977 : f32
      %mul3A_366 = vector.broadcast %mul3A_365 : f32 to vector<16xf32>
      %mul3A_367 = arith.mulf %mul3A_366, %add3A_364 : vector<16xf32>
      %max3A_368 = arith.maximumf %add3A_364, %mul3A_367 : vector<16xf32>
      %swap3A_369 = arith.index_cast %scan3A_304 : i32 to index
      %swap3A_370 = arith.constant 48 : index
      %swap3A_371 = tpu.vector_load %arg20[%swap3A_369, %swap3A_370] {strides = array<i32>} : memref<40x128xf32, #tpu.memory_space<vmem>>, vector<1x16xf32>,
      %swap3A_372 = vector.shape_cast %swap3A_371 : vector<1x16xf32> to vector<16xf32>
      %swap3A_373 = vector.shape_cast %max3A_368 : vector<16xf32> to vector<1x16xf32>
      tpu.vector_store %arg20[%swap3A_369, %swap3A_370], %swap3A_373 {strides = array<i32>} : memref<40x128xf32, #tpu.memory_space<vmem>>, vector<1x16xf32>,
      %get3A_374 = arith.index_cast %scan3A_304 : i32 to index
      %get3A_375 = arith.constant 64 : index
      %get3A_376 = tpu.vector_load %arg16[%get3A_374, %get3A_375] {strides = array<i32>} : memref<40x128xf32, #tpu.memory_space<vmem>>, vector<1x16xf32>,
      %get3A_377 = vector.shape_cast %get3A_376 : vector<1x16xf32> to vector<16xf32>
      %get3A_378 = arith.index_cast %scan3A_304 : i32 to index
      %get3A_379 = arith.constant 64 : index
      %get3A_380 = tpu.vector_load %arg20[%get3A_378, %get3A_379] {strides = array<i32>} : memref<40x128xf32, #tpu.memory_space<vmem>>, vector<1x16xf32>,
      %get3A_381 = vector.shape_cast %get3A_380 : vector<1x16xf32> to vector<16xf32>
      %add3A_382 = arith.addf %get3A_377, %get3A_381 : vector<16xf32>
      %mul3A_383 = arith.constant 0.00999999977 : f32
      %mul3A_384 = vector.broadcast %mul3A_383 : f32 to vector<16xf32>
      %mul3A_385 = arith.mulf %mul3A_384, %add3A_382 : vector<16xf32>
      %max3A_386 = arith.maximumf %add3A_382, %mul3A_385 : vector<16xf32>
      %swap3A_387 = arith.index_cast %scan3A_304 : i32 to index
      %swap3A_388 = arith.constant 64 : index
      %swap3A_389 = tpu.vector_load %arg20[%swap3A_387, %swap3A_388] {strides = array<i32>} : memref<40x128xf32, #tpu.memory_space<vmem>>, vector<1x16xf32>,
      %swap3A_390 = vector.shape_cast %swap3A_389 : vector<1x16xf32> to vector<16xf32>
      %swap3A_391 = vector.shape_cast %max3A_386 : vector<16xf32> to vector<1x16xf32>
      tpu.vector_store %arg20[%swap3A_387, %swap3A_388], %swap3A_391 {strides = array<i32>} : memref<40x128xf32, #tpu.memory_space<vmem>>, vector<1x16xf32>,
      %get3A_392 = arith.index_cast %scan3A_304 : i32 to index
      %get3A_393 = arith.constant 80 : index
      %get3A_394 = tpu.vector_load %arg16[%get3A_392, %get3A_393] {strides = array<i32>} : memref<40x128xf32, #tpu.memory_space<vmem>>, vector<1x16xf32>,
      %get3A_395 = vector.shape_cast %get3A_394 : vector<1x16xf32> to vector<16xf32>
      %get3A_396 = arith.index_cast %scan3A_304 : i32 to index
      %get3A_397 = arith.constant 80 : index
      %get3A_398 = tpu.vector_load %arg20[%get3A_396, %get3A_397] {strides = array<i32>} : memref<40x128xf32, #tpu.memory_space<vmem>>, vector<1x16xf32>,
      %get3A_399 = vector.shape_cast %get3A_398 : vector<1x16xf32> to vector<16xf32>
      %add3A_400 = arith.addf %get3A_395, %get3A_399 : vector<16xf32>
      %mul3A_401 = arith.constant 0.00999999977 : f32
      %mul3A_402 = vector.broadcast %mul3A_401 : f32 to vector<16xf32>
      %mul3A_403 = arith.mulf %mul3A_402, %add3A_400 : vector<16xf32>
      %max3A_404 = arith.maximumf %add3A_400, %mul3A_403 : vector<16xf32>
      %swap3A_405 = arith.index_cast %scan3A_304 : i32 to index
      %swap3A_406 = arith.constant 80 : index
      %swap3A_407 = tpu.vector_load %arg20[%swap3A_405, %swap3A_406] {strides = array<i32>} : memref<40x128xf32, #tpu.memory_space<vmem>>, vector<1x16xf32>,
      %swap3A_408 = vector.shape_cast %swap3A_407 : vector<1x16xf32> to vector<16xf32>
      %swap3A_409 = vector.shape_cast %max3A_404 : vector<16xf32> to vector<1x16xf32>
      tpu.vector_store %arg20[%swap3A_405, %swap3A_406], %swap3A_409 {strides = array<i32>} : memref<40x128xf32, #tpu.memory_space<vmem>>, vector<1x16xf32>,
      %get3A_410 = arith.index_cast %scan3A_304 : i32 to index
      %get3A_411 = arith.constant 96 : index
      %get3A_412 = tpu.vector_load %arg16[%get3A_410, %get3A_411] {strides = array<i32>} : memref<40x128xf32, #tpu.memory_space<vmem>>, vector<1x16xf32>,
      %get3A_413 = vector.shape_cast %get3A_412 : vector<1x16xf32> to vector<16xf32>
      %get3A_414 = arith.index_cast %scan3A_304 : i32 to index
      %get3A_415 = arith.constant 96 : index
      %get3A_416 = tpu.vector_load %arg20[%get3A_414, %get3A_415] {strides = array<i32>} : memref<40x128xf32, #tpu.memory_space<vmem>>, vector<1x16xf32>,
      %get3A_417 = vector.shape_cast %get3A_416 : vector<1x16xf32> to vector<16xf32>
      %add3A_418 = arith.addf %get3A_413, %get3A_417 : vector<16xf32>
      %mul3A_419 = arith.constant 0.00999999977 : f32
      %mul3A_420 = vector.broadcast %mul3A_419 : f32 to vector<16xf32>
      %mul3A_421 = arith.mulf %mul3A_420, %add3A_418 : vector<16xf32>
      %max3A_422 = arith.maximumf %add3A_418, %mul3A_421 : vector<16xf32>
      %swap3A_423 = arith.index_cast %scan3A_304 : i32 to index
      %swap3A_424 = arith.constant 96 : index
      %swap3A_425 = tpu.vector_load %arg20[%swap3A_423, %swap3A_424] {strides = array<i32>} : memref<40x128xf32, #tpu.memory_space<vmem>>, vector<1x16xf32>,
      %swap3A_426 = vector.shape_cast %swap3A_425 : vector<1x16xf32> to vector<16xf32>
      %swap3A_427 = vector.shape_cast %max3A_422 : vector<16xf32> to vector<1x16xf32>
      tpu.vector_store %arg20[%swap3A_423, %swap3A_424], %swap3A_427 {strides = array<i32>} : memref<40x128xf32, #tpu.memory_space<vmem>>, vector<1x16xf32>,
      %get3A_428 = arith.index_cast %scan3A_304 : i32 to index
      %get3A_429 = arith.constant 112 : index
      %get3A_430 = tpu.vector_load %arg16[%get3A_428, %get3A_429] {strides = array<i32>} : memref<40x128xf32, #tpu.memory_space<vmem>>, vector<1x16xf32>,
      %get3A_431 = vector.shape_cast %get3A_430 : vector<1x16xf32> to vector<16xf32>
      %get3A_432 = arith.index_cast %scan3A_304 : i32 to index
      %get3A_433 = arith.constant 112 : index
      %get3A_434 = tpu.vector_load %arg20[%get3A_432, %get3A_433] {strides = array<i32>} : memref<40x128xf32, #tpu.memory_space<vmem>>, vector<1x16xf32>,
      %get3A_435 = vector.shape_cast %get3A_434 : vector<1x16xf32> to vector<16xf32>
      %add3A_436 = arith.addf %get3A_431, %get3A_435 : vector<16xf32>
      %mul3A_437 = arith.constant 0.00999999977 : f32
      %mul3A_438 = vector.broadcast %mul3A_437 : f32 to vector<16xf32>
      %mul3A_439 = arith.mulf %mul3A_438, %add3A_436 : vector<16xf32>
      %max3A_440 = arith.maximumf %add3A_436, %mul3A_439 : vector<16xf32>
      %swap3A_441 = arith.index_cast %scan3A_304 : i32 to index
      %swap3A_442 = arith.constant 112 : index
      %swap3A_443 = tpu.vector_load %arg20[%swap3A_441, %swap3A_442] {strides = array<i32>} : memref<40x128xf32, #tpu.memory_space<vmem>>, vector<1x16xf32>,
      %swap3A_444 = vector.shape_cast %swap3A_443 : vector<1x16xf32> to vector<16xf32>
      %swap3A_445 = vector.shape_cast %max3A_440 : vector<16xf32> to vector<1x16xf32>
      tpu.vector_store %arg20[%swap3A_441, %swap3A_442], %swap3A_445 {strides = array<i32>} : memref<40x128xf32, #tpu.memory_space<vmem>>, vector<1x16xf32>,
    }
    %scan3A_259 = arith.constant 40 : i32
    %dma_start3A_260 = arith.constant 1 : i32
    %dma_start3A_261 = arith.constant 0 : i32
    %dma_start3A_262 = tpu.memref_slice %arg8[%dma_start3A_260, %dma_start3A_261] : memref<2x40xi32, #tpu.memory_space<vmem>> -> memref<1x40xi32, #tpu.memory_space<vmem>>
    %dma_start3A_263 = tpu.memref_squeeze %dma_start3A_262 : memref<1x40xi32, #tpu.memory_space<vmem>> -> memref<40xi32, #tpu.memory_space<vmem>>
    %dma_start3A_264 = arith.constant 0 : i32
    %dma_start3A_265 = arith.constant 0 : i32
    %dma_start3A_266 = tpu.memref_slice %arg43[%dma_start3A_264, %dma_start3A_265] : memref<10000x128xf32, #tpu.memory_space<vmem_shared>> -> memref<10000x128xf32, #tpu.memory_space<vmem_shared>>
    tpu.enqueue_indirect_dma source(%arg20 : memref<40x128xf32, #tpu.memory_space<vmem>>) target(%dma_start3A_266 : memref<10000x128xf32, #tpu.memory_space<vmem_shared>>) offsets(%dma_start3A_263 : memref<40xi32, #tpu.memory_space<vmem>>) semaphore(%arg40 : memref<!tpu.dma_semaphore, #tpu.memory_space<semaphore_mem>>) {add = true}
    %dma_wait3A_267 = arith.constant 1 : i32
    %dma_wait3A_268 = arith.constant 0 : i32
    %dma_wait3A_269 = tpu.memref_slice %arg7[%dma_wait3A_267, %dma_wait3A_268] : memref<2x40xi32, #tpu.memory_space<vmem>> -> memref<1x40xi32, #tpu.memory_space<vmem>>
    %dma_wait3A_270 = tpu.memref_squeeze %dma_wait3A_269 : memref<1x40xi32, #tpu.memory_space<vmem>> -> memref<40xi32, #tpu.memory_space<vmem>>
    %dma_wait3A_271 = arith.constant 0 : i32
    %dma_wait3A_272 = arith.constant 0 : i32
    %dma_wait3A_273 = tpu.memref_slice %arg43[%dma_wait3A_271, %dma_wait3A_272] : memref<10000x128xf32, #tpu.memory_space<vmem_shared>> -> memref<10000x128xf32, #tpu.memory_space<vmem_shared>>
    tpu.wait_indirect_dma semaphore(%arg39 : memref<!tpu.dma_semaphore, #tpu.memory_space<semaphore_mem>>) src(%arg19 : memref<40x128xf32, #tpu.memory_space<vmem>>) dst(%dma_wait3A_273 : memref<10000x128xf32, #tpu.memory_space<vmem_shared>>)
    %dma_wait3A_274 = arith.constant 1 : i32
    %dma_wait3A_275 = arith.constant 0 : i32
    %dma_wait3A_276 = tpu.memref_slice %arg7[%dma_wait3A_274, %dma_wait3A_275] : memref<2x40xi32, #tpu.memory_space<vmem>> -> memref<1x40xi32, #tpu.memory_space<vmem>>
    %dma_wait3A_277 = tpu.memref_squeeze %dma_wait3A_276 : memref<1x40xi32, #tpu.memory_space<vmem>> -> memref<40xi32, #tpu.memory_space<vmem>>
    %dma_wait3A_278 = arith.constant 0 : i32
    %dma_wait3A_279 = arith.constant 0 : i32
    %dma_wait3A_280 = tpu.memref_slice %arg43[%dma_wait3A_278, %dma_wait3A_279] : memref<10000x128xf32, #tpu.memory_space<vmem_shared>> -> memref<10000x128xf32, #tpu.memory_space<vmem_shared>>
    tpu.wait_indirect_dma semaphore(%arg40 : memref<!tpu.dma_semaphore, #tpu.memory_space<semaphore_mem>>) src(%arg20 : memref<40x128xf32, #tpu.memory_space<vmem>>) dst(%dma_wait3A_280 : memref<10000x128xf32, #tpu.memory_space<vmem_shared>>)
    %dma_wait3A_281 = arith.constant 1 : i32
    %dma_wait3A_282 = arith.constant 0 : i32
    %dma_wait3A_283 = tpu.memref_slice %arg7[%dma_wait3A_281, %dma_wait3A_282] : memref<2x40xi32, #tpu.memory_space<vmem>> -> memref<1x40xi32, #tpu.memory_space<vmem>>
    %dma_wait3A_284 = tpu.memref_squeeze %dma_wait3A_283 : memref<1x40xi32, #tpu.memory_space<vmem>> -> memref<40xi32, #tpu.memory_space<vmem>>
    %dma_wait3A_285 = arith.constant 0 : i32
    %dma_wait3A_286 = arith.constant 0 : i32
    %dma_wait3A_287 = tpu.memref_slice %arg43[%dma_wait3A_285, %dma_wait3A_286] : memref<10000x128xf32, #tpu.memory_space<vmem_shared>> -> memref<10000x128xf32, #tpu.memory_space<vmem_shared>>
    tpu.wait_indirect_dma semaphore(%arg41 : memref<!tpu.dma_semaphore, #tpu.memory_space<semaphore_mem>>) src(%arg21 : memref<40x128xf32, #tpu.memory_space<vmem>>) dst(%dma_wait3A_287 : memref<10000x128xf32, #tpu.memory_space<vmem_shared>>)
    %dma_wait3A_288 = arith.constant 1 : i32
    %dma_wait3A_289 = arith.constant 0 : i32
    %dma_wait3A_290 = tpu.memref_slice %arg7[%dma_wait3A_288, %dma_wait3A_289] : memref<2x40xi32, #tpu.memory_space<vmem>> -> memref<1x40xi32, #tpu.memory_space<vmem>>
    %dma_wait3A_291 = tpu.memref_squeeze %dma_wait3A_290 : memref<1x40xi32, #tpu.memory_space<vmem>> -> memref<40xi32, #tpu.memory_space<vmem>>
    %dma_wait3A_292 = arith.constant 0 : i32
    %dma_wait3A_293 = arith.constant 0 : i32
    %dma_wait3A_294 = tpu.memref_slice %arg43[%dma_wait3A_292, %dma_wait3A_293] : memref<10000x128xf32, #tpu.memory_space<vmem_shared>> -> memref<10000x128xf32, #tpu.memory_space<vmem_shared>>
    tpu.wait_indirect_dma semaphore(%arg42 : memref<!tpu.dma_semaphore, #tpu.memory_space<semaphore_mem>>) src(%arg22 : memref<40x128xf32, #tpu.memory_space<vmem>>) dst(%dma_wait3A_294 : memref<10000x128xf32, #tpu.memory_space<vmem_shared>>)
    %barrier3A_295 = arith.constant 0 : index
    tpu.barrier barrier_id(%barrier3A_295)
    %mul3A_296 = arith.constant 10000 : i32
    %mul3A_297 = arith.muli %arg0, %mul3A_296 : i32
    %add3A_298 = arith.addi %mul3A_297, %mul3A_8 : i32
    "tpu.region"() ({
      %run_scoped3A = tpu.sem_alloc : memref<!tpu.dma_semaphore, #tpu.memory_space<semaphore_mem>>
      %dma_start3A_304 = arith.constant 0 : i32
      %dma_start3A_305 = tpu.memref_slice %arg6[%add3A_298, %dma_start3A_304] : memref<20000x128xf32, #tpu.memory_space<hbm>> -> memref<624x128xf32, #tpu.memory_space<hbm>>
      %dma_start3A_306 = arith.constant 0 : i32
      %dma_start3A_307 = tpu.memref_slice %arg43[%mul3A_8, %dma_start3A_306] : memref<10000x128xf32, #tpu.memory_space<vmem_shared>> -> memref<624x128xf32, #tpu.memory_space<vmem_shared>>
      tpu.enqueue_dma source(%dma_start3A_307 : memref<624x128xf32, #tpu.memory_space<vmem_shared>>) target(%dma_start3A_305 : memref<624x128xf32, #tpu.memory_space<hbm>>) target_semaphore(%run_scoped3A : memref<!tpu.dma_semaphore, #tpu.memory_space<semaphore_mem>>)
      %dma_wait3A_308 = arith.constant 0 : i32
      %dma_wait3A_309 = tpu.memref_slice %arg6[%add3A_298, %dma_wait3A_308] : memref<20000x128xf32, #tpu.memory_space<hbm>> -> memref<624x128xf32, #tpu.memory_space<hbm>>
      %dma_wait3A_310 = arith.constant 0 : i32
      %dma_wait3A_311 = tpu.memref_slice %arg43[%mul3A_8, %dma_wait3A_310] : memref<10000x128xf32, #tpu.memory_space<vmem_shared>> -> memref<624x128xf32, #tpu.memory_space<vmem_shared>>
      tpu.wait_dma2 semaphore(%run_scoped3A : memref<!tpu.dma_semaphore, #tpu.memory_space<semaphore_mem>>) src(%dma_wait3A_311 : memref<624x128xf32, #tpu.memory_space<vmem_shared>>) dst(%dma_wait3A_309 : memref<624x128xf32, #tpu.memory_space<hbm>>)
      tpu.yield
    }) : () -> ()
    %eq3A_299 = arith.constant 15 : i32
    %eq3A_300 = arith.cmpi eq, %arg1, %eq3A_299 : i32
    %convert_element_type3A_301 = arith.extui %eq3A_300 : i1 to i32
    %cond3A_302 = arith.constant 0 : i32
    %cond3A_303 = arith.cmpi ne, %convert_element_type3A_301, %cond3A_302 : i32
    scf.if %cond3A_303 {
      %add3A_304 = arith.constant 624 : i32
      %add3A_305 = arith.addi %mul3A_8, %add3A_304 : i32
      %mul3A_306 = arith.constant 10000 : i32
      %mul3A_307 = arith.muli %arg0, %mul3A_306 : i32
      %add3A_308 = arith.addi %mul3A_307, %mul3A_8 : i32
      %add3A_309 = arith.constant 624 : i32
      %add3A_310 = arith.addi %add3A_308, %add3A_309 : i32
      "tpu.region"() ({
        %run_scoped3A = tpu.sem_alloc : memref<!tpu.dma_semaphore, #tpu.memory_space<semaphore_mem>>
        %dma_start3A_311 = arith.constant 0 : i32
        %dma_start3A_312 = tpu.memref_slice %arg6[%add3A_310, %dma_start3A_311] : memref<20000x128xf32, #tpu.memory_space<hbm>> -> memref<16x128xf32, #tpu.memory_space<hbm>>
        %dma_start3A_313 = arith.constant 0 : i32
        %dma_start3A_314 = tpu.memref_slice %arg43[%add3A_305, %dma_start3A_313] : memref<10000x128xf32, #tpu.memory_space<vmem_shared>> -> memref<16x128xf32, #tpu.memory_space<vmem_shared>>
        tpu.enqueue_dma source(%dma_start3A_314 : memref<16x128xf32, #tpu.memory_space<vmem_shared>>) target(%dma_start3A_312 : memref<16x128xf32, #tpu.memory_space<hbm>>) target_semaphore(%run_scoped3A : memref<!tpu.dma_semaphore, #tpu.memory_space<semaphore_mem>>)
        %dma_wait3A_315 = arith.constant 0 : i32
        %dma_wait3A_316 = tpu.memref_slice %arg6[%add3A_310, %dma_wait3A_315] : memref<20000x128xf32, #tpu.memory_space<hbm>> -> memref<16x128xf32, #tpu.memory_space<hbm>>
        %dma_wait3A_317 = arith.constant 0 : i32
        %dma_wait3A_318 = tpu.memref_slice %arg43[%add3A_305, %dma_wait3A_317] : memref<10000x128xf32, #tpu.memory_space<vmem_shared>> -> memref<16x128xf32, #tpu.memory_space<vmem_shared>>
        tpu.wait_dma2 semaphore(%run_scoped3A : memref<!tpu.dma_semaphore, #tpu.memory_space<semaphore_mem>>) src(%dma_wait3A_318 : memref<16x128xf32, #tpu.memory_space<vmem_shared>>) dst(%dma_wait3A_316 : memref<16x128xf32, #tpu.memory_space<hbm>>)
        tpu.yield
      }) : () -> ()
    } else {
    }
    return
  }
}

module attributes {stable_mosaic.version = 14 : i64} {
  func.func @body(%arg0: memref<10000x128xf32, #tpu.memory_space<vmem>>, %arg1: memref<128x128xf32, #tpu.memory_space<vmem>>, %arg2: memref<1x128xf32, #tpu.memory_space<vmem>>, %arg3: memref<128x128xf32, #tpu.memory_space<vmem>>, %arg4: memref<10000x128xf32, #tpu.memory_space<vmem>>) attributes {dimension_semantics = [], scalar_prefetch = 0 : i64, scratch_operands = 0 : i64, tpu.core_type = #tpu.core_type<tc>} {
    %get3A = arith.constant 0 : index
    %get3A_0 = arith.constant 0 : index
    %get3A_1 = vector.load %arg0[%get3A, %get3A_0] : memref<10000x128xf32, #tpu.memory_space<vmem>>, vector<10000x128xf32>
    %get3A_2 = arith.constant 0 : index
    %get3A_3 = arith.constant 0 : index
    %get3A_4 = vector.load %arg1[%get3A_2, %get3A_3] : memref<128x128xf32, #tpu.memory_space<vmem>>, vector<128x128xf32>
    %dot_general3A = arith.constant dense<0.000000e+00> : vector<10000x128xf32>
    %dot_general3A_5 = tpu.matmul %get3A_1, %get3A_4, %dot_general3A {dimension_numbers = #tpu.dot_dimension_numbers<[1], [0], [0], [1], [0, 0, 1, 1], [], []>, transpose_lhs_hint = false} : vector<10000x128xf32>, vector<128x128xf32>, vector<10000x128xf32> -> vector<10000x128xf32>
    %get3A_6 = arith.constant 0 : index
    %get3A_7 = arith.constant 0 : index
    %get3A_8 = vector.load %arg2[%get3A_6, %get3A_7] : memref<1x128xf32, #tpu.memory_space<vmem>>, vector<1x128xf32>
    %add3A = vector.broadcast %get3A_8 : vector<1x128xf32> to vector<10000x128xf32>
    %add3A_9 = arith.addf %dot_general3A_5, %add3A : vector<10000x128xf32>
    %mul3A = arith.constant 0.00999999977 : f32
    %mul3A_10 = vector.broadcast %mul3A : f32 to vector<10000x128xf32>
    %mul3A_11 = arith.mulf %mul3A_10, %add3A_9 : vector<10000x128xf32>
    %max3A = arith.maximumf %add3A_9, %mul3A_11 : vector<10000x128xf32>
    %get3A_12 = arith.constant 0 : index
    %get3A_13 = arith.constant 0 : index
    %get3A_14 = vector.load %arg3[%get3A_12, %get3A_13] : memref<128x128xf32, #tpu.memory_space<vmem>>, vector<128x128xf32>
    %dot_general3A_15 = arith.constant dense<0.000000e+00> : vector<10000x128xf32>
    %dot_general3A_16 = tpu.matmul %max3A, %get3A_14, %dot_general3A_15 {dimension_numbers = #tpu.dot_dimension_numbers<[1], [0], [0], [1], [0, 0, 1, 1], [], []>, transpose_lhs_hint = false} : vector<10000x128xf32>, vector<128x128xf32>, vector<10000x128xf32> -> vector<10000x128xf32>
    %swap3A = arith.constant 0 : index
    %swap3A_17 = arith.constant 0 : index
    %swap3A_18 = vector.load %arg4[%swap3A, %swap3A_17] : memref<10000x128xf32, #tpu.memory_space<vmem>>, vector<10000x128xf32>
    tpu.vector_store %arg4[%swap3A, %swap3A_17], %dot_general3A_16 {strides = array<i32>} : memref<10000x128xf32, #tpu.memory_space<vmem>>, vector<10000x128xf32>,
    return
  }
}

module attributes {stable_mosaic.version = 14 : i64} {
  func.func @body(%arg0: i32, %arg1: memref<16x16000xf32, #tpu.memory_space<vmem>>, %arg2: memref<16x16xf32, #tpu.memory_space<vmem>>, %arg3: memref<16x1xf32, #tpu.memory_space<vmem>>, %arg4: memref<16x128xf32, #tpu.memory_space<vmem>>, %arg5: memref<1x128xf32, #tpu.memory_space<vmem>>, %arg6: memref<16000x128xf32, #tpu.memory_space<vmem>>) attributes {dimension_semantics = [#tpu.dimension_semantics<arbitrary>], iteration_bounds = array<i64: 20>, scalar_prefetch = 0 : i64, scratch_operands = 0 : i64, tpu.core_type = #tpu.core_type<tc>, window_params = [{transform_indices = @transform_0, window_bounds = array<i64: 16, 16000>}, {pipeline_mode = #tpu.pipeline_mode<synchronous>, transform_indices = @transform_1, window_bounds = array<i64: 16, 16>}, {pipeline_mode = #tpu.pipeline_mode<synchronous>, transform_indices = @transform_2, window_bounds = array<i64: 16, 1>}, {pipeline_mode = #tpu.pipeline_mode<synchronous>, transform_indices = @transform_3, window_bounds = array<i64: 16, 128>}, {pipeline_mode = #tpu.pipeline_mode<synchronous>, transform_indices = @transform_4, window_bounds = array<i64: 1, 128>}, {transform_indices = @transform_5, window_bounds = array<i64: 16000, 128>}]} {
    %get3A = arith.constant 0 : index
    %get3A_0 = arith.constant 0 : index
    %get3A_1 = vector.load %arg2[%get3A, %get3A_0] : memref<16x16xf32, #tpu.memory_space<vmem>>, vector<16x16xf32>
    %get3A_2 = arith.constant 0 : index
    %get3A_3 = arith.constant 0 : index
    %get3A_4 = vector.load %arg1[%get3A_2, %get3A_3] : memref<16x16000xf32, #tpu.memory_space<vmem>>, vector<16x16000xf32>
    %dot_general3A = arith.constant dense<0.000000e+00> : vector<16x16000xf32>
    %dot_general3A_5 = tpu.matmul %get3A_1, %get3A_4, %dot_general3A {dimension_numbers = #tpu.dot_dimension_numbers<[0], [0], [1], [1], [0, 1, 1, 1], [], []>, transpose_lhs_hint = false} : vector<16x16xf32>, vector<16x16000xf32>, vector<16x16000xf32> -> vector<16x16000xf32>
    %get3A_6 = arith.constant 0 : index
    %get3A_7 = arith.constant 0 : index
    %get3A_8 = vector.load %arg3[%get3A_6, %get3A_7] : memref<16x1xf32, #tpu.memory_space<vmem>>, vector<16x1xf32>
    %add3A = vector.broadcast %get3A_8 : vector<16x1xf32> to vector<16x16000xf32>
    %add3A_9 = arith.addf %dot_general3A_5, %add3A : vector<16x16000xf32>
    %mul3A = arith.constant 0.00999999977 : f32
    %mul3A_10 = vector.broadcast %mul3A : f32 to vector<16x16000xf32>
    %mul3A_11 = arith.mulf %mul3A_10, %add3A_9 : vector<16x16000xf32>
    %max3A = arith.maximumf %add3A_9, %mul3A_11 : vector<16x16000xf32>
    %get3A_12 = arith.constant 0 : index
    %get3A_13 = arith.constant 0 : index
    %get3A_14 = vector.load %arg4[%get3A_12, %get3A_13] : memref<16x128xf32, #tpu.memory_space<vmem>>, vector<16x128xf32>
    %dot_general3A_15 = arith.constant dense<0.000000e+00> : vector<16000x128xf32>
    %dot_general3A_16 = tpu.matmul %max3A, %get3A_14, %dot_general3A_15 {dimension_numbers = #tpu.dot_dimension_numbers<[0], [0], [1], [1], [0, 1, 1, 1], [], []>, transpose_lhs_hint = false} : vector<16x16000xf32>, vector<16x128xf32>, vector<16000x128xf32> -> vector<16000x128xf32>
    %get3A_17 = arith.constant 0 : index
    %get3A_18 = arith.constant 0 : index
    %get3A_19 = vector.load %arg5[%get3A_17, %get3A_18] : memref<1x128xf32, #tpu.memory_space<vmem>>, vector<1x128xf32>
    %add3A_20 = vector.broadcast %get3A_19 : vector<1x128xf32> to vector<16000x128xf32>
    %add3A_21 = arith.addf %dot_general3A_16, %add3A_20 : vector<16000x128xf32>
    %swap3A = arith.constant 0 : index
    %swap3A_22 = arith.constant 0 : index
    %swap3A_23 = vector.load %arg6[%swap3A, %swap3A_22] : memref<16000x128xf32, #tpu.memory_space<vmem>>, vector<16000x128xf32>
    tpu.vector_store %arg6[%swap3A, %swap3A_22], %add3A_21 {strides = array<i32>} : memref<16000x128xf32, #tpu.memory_space<vmem>>, vector<16000x128xf32>,
    return
  }
  func.func @transform_0(%arg0: i32) -> (i32, i32) {
    %add3A = arith.constant 0 : i32
    %add3A_0 = arith.addi %arg0, %add3A : i32
    %c0_i32 = arith.constant 0 : i32
    %c0_i32_1 = arith.constant 0 : i32
    return %c0_i32, %add3A_0 : i32, i32
  }
  func.func @transform_1(%arg0: i32) -> (i32, i32) {
    %c0_i32 = arith.constant 0 : i32
    %c0_i32_0 = arith.constant 0 : i32
    %c0_i32_1 = arith.constant 0 : i32
    return %c0_i32, %c0_i32_0 : i32, i32
  }
  func.func @transform_2(%arg0: i32) -> (i32, i32) {
    %c0_i32 = arith.constant 0 : i32
    %c0_i32_0 = arith.constant 0 : i32
    %c0_i32_1 = arith.constant 0 : i32
    return %c0_i32, %c0_i32_0 : i32, i32
  }
  func.func @transform_3(%arg0: i32) -> (i32, i32) {
    %c0_i32 = arith.constant 0 : i32
    %c0_i32_0 = arith.constant 0 : i32
    %c0_i32_1 = arith.constant 0 : i32
    return %c0_i32, %c0_i32_0 : i32, i32
  }
  func.func @transform_4(%arg0: i32) -> (i32, i32) {
    %c0_i32 = arith.constant 0 : i32
    %c0_i32_0 = arith.constant 0 : i32
    %c0_i32_1 = arith.constant 0 : i32
    return %c0_i32, %c0_i32_0 : i32, i32
  }
  func.func @transform_5(%arg0: i32) -> (i32, i32) {
    %c0_i32 = arith.constant 0 : i32
    %c0_i32_0 = arith.constant 0 : i32
    return %arg0, %c0_i32 : i32, i32
  }
}

module attributes {stable_mosaic.version = 14 : i64} {
  func.func @body(%arg0: memref<10000x128xf32, #tpu.memory_space<vmem>>, %arg1: memref<10000x128xf32, #tpu.memory_space<vmem>>, %arg2: memref<10000x128xf32, #tpu.memory_space<vmem>>) attributes {dimension_semantics = [], scalar_prefetch = 0 : i64, scratch_operands = 0 : i64, tpu.core_type = #tpu.core_type<tc>} {
    %get3A = arith.constant 0 : index
    %get3A_0 = arith.constant 0 : index
    %get3A_1 = vector.load %arg0[%get3A, %get3A_0] : memref<10000x128xf32, #tpu.memory_space<vmem>>, vector<10000x128xf32>
    %get3A_2 = arith.constant 0 : index
    %get3A_3 = arith.constant 0 : index
    %get3A_4 = vector.load %arg1[%get3A_2, %get3A_3] : memref<10000x128xf32, #tpu.memory_space<vmem>>, vector<10000x128xf32>
    %add3A = arith.addf %get3A_1, %get3A_4 : vector<10000x128xf32>
    %swap3A = arith.constant 0 : index
    %swap3A_5 = arith.constant 0 : index
    %swap3A_6 = vector.load %arg2[%swap3A, %swap3A_5] : memref<10000x128xf32, #tpu.memory_space<vmem>>, vector<10000x128xf32>
    tpu.vector_store %arg2[%swap3A, %swap3A_5], %add3A {strides = array<i32>} : memref<10000x128xf32, #tpu.memory_space<vmem>>, vector<10000x128xf32>,
    return
  }
}

</mosaic_0001>

<sc_bundles>
// kernel: kernel.6.cloned.1.call-start
scs
__scs_entry_jumppad:
0x0: {  	(pc) =	sbr.rel $0x88, $3  }
0x1: {  	(tag) =	ssettag $0x0;
	lr =	simm.s32 $0x1  }
0x2: {  	[smem:$0x3F98] =	sst lr;
	_ =	strace $0xD0000000  }
0x3: {  	_ = 	snop  }
0x4: {  	_ = 	snop  }
0x5: {  	_ = 	snop  }
0x6: {  	_ = 	snop  }
0x7: {  	_ = 	snop  }
__scs_overlays_trampoline_lowered:
0x8: {  	[smem:$0x3FA7] =	sst s0  }
0x9: {  	[smem:$0x3FA8] =	sst s1  }
0xa: {  	[smem:$0x3FA9] =	sst s2  }
0xb: {  	[smem:$0x3FAA] =	sst s3  }
0xc: {  	[smem:$0x3FAB] =	sst s4  }
0xd: {  	[smem:$0x3FAC] =	sst s5  }
0xe: {  	[smem:$0x3FAD] =	sst s6  }
0xf: {  	[smem:$0x3FAE] =	sst s7  }
0x10: {  	[smem:$0x3FAF] =	sst s8  }
0x11: {  	[smem:$0x3FB0] =	sst s9;
	s0 =	simm.s32 @!p0 $0x0  }
0x12: {  	s1 =	sld [smem:$0x3F96];
	s0 =	simm.s32 @p0 $0x1  }
0x13: {  	[smem:$0x3FB1] =	sst s0;
	s0 =	simm.s32 @!p1 $0x0  }
0x14: {  	s2 =	sld [smem:$0x3F95];
	s0 =	simm.s32 @p1 $0x1  }
0x15: {  	[smem:$0x3FB2] =	sst s0;
	s0 =	simm.s32 @!p2 $0x0  }
0x16: {  	s3 =	sld [smem:$0x3FDB];
	s0 =	simm.s32 @p2 $0x1  }
0x17: {  	s4 =	simm.s32 $0x1BF5;
	[smem:$0x3FB4] =	sst s0  }
0x18: {  	s0 =	sld [smem:$0x3F97];
	_ =	swait.ge [sflag:s4], $0x0  }
0x19: {  	s7 =	sld [smem:$0x3F98]  }
0x1a: {  	s8 =	sadd.s32 $0xFFFFE003, lr  }
0x1b: {  	s9 =	sadd.s32 $0xFFFFFEF7, lr;
	s5 =	simm.s32 $0xFFFFFFFF;
	p2 =	slt.u32 s8, $0xFFFFF086  }
0x1c: {  	p1 =	slt.u32 s9, $0xF7A;
	s5 =	simm.s32 @!p2 $0x0  }
0x1d: {  	s5 =	simm.s32 @p1 $0x1;
	p0 =	seq.s32 s7, s2  }
0x1e: {  	s7 =	smul.u32 @!p0 $0xF7A, s2;
	p2 =	seq.s32 @!p0 s5, $0x0  }
0x1f: {  	s9 =	smul.u32 $0xF7A, s1;
	s8 =	simm.s32 @!p0 $0x1BF5;
	p2 =	por !p2, p0  }
0x20: {  	[sflag:s8] =	ssyncset.s32 @!p0 $0xFFFFF086;
	s6 =	sadd.s32 @!p0 s3, s7;
	s7 =	simm.s32 @!p0 $0x108  }
0x21: {  	s3 =	sadd.s32 s3, s9;
	s6 =	sadd.s32 @!p0 $0x88, s6;
	s7 =	simm.s32 @p2 $0x1082  }
0x22: {  	[simem:s7], [sflag:s8] =	dma.local @!p0 [hbm:s6], $0xF7A  }
0x23: {  	s9 =	sor.u32 $0xD0000000, s2;
	s6 =	simm.s32 $0x108;
	_ =	swait.ge @!p0 [sflag:s8], $0x0  }
0x24: {  	s3 =	sadd.s32 $0x88, s3;
	s6 =	simm.s32 @!p1 $0x1082;
	[sflag:s4] =	ssyncset.s32 $0xFFFFF086  }
0x25: {  	[simem:s6], [sflag:s4] =	dma.local [hbm:s3], $0xF7A  }
0x26: {  	[smem:$0x3F98] =	sst s1;
	(tag) =	ssettag s2;
	_ =	strace s9  }
0x27: {  	s1 =	sld [smem:$0x3FA8]  }
0x28: {  	s2 =	sld [smem:$0x3FA9]  }
0x29: {  	s4 =	sld [smem:$0x3FAB]  }
0x2a: {  	p0 =	seq.s32 s5, $0x0;
	s5 =	sld [smem:$0x3FAC]  }
0x2b: {  	s6 =	sld [smem:$0x3FAD]  }
0x2c: {  	s7 =	sld [smem:$0x3FAE]  }
0x2d: {  	s3 =	simm.s32 $0x108;
	s8 =	sld [smem:$0x3FAF]  }
0x2e: {  	s3 =	simm.s32 @!p0 $0x1082;
	s9 =	sld [smem:$0x3FB0]  }
0x2f: {  	lr =	sadd.s32 s0, s3;
	s0 =	sld [smem:$0x3FA7]  }
0x30: {  	s3 =	sld [smem:$0x3FAA]  }
0x31: {  	[smem:$0x3FB3] =	sst s10  }
0x32: {  	s10 =	sld [smem:$0x3FB1];
	_ =	sdelay $0x3  }
0x33: {  	p0 =	seq.s32 s10, $0x1;
	s10 =	sld [smem:$0x3FB3];
	_ =	sdelay $0x3  }
0x34: {  	[smem:$0x3FB3] =	sst s10  }
0x35: {  	s10 =	sld [smem:$0x3FB2];
	_ =	sdelay $0x3  }
0x36: {  	p1 =	seq.s32 s10, $0x1;
	s10 =	sld [smem:$0x3FB3];
	_ =	sdelay $0x3  }
0x37: {  	[smem:$0x3FB3] =	sst s10  }
0x38: {  	s10 =	sld [smem:$0x3FB4]  }
0x39: {  	_ = 	snop;
	(pc) =	sbr.ind lr, $3  }
0x3a: {  	_ = 	snop  }
0x3b: {  	_ = 	snop  }
0x3c: {  	p2 =	seq.s32 s10, $0x1;
	s10 =	sld [smem:$0x3FB3]  }
0x3d: {  	_ =	shalt  }
0x3e: {  	_ =	shalt  }
0x3f: {  	_ =	shalt  }
0x40: {  	_ =	shalt  }
0x41: {  	_ =	shalt  }
0x42: {  	_ =	shalt  }
0x43: {  	_ =	shalt  }
0x44: {  	_ =	shalt  }
0x45: {  	_ =	shalt  }
0x46: {  	_ =	shalt  }
0x47: {  	_ =	shalt  }
0x48: {  	_ =	shalt  }
0x49: {  	_ =	shalt  }
0x4a: {  	_ =	shalt  }
0x4b: {  	_ =	shalt  }
0x4c: {  	_ =	shalt  }
0x4d: {  	_ =	shalt  }
0x4e: {  	_ =	shalt  }
0x4f: {  	_ =	shalt  }
0x50: {  	_ =	shalt  }
0x51: {  	_ =	shalt  }
0x52: {  	_ =	shalt  }
0x53: {  	_ =	shalt  }
0x54: {  	_ =	shalt  }
0x55: {  	_ =	shalt  }
0x56: {  	_ =	shalt  }
0x57: {  	_ =	shalt  }
0x58: {  	_ =	shalt  }
0x59: {  	_ =	shalt  }
0x5a: {  	_ =	shalt  }
0x5b: {  	_ =	shalt  }
0x5c: {  	_ =	shalt  }
0x5d: {  	_ =	shalt  }
0x5e: {  	_ =	shalt  }
0x5f: {  	_ =	shalt  }
0x60: {  	_ =	shalt  }
0x61: {  	_ =	shalt  }
0x62: {  	_ =	shalt  }
0x63: {  	_ =	shalt  }
0x64: {  	_ =	shalt  }
0x65: {  	_ =	shalt  }
0x66: {  	_ =	shalt  }
0x67: {  	_ =	shalt  }
0x68: {  	_ =	shalt  }
0x69: {  	_ =	shalt  }
0x6a: {  	_ =	shalt  }
0x6b: {  	_ =	shalt  }
0x6c: {  	_ =	shalt  }
0x6d: {  	_ =	shalt  }
0x6e: {  	_ =	shalt  }
0x6f: {  	_ =	shalt  }
0x70: {  	_ =	shalt  }
0x71: {  	_ =	shalt  }
0x72: {  	_ =	shalt  }
0x73: {  	_ =	shalt  }
0x74: {  	_ =	shalt  }
0x75: {  	_ =	shalt  }
0x76: {  	_ =	shalt  }
0x77: {  	_ =	shalt  }
0x78: {  	_ =	shalt  }
0x79: {  	_ =	shalt  }
0x7a: {  	_ =	shalt  }
0x7b: {  	_ =	shalt  }
0x7c: {  	_ =	shalt  }
0x7d: {  	_ =	shalt  }
0x7e: {  	_ =	shalt  }
0x7f: {  	_ =	shalt  }
0x80: {  	_ =	shalt  }
0x81: {  	_ =	shalt  }
0x82: {  	_ =	shalt  }
0x83: {  	_ =	shalt  }
0x84: {  	_ =	shalt  }
0x85: {  	_ =	shalt  }
0x86: {  	_ =	shalt  }
0x87: {  	_ =	shalt  }
.Lfunc_end0:
.L_simem_size_0:
called_computation_lowered:
.L_overlay_start_0:
0x88: {  	s2 =	sld [smem:$0x3FD9]  }
0x89: {  	s3 =	sld [smem:$0x3FFE];
	_ =	sdelay $0x1  }
0x8a: {  	s1 =	srdreg.scid  }
0x8b: {  	s0 =	sand.u32 $0x1, s1  }
0x8c: {  	s17 =	sshll.u32 s0, $0xA;
	s2 =	sadd.s32 s3, s2  }
0x8d: {  	s2 =	sadd.s32 s2, s17  }
0x8e: {  	[smem:$0x3FBF] =	sst s2  }
0x8f: {  	_ = 	snop  }
0x90: {  	s2 =	sld [smem:$0x3FD0];
	(tm) =	ssettm $0x1  }
0x91: {  	s18 =	sld [smem:$0x3FFB];
	_ =	sdelay $0x3  }
0x92: {  	_ =	strace s18  }
0x93: {  	s3 =	sld [smem:$0x3FFC];
	_ =	sdelay $0x3  }
0x94: {  	_ =	strace s3  }
0x95: {  	s3 =	sld [smem:$0x3FFD];
	_ =	sdelay $0x3  }
0x96: {  	_ =	strace s3  }
0x97: {  	_ =	strace $0x8FFFFFFF  }
0x98: {  	s19 =	sld [smem:$0x3FDB];
	_ =	sdelay $0x1  }
0x99: {  	s4 =	simm.s32 $_scs_section_size  }
0x9a: {  	s5 =	simm.s32 $_size__tile_overlayer_lowered;
	s6 =	simm.s32 $_tile_overlayer_lowered  }
0x9b: {  	s22 =	simm.s32 $0x1BFF;
	s21 =	sshll.u32 s6, $0x1;
	s3 =	sadd.s32 s4, s19  }
0x9c: {  	s7 =	simm.s32 $0x0;
	s20 =	sshll.u32 s5, $0x1;
	s5 =	sadd.s32 s21, s3  }
0x9d: {  	[timem:s7], [sflag:s22] =	dma.local [hbm:s5], s20  }
0x9e: {  	_ =	swait.ge [sflag:s22], s20  }
0x9f: {  	s4 =	ssub.s32 $0x0, s20;
	[sflag:s22] =	ssyncset.done $0x0  }
0xa0: {  	[sflag:s22] =	ssyncadd.s32 s4;
	_ =	sdelay $0x1  }
0xa1: {  	s23 =	simm.s32 $0x1B8B  }
0xa2: {  	_ =	swait.ge [sflag:s23], $0x1  }
0xa3: {  	[sflag:s23] =	ssyncset.done $0x0  }
0xa4: {  	s25 =	simm.s32 $0x1B8E;
	s24 =	sld [smem:$0x3FFE];
	[sflag:s23] =	ssyncadd.s32 $0xFFFFFFFF  }
0xa5: {  	s26 =	simm.s32 $execute0_lowered;
	[smem:$0x3FD2] =	sst s25  }
0xa6: {  	s5 =	sshll.u32 s26, $0x1;
	_ =	strace $0x80000046;
	[dreg:$0x1] =	wrdreg $0xFFFFFFFF  }
0xa7: {  	s28 =	simm.s32 $_size_execute0_lowered;
	s3 =	sadd.s32 s3, s5;
	[dreg:$0x0] =	wrdreg $0x0  }
0xa8: {  	s5 =	sshll.u32 s28, $0x1;
	[dreg:$0x2] =	wrdreg s3  }
0xa9: {  	[dreg:$0x3] =	wrdreg s5  }
0xaa: {  	[dreg:$0x4] =	wrdreg $0xC0  }
0xab: {  	_ =	task [dreg:s7], $0x5FFFF  }
0xac: {  	[dreg:$0x1] =	wrdreg $0xFFFFFFFF  }
0xad: {  	[dreg:$0x0] =	wrdreg $0x60  }
0xae: {  	[dreg:$0x2] =	wrdreg s2  }
0xaf: {  	[dreg:$0x3] =	wrdreg s24  }
0xb0: {  	[dreg:$0x4] =	wrdreg $0xA8000  }
0xb1: {  	[dreg:$0x5] =	wrdreg $0x9  }
0xb2: {  	_ =	task.clear_ibuf [dreg:s7], $0x6FFFF;
	_ =	strace $0x90000046  }
0xb3: {  	s29 =	simm.s32 $0x9;
	_ =	strace $0x80000048  }
0xb4: {  	_ =	swait.ge [sflag:s29], $0x1  }
0xb5: {  	[sflag:s29] =	ssyncadd.s32 $0xFFFFFFFF  }
0xb6: {  	_ =	strace $0x90000048  }
0xb7: {  	_ =	sfence  }
0xb8: {  	s30 =	sld [smem:$0x0];
	_ =	sdelay $0x2  }
0xb9: {  	s31 =	sshll.u32 s1, $0xD;
	s1 =	sshrl.u32 s1, $0x2  }
0xba: {  	s3 =	sand.u32 $0x4000, s31;
	s1 =	sadd.s32 s1, s30  }
0xbb: {  	s0 =	sor.u32 s3, s0;
	s1 =	sshll.u32 s1, $0x11  }
0xbc: {  	s0 =	sor.u32 s1, s0  }
0xbd: {  	s0 =	sadd.s32 $0x8F2B, s0  }
0xbe: {  	[sflag:s0] =	ssyncadd.remote.s32 $0x1  }
0xbf: {  	_ =	sfence.sel $0xFFFF  }
0xc0: {  	[dreg:$0x0] =	wrdreg $0xFFFFFFFF;
	(pc) =	sbr.abs _section_cstart, $3  }
0xc1: {  	[dreg:$0x1] =	wrdreg $0xFFFFFFFF  }
0xc2: {  	_ =	task.clear_ibuf [dreg:s7], $0x2FFFF;
	_ =	strace $0x9FFFFFFF  }
0xc3: {  	(tm) =	ssettm $0x7FFFFFFF  }
tec
execute0_lowered:
.L_overlay_start_1:
0x0: {  	(tag) =	ssettag $0x1  }
0x1: {  	s1 =	rddreg [dreg:$0x0]  }
0x2: {  	s0 =	rddreg [dreg:$0x1]  }
0x3: {  	s3 =	rddreg [dreg:$0x2]  }
0x4: {  	s2 =	srdreg.scid;
	s12 =	stileid.u32  }
0x5: {  	s31 =	simm.s32 $0x0;
	s2 =	sand.u32 $0x1, s2;
	s4 =	smul.u32 $0x270, s12  }
0x6: {  	[smem:$0x7FF] =	sst s31;
	s10 =	smul.u32 $0x4E000, s12;
	p0 =	sne.s32 s12, $0xF  }
0x7: {  	s6 =	smul.u32 $0x2710, s2;
	s5 =	sshll.u32 s2, $0x4;
	s2 =	ssub.s32 $0x2, s2  }
0x8: {  	_ =	strace $0x80000047;
	s13 =	sshrl.u32 s2, $0x1;
	s10 =	sshrl.u32 s10, $0x2  }
0x9: {  	s8 =	sor.u32 s12, s5;
	s2 =	ssub.s32 s2, s13;
	s13 =	sadd.s32 s10, s3  }
0xa: {  	s9 =	smul.u32 $0x2710, s8;
	s25 =	smax.u32 s2, $0x1;
	[dreg:$0x4] =	wrdreg s13  }
0xb: {  	s8 =	smul.u32 $0x27100, s8;
	s12 =	sadd.s32 $0x2800, s13;
	[dreg:$0x13] =	wrdreg s25  }
0xc: {  	s5 =	sadd.s32 $0x14800, s0;
	s17 =	sadd.s32 $0x50, s9;
	[dreg:$0x1a] =	wrdreg s12  }
0xd: {  	s8 =	sadd.s32 s5, s8;
	[dreg:$0x7] =	wrdreg s17  }
0xe: {  	s21 =	sadd.s32 $0x140, s9;
	[dreg:$0xc] =	wrdreg s8  }
0xf: {  	s22 =	sadd.s32 $0x168, s9;
	[dreg:$0xd] =	wrdreg s21  }
0x10: {  	s7 =	sadd.s32 $0xC00, s0;
	s23 =	sadd.s32 $0x190, s9;
	[dreg:$0xe] =	wrdreg s22  }
0x11: {  	s4 =	sadd.s32 s4, s6;
	s26 =	sadd.s32 $0x78, s9;
	[dreg:$0xf] =	wrdreg s23  }
0x12: {  	s6 =	sadd.s32 $0xAA00, s0;
	s2 =	sadd.s32 $0xA0, s9;
	[dreg:$0x14] =	wrdreg s26  }
0x13: {  	s11 =	sshrl.u32 s9, $0x3;
	s25 =	sadd.s32 $0x11800, s13;
	[dreg:$0x15] =	wrdreg s2  }
0x14: {  	s4 =	sshll.u32 s4, $0x4;
	s14 =	sadd.s32 s6, s11;
	[smem:$0x7FB] =	sst s25  }
0x15: {  	s0 =	sadd.s32 s4, s0;
	s15 =	sadd.s32 s7, s11;
	[dreg:$0x5] =	wrdreg s14  }
0x16: {  	s24 =	sadd.s32 $0x4F6800, s0;
	[dreg:$0x6] =	wrdreg s15  }
0x17: {  	s16 =	sadd.s32 $0x28, s9;
	s0 =	sadd.s32 $0x4F8F00, s0;
	[dreg:$0x11] =	wrdreg s24  }
0x18: {  	s18 =	sshrl.u32 s16, $0x3;
	s8 =	sadd.s32 $0xF0, s9;
	[dreg:$0x12] =	wrdreg s0  }
0x19: {  	s4 =	sshll.u32 s16, $0x4;
	s16 =	sadd.s32 $0x6400, s13;
	[dreg:$0x17] =	wrdreg s8  }
0x1a: {  	s11 =	sshrl.u32 s17, $0x3;
	s17 =	sadd.s32 $0x7800, s13;
	[dreg:$0x1d] =	wrdreg s16  }
0x1b: {  	s21 =	sadd.s32 $0xC800, s13;
	[dreg:$0x1e] =	wrdreg s17  }
0x1c: {  	s22 =	sadd.s32 $0xDC00, s13;
	[smem:$0x7F7] =	sst s21  }
0x1d: {  	s23 =	sadd.s32 $0xF000, s13;
	[smem:$0x7F8] =	sst s22  }
0x1e: {  	s26 =	sadd.s32 $0x12C00, s13;
	[smem:$0x7F9] =	sst s23  }
0x1f: {  	s28 =	simm.s32 $0xE;
	s14 =	sadd.s32 s6, s18;
	[smem:$0x7FC] =	sst s26  }
0x20: {  	s30 =	simm.s32 $0x11;
	s10 =	sadd.s32 s7, s18;
	[dreg:$0x8] =	wrdreg s14  }
0x21: {  	s29 =	simm.s32 $0xC;
	s19 =	sadd.s32 s6, s11;
	[dreg:$0x9] =	wrdreg s10  }
0x22: {  	s12 =	simm.s32 $0x5;
	s20 =	sadd.s32 s7, s11;
	[dreg:$0xa] =	wrdreg s19  }
0x23: {  	s25 =	simm.s32 $0x15;
	s4 =	sadd.s32 s5, s4;
	[dreg:$0xb] =	wrdreg s20  }
0x24: {  	s2 =	simm.s32 $0x7;
	s11 =	sadd.s32 $0x1400, s13;
	[dreg:$0x10] =	wrdreg s4  }
0x25: {  	s15 =	sadd.s32 $0x5000, s13;
	s18 =	sadd.s32 $0x8C00, s13;
	[dreg:$0x19] =	wrdreg s11  }
0x26: {  	s24 =	sadd.s32 $0x10400, s13;
	s22 =	sadd.s32 $0x138000, s3;
	[dreg:$0x1c] =	wrdreg s15  }
0x27: {  	s0 =	simm.s32 $0x9;
	s26 =	simm.s32 $0xA;
	[dreg:$0x1f] =	wrdreg s18  }
0x28: {  	s17 =	simm.s32 $0xB;
	s23 =	simm.s32 $0x12;
	[smem:$0x7FA] =	sst s24  }
0x29: {  	s16 =	simm.s32 $0x10;
	s4 =	sadd.s32 $0xC8, s9;
	[smem:$0x7FD] =	sst s22  }
0x2a: {  	s8 =	simm.s32 $0x0;
	s10 =	sadd.s32 $0x118, s9;
	[dreg:$0x16] =	wrdreg s4  }
0x2b: {  	s14 =	sadd.s32 $0x3C00, s13;
	s19 =	sadd.s32 $0xA000, s13;
	[dreg:$0x18] =	wrdreg s10  }
0x2c: {  	s20 =	sadd.s32 $0xB400, s13;
	s15 =	simm.s32 $0x28;
	[dreg:$0x1b] =	wrdreg s14  }
0x2d: {  	s11 =	simm.s32 $0xD;
	s18 =	simm.s32 $0xF;
	[smem:$0x7F5] =	sst s19  }
0x2e: {  	s24 =	simm.s32 $0x6;
	[smem:$0x7F6] =	sst s20;
	s14 =	simm.s32 $0x1  }
0x2f: {  	v0 =	vimm.f32 $0.0e+00;
	s20 =	simm.s32 $0x2;
	s19 =	simm.s32 $0x4;
	s10 =	simm.s32 $0x8  }
.LBB2_1:
0x30: {  	[smem:$0x7F4] =	sst s8;
	s4 =	simm.s32 $0x5900  }
0x31: {  	[tilespmem:s4+$0xFFFFFF00] =	vst v0  }
0x32: {  	[tilespmem:s4+$0xF0] =	vst v0  }
0x33: {  	[tilespmem:s4+$0xE0] =	vst v0  }
0x34: {  	[tilespmem:s4+$0xD0] =	vst v0  }
0x35: {  	[tilespmem:s4+$0xC0] =	vst v0  }
0x36: {  	[tilespmem:s4+$0xB0] =	vst v0  }
0x37: {  	[tilespmem:s4+$0xA0] =	vst v0  }
0x38: {  	[tilespmem:s4+$0x90] =	vst v0  }
0x39: {  	[tilespmem:s4+$0x80] =	vst v0  }
0x3a: {  	[tilespmem:s4+$0x70] =	vst v0  }
0x3b: {  	[tilespmem:s4+$0x60] =	vst v0  }
0x3c: {  	[tilespmem:s4+$0x50] =	vst v0  }
0x3d: {  	[tilespmem:s4+$0x40] =	vst v0  }
0x3e: {  	[tilespmem:s4+$0x30] =	vst v0  }
0x3f: {  	[tilespmem:s4+$0x20] =	vst v0  }
0x40: {  	[tilespmem:s4+$0x10] =	vst v0  }
0x41: {  	[tilespmem:s4+$0x0] =	vst v0  }
0x42: {  	[tilespmem:s4+$0xFFFFFFF0] =	vst v0  }
0x43: {  	[tilespmem:s4+$0xFFFFFFE0] =	vst v0  }
0x44: {  	[tilespmem:s4+$0xFFFFFFD0] =	vst v0  }
0x45: {  	[tilespmem:s4+$0xFFFFFFC0] =	vst v0  }
0x46: {  	[tilespmem:s4+$0xFFFFFFB0] =	vst v0  }
0x47: {  	[tilespmem:s4+$0xFFFFFFA0] =	vst v0  }
0x48: {  	[tilespmem:s4+$0xFFFFFF90] =	vst v0  }
0x49: {  	[tilespmem:s4+$0xFFFFFF80] =	vst v0  }
0x4a: {  	[tilespmem:s4+$0xFFFFFF70] =	vst v0  }
0x4b: {  	[tilespmem:s4+$0xFFFFFF60] =	vst v0  }
0x4c: {  	[tilespmem:s4+$0xFFFFFF50] =	vst v0  }
0x4d: {  	[tilespmem:s4+$0xFFFFFF40] =	vst v0  }
0x4e: {  	[tilespmem:s4+$0xFFFFFF30] =	vst v0  }
0x4f: {  	s9 =	simm.s32 $0x0;
	[tilespmem:s4+$0xFFFFFF20] =	vst v0  }
.LBB2_2:
0x50: {  	s9 =	sadd.s32 $0x4, s9;
	[tilespmem:s4+$0xFFFFFF10] =	vst v0;
	s4 =	sadd.s32 $0x200, s4  }
0x51: {  	[tilespmem:s4+$0xFFFFFF00] =	vst v0;
	p1 =	slt.u32 s9, $0x24  }
0x52: {  	[tilespmem:s4+$0xF0] =	vst v0  }
0x53: {  	[tilespmem:s4+$0xE0] =	vst v0  }
0x54: {  	[tilespmem:s4+$0xD0] =	vst v0  }
0x55: {  	[tilespmem:s4+$0xC0] =	vst v0  }
0x56: {  	[tilespmem:s4+$0xB0] =	vst v0  }
0x57: {  	[tilespmem:s4+$0xA0] =	vst v0  }
0x58: {  	[tilespmem:s4+$0x90] =	vst v0  }
0x59: {  	[tilespmem:s4+$0x80] =	vst v0  }
0x5a: {  	[tilespmem:s4+$0x70] =	vst v0  }
0x5b: {  	[tilespmem:s4+$0x60] =	vst v0  }
0x5c: {  	[tilespmem:s4+$0x50] =	vst v0  }
0x5d: {  	[tilespmem:s4+$0x40] =	vst v0  }
0x5e: {  	[tilespmem:s4+$0x30] =	vst v0  }
0x5f: {  	[tilespmem:s4+$0x20] =	vst v0  }
0x60: {  	[tilespmem:s4+$0x10] =	vst v0  }
0x61: {  	[tilespmem:s4+$0x0] =	vst v0  }
0x62: {  	[tilespmem:s4+$0xFFFFFFF0] =	vst v0  }
0x63: {  	[tilespmem:s4+$0xFFFFFFE0] =	vst v0  }
0x64: {  	[tilespmem:s4+$0xFFFFFFD0] =	vst v0  }
0x65: {  	[tilespmem:s4+$0xFFFFFFC0] =	vst v0  }
0x66: {  	[tilespmem:s4+$0xFFFFFFB0] =	vst v0  }
0x67: {  	[tilespmem:s4+$0xFFFFFFA0] =	vst v0  }
0x68: {  	[tilespmem:s4+$0xFFFFFF90] =	vst v0  }
0x69: {  	[tilespmem:s4+$0xFFFFFF80] =	vst v0  }
0x6a: {  	[tilespmem:s4+$0xFFFFFF70] =	vst v0  }
.Ltmp0:
0x6b: {  	[tilespmem:s4+$0xFFFFFF60] =	vst v0;
	(pc) =	sbr.rel @p1 .LBB2_2-.Ltmp0, $4  }
0x6c: {  	[tilespmem:s4+$0xFFFFFF50] =	vst v0  }
0x6d: {  	[tilespmem:s4+$0xFFFFFF40] =	vst v0  }
0x6e: {  	[tilespmem:s4+$0xFFFFFF30] =	vst v0  }
0x6f: {  	[tilespmem:s4+$0xFFFFFF20] =	vst v0  }
0x70: {  	[tilespmem:s4+$0xFFFFFF10] =	vst v0;
	s9 =	simm.s32 $0x5800  }
0x71: {  	[spmem:s13] =	stream.linear.scatter [tilespmem:s9], [sflag:$0x15], $0x1400, $0x38;
	[tilespmem:$0x1E080] =	vst v63  }
0x72: {  	_ =	swait.ge [sflag:s25], $0x1400  }
0x73: {  	[sflag:s25] =	ssyncset.done $0x0  }
0x74: {  	s8 =	rddreg [dreg:$0x19];
	[sflag:s25] =	ssyncadd.s32 $0xFFFFEC00  }
0x75: {  	[spmem:s8] =	stream.linear.scatter [tilespmem:s9], [sflag:$0x15], $0x1400, $0x38;
	[tilespmem:$0x1E080] =	vst v63  }
0x76: {  	_ =	swait.ge [sflag:s25], $0x1400  }
0x77: {  	[sflag:s25] =	ssyncset.done $0x0  }
0x78: {  	s13 =	rddreg [dreg:$0x1a];
	[sflag:s25] =	ssyncadd.s32 $0xFFFFEC00  }
0x79: {  	[spmem:s13] =	stream.linear.scatter [tilespmem:s9], [sflag:$0x15], $0x1400, $0x38;
	[tilespmem:$0x1E080] =	vst v63  }
0x7a: {  	_ =	swait.ge [sflag:s25], $0x1400  }
0x7b: {  	[sflag:s25] =	ssyncset.done $0x0  }
0x7c: {  	s21 =	rddreg [dreg:$0x1b];
	[sflag:s25] =	ssyncadd.s32 $0xFFFFEC00  }
0x7d: {  	[spmem:s21] =	stream.linear.scatter [tilespmem:s9], [sflag:$0x15], $0x1400, $0x38;
	[tilespmem:$0x1E080] =	vst v63  }
0x7e: {  	_ =	swait.ge [sflag:s25], $0x1400  }
0x7f: {  	[sflag:s25] =	ssyncset.done $0x0  }
0x80: {  	s8 =	rddreg [dreg:$0x1c];
	[sflag:s25] =	ssyncadd.s32 $0xFFFFEC00  }
0x81: {  	[spmem:s8] =	stream.linear.scatter [tilespmem:s9], [sflag:$0x15], $0x1400, $0x38;
	[tilespmem:$0x1E080] =	vst v63  }
0x82: {  	_ =	swait.ge [sflag:s25], $0x1400  }
0x83: {  	[sflag:s25] =	ssyncset.done $0x0  }
0x84: {  	s13 =	rddreg [dreg:$0x1d];
	[sflag:s25] =	ssyncadd.s32 $0xFFFFEC00  }
0x85: {  	[spmem:s13] =	stream.linear.scatter [tilespmem:s9], [sflag:$0x15], $0x1400, $0x38;
	[tilespmem:$0x1E080] =	vst v63  }
0x86: {  	_ =	swait.ge [sflag:s25], $0x1400  }
0x87: {  	[sflag:s25] =	ssyncset.done $0x0  }
0x88: {  	s21 =	rddreg [dreg:$0x1e];
	[sflag:s25] =	ssyncadd.s32 $0xFFFFEC00  }
0x89: {  	[spmem:s21] =	stream.linear.scatter [tilespmem:s9], [sflag:$0x15], $0x1400, $0x38;
	[tilespmem:$0x1E080] =	vst v63  }
0x8a: {  	_ =	swait.ge [sflag:s25], $0x1400  }
0x8b: {  	[sflag:s25] =	ssyncset.done $0x0  }
0x8c: {  	s8 =	rddreg [dreg:$0x1f];
	[sflag:s25] =	ssyncadd.s32 $0xFFFFEC00  }
0x8d: {  	[spmem:s8] =	stream.linear.scatter [tilespmem:s9], [sflag:$0x15], $0x1400, $0x38;
	[tilespmem:$0x1E080] =	vst v63  }
0x8e: {  	_ =	swait.ge [sflag:s25], $0x1400  }
0x8f: {  	s13 =	sld [smem:$0x7F5]  }
0x90: {  	[sflag:s25] =	ssyncset.done $0x0  }
0x91: {  	[sflag:s25] =	ssyncadd.s32 $0xFFFFEC00  }
0x92: {  	[spmem:s13] =	stream.linear.scatter [tilespmem:s9], [sflag:$0x15], $0x1400, $0x38;
	[tilespmem:$0x1E080] =	vst v63  }
0x93: {  	_ =	swait.ge [sflag:s25], $0x1400  }
0x94: {  	s21 =	sld [smem:$0x7F6]  }
0x95: {  	[sflag:s25] =	ssyncset.done $0x0  }
0x96: {  	[sflag:s25] =	ssyncadd.s32 $0xFFFFEC00  }
0x97: {  	[spmem:s21] =	stream.linear.scatter [tilespmem:s9], [sflag:$0x15], $0x1400, $0x38;
	[tilespmem:$0x1E080] =	vst v63  }
0x98: {  	_ =	swait.ge [sflag:s25], $0x1400  }
0x99: {  	s8 =	sld [smem:$0x7F7]  }
0x9a: {  	[sflag:s25] =	ssyncset.done $0x0  }
0x9b: {  	[sflag:s25] =	ssyncadd.s32 $0xFFFFEC00  }
0x9c: {  	[spmem:s8] =	stream.linear.scatter [tilespmem:s9], [sflag:$0x15], $0x1400, $0x38;
	[tilespmem:$0x1E080] =	vst v63  }
0x9d: {  	_ =	swait.ge [sflag:s25], $0x1400  }
0x9e: {  	s13 =	sld [smem:$0x7F8]  }
0x9f: {  	[sflag:s25] =	ssyncset.done $0x0  }
0xa0: {  	[sflag:s25] =	ssyncadd.s32 $0xFFFFEC00  }
0xa1: {  	[spmem:s13] =	stream.linear.scatter [tilespmem:s9], [sflag:$0x15], $0x1400, $0x38;
	[tilespmem:$0x1E080] =	vst v63  }
0xa2: {  	_ =	swait.ge [sflag:s25], $0x1400  }
0xa3: {  	s21 =	sld [smem:$0x7F9]  }
0xa4: {  	[sflag:s25] =	ssyncset.done $0x0  }
0xa5: {  	[sflag:s25] =	ssyncadd.s32 $0xFFFFEC00  }
0xa6: {  	[spmem:s21] =	stream.linear.scatter [tilespmem:s9], [sflag:$0x15], $0x1400, $0x38;
	[tilespmem:$0x1E080] =	vst v63  }
0xa7: {  	_ =	swait.ge [sflag:s25], $0x1400  }
0xa8: {  	s8 =	sld [smem:$0x7FA]  }
0xa9: {  	[sflag:s25] =	ssyncset.done $0x0  }
0xaa: {  	[sflag:s25] =	ssyncadd.s32 $0xFFFFEC00  }
0xab: {  	[spmem:s8] =	stream.linear.scatter [tilespmem:s9], [sflag:$0x15], $0x1400, $0x38;
	[tilespmem:$0x1E080] =	vst v63  }
0xac: {  	_ =	swait.ge [sflag:s25], $0x1400  }
0xad: {  	s13 =	sld [smem:$0x7FB]  }
0xae: {  	[sflag:s25] =	ssyncset.done $0x0  }
0xaf: {  	[sflag:s25] =	ssyncadd.s32 $0xFFFFEC00  }
0xb0: {  	[spmem:s13] =	stream.linear.scatter [tilespmem:s9], [sflag:$0x15], $0x1400, $0x38;
	[tilespmem:$0x1E080] =	vst v63  }
0xb1: {  	_ =	swait.ge [sflag:s25], $0x1400  }
0xb2: {  	s21 =	sld [smem:$0x7FC]  }
0xb3: {  	[sflag:s25] =	ssyncset.done $0x0  }
0xb4: {  	[sflag:s25] =	ssyncadd.s32 $0xFFFFEC00  }
0xb5: {  	[spmem:s21] =	stream.linear.scatter [tilespmem:s9], [sflag:$0x15], $0xC00, $0x38;
	[tilespmem:$0x1E080] =	vst v63  }
0xb6: {  	_ =	swait.ge [sflag:s25], $0xC00  }
0xb7: {  	[sflag:s25] =	ssyncset.done $0x0  }
0xb8: {  	s4 =	simm.s32 @!p0 $0x5800;
	[sflag:s25] =	ssyncadd.s32 $0xFFFFF400  }
0xb9: {  	[spmem:s22] =	stream.linear.scatter @!p0 [tilespmem:s4], [sflag:$0x15], $0x800, $0x38;
	[tilespmem:$0x1E080] =	vst v63  }
0xba: {  	s4 =	simm.s32 @!p0 $0x15  }
0xbb: {  	_ =	swait.ge @!p0 [sflag:s4], $0x800  }
0xbc: {  	[sflag:s4] =	ssyncset.done @!p0 $0x0  }
0xbd: {  	[sflag:s4] =	ssyncadd.s32 @!p0 $0xFFFFF800  }
0xbe: {  	[bflag:$0x0] =	sbarrier.arrive $0xFFFF  }
0xbf: {  	s21 =	simm.s32 $0x0;
	s22 =	rddreg [dreg:$0x5]  }
0xc0: {  	[tilespmem:s21], [sflag:$0x1] =	stream.linear.gather [hbm4b:s22+s21], $0x28, $0x38;
	[tilespmem:$0x1E080] =	vst v63  }
0xc1: {  	s8 =	simm.s32 $0x80;
	s25 =	rddreg [dreg:$0x6]  }
0xc2: {  	[tilespmem:s8], [sflag:$0x1] =	stream.linear.gather [hbm4b:s25+s21], $0x28, $0x38;
	[tilespmem:$0x1E080] =	vst v63  }
0xc3: {  	s13 =	rddreg [dreg:$0x8];
	s8 =	simm.s32 $0x100  }
0xc4: {  	[tilespmem:s8], [sflag:$0x2] =	stream.linear.gather [hbm4b:s13+s21], $0x28, $0x38;
	[tilespmem:$0x1E080] =	vst v63  }
0xc5: {  	s22 =	rddreg [dreg:$0x9];
	s25 =	simm.s32 $0x180  }
0xc6: {  	[tilespmem:s25], [sflag:$0x2] =	stream.linear.gather [hbm4b:s22+s21], $0x28, $0x38;
	[tilespmem:$0x1E080] =	vst v63  }
0xc7: {  	s22 =	rddreg [dreg:$0xa];
	s25 =	simm.s32 $0x200  }
0xc8: {  	[tilespmem:s25], [sflag:$0x3] =	stream.linear.gather [hbm4b:s22+s21], $0x28, $0x38;
	[tilespmem:$0x1E080] =	vst v63  }
0xc9: {  	s22 =	rddreg [dreg:$0xb];
	s25 =	simm.s32 $0x280  }
0xca: {  	[tilespmem:s25], [sflag:$0x3] =	stream.linear.gather [hbm4b:s22+s21], $0x28, $0x38;
	[tilespmem:$0x1E080] =	vst v63  }
0xcb: {  	_ =	swait.ge [sflag:s14], $0x28  }
0xcc: {  	[sflag:s14] =	ssyncset.done $0x0  }
0xcd: {  	[sflag:s14] =	ssyncadd.s32 $0xFFFFFFD8  }
0xce: {  	_ =	swait.ge [sflag:s14], $0x28  }
0xcf: {  	[sflag:s14] =	ssyncset.done $0x0  }
0xd0: {  	s22 =	simm.s32 $0x800;
	[sflag:s14] =	ssyncadd.s32 $0xFFFFFFD8  }
0xd1: {  	[tilespmem:s22], [sflag:$0x9] =	stream.indirect.gather [hbm4b:s1+s15], $0x80, s21, s15, $0xb8;
	[tilespmem:$0x1E080] =	vst v63  }
0xd2: {  	s25 =	rddreg [dreg:$0xc]  }
0xd3: {  	[tilespmem:s9], [sflag:$0xD] =	stream.linear.gather [hbm4b:s25+s21], $0x1400, $0x38;
	[tilespmem:$0x1E080] =	vst v63  }
0xd4: {  	_ =	swait.ge [sflag:s20], $0x28  }
0xd5: {  	[sflag:s20] =	ssyncset.done $0x0  }
0xd6: {  	[sflag:s20] =	ssyncadd.s32 $0xFFFFFFD8  }
0xd7: {  	_ =	swait.ge [sflag:s20], $0x28  }
0xd8: {  	[sflag:s20] =	ssyncset.done $0x0  }
0xd9: {  	s13 =	simm.s32 $0x1C00;
	[sflag:s20] =	ssyncadd.s32 $0xFFFFFFD8  }
0xda: {  	[tilespmem:s13], [sflag:$0xA] =	stream.indirect.gather [hbm4b:s1+s15], $0x80, s8, s15, $0xb8;
	[tilespmem:$0x1E080] =	vst v63  }
0xdb: {  	s25 =	simm.s32 $0x6C00;
	s22 =	rddreg [dreg:$0x10]  }
0xdc: {  	[tilespmem:s25], [sflag:$0xE] =	stream.linear.gather [hbm4b:s22+s21], $0x1400, $0x38;
	[tilespmem:$0x1E080] =	vst v63  }
0xdd: {  	s21 =	simm.s32 $0x0  }
.LBB2_4:
0xde: {  	s9 =	smul.u32 $0x140, s21  }
0xdf: {  	s4 =	rddreg [dreg:$0x14]  }
0xe0: {  	s4 =	sadd.s32 s4, s9  }
0xe1: {  	s13 =	sshrl.u32 s4, $0x3  }
0xe2: {  	s8 =	simm.s32 $0x300;
	s25 =	sadd.s32 s6, s13  }
0xe3: {  	[tilespmem:s8], [sflag:$0x4] =	stream.linear.gather [hbm4b:s25+s31], $0x28, $0x38;
	[tilespmem:$0x1E080] =	vst v63  }
0xe4: {  	p1 =	seq.s32 s21, $0x0;
	s13 =	sadd.s32 s7, s13;
	s25 =	simm.s32 $0x380  }
0xe5: {  	[tilespmem:s25], [sflag:$0x4] =	stream.linear.gather [hbm4b:s13+s31], $0x28, $0x38;
	[tilespmem:$0x1E080] =	vst v63  }
0xe6: {  	s13 =	simm.s32 @!p1 $0x13  }
0xe7: {  	_ =	swait.ge @!p1 [sflag:s13], $0x1400  }
0xe8: {  	[sflag:s13] =	ssyncset.done @!p1 $0x0  }
0xe9: {  	[sflag:s13] =	ssyncadd.s32 @!p1 $0xFFFFEC00;
	s13 =	simm.s32 $0x3  }
0xea: {  	_ =	swait.ge [sflag:s13], $0x28  }
0xeb: {  	[sflag:s13] =	ssyncset.done $0x0  }
0xec: {  	[sflag:s13] =	ssyncadd.s32 $0xFFFFFFD8  }
0xed: {  	_ =	swait.ge [sflag:s13], $0x28  }
0xee: {  	[sflag:s13] =	ssyncset.done $0x0  }
0xef: {  	s22 =	simm.s32 $0x200;
	s25 =	simm.s32 $0x3000;
	[sflag:s13] =	ssyncadd.s32 $0xFFFFFFD8  }
0xf0: {  	[tilespmem:s25], [sflag:$0xB] =	stream.indirect.gather [hbm4b:s1+s15], $0x80, s22, s15, $0xb8;
	[tilespmem:$0x1E080] =	vst v63  }
0xf1: {  	s22 =	rddreg [dreg:$0x7]  }
0xf2: {  	s13 =	sadd.s32 s9, s22  }
0xf3: {  	s13 =	sshll.u32 s13, $0x4  }
0xf4: {  	s25 =	simm.s32 $0x8000;
	s22 =	simm.s32 $0x0;
	s13 =	sadd.s32 s5, s13  }
0xf5: {  	[tilespmem:s25], [sflag:$0xF] =	stream.linear.gather [hbm4b:s13+s22], $0x1400, $0x38;
	[tilespmem:$0x1E080] =	vst v63  }
0xf6: {  	_ =	swait.ge [sflag:s0], $0x1400  }
0xf7: {  	[sflag:s0] =	ssyncset.done $0x0  }
0xf8: {  	[sflag:s0] =	ssyncadd.s32 $0xFFFFEC00  }
0xf9: {  	_ =	swait.ge [sflag:s11], $0x1400  }
0xfa: {  	[sflag:s11] =	ssyncset.done $0x0  }
0xfb: {  	s13 =	simm.s32 $0x0;
	[sflag:s11] =	ssyncadd.s32 $0xFFFFEC00  }
0xfc: {  	v7 =	vld [tilespmem:s13+$0x800]  }
0xfd: {  	v10 =	vld [tilespmem:s13+$0x810]  }
0xfe: {  	v6 =	vld [tilespmem:s13+$0x820]  }
0xff: {  	v5 =	vld [tilespmem:s13+$0x830]  }
0x100: {  	v4 =	vld [tilespmem:s13+$0x840]  }
0x101: {  	v3 =	vld [tilespmem:s13+$0x850]  }
0x102: {  	v2 =	vld [tilespmem:s13+$0x860]  }
0x103: {  	v1 =	vld [tilespmem:s13+$0x870]  }
0x104: {  	v12 =	vld [tilespmem:s13+$0x5800]  }
0x105: {  	v14 =	vld [tilespmem:s13+$0x5810]  }
0x106: {  	v13 =	vld [tilespmem:s13+$0x5820]  }
0x107: {  	v11 =	vld [tilespmem:s13+$0x5830]  }
0x108: {  	v9 =	vld [tilespmem:s13+$0x5840]  }
0x109: {  	v8 =	vld [tilespmem:s13+$0x5850];
	v12 =	vadd.f32 v12, v7  }
0x10a: {  	s25 =	simm.s32 $0x200;
	v10 =	vadd.f32 v14, v10;
	v7 =	vld [tilespmem:s13+$0x5860]  }
.LBB2_5:
0x10b: {  	s22 =	sshra.s32 s25, $0x2;
	p2 =	sne.s32 s25, $0x4E00;
	v14 =	vmul.f32 $9.999999770e-03, v12;
	v13 =	vadd.f32 v13, v6;
	v15 =	vld [tilespmem:s13+$0x5870]  }
0x10c: {  	v16 =	vld [tilespmem:s22+$0x800];
	v17 =	vmul.f32 $9.999999770e-03, v10;
	v11 =	vadd.f32 v11, v5  }
0x10d: {  	v18 =	vld [tilespmem:s22+$0x810];
	v5 =	vmax.f32 v12, v14;
	v12 =	vmul.f32 $9.999999770e-03, v13;
	v9 =	vadd.f32 v9, v4  }
0x10e: {  	v6 =	vld [tilespmem:s22+$0x820];
	[tilespmem:s13+$0x5800] =	vst v5;
	v4 =	vmax.f32 v10, v17;
	v10 =	vmul.f32 $9.999999770e-03, v11;
	v8 =	vadd.f32 v8, v3  }
0x10f: {  	v5 =	vld [tilespmem:s22+$0x830];
	[tilespmem:s13+$0x5810] =	vst v4;
	v3 =	vmax.f32 v13, v12;
	v12 =	vmul.f32 $9.999999770e-03, v9;
	v7 =	vadd.f32 v7, v2  }
0x110: {  	v4 =	vld [tilespmem:s22+$0x840];
	[tilespmem:s13+$0x5820] =	vst v3;
	v2 =	vmax.f32 v11, v10;
	v10 =	vmul.f32 $9.999999770e-03, v8;
	v11 =	vadd.f32 v15, v1  }
0x111: {  	v3 =	vld [tilespmem:s22+$0x850];
	[tilespmem:s13+$0x5830] =	vst v2;
	v1 =	vmax.f32 v9, v12;
	v9 =	vmul.f32 $9.999999770e-03, v7  }
0x112: {  	v2 =	vld [tilespmem:s22+$0x860];
	[tilespmem:s13+$0x5840] =	vst v1;
	v8 =	vmax.f32 v8, v10;
	v10 =	vmul.f32 $9.999999770e-03, v11  }
0x113: {  	v1 =	vld [tilespmem:s22+$0x870];
	[tilespmem:s13+$0x5850] =	vst v8;
	v7 =	vmax.f32 v7, v9  }
0x114: {  	v8 =	vld [tilespmem:s22+$0x5800];
	[tilespmem:s13+$0x5860] =	vst v7;
	v7 =	vmax.f32 v11, v10  }
0x115: {  	v10 =	vld [tilespmem:s22+$0x5810];
	[tilespmem:s13+$0x5870] =	vst v7;
	s13 =	smov.u32 s22  }
.Ltmp1:
0x116: {  	v13 =	vld [tilespmem:s13+$0x5820];
	(pc) =	sbr.rel @p2 .LBB2_5-.Ltmp1, $4  }
0x117: {  	v11 =	vld [tilespmem:s13+$0x5830]  }
0x118: {  	v9 =	vld [tilespmem:s13+$0x5840]  }
0x119: {  	v12 =	vadd.f32 v8, v16;
	v8 =	vld [tilespmem:s13+$0x5850]  }
0x11a: {  	s25 =	sadd.s32 $0x200, s25;
	v10 =	vadd.f32 v10, v18;
	v7 =	vld [tilespmem:s13+$0x5860]  }
0x11b: {  	v14 =	vmul.f32 $9.999999770e-03, v12;
	v6 =	vadd.f32 v13, v6;
	v13 =	vld [tilespmem:s13+$0x5870]  }
0x11c: {  	v15 =	vmul.f32 $9.999999770e-03, v10;
	v5 =	vadd.f32 v11, v5  }
0x11d: {  	v11 =	vmax.f32 v12, v14;
	v12 =	vmul.f32 $9.999999770e-03, v6;
	v4 =	vadd.f32 v9, v4  }
0x11e: {  	[tilespmem:s13+$0x5800] =	vst v11;
	v9 =	vmax.f32 v10, v15;
	v10 =	vmul.f32 $9.999999770e-03, v5;
	v3 =	vadd.f32 v8, v3  }
0x11f: {  	[tilespmem:s13+$0x5810] =	vst v9;
	v6 =	vmax.f32 v6, v12;
	v8 =	vmul.f32 $9.999999770e-03, v4;
	v2 =	vadd.f32 v7, v2  }
0x120: {  	[tilespmem:s13+$0x5820] =	vst v6;
	v5 =	vmax.f32 v5, v10;
	v6 =	vmul.f32 $9.999999770e-03, v3;
	v1 =	vadd.f32 v13, v1  }
0x121: {  	[tilespmem:s13+$0x5830] =	vst v5;
	v4 =	vmax.f32 v4, v8;
	v5 =	vmul.f32 $9.999999770e-03, v2  }
0x122: {  	[tilespmem:s13+$0x5840] =	vst v4;
	v3 =	vmax.f32 v3, v6;
	v4 =	vmul.f32 $9.999999770e-03, v1  }
0x123: {  	[tilespmem:s13+$0x5850] =	vst v3;
	v2 =	vmax.f32 v2, v5  }
0x124: {  	[tilespmem:s13+$0x5860] =	vst v2;
	v1 =	vmax.f32 v1, v4  }
0x125: {  	s8 =	simm.s32 $0x5800;
	s22 =	simm.s32 $0x80;
	[tilespmem:s13+$0x5870] =	vst v1  }
0x126: {  	[spmem:s3] =	stream.indirect.scatter.add.f32 [tilespmem:s8], [sflag:$0x11], $0x80, s22, s15, $0xb8;
	[tilespmem:$0x1E080] =	vst v63  }
0x127: {  	s22 =	rddreg [dreg:$0x15]  }
0x128: {  	s13 =	sadd.s32 s22, s9  }
0x129: {  	s22 =	sshrl.u32 s13, $0x3  }
0x12a: {  	s8 =	simm.s32 $0x400;
	s25 =	sadd.s32 s6, s22  }
0x12b: {  	[tilespmem:s8], [sflag:$0x5] =	stream.linear.gather [hbm4b:s25+s31], $0x28, $0x38;
	[tilespmem:$0x1E080] =	vst v63  }
0x12c: {  	s22 =	sadd.s32 s7, s22;
	s25 =	simm.s32 $0x480  }
0x12d: {  	[tilespmem:s25], [sflag:$0x5] =	stream.linear.gather [hbm4b:s22+s31], $0x28, $0x38;
	[tilespmem:$0x1E080] =	vst v63  }
0x12e: {  	s22 =	simm.s32 @!p1 $0x14  }
0x12f: {  	_ =	swait.ge @!p1 [sflag:s22], $0x1400  }
0x130: {  	[sflag:s22] =	ssyncset.done @!p1 $0x0  }
0x131: {  	[sflag:s22] =	ssyncadd.s32 @!p1 $0xFFFFEC00  }
0x132: {  	_ =	swait.ge [sflag:s19], $0x28  }
0x133: {  	[sflag:s19] =	ssyncset.done $0x0  }
0x134: {  	[sflag:s19] =	ssyncadd.s32 $0xFFFFFFD8  }
0x135: {  	_ =	swait.ge [sflag:s19], $0x28  }
0x136: {  	s4 =	sshll.u32 s4, $0x4;
	[sflag:s19] =	ssyncset.done $0x0  }
0x137: {  	s25 =	simm.s32 $0x300;
	s31 =	simm.s32 $0x4400;
	[sflag:s19] =	ssyncadd.s32 $0xFFFFFFD8  }
0x138: {  	[tilespmem:s31], [sflag:$0xC] =	stream.indirect.gather [hbm4b:s1+s15], $0x80, s25, s15, $0xb8;
	[tilespmem:$0x1E080] =	vst v63  }
0x139: {  	s4 =	sadd.s32 s5, s4;
	s25 =	simm.s32 $0x0;
	s31 =	simm.s32 $0x9400  }
0x13a: {  	[tilespmem:s31], [sflag:$0x10] =	stream.linear.gather [hbm4b:s4+s25], $0x1400, $0x38;
	[tilespmem:$0x1E080] =	vst v63  }
0x13b: {  	_ =	swait.ge [sflag:s26], $0x1400  }
0x13c: {  	[sflag:s26] =	ssyncset.done $0x0  }
0x13d: {  	[sflag:s26] =	ssyncadd.s32 $0xFFFFEC00  }
0x13e: {  	_ =	swait.ge [sflag:s28], $0x1400  }
0x13f: {  	[sflag:s28] =	ssyncset.done $0x0  }
0x140: {  	s4 =	simm.s32 $0x0;
	[sflag:s28] =	ssyncadd.s32 $0xFFFFEC00  }
0x141: {  	v7 =	vld [tilespmem:s4+$0x1C00]  }
0x142: {  	v10 =	vld [tilespmem:s4+$0x1C10]  }
0x143: {  	v6 =	vld [tilespmem:s4+$0x1C20]  }
0x144: {  	v5 =	vld [tilespmem:s4+$0x1C30]  }
0x145: {  	v4 =	vld [tilespmem:s4+$0x1C40]  }
0x146: {  	v3 =	vld [tilespmem:s4+$0x1C50]  }
0x147: {  	v2 =	vld [tilespmem:s4+$0x1C60]  }
0x148: {  	v1 =	vld [tilespmem:s4+$0x1C70]  }
0x149: {  	v12 =	vld [tilespmem:s4+$0x6C00]  }
0x14a: {  	v14 =	vld [tilespmem:s4+$0x6C10]  }
0x14b: {  	v13 =	vld [tilespmem:s4+$0x6C20]  }
0x14c: {  	v11 =	vld [tilespmem:s4+$0x6C30]  }
0x14d: {  	v9 =	vld [tilespmem:s4+$0x6C40]  }
0x14e: {  	v8 =	vld [tilespmem:s4+$0x6C50];
	v12 =	vadd.f32 v12, v7  }
0x14f: {  	s25 =	simm.s32 $0x200;
	v10 =	vadd.f32 v14, v10;
	v7 =	vld [tilespmem:s4+$0x6C60]  }
.LBB2_7:
0x150: {  	s22 =	sshra.s32 s25, $0x2;
	p1 =	sne.s32 s25, $0x4E00;
	v14 =	vmul.f32 $9.999999770e-03, v12;
	v13 =	vadd.f32 v13, v6;
	v15 =	vld [tilespmem:s4+$0x6C70]  }
0x151: {  	v16 =	vld [tilespmem:s22+$0x1C00];
	v17 =	vmul.f32 $9.999999770e-03, v10;
	v11 =	vadd.f32 v11, v5  }
0x152: {  	v18 =	vld [tilespmem:s22+$0x1C10];
	v5 =	vmax.f32 v12, v14;
	v12 =	vmul.f32 $9.999999770e-03, v13;
	v9 =	vadd.f32 v9, v4  }
0x153: {  	v6 =	vld [tilespmem:s22+$0x1C20];
	[tilespmem:s4+$0x6C00] =	vst v5;
	v4 =	vmax.f32 v10, v17;
	v10 =	vmul.f32 $9.999999770e-03, v11;
	v8 =	vadd.f32 v8, v3  }
0x154: {  	v5 =	vld [tilespmem:s22+$0x1C30];
	[tilespmem:s4+$0x6C10] =	vst v4;
	v3 =	vmax.f32 v13, v12;
	v12 =	vmul.f32 $9.999999770e-03, v9;
	v7 =	vadd.f32 v7, v2  }
0x155: {  	v4 =	vld [tilespmem:s22+$0x1C40];
	[tilespmem:s4+$0x6C20] =	vst v3;
	v2 =	vmax.f32 v11, v10;
	v10 =	vmul.f32 $9.999999770e-03, v8;
	v11 =	vadd.f32 v15, v1  }
0x156: {  	v3 =	vld [tilespmem:s22+$0x1C50];
	[tilespmem:s4+$0x6C30] =	vst v2;
	v1 =	vmax.f32 v9, v12;
	v9 =	vmul.f32 $9.999999770e-03, v7  }
0x157: {  	v2 =	vld [tilespmem:s22+$0x1C60];
	[tilespmem:s4+$0x6C40] =	vst v1;
	v8 =	vmax.f32 v8, v10;
	v10 =	vmul.f32 $9.999999770e-03, v11  }
0x158: {  	v1 =	vld [tilespmem:s22+$0x1C70];
	[tilespmem:s4+$0x6C50] =	vst v8;
	v7 =	vmax.f32 v7, v9  }
0x159: {  	v8 =	vld [tilespmem:s22+$0x6C00];
	[tilespmem:s4+$0x6C60] =	vst v7;
	v7 =	vmax.f32 v11, v10  }
0x15a: {  	v10 =	vld [tilespmem:s22+$0x6C10];
	[tilespmem:s4+$0x6C70] =	vst v7;
	s4 =	smov.u32 s22  }
.Ltmp2:
0x15b: {  	v13 =	vld [tilespmem:s4+$0x6C20];
	(pc) =	sbr.rel @p1 .LBB2_7-.Ltmp2, $4  }
0x15c: {  	v11 =	vld [tilespmem:s4+$0x6C30]  }
0x15d: {  	v9 =	vld [tilespmem:s4+$0x6C40]  }
0x15e: {  	v12 =	vadd.f32 v8, v16;
	v8 =	vld [tilespmem:s4+$0x6C50]  }
0x15f: {  	s25 =	sadd.s32 $0x200, s25;
	v10 =	vadd.f32 v10, v18;
	v7 =	vld [tilespmem:s4+$0x6C60]  }
0x160: {  	v14 =	vmul.f32 $9.999999770e-03, v12;
	v6 =	vadd.f32 v13, v6;
	v13 =	vld [tilespmem:s4+$0x6C70]  }
0x161: {  	v15 =	vmul.f32 $9.999999770e-03, v10;
	v5 =	vadd.f32 v11, v5  }
0x162: {  	v11 =	vmax.f32 v12, v14;
	v12 =	vmul.f32 $9.999999770e-03, v6;
	v4 =	vadd.f32 v9, v4  }
0x163: {  	[tilespmem:s4+$0x6C00] =	vst v11;
	v9 =	vmax.f32 v10, v15;
	v10 =	vmul.f32 $9.999999770e-03, v5;
	v3 =	vadd.f32 v8, v3  }
0x164: {  	[tilespmem:s4+$0x6C10] =	vst v9;
	v6 =	vmax.f32 v6, v12;
	v8 =	vmul.f32 $9.999999770e-03, v4;
	v2 =	vadd.f32 v7, v2  }
0x165: {  	[tilespmem:s4+$0x6C20] =	vst v6;
	v5 =	vmax.f32 v5, v10;
	v6 =	vmul.f32 $9.999999770e-03, v3;
	v1 =	vadd.f32 v13, v1  }
0x166: {  	[tilespmem:s4+$0x6C30] =	vst v5;
	v4 =	vmax.f32 v4, v8;
	v5 =	vmul.f32 $9.999999770e-03, v2  }
0x167: {  	[tilespmem:s4+$0x6C40] =	vst v4;
	v3 =	vmax.f32 v3, v6;
	v4 =	vmul.f32 $9.999999770e-03, v1  }
0x168: {  	[tilespmem:s4+$0x6C50] =	vst v3;
	v2 =	vmax.f32 v2, v5  }
0x169: {  	s22 =	rddreg [dreg:$0x16];
	[tilespmem:s4+$0x6C60] =	vst v2;
	v1 =	vmax.f32 v1, v4  }
0x16a: {  	s31 =	simm.s32 $0x180;
	s8 =	simm.s32 $0x6C00;
	[tilespmem:s4+$0x6C70] =	vst v1;
	s4 =	sadd.s32 s22, s9  }
0x16b: {  	[spmem:s3] =	stream.indirect.scatter.add.f32 [tilespmem:s8], [sflag:$0x12], $0x80, s31, s15, $0xb8;
	[tilespmem:$0x1E080] =	vst v63  }
0x16c: {  	s22 =	sshrl.u32 s4, $0x3  }
0x16d: {  	s31 =	simm.s32 $0x0;
	s8 =	simm.s32 $0x500;
	s25 =	sadd.s32 s6, s22  }
0x16e: {  	[tilespmem:s8], [sflag:$0x6] =	stream.linear.gather [hbm4b:s25+s31], $0x28, $0x38;
	[tilespmem:$0x1E080] =	vst v63  }
0x16f: {  	s22 =	sadd.s32 s7, s22;
	s25 =	simm.s32 $0x580  }
0x170: {  	[tilespmem:s25], [sflag:$0x6] =	stream.linear.gather [hbm4b:s22+s31], $0x28, $0x38;
	[tilespmem:$0x1E080] =	vst v63  }
0x171: {  	_ =	swait.ge [sflag:s30], $0x1400  }
0x172: {  	[sflag:s30] =	ssyncset.done $0x0  }
0x173: {  	[sflag:s30] =	ssyncadd.s32 $0xFFFFEC00  }
0x174: {  	_ =	swait.ge [sflag:s12], $0x28  }
0x175: {  	[sflag:s12] =	ssyncset.done $0x0  }
0x176: {  	[sflag:s12] =	ssyncadd.s32 $0xFFFFFFD8  }
0x177: {  	_ =	swait.ge [sflag:s12], $0x28  }
0x178: {  	s13 =	sshll.u32 s13, $0x4;
	[sflag:s12] =	ssyncset.done $0x0  }
0x179: {  	s22 =	simm.s32 $0x800;
	s25 =	simm.s32 $0x400;
	[sflag:s12] =	ssyncadd.s32 $0xFFFFFFD8  }
0x17a: {  	[tilespmem:s22], [sflag:$0x9] =	stream.indirect.gather [hbm4b:s1+s15], $0x80, s25, s15, $0xb8;
	[tilespmem:$0x1E080] =	vst v63  }
0x17b: {  	s13 =	sadd.s32 s5, s13;
	s25 =	simm.s32 $0x5800  }
0x17c: {  	[tilespmem:s25], [sflag:$0xD] =	stream.linear.gather [hbm4b:s13+s31], $0x1400, $0x38;
	[tilespmem:$0x1E080] =	vst v63  }
0x17d: {  	_ =	swait.ge [sflag:s17], $0x1400  }
0x17e: {  	[sflag:s17] =	ssyncset.done $0x0  }
0x17f: {  	[sflag:s17] =	ssyncadd.s32 $0xFFFFEC00  }
0x180: {  	_ =	swait.ge [sflag:s18], $0x1400  }
0x181: {  	[sflag:s18] =	ssyncset.done $0x0  }
0x182: {  	s13 =	simm.s32 $0x0;
	[sflag:s18] =	ssyncadd.s32 $0xFFFFEC00  }
0x183: {  	v7 =	vld [tilespmem:s13+$0x3000]  }
0x184: {  	v10 =	vld [tilespmem:s13+$0x3010]  }
0x185: {  	v6 =	vld [tilespmem:s13+$0x3020]  }
0x186: {  	v5 =	vld [tilespmem:s13+$0x3030]  }
0x187: {  	v4 =	vld [tilespmem:s13+$0x3040]  }
0x188: {  	v3 =	vld [tilespmem:s13+$0x3050]  }
0x189: {  	v2 =	vld [tilespmem:s13+$0x3060]  }
0x18a: {  	v1 =	vld [tilespmem:s13+$0x3070]  }
0x18b: {  	v12 =	vld [tilespmem:s13+$0x8000]  }
0x18c: {  	v14 =	vld [tilespmem:s13+$0x8010]  }
0x18d: {  	v13 =	vld [tilespmem:s13+$0x8020]  }
0x18e: {  	v11 =	vld [tilespmem:s13+$0x8030]  }
0x18f: {  	v9 =	vld [tilespmem:s13+$0x8040]  }
0x190: {  	v8 =	vld [tilespmem:s13+$0x8050];
	v12 =	vadd.f32 v12, v7  }
0x191: {  	s25 =	simm.s32 $0x200;
	v10 =	vadd.f32 v14, v10;
	v7 =	vld [tilespmem:s13+$0x8060]  }
.LBB2_9:
0x192: {  	s22 =	sshra.s32 s25, $0x2;
	p1 =	sne.s32 s25, $0x4E00;
	v14 =	vmul.f32 $9.999999770e-03, v12;
	v13 =	vadd.f32 v13, v6;
	v15 =	vld [tilespmem:s13+$0x8070]  }
0x193: {  	v16 =	vld [tilespmem:s22+$0x3000];
	v17 =	vmul.f32 $9.999999770e-03, v10;
	v11 =	vadd.f32 v11, v5  }
0x194: {  	v18 =	vld [tilespmem:s22+$0x3010];
	v5 =	vmax.f32 v12, v14;
	v12 =	vmul.f32 $9.999999770e-03, v13;
	v9 =	vadd.f32 v9, v4  }
0x195: {  	v6 =	vld [tilespmem:s22+$0x3020];
	[tilespmem:s13+$0x8000] =	vst v5;
	v4 =	vmax.f32 v10, v17;
	v10 =	vmul.f32 $9.999999770e-03, v11;
	v8 =	vadd.f32 v8, v3  }
0x196: {  	v5 =	vld [tilespmem:s22+$0x3030];
	[tilespmem:s13+$0x8010] =	vst v4;
	v3 =	vmax.f32 v13, v12;
	v12 =	vmul.f32 $9.999999770e-03, v9;
	v7 =	vadd.f32 v7, v2  }
0x197: {  	v4 =	vld [tilespmem:s22+$0x3040];
	[tilespmem:s13+$0x8020] =	vst v3;
	v2 =	vmax.f32 v11, v10;
	v10 =	vmul.f32 $9.999999770e-03, v8;
	v11 =	vadd.f32 v15, v1  }
0x198: {  	v3 =	vld [tilespmem:s22+$0x3050];
	[tilespmem:s13+$0x8030] =	vst v2;
	v1 =	vmax.f32 v9, v12;
	v9 =	vmul.f32 $9.999999770e-03, v7  }
0x199: {  	v2 =	vld [tilespmem:s22+$0x3060];
	[tilespmem:s13+$0x8040] =	vst v1;
	v8 =	vmax.f32 v8, v10;
	v10 =	vmul.f32 $9.999999770e-03, v11  }
0x19a: {  	v1 =	vld [tilespmem:s22+$0x3070];
	[tilespmem:s13+$0x8050] =	vst v8;
	v7 =	vmax.f32 v7, v9  }
0x19b: {  	v8 =	vld [tilespmem:s22+$0x8000];
	[tilespmem:s13+$0x8060] =	vst v7;
	v7 =	vmax.f32 v11, v10  }
0x19c: {  	v10 =	vld [tilespmem:s22+$0x8010];
	[tilespmem:s13+$0x8070] =	vst v7;
	s13 =	smov.u32 s22  }
.Ltmp3:
0x19d: {  	v13 =	vld [tilespmem:s13+$0x8020];
	(pc) =	sbr.rel @p1 .LBB2_9-.Ltmp3, $4  }
0x19e: {  	v11 =	vld [tilespmem:s13+$0x8030]  }
0x19f: {  	v9 =	vld [tilespmem:s13+$0x8040]  }
0x1a0: {  	v12 =	vadd.f32 v8, v16;
	v8 =	vld [tilespmem:s13+$0x8050]  }
0x1a1: {  	s25 =	sadd.s32 $0x200, s25;
	v10 =	vadd.f32 v10, v18;
	v7 =	vld [tilespmem:s13+$0x8060]  }
0x1a2: {  	v14 =	vmul.f32 $9.999999770e-03, v12;
	v6 =	vadd.f32 v13, v6;
	v13 =	vld [tilespmem:s13+$0x8070]  }
0x1a3: {  	v15 =	vmul.f32 $9.999999770e-03, v10;
	v5 =	vadd.f32 v11, v5  }
0x1a4: {  	v11 =	vmax.f32 v12, v14;
	v12 =	vmul.f32 $9.999999770e-03, v6;
	v4 =	vadd.f32 v9, v4  }
0x1a5: {  	[tilespmem:s13+$0x8000] =	vst v11;
	v9 =	vmax.f32 v10, v15;
	v10 =	vmul.f32 $9.999999770e-03, v5;
	v3 =	vadd.f32 v8, v3  }
0x1a6: {  	[tilespmem:s13+$0x8010] =	vst v9;
	v6 =	vmax.f32 v6, v12;
	v8 =	vmul.f32 $9.999999770e-03, v4;
	v2 =	vadd.f32 v7, v2  }
0x1a7: {  	[tilespmem:s13+$0x8020] =	vst v6;
	v5 =	vmax.f32 v5, v10;
	v6 =	vmul.f32 $9.999999770e-03, v3;
	v1 =	vadd.f32 v13, v1  }
0x1a8: {  	[tilespmem:s13+$0x8030] =	vst v5;
	v4 =	vmax.f32 v4, v8;
	v5 =	vmul.f32 $9.999999770e-03, v2  }
0x1a9: {  	[tilespmem:s13+$0x8040] =	vst v4;
	v3 =	vmax.f32 v3, v6;
	v4 =	vmul.f32 $9.999999770e-03, v1  }
0x1aa: {  	[tilespmem:s13+$0x8050] =	vst v3;
	v2 =	vmax.f32 v2, v5  }
0x1ab: {  	s22 =	rddreg [dreg:$0x17];
	[tilespmem:s13+$0x8060] =	vst v2;
	v1 =	vmax.f32 v1, v4  }
0x1ac: {  	s8 =	simm.s32 $0x280;
	s31 =	simm.s32 $0x8000;
	[tilespmem:s13+$0x8070] =	vst v1;
	s13 =	sadd.s32 s22, s9  }
0x1ad: {  	[spmem:s3] =	stream.indirect.scatter.add.f32 [tilespmem:s31], [sflag:$0x13], $0x80, s8, s15, $0xb8;
	[tilespmem:$0x1E080] =	vst v63  }
0x1ae: {  	s22 =	sshrl.u32 s13, $0x3  }
0x1af: {  	s31 =	simm.s32 $0x0;
	s8 =	simm.s32 $0x600;
	s25 =	sadd.s32 s6, s22  }
0x1b0: {  	[tilespmem:s8], [sflag:$0x7] =	stream.linear.gather [hbm4b:s25+s31], $0x28, $0x38;
	[tilespmem:$0x1E080] =	vst v63  }
0x1b1: {  	s22 =	sadd.s32 s7, s22;
	s25 =	simm.s32 $0x680  }
0x1b2: {  	[tilespmem:s25], [sflag:$0x7] =	stream.linear.gather [hbm4b:s22+s31], $0x28, $0x38;
	[tilespmem:$0x1E080] =	vst v63  }
0x1b3: {  	_ =	swait.ge [sflag:s23], $0x1400  }
0x1b4: {  	[sflag:s23] =	ssyncset.done $0x0  }
0x1b5: {  	[sflag:s23] =	ssyncadd.s32 $0xFFFFEC00  }
0x1b6: {  	_ =	swait.ge [sflag:s24], $0x28  }
0x1b7: {  	[sflag:s24] =	ssyncset.done $0x0  }
0x1b8: {  	[sflag:s24] =	ssyncadd.s32 $0xFFFFFFD8  }
0x1b9: {  	_ =	swait.ge [sflag:s24], $0x28  }
0x1ba: {  	s4 =	sshll.u32 s4, $0x4;
	[sflag:s24] =	ssyncset.done $0x0  }
0x1bb: {  	s22 =	simm.s32 $0x1C00;
	s25 =	simm.s32 $0x500;
	[sflag:s24] =	ssyncadd.s32 $0xFFFFFFD8  }
0x1bc: {  	[tilespmem:s22], [sflag:$0xA] =	stream.indirect.gather [hbm4b:s1+s15], $0x80, s25, s15, $0xb8;
	[tilespmem:$0x1E080] =	vst v63  }
0x1bd: {  	s4 =	sadd.s32 s5, s4;
	s25 =	simm.s32 $0x6C00  }
0x1be: {  	[tilespmem:s25], [sflag:$0xE] =	stream.linear.gather [hbm4b:s4+s31], $0x1400, $0x38;
	[tilespmem:$0x1E080] =	vst v63  }
0x1bf: {  	_ =	swait.ge [sflag:s29], $0x1400  }
0x1c0: {  	[sflag:s29] =	ssyncset.done $0x0  }
0x1c1: {  	[sflag:s29] =	ssyncadd.s32 $0xFFFFEC00  }
0x1c2: {  	_ =	swait.ge [sflag:s16], $0x1400  }
0x1c3: {  	[sflag:s16] =	ssyncset.done $0x0  }
0x1c4: {  	s4 =	simm.s32 $0x0;
	[sflag:s16] =	ssyncadd.s32 $0xFFFFEC00  }
0x1c5: {  	v7 =	vld [tilespmem:s4+$0x4400]  }
0x1c6: {  	v10 =	vld [tilespmem:s4+$0x4410]  }
0x1c7: {  	v6 =	vld [tilespmem:s4+$0x4420]  }
0x1c8: {  	v5 =	vld [tilespmem:s4+$0x4430]  }
0x1c9: {  	v4 =	vld [tilespmem:s4+$0x4440]  }
0x1ca: {  	v3 =	vld [tilespmem:s4+$0x4450]  }
0x1cb: {  	v2 =	vld [tilespmem:s4+$0x4460]  }
0x1cc: {  	v1 =	vld [tilespmem:s4+$0x4470]  }
0x1cd: {  	v12 =	vld [tilespmem:s4+$0x9400]  }
0x1ce: {  	v14 =	vld [tilespmem:s4+$0x9410]  }
0x1cf: {  	v13 =	vld [tilespmem:s4+$0x9420]  }
0x1d0: {  	v11 =	vld [tilespmem:s4+$0x9430]  }
0x1d1: {  	v9 =	vld [tilespmem:s4+$0x9440]  }
0x1d2: {  	v8 =	vld [tilespmem:s4+$0x9450];
	v12 =	vadd.f32 v12, v7  }
0x1d3: {  	s25 =	simm.s32 $0x200;
	v10 =	vadd.f32 v14, v10;
	v7 =	vld [tilespmem:s4+$0x9460]  }
.LBB2_11:
0x1d4: {  	s22 =	sshra.s32 s25, $0x2;
	p1 =	sne.s32 s25, $0x4E00;
	v14 =	vmul.f32 $9.999999770e-03, v12;
	v13 =	vadd.f32 v13, v6;
	v15 =	vld [tilespmem:s4+$0x9470]  }
0x1d5: {  	v16 =	vld [tilespmem:s22+$0x4400];
	v17 =	vmul.f32 $9.999999770e-03, v10;
	v11 =	vadd.f32 v11, v5  }
0x1d6: {  	v18 =	vld [tilespmem:s22+$0x4410];
	v5 =	vmax.f32 v12, v14;
	v12 =	vmul.f32 $9.999999770e-03, v13;
	v9 =	vadd.f32 v9, v4  }
0x1d7: {  	v6 =	vld [tilespmem:s22+$0x4420];
	[tilespmem:s4+$0x9400] =	vst v5;
	v4 =	vmax.f32 v10, v17;
	v10 =	vmul.f32 $9.999999770e-03, v11;
	v8 =	vadd.f32 v8, v3  }
0x1d8: {  	v5 =	vld [tilespmem:s22+$0x4430];
	[tilespmem:s4+$0x9410] =	vst v4;
	v3 =	vmax.f32 v13, v12;
	v12 =	vmul.f32 $9.999999770e-03, v9;
	v7 =	vadd.f32 v7, v2  }
0x1d9: {  	v4 =	vld [tilespmem:s22+$0x4440];
	[tilespmem:s4+$0x9420] =	vst v3;
	v2 =	vmax.f32 v11, v10;
	v10 =	vmul.f32 $9.999999770e-03, v8;
	v11 =	vadd.f32 v15, v1  }
0x1da: {  	v3 =	vld [tilespmem:s22+$0x4450];
	[tilespmem:s4+$0x9430] =	vst v2;
	v1 =	vmax.f32 v9, v12;
	v9 =	vmul.f32 $9.999999770e-03, v7  }
0x1db: {  	v2 =	vld [tilespmem:s22+$0x4460];
	[tilespmem:s4+$0x9440] =	vst v1;
	v8 =	vmax.f32 v8, v10;
	v10 =	vmul.f32 $9.999999770e-03, v11  }
0x1dc: {  	v1 =	vld [tilespmem:s22+$0x4470];
	[tilespmem:s4+$0x9450] =	vst v8;
	v7 =	vmax.f32 v7, v9  }
0x1dd: {  	v8 =	vld [tilespmem:s22+$0x9400];
	[tilespmem:s4+$0x9460] =	vst v7;
	v7 =	vmax.f32 v11, v10  }
0x1de: {  	v10 =	vld [tilespmem:s22+$0x9410];
	[tilespmem:s4+$0x9470] =	vst v7;
	s4 =	smov.u32 s22  }
.Ltmp4:
0x1df: {  	v13 =	vld [tilespmem:s4+$0x9420];
	(pc) =	sbr.rel @p1 .LBB2_11-.Ltmp4, $4  }
0x1e0: {  	v11 =	vld [tilespmem:s4+$0x9430]  }
0x1e1: {  	v9 =	vld [tilespmem:s4+$0x9440]  }
0x1e2: {  	v12 =	vadd.f32 v8, v16;
	v8 =	vld [tilespmem:s4+$0x9450]  }
0x1e3: {  	s25 =	sadd.s32 $0x200, s25;
	v10 =	vadd.f32 v10, v18;
	v7 =	vld [tilespmem:s4+$0x9460]  }
0x1e4: {  	v14 =	vmul.f32 $9.999999770e-03, v12;
	v6 =	vadd.f32 v13, v6;
	v13 =	vld [tilespmem:s4+$0x9470]  }
0x1e5: {  	v15 =	vmul.f32 $9.999999770e-03, v10;
	v5 =	vadd.f32 v11, v5  }
0x1e6: {  	v11 =	vmax.f32 v12, v14;
	v12 =	vmul.f32 $9.999999770e-03, v6;
	v4 =	vadd.f32 v9, v4  }
0x1e7: {  	[tilespmem:s4+$0x9400] =	vst v11;
	v9 =	vmax.f32 v10, v15;
	v10 =	vmul.f32 $9.999999770e-03, v5;
	v3 =	vadd.f32 v8, v3  }
0x1e8: {  	[tilespmem:s4+$0x9410] =	vst v9;
	v6 =	vmax.f32 v6, v12;
	v8 =	vmul.f32 $9.999999770e-03, v4;
	v2 =	vadd.f32 v7, v2  }
0x1e9: {  	[tilespmem:s4+$0x9420] =	vst v6;
	v5 =	vmax.f32 v5, v10;
	v6 =	vmul.f32 $9.999999770e-03, v3;
	v1 =	vadd.f32 v13, v1  }
0x1ea: {  	[tilespmem:s4+$0x9430] =	vst v5;
	v4 =	vmax.f32 v4, v8;
	v5 =	vmul.f32 $9.999999770e-03, v2  }
0x1eb: {  	[tilespmem:s4+$0x9440] =	vst v4;
	v3 =	vmax.f32 v3, v6;
	v4 =	vmul.f32 $9.999999770e-03, v1  }
0x1ec: {  	[tilespmem:s4+$0x9450] =	vst v3;
	v2 =	vmax.f32 v2, v5  }
0x1ed: {  	s22 =	rddreg [dreg:$0x18];
	[tilespmem:s4+$0x9460] =	vst v2;
	v1 =	vmax.f32 v1, v4  }
0x1ee: {  	s31 =	simm.s32 $0x380;
	s8 =	simm.s32 $0x9400;
	[tilespmem:s4+$0x9470] =	vst v1;
	s4 =	sadd.s32 s22, s9  }
0x1ef: {  	[spmem:s3] =	stream.indirect.scatter.add.f32 [tilespmem:s8], [sflag:$0x14], $0x80, s31, s15, $0xb8;
	[tilespmem:$0x1E080] =	vst v63  }
0x1f0: {  	s22 =	sshrl.u32 s4, $0x3  }
0x1f1: {  	s31 =	simm.s32 $0x0;
	s8 =	simm.s32 $0x700;
	s25 =	sadd.s32 s6, s22  }
0x1f2: {  	[tilespmem:s8], [sflag:$0x8] =	stream.linear.gather [hbm4b:s25+s31], $0x28, $0x38;
	[tilespmem:$0x1E080] =	vst v63  }
0x1f3: {  	s22 =	sadd.s32 s7, s22;
	s25 =	simm.s32 $0x780  }
0x1f4: {  	[tilespmem:s25], [sflag:$0x8] =	stream.linear.gather [hbm4b:s22+s31], $0x28, $0x38;
	[tilespmem:$0x1E080] =	vst v63  }
0x1f5: {  	s25 =	simm.s32 $0x13  }
0x1f6: {  	_ =	swait.ge [sflag:s25], $0x1400  }
0x1f7: {  	[sflag:s25] =	ssyncset.done $0x0  }
0x1f8: {  	[sflag:s25] =	ssyncadd.s32 $0xFFFFEC00  }
0x1f9: {  	_ =	swait.ge [sflag:s2], $0x28  }
0x1fa: {  	[sflag:s2] =	ssyncset.done $0x0  }
0x1fb: {  	[sflag:s2] =	ssyncadd.s32 $0xFFFFFFD8  }
0x1fc: {  	_ =	swait.ge [sflag:s2], $0x28  }
0x1fd: {  	s13 =	sshll.u32 s13, $0x4;
	[sflag:s2] =	ssyncset.done $0x0  }
0x1fe: {  	s22 =	simm.s32 $0x3000;
	s25 =	simm.s32 $0x600;
	[sflag:s2] =	ssyncadd.s32 $0xFFFFFFD8  }
0x1ff: {  	[tilespmem:s22], [sflag:$0xB] =	stream.indirect.gather [hbm4b:s1+s15], $0x80, s25, s15, $0xb8;
	[tilespmem:$0x1E080] =	vst v63  }
0x200: {  	s13 =	sadd.s32 s5, s13;
	s25 =	simm.s32 $0x8000  }
0x201: {  	[tilespmem:s25], [sflag:$0xF] =	stream.linear.gather [hbm4b:s13+s31], $0x1400, $0x38;
	[tilespmem:$0x1E080] =	vst v63  }
0x202: {  	_ =	swait.ge [sflag:s0], $0x1400  }
0x203: {  	[sflag:s0] =	ssyncset.done $0x0  }
0x204: {  	[sflag:s0] =	ssyncadd.s32 $0xFFFFEC00  }
0x205: {  	_ =	swait.ge [sflag:s11], $0x1400  }
0x206: {  	[sflag:s11] =	ssyncset.done $0x0  }
0x207: {  	s13 =	simm.s32 $0x0;
	[sflag:s11] =	ssyncadd.s32 $0xFFFFEC00  }
0x208: {  	v7 =	vld [tilespmem:s13+$0x800]  }
0x209: {  	v10 =	vld [tilespmem:s13+$0x810]  }
0x20a: {  	v6 =	vld [tilespmem:s13+$0x820]  }
0x20b: {  	v5 =	vld [tilespmem:s13+$0x830]  }
0x20c: {  	v4 =	vld [tilespmem:s13+$0x840]  }
0x20d: {  	v3 =	vld [tilespmem:s13+$0x850]  }
0x20e: {  	v2 =	vld [tilespmem:s13+$0x860]  }
0x20f: {  	v1 =	vld [tilespmem:s13+$0x870]  }
0x210: {  	v12 =	vld [tilespmem:s13+$0x5800]  }
0x211: {  	v14 =	vld [tilespmem:s13+$0x5810]  }
0x212: {  	v13 =	vld [tilespmem:s13+$0x5820]  }
0x213: {  	v11 =	vld [tilespmem:s13+$0x5830]  }
0x214: {  	v9 =	vld [tilespmem:s13+$0x5840]  }
0x215: {  	v8 =	vld [tilespmem:s13+$0x5850];
	v12 =	vadd.f32 v12, v7  }
0x216: {  	s25 =	simm.s32 $0x200;
	v10 =	vadd.f32 v14, v10;
	v7 =	vld [tilespmem:s13+$0x5860]  }
.LBB2_13:
0x217: {  	s22 =	sshra.s32 s25, $0x2;
	p1 =	sne.s32 s25, $0x4E00;
	v14 =	vmul.f32 $9.999999770e-03, v12;
	v13 =	vadd.f32 v13, v6;
	v15 =	vld [tilespmem:s13+$0x5870]  }
0x218: {  	v16 =	vld [tilespmem:s22+$0x800];
	v17 =	vmul.f32 $9.999999770e-03, v10;
	v11 =	vadd.f32 v11, v5  }
0x219: {  	v18 =	vld [tilespmem:s22+$0x810];
	v5 =	vmax.f32 v12, v14;
	v12 =	vmul.f32 $9.999999770e-03, v13;
	v9 =	vadd.f32 v9, v4  }
0x21a: {  	v6 =	vld [tilespmem:s22+$0x820];
	[tilespmem:s13+$0x5800] =	vst v5;
	v4 =	vmax.f32 v10, v17;
	v10 =	vmul.f32 $9.999999770e-03, v11;
	v8 =	vadd.f32 v8, v3  }
0x21b: {  	v5 =	vld [tilespmem:s22+$0x830];
	[tilespmem:s13+$0x5810] =	vst v4;
	v3 =	vmax.f32 v13, v12;
	v12 =	vmul.f32 $9.999999770e-03, v9;
	v7 =	vadd.f32 v7, v2  }
0x21c: {  	v4 =	vld [tilespmem:s22+$0x840];
	[tilespmem:s13+$0x5820] =	vst v3;
	v2 =	vmax.f32 v11, v10;
	v10 =	vmul.f32 $9.999999770e-03, v8;
	v11 =	vadd.f32 v15, v1  }
0x21d: {  	v3 =	vld [tilespmem:s22+$0x850];
	[tilespmem:s13+$0x5830] =	vst v2;
	v1 =	vmax.f32 v9, v12;
	v9 =	vmul.f32 $9.999999770e-03, v7  }
0x21e: {  	v2 =	vld [tilespmem:s22+$0x860];
	[tilespmem:s13+$0x5840] =	vst v1;
	v8 =	vmax.f32 v8, v10;
	v10 =	vmul.f32 $9.999999770e-03, v11  }
0x21f: {  	v1 =	vld [tilespmem:s22+$0x870];
	[tilespmem:s13+$0x5850] =	vst v8;
	v7 =	vmax.f32 v7, v9  }
0x220: {  	v8 =	vld [tilespmem:s22+$0x5800];
	[tilespmem:s13+$0x5860] =	vst v7;
	v7 =	vmax.f32 v11, v10  }
0x221: {  	v10 =	vld [tilespmem:s22+$0x5810];
	[tilespmem:s13+$0x5870] =	vst v7;
	s13 =	smov.u32 s22  }
.Ltmp5:
0x222: {  	v13 =	vld [tilespmem:s13+$0x5820];
	(pc) =	sbr.rel @p1 .LBB2_13-.Ltmp5, $4  }
0x223: {  	v11 =	vld [tilespmem:s13+$0x5830]  }
0x224: {  	v9 =	vld [tilespmem:s13+$0x5840]  }
0x225: {  	v12 =	vadd.f32 v8, v16;
	v8 =	vld [tilespmem:s13+$0x5850]  }
0x226: {  	s25 =	sadd.s32 $0x200, s25;
	v10 =	vadd.f32 v10, v18;
	v7 =	vld [tilespmem:s13+$0x5860]  }
0x227: {  	v14 =	vmul.f32 $9.999999770e-03, v12;
	v6 =	vadd.f32 v13, v6;
	v13 =	vld [tilespmem:s13+$0x5870]  }
0x228: {  	v15 =	vmul.f32 $9.999999770e-03, v10;
	v5 =	vadd.f32 v11, v5  }
0x229: {  	v11 =	vmax.f32 v12, v14;
	v12 =	vmul.f32 $9.999999770e-03, v6;
	v4 =	vadd.f32 v9, v4  }
0x22a: {  	[tilespmem:s13+$0x5800] =	vst v11;
	v9 =	vmax.f32 v10, v15;
	v10 =	vmul.f32 $9.999999770e-03, v5;
	v3 =	vadd.f32 v8, v3  }
0x22b: {  	[tilespmem:s13+$0x5810] =	vst v9;
	v6 =	vmax.f32 v6, v12;
	v8 =	vmul.f32 $9.999999770e-03, v4;
	v2 =	vadd.f32 v7, v2  }
0x22c: {  	[tilespmem:s13+$0x5820] =	vst v6;
	v5 =	vmax.f32 v5, v10;
	v6 =	vmul.f32 $9.999999770e-03, v3;
	v1 =	vadd.f32 v13, v1  }
0x22d: {  	[tilespmem:s13+$0x5830] =	vst v5;
	v4 =	vmax.f32 v4, v8;
	v5 =	vmul.f32 $9.999999770e-03, v2  }
0x22e: {  	[tilespmem:s13+$0x5840] =	vst v4;
	v3 =	vmax.f32 v3, v6;
	v4 =	vmul.f32 $9.999999770e-03, v1  }
0x22f: {  	[tilespmem:s13+$0x5850] =	vst v3;
	v2 =	vmax.f32 v2, v5  }
0x230: {  	s31 =	rddreg [dreg:$0xd];
	[tilespmem:s13+$0x5860] =	vst v2;
	v1 =	vmax.f32 v1, v4  }
0x231: {  	s25 =	simm.s32 $0x5800;
	s8 =	simm.s32 $0x480;
	[tilespmem:s13+$0x5870] =	vst v1;
	s13 =	sadd.s32 s9, s31  }
0x232: {  	[spmem:s3] =	stream.indirect.scatter.add.f32 [tilespmem:s25], [sflag:$0x11], $0x80, s8, s15, $0xb8;
	[tilespmem:$0x1E080] =	vst v63  }
0x233: {  	s22 =	sshrl.u32 s13, $0x3  }
0x234: {  	s31 =	simm.s32 $0x0;
	s25 =	sadd.s32 s6, s22  }
0x235: {  	[tilespmem:s31], [sflag:$0x1] =	stream.linear.gather [hbm4b:s25+s31], $0x28, $0x38;
	[tilespmem:$0x1E080] =	vst v63  }
0x236: {  	s8 =	simm.s32 $0x80;
	s22 =	sadd.s32 s7, s22;
	s25 =	simm.s32 $0x14  }
0x237: {  	[tilespmem:s8], [sflag:$0x1] =	stream.linear.gather [hbm4b:s22+s31], $0x28, $0x38;
	[tilespmem:$0x1E080] =	vst v63  }
0x238: {  	_ =	swait.ge [sflag:s25], $0x1400  }
0x239: {  	[sflag:s25] =	ssyncset.done $0x0  }
0x23a: {  	[sflag:s25] =	ssyncadd.s32 $0xFFFFEC00  }
0x23b: {  	_ =	swait.ge [sflag:s10], $0x28  }
0x23c: {  	[sflag:s10] =	ssyncset.done $0x0  }
0x23d: {  	[sflag:s10] =	ssyncadd.s32 $0xFFFFFFD8  }
0x23e: {  	_ =	swait.ge [sflag:s10], $0x28  }
0x23f: {  	s4 =	sshll.u32 s4, $0x4;
	[sflag:s10] =	ssyncset.done $0x0  }
0x240: {  	s22 =	simm.s32 $0x4400;
	s25 =	simm.s32 $0x700;
	[sflag:s10] =	ssyncadd.s32 $0xFFFFFFD8  }
0x241: {  	[tilespmem:s22], [sflag:$0xC] =	stream.indirect.gather [hbm4b:s1+s15], $0x80, s25, s15, $0xb8;
	[tilespmem:$0x1E080] =	vst v63  }
0x242: {  	s4 =	sadd.s32 s5, s4;
	s25 =	simm.s32 $0x9400  }
0x243: {  	[tilespmem:s25], [sflag:$0x10] =	stream.linear.gather [hbm4b:s4+s31], $0x1400, $0x38;
	[tilespmem:$0x1E080] =	vst v63  }
0x244: {  	_ =	swait.ge [sflag:s26], $0x1400  }
0x245: {  	[sflag:s26] =	ssyncset.done $0x0  }
0x246: {  	[sflag:s26] =	ssyncadd.s32 $0xFFFFEC00  }
0x247: {  	_ =	swait.ge [sflag:s28], $0x1400  }
0x248: {  	[sflag:s28] =	ssyncset.done $0x0  }
0x249: {  	s4 =	simm.s32 $0x0;
	[sflag:s28] =	ssyncadd.s32 $0xFFFFEC00  }
0x24a: {  	v7 =	vld [tilespmem:s4+$0x1C00]  }
0x24b: {  	v10 =	vld [tilespmem:s4+$0x1C10]  }
0x24c: {  	v6 =	vld [tilespmem:s4+$0x1C20]  }
0x24d: {  	v5 =	vld [tilespmem:s4+$0x1C30]  }
0x24e: {  	v4 =	vld [tilespmem:s4+$0x1C40]  }
0x24f: {  	v3 =	vld [tilespmem:s4+$0x1C50]  }
0x250: {  	v2 =	vld [tilespmem:s4+$0x1C60]  }
0x251: {  	v1 =	vld [tilespmem:s4+$0x1C70]  }
0x252: {  	v12 =	vld [tilespmem:s4+$0x6C00]  }
0x253: {  	v14 =	vld [tilespmem:s4+$0x6C10]  }
0x254: {  	v13 =	vld [tilespmem:s4+$0x6C20]  }
0x255: {  	v11 =	vld [tilespmem:s4+$0x6C30]  }
0x256: {  	v9 =	vld [tilespmem:s4+$0x6C40]  }
0x257: {  	v8 =	vld [tilespmem:s4+$0x6C50];
	v12 =	vadd.f32 v12, v7  }
0x258: {  	s25 =	simm.s32 $0x200;
	v10 =	vadd.f32 v14, v10;
	v7 =	vld [tilespmem:s4+$0x6C60]  }
.LBB2_15:
0x259: {  	s22 =	sshra.s32 s25, $0x2;
	p1 =	sne.s32 s25, $0x4E00;
	v14 =	vmul.f32 $9.999999770e-03, v12;
	v13 =	vadd.f32 v13, v6;
	v15 =	vld [tilespmem:s4+$0x6C70]  }
0x25a: {  	v16 =	vld [tilespmem:s22+$0x1C00];
	v17 =	vmul.f32 $9.999999770e-03, v10;
	v11 =	vadd.f32 v11, v5  }
0x25b: {  	v18 =	vld [tilespmem:s22+$0x1C10];
	v5 =	vmax.f32 v12, v14;
	v12 =	vmul.f32 $9.999999770e-03, v13;
	v9 =	vadd.f32 v9, v4  }
0x25c: {  	v6 =	vld [tilespmem:s22+$0x1C20];
	[tilespmem:s4+$0x6C00] =	vst v5;
	v4 =	vmax.f32 v10, v17;
	v10 =	vmul.f32 $9.999999770e-03, v11;
	v8 =	vadd.f32 v8, v3  }
0x25d: {  	v5 =	vld [tilespmem:s22+$0x1C30];
	[tilespmem:s4+$0x6C10] =	vst v4;
	v3 =	vmax.f32 v13, v12;
	v12 =	vmul.f32 $9.999999770e-03, v9;
	v7 =	vadd.f32 v7, v2  }
0x25e: {  	v4 =	vld [tilespmem:s22+$0x1C40];
	[tilespmem:s4+$0x6C20] =	vst v3;
	v2 =	vmax.f32 v11, v10;
	v10 =	vmul.f32 $9.999999770e-03, v8;
	v11 =	vadd.f32 v15, v1  }
0x25f: {  	v3 =	vld [tilespmem:s22+$0x1C50];
	[tilespmem:s4+$0x6C30] =	vst v2;
	v1 =	vmax.f32 v9, v12;
	v9 =	vmul.f32 $9.999999770e-03, v7  }
0x260: {  	v2 =	vld [tilespmem:s22+$0x1C60];
	[tilespmem:s4+$0x6C40] =	vst v1;
	v8 =	vmax.f32 v8, v10;
	v10 =	vmul.f32 $9.999999770e-03, v11  }
0x261: {  	v1 =	vld [tilespmem:s22+$0x1C70];
	[tilespmem:s4+$0x6C50] =	vst v8;
	v7 =	vmax.f32 v7, v9  }
0x262: {  	v8 =	vld [tilespmem:s22+$0x6C00];
	[tilespmem:s4+$0x6C60] =	vst v7;
	v7 =	vmax.f32 v11, v10  }
0x263: {  	v10 =	vld [tilespmem:s22+$0x6C10];
	[tilespmem:s4+$0x6C70] =	vst v7;
	s4 =	smov.u32 s22  }
.Ltmp6:
0x264: {  	v13 =	vld [tilespmem:s4+$0x6C20];
	(pc) =	sbr.rel @p1 .LBB2_15-.Ltmp6, $4  }
0x265: {  	v11 =	vld [tilespmem:s4+$0x6C30]  }
0x266: {  	v9 =	vld [tilespmem:s4+$0x6C40]  }
0x267: {  	v12 =	vadd.f32 v8, v16;
	v8 =	vld [tilespmem:s4+$0x6C50]  }
0x268: {  	s25 =	sadd.s32 $0x200, s25;
	v10 =	vadd.f32 v10, v18;
	v7 =	vld [tilespmem:s4+$0x6C60]  }
0x269: {  	v14 =	vmul.f32 $9.999999770e-03, v12;
	v6 =	vadd.f32 v13, v6;
	v13 =	vld [tilespmem:s4+$0x6C70]  }
0x26a: {  	v15 =	vmul.f32 $9.999999770e-03, v10;
	v5 =	vadd.f32 v11, v5  }
0x26b: {  	v11 =	vmax.f32 v12, v14;
	v12 =	vmul.f32 $9.999999770e-03, v6;
	v4 =	vadd.f32 v9, v4  }
0x26c: {  	[tilespmem:s4+$0x6C00] =	vst v11;
	v9 =	vmax.f32 v10, v15;
	v10 =	vmul.f32 $9.999999770e-03, v5;
	v3 =	vadd.f32 v8, v3  }
0x26d: {  	[tilespmem:s4+$0x6C10] =	vst v9;
	v6 =	vmax.f32 v6, v12;
	v8 =	vmul.f32 $9.999999770e-03, v4;
	v2 =	vadd.f32 v7, v2  }
0x26e: {  	[tilespmem:s4+$0x6C20] =	vst v6;
	v5 =	vmax.f32 v5, v10;
	v6 =	vmul.f32 $9.999999770e-03, v3;
	v1 =	vadd.f32 v13, v1  }
0x26f: {  	[tilespmem:s4+$0x6C30] =	vst v5;
	v4 =	vmax.f32 v4, v8;
	v5 =	vmul.f32 $9.999999770e-03, v2  }
0x270: {  	[tilespmem:s4+$0x6C40] =	vst v4;
	v3 =	vmax.f32 v3, v6;
	v4 =	vmul.f32 $9.999999770e-03, v1  }
0x271: {  	[tilespmem:s4+$0x6C50] =	vst v3;
	v2 =	vmax.f32 v2, v5  }
0x272: {  	s22 =	rddreg [dreg:$0xe];
	[tilespmem:s4+$0x6C60] =	vst v2;
	v1 =	vmax.f32 v1, v4  }
0x273: {  	s31 =	simm.s32 $0x6C00;
	s8 =	simm.s32 $0x580;
	[tilespmem:s4+$0x6C70] =	vst v1;
	s4 =	sadd.s32 s9, s22  }
0x274: {  	[spmem:s3] =	stream.indirect.scatter.add.f32 [tilespmem:s31], [sflag:$0x12], $0x80, s8, s15, $0xb8;
	[tilespmem:$0x1E080] =	vst v63  }
0x275: {  	s22 =	sshrl.u32 s4, $0x3  }
0x276: {  	s31 =	simm.s32 $0x0;
	s8 =	simm.s32 $0x100;
	s25 =	sadd.s32 s6, s22  }
0x277: {  	[tilespmem:s8], [sflag:$0x2] =	stream.linear.gather [hbm4b:s25+s31], $0x28, $0x38;
	[tilespmem:$0x1E080] =	vst v63  }
0x278: {  	s22 =	sadd.s32 s7, s22;
	s25 =	simm.s32 $0x180  }
0x279: {  	[tilespmem:s25], [sflag:$0x2] =	stream.linear.gather [hbm4b:s22+s31], $0x28, $0x38;
	[tilespmem:$0x1E080] =	vst v63  }
0x27a: {  	_ =	swait.ge [sflag:s30], $0x1400  }
0x27b: {  	[sflag:s30] =	ssyncset.done $0x0  }
0x27c: {  	[sflag:s30] =	ssyncadd.s32 $0xFFFFEC00  }
0x27d: {  	_ =	swait.ge [sflag:s14], $0x28  }
0x27e: {  	[sflag:s14] =	ssyncset.done $0x0  }
0x27f: {  	[sflag:s14] =	ssyncadd.s32 $0xFFFFFFD8  }
0x280: {  	_ =	swait.ge [sflag:s14], $0x28  }
0x281: {  	[sflag:s14] =	ssyncset.done $0x0  }
0x282: {  	s13 =	sshll.u32 s13, $0x4;
	s22 =	simm.s32 $0x800;
	[sflag:s14] =	ssyncadd.s32 $0xFFFFFFD8  }
0x283: {  	[tilespmem:s22], [sflag:$0x9] =	stream.indirect.gather [hbm4b:s1+s15], $0x80, s31, s15, $0xb8;
	[tilespmem:$0x1E080] =	vst v63  }
0x284: {  	s13 =	sadd.s32 s5, s13;
	s25 =	simm.s32 $0x5800  }
0x285: {  	[tilespmem:s25], [sflag:$0xD] =	stream.linear.gather [hbm4b:s13+s31], $0x1400, $0x38;
	[tilespmem:$0x1E080] =	vst v63  }
0x286: {  	_ =	swait.ge [sflag:s17], $0x1400  }
0x287: {  	[sflag:s17] =	ssyncset.done $0x0  }
0x288: {  	[sflag:s17] =	ssyncadd.s32 $0xFFFFEC00  }
0x289: {  	_ =	swait.ge [sflag:s18], $0x1400  }
0x28a: {  	[sflag:s18] =	ssyncset.done $0x0  }
0x28b: {  	s13 =	simm.s32 $0x0;
	[sflag:s18] =	ssyncadd.s32 $0xFFFFEC00  }
0x28c: {  	v7 =	vld [tilespmem:s13+$0x3000]  }
0x28d: {  	v10 =	vld [tilespmem:s13+$0x3010]  }
0x28e: {  	v6 =	vld [tilespmem:s13+$0x3020]  }
0x28f: {  	v5 =	vld [tilespmem:s13+$0x3030]  }
0x290: {  	v4 =	vld [tilespmem:s13+$0x3040]  }
0x291: {  	v3 =	vld [tilespmem:s13+$0x3050]  }
0x292: {  	v2 =	vld [tilespmem:s13+$0x3060]  }
0x293: {  	v1 =	vld [tilespmem:s13+$0x3070]  }
0x294: {  	v12 =	vld [tilespmem:s13+$0x8000]  }
0x295: {  	v14 =	vld [tilespmem:s13+$0x8010]  }
0x296: {  	v13 =	vld [tilespmem:s13+$0x8020]  }
0x297: {  	v11 =	vld [tilespmem:s13+$0x8030]  }
0x298: {  	v9 =	vld [tilespmem:s13+$0x8040]  }
0x299: {  	v8 =	vld [tilespmem:s13+$0x8050];
	v12 =	vadd.f32 v12, v7  }
0x29a: {  	s25 =	simm.s32 $0x200;
	v10 =	vadd.f32 v14, v10;
	v7 =	vld [tilespmem:s13+$0x8060]  }
.LBB2_17:
0x29b: {  	s22 =	sshra.s32 s25, $0x2;
	p1 =	sne.s32 s25, $0x4E00;
	v14 =	vmul.f32 $9.999999770e-03, v12;
	v13 =	vadd.f32 v13, v6;
	v15 =	vld [tilespmem:s13+$0x8070]  }
0x29c: {  	v16 =	vld [tilespmem:s22+$0x3000];
	v17 =	vmul.f32 $9.999999770e-03, v10;
	v11 =	vadd.f32 v11, v5  }
0x29d: {  	v18 =	vld [tilespmem:s22+$0x3010];
	v5 =	vmax.f32 v12, v14;
	v12 =	vmul.f32 $9.999999770e-03, v13;
	v9 =	vadd.f32 v9, v4  }
0x29e: {  	v6 =	vld [tilespmem:s22+$0x3020];
	[tilespmem:s13+$0x8000] =	vst v5;
	v4 =	vmax.f32 v10, v17;
	v10 =	vmul.f32 $9.999999770e-03, v11;
	v8 =	vadd.f32 v8, v3  }
0x29f: {  	v5 =	vld [tilespmem:s22+$0x3030];
	[tilespmem:s13+$0x8010] =	vst v4;
	v3 =	vmax.f32 v13, v12;
	v12 =	vmul.f32 $9.999999770e-03, v9;
	v7 =	vadd.f32 v7, v2  }
0x2a0: {  	v4 =	vld [tilespmem:s22+$0x3040];
	[tilespmem:s13+$0x8020] =	vst v3;
	v2 =	vmax.f32 v11, v10;
	v10 =	vmul.f32 $9.999999770e-03, v8;
	v11 =	vadd.f32 v15, v1  }
0x2a1: {  	v3 =	vld [tilespmem:s22+$0x3050];
	[tilespmem:s13+$0x8030] =	vst v2;
	v1 =	vmax.f32 v9, v12;
	v9 =	vmul.f32 $9.999999770e-03, v7  }
0x2a2: {  	v2 =	vld [tilespmem:s22+$0x3060];
	[tilespmem:s13+$0x8040] =	vst v1;
	v8 =	vmax.f32 v8, v10;
	v10 =	vmul.f32 $9.999999770e-03, v11  }
0x2a3: {  	v1 =	vld [tilespmem:s22+$0x3070];
	[tilespmem:s13+$0x8050] =	vst v8;
	v7 =	vmax.f32 v7, v9  }
0x2a4: {  	v8 =	vld [tilespmem:s22+$0x8000];
	[tilespmem:s13+$0x8060] =	vst v7;
	v7 =	vmax.f32 v11, v10  }
0x2a5: {  	v10 =	vld [tilespmem:s22+$0x8010];
	[tilespmem:s13+$0x8070] =	vst v7;
	s13 =	smov.u32 s22  }
.Ltmp7:
0x2a6: {  	v13 =	vld [tilespmem:s13+$0x8020];
	(pc) =	sbr.rel @p1 .LBB2_17-.Ltmp7, $4  }
0x2a7: {  	v11 =	vld [tilespmem:s13+$0x8030]  }
0x2a8: {  	v9 =	vld [tilespmem:s13+$0x8040]  }
0x2a9: {  	v12 =	vadd.f32 v8, v16;
	v8 =	vld [tilespmem:s13+$0x8050]  }
0x2aa: {  	s25 =	sadd.s32 $0x200, s25;
	v10 =	vadd.f32 v10, v18;
	v7 =	vld [tilespmem:s13+$0x8060]  }
0x2ab: {  	v14 =	vmul.f32 $9.999999770e-03, v12;
	v6 =	vadd.f32 v13, v6;
	v13 =	vld [tilespmem:s13+$0x8070]  }
0x2ac: {  	v15 =	vmul.f32 $9.999999770e-03, v10;
	v5 =	vadd.f32 v11, v5  }
0x2ad: {  	v11 =	vmax.f32 v12, v14;
	v12 =	vmul.f32 $9.999999770e-03, v6;
	v4 =	vadd.f32 v9, v4  }
0x2ae: {  	[tilespmem:s13+$0x8000] =	vst v11;
	v9 =	vmax.f32 v10, v15;
	v10 =	vmul.f32 $9.999999770e-03, v5;
	v3 =	vadd.f32 v8, v3  }
0x2af: {  	[tilespmem:s13+$0x8010] =	vst v9;
	v6 =	vmax.f32 v6, v12;
	v8 =	vmul.f32 $9.999999770e-03, v4;
	v2 =	vadd.f32 v7, v2  }
0x2b0: {  	[tilespmem:s13+$0x8020] =	vst v6;
	v5 =	vmax.f32 v5, v10;
	v6 =	vmul.f32 $9.999999770e-03, v3;
	v1 =	vadd.f32 v13, v1  }
0x2b1: {  	[tilespmem:s13+$0x8030] =	vst v5;
	v4 =	vmax.f32 v4, v8;
	v5 =	vmul.f32 $9.999999770e-03, v2  }
0x2b2: {  	[tilespmem:s13+$0x8040] =	vst v4;
	v3 =	vmax.f32 v3, v6;
	v4 =	vmul.f32 $9.999999770e-03, v1  }
0x2b3: {  	[tilespmem:s13+$0x8050] =	vst v3;
	v2 =	vmax.f32 v2, v5  }
0x2b4: {  	s8 =	simm.s32 $0x8000;
	[tilespmem:s13+$0x8060] =	vst v2;
	v1 =	vmax.f32 v1, v4  }
0x2b5: {  	s25 =	simm.s32 $0x680;
	p1 =	seq.s32 s21, $0x1E;
	[tilespmem:s13+$0x8070] =	vst v1;
	s13 =	rddreg [dreg:$0xf]  }
0x2b6: {  	[spmem:s3] =	stream.indirect.scatter.add.f32 [tilespmem:s8], [sflag:$0x13], $0x80, s25, s15, $0xb8;
	[tilespmem:$0x1E080] =	vst v63  }
0x2b7: {  	s9 =	sadd.s32 @!p1 s9, s13  }
0x2b8: {  	s9 =	sshrl.u32 @!p1 s9, $0x3  }
0x2b9: {  	s22 =	simm.s32 @!p1 $0x0;
	s25 =	simm.s32 @!p1 $0x200;
	s13 =	sadd.s32 @!p1 s6, s9  }
0x2ba: {  	[tilespmem:s25], [sflag:$0x3] =	stream.linear.gather @!p1 [hbm4b:s13+s22], $0x28, $0x38;
	[tilespmem:$0x1E080] =	vst v63  }
0x2bb: {  	s9 =	sadd.s32 @!p1 s7, s9;
	s13 =	simm.s32 @!p1 $0x280  }
0x2bc: {  	[tilespmem:s13], [sflag:$0x3] =	stream.linear.gather @!p1 [hbm4b:s9+s22], $0x28, $0x38;
	[tilespmem:$0x1E080] =	vst v63  }
0x2bd: {  	_ =	swait.ge [sflag:s23], $0x1400  }
0x2be: {  	[sflag:s23] =	ssyncset.done $0x0  }
0x2bf: {  	[sflag:s23] =	ssyncadd.s32 $0xFFFFEC00  }
0x2c0: {  	_ =	swait.ge [sflag:s20], $0x28  }
0x2c1: {  	[sflag:s20] =	ssyncset.done $0x0  }
0x2c2: {  	[sflag:s20] =	ssyncadd.s32 $0xFFFFFFD8  }
0x2c3: {  	_ =	swait.ge [sflag:s20], $0x28  }
0x2c4: {  	s4 =	sshll.u32 s4, $0x4;
	[sflag:s20] =	ssyncset.done $0x0  }
0x2c5: {  	s9 =	simm.s32 $0x100;
	s13 =	simm.s32 $0x1C00;
	[sflag:s20] =	ssyncadd.s32 $0xFFFFFFD8  }
0x2c6: {  	[tilespmem:s13], [sflag:$0xA] =	stream.indirect.gather [hbm4b:s1+s15], $0x80, s9, s15, $0xb8;
	[tilespmem:$0x1E080] =	vst v63  }
0x2c7: {  	s4 =	sadd.s32 s5, s4;
	s25 =	simm.s32 $0x6C00;
	s22 =	simm.s32 $0x0  }
0x2c8: {  	[tilespmem:s25], [sflag:$0xE] =	stream.linear.gather [hbm4b:s4+s22], $0x1400, $0x38;
	[tilespmem:$0x1E080] =	vst v63  }
0x2c9: {  	_ =	swait.ge [sflag:s29], $0x1400  }
0x2ca: {  	[sflag:s29] =	ssyncset.done $0x0  }
0x2cb: {  	[sflag:s29] =	ssyncadd.s32 $0xFFFFEC00  }
0x2cc: {  	_ =	swait.ge [sflag:s16], $0x1400  }
0x2cd: {  	[sflag:s16] =	ssyncset.done $0x0  }
0x2ce: {  	s4 =	simm.s32 $0x0;
	[sflag:s16] =	ssyncadd.s32 $0xFFFFEC00  }
0x2cf: {  	v7 =	vld [tilespmem:s4+$0x4400]  }
0x2d0: {  	v10 =	vld [tilespmem:s4+$0x4410]  }
0x2d1: {  	v6 =	vld [tilespmem:s4+$0x4420]  }
0x2d2: {  	v5 =	vld [tilespmem:s4+$0x4430]  }
0x2d3: {  	v4 =	vld [tilespmem:s4+$0x4440]  }
0x2d4: {  	v3 =	vld [tilespmem:s4+$0x4450]  }
0x2d5: {  	v2 =	vld [tilespmem:s4+$0x4460]  }
0x2d6: {  	v1 =	vld [tilespmem:s4+$0x4470]  }
0x2d7: {  	v12 =	vld [tilespmem:s4+$0x9400]  }
0x2d8: {  	v14 =	vld [tilespmem:s4+$0x9410]  }
0x2d9: {  	v13 =	vld [tilespmem:s4+$0x9420]  }
0x2da: {  	v11 =	vld [tilespmem:s4+$0x9430]  }
0x2db: {  	v9 =	vld [tilespmem:s4+$0x9440]  }
0x2dc: {  	v8 =	vld [tilespmem:s4+$0x9450];
	v12 =	vadd.f32 v12, v7  }
0x2dd: {  	s31 =	simm.s32 $0x0;
	s9 =	simm.s32 $0x200;
	v10 =	vadd.f32 v14, v10;
	v7 =	vld [tilespmem:s4+$0x9460]  }
.LBB2_19:
0x2de: {  	s13 =	sshra.s32 s9, $0x2;
	p1 =	sne.s32 s9, $0x4E00;
	v14 =	vmul.f32 $9.999999770e-03, v12;
	v13 =	vadd.f32 v13, v6;
	v15 =	vld [tilespmem:s4+$0x9470]  }
0x2df: {  	v16 =	vld [tilespmem:s13+$0x4400];
	v17 =	vmul.f32 $9.999999770e-03, v10;
	v11 =	vadd.f32 v11, v5  }
0x2e0: {  	v18 =	vld [tilespmem:s13+$0x4410];
	v5 =	vmax.f32 v12, v14;
	v12 =	vmul.f32 $9.999999770e-03, v13;
	v9 =	vadd.f32 v9, v4  }
0x2e1: {  	v6 =	vld [tilespmem:s13+$0x4420];
	[tilespmem:s4+$0x9400] =	vst v5;
	v4 =	vmax.f32 v10, v17;
	v10 =	vmul.f32 $9.999999770e-03, v11;
	v8 =	vadd.f32 v8, v3  }
0x2e2: {  	v5 =	vld [tilespmem:s13+$0x4430];
	[tilespmem:s4+$0x9410] =	vst v4;
	v3 =	vmax.f32 v13, v12;
	v12 =	vmul.f32 $9.999999770e-03, v9;
	v7 =	vadd.f32 v7, v2  }
0x2e3: {  	v4 =	vld [tilespmem:s13+$0x4440];
	[tilespmem:s4+$0x9420] =	vst v3;
	v2 =	vmax.f32 v11, v10;
	v10 =	vmul.f32 $9.999999770e-03, v8;
	v11 =	vadd.f32 v15, v1  }
0x2e4: {  	v3 =	vld [tilespmem:s13+$0x4450];
	[tilespmem:s4+$0x9430] =	vst v2;
	v1 =	vmax.f32 v9, v12;
	v9 =	vmul.f32 $9.999999770e-03, v7  }
0x2e5: {  	v2 =	vld [tilespmem:s13+$0x4460];
	[tilespmem:s4+$0x9440] =	vst v1;
	v8 =	vmax.f32 v8, v10;
	v10 =	vmul.f32 $9.999999770e-03, v11  }
0x2e6: {  	v1 =	vld [tilespmem:s13+$0x4470];
	[tilespmem:s4+$0x9450] =	vst v8;
	v7 =	vmax.f32 v7, v9  }
0x2e7: {  	v8 =	vld [tilespmem:s13+$0x9400];
	[tilespmem:s4+$0x9460] =	vst v7;
	v7 =	vmax.f32 v11, v10  }
0x2e8: {  	v10 =	vld [tilespmem:s13+$0x9410];
	[tilespmem:s4+$0x9470] =	vst v7;
	s4 =	smov.u32 s13  }
.Ltmp8:
0x2e9: {  	v13 =	vld [tilespmem:s4+$0x9420];
	(pc) =	sbr.rel @p1 .LBB2_19-.Ltmp8, $4  }
0x2ea: {  	v11 =	vld [tilespmem:s4+$0x9430]  }
0x2eb: {  	v9 =	vld [tilespmem:s4+$0x9440]  }
0x2ec: {  	v12 =	vadd.f32 v8, v16;
	v8 =	vld [tilespmem:s4+$0x9450]  }
0x2ed: {  	s9 =	sadd.s32 $0x200, s9;
	v10 =	vadd.f32 v10, v18;
	v7 =	vld [tilespmem:s4+$0x9460]  }
0x2ee: {  	v14 =	vmul.f32 $9.999999770e-03, v12;
	v6 =	vadd.f32 v13, v6;
	v55 =	vld [tilespmem:s4+$0x9470]  }
0x2ef: {  	v15 =	vmul.f32 $9.999999770e-03, v10;
	v5 =	vadd.f32 v11, v5  }
0x2f0: {  	v56 =	vmax.f32 v12, v14;
	v57 =	vmul.f32 $9.999999770e-03, v6;
	v4 =	vadd.f32 v9, v4  }
0x2f1: {  	[tilespmem:s4+$0x9400] =	vst v56;
	v58 =	vmax.f32 v10, v15;
	v59 =	vmul.f32 $9.999999770e-03, v5;
	v3 =	vadd.f32 v8, v3  }
0x2f2: {  	[tilespmem:s4+$0x9410] =	vst v58;
	v6 =	vmax.f32 v6, v57;
	v60 =	vmul.f32 $9.999999770e-03, v4;
	v2 =	vadd.f32 v7, v2  }
0x2f3: {  	s21 =	sadd.s32 $0x1, s21;
	[tilespmem:s4+$0x9420] =	vst v6;
	v5 =	vmax.f32 v5, v59;
	v61 =	vmul.f32 $9.999999770e-03, v3;
	v1 =	vadd.f32 v55, v1  }
0x2f4: {  	p1 =	sne.s32 s21, $0x1F;
	[tilespmem:s4+$0x9430] =	vst v5;
	v4 =	vmax.f32 v4, v60;
	v62 =	vmul.f32 $9.999999770e-03, v2  }
.Ltmp9:
0x2f5: {  	[tilespmem:s4+$0x9440] =	vst v4;
	v3 =	vmax.f32 v3, v61;
	v63 =	vmul.f32 $9.999999770e-03, v1;
	(pc) =	sbr.rel @p1 .LBB2_4-.Ltmp9, $4  }
0x2f6: {  	[tilespmem:s4+$0x9450] =	vst v3;
	v2 =	vmax.f32 v2, v62  }
0x2f7: {  	[tilespmem:s4+$0x9460] =	vst v2;
	v1 =	vmax.f32 v1, v63  }
0x2f8: {  	s25 =	simm.s32 $0x9400;
	s8 =	simm.s32 $0x780;
	[tilespmem:s4+$0x9470] =	vst v1  }
0x2f9: {  	[spmem:s3] =	stream.indirect.scatter.add.f32 [tilespmem:s25], [sflag:$0x14], $0x80, s8, s15, $0xb8;
	[tilespmem:$0x1E080] =	vst v63  }
0x2fa: {  	_ =	swait.ge [sflag:s0], $0x1400  }
0x2fb: {  	[sflag:s0] =	ssyncset.done $0x0  }
0x2fc: {  	[sflag:s0] =	ssyncadd.s32 $0xFFFFEC00  }
0x2fd: {  	_ =	swait.ge [sflag:s11], $0x1400  }
0x2fe: {  	[sflag:s11] =	ssyncset.done $0x0  }
0x2ff: {  	s4 =	simm.s32 $0x0;
	[sflag:s11] =	ssyncadd.s32 $0xFFFFEC00  }
0x300: {  	v7 =	vld [tilespmem:s4+$0x800]  }
0x301: {  	v10 =	vld [tilespmem:s4+$0x810]  }
0x302: {  	v6 =	vld [tilespmem:s4+$0x820]  }
0x303: {  	v5 =	vld [tilespmem:s4+$0x830]  }
0x304: {  	v4 =	vld [tilespmem:s4+$0x840]  }
0x305: {  	v3 =	vld [tilespmem:s4+$0x850]  }
0x306: {  	v2 =	vld [tilespmem:s4+$0x860]  }
0x307: {  	v1 =	vld [tilespmem:s4+$0x870]  }
0x308: {  	v12 =	vld [tilespmem:s4+$0x5800]  }
0x309: {  	v14 =	vld [tilespmem:s4+$0x5810]  }
0x30a: {  	v13 =	vld [tilespmem:s4+$0x5820]  }
0x30b: {  	v11 =	vld [tilespmem:s4+$0x5830]  }
0x30c: {  	v9 =	vld [tilespmem:s4+$0x5840]  }
0x30d: {  	v8 =	vld [tilespmem:s4+$0x5850];
	v12 =	vadd.f32 v12, v7  }
0x30e: {  	s9 =	simm.s32 $0x200;
	v10 =	vadd.f32 v14, v10;
	v7 =	vld [tilespmem:s4+$0x5860]  }
.LBB2_22:
0x30f: {  	s13 =	sshra.s32 s9, $0x2;
	p1 =	sne.s32 s9, $0x4E00;
	v14 =	vmul.f32 $9.999999770e-03, v12;
	v13 =	vadd.f32 v13, v6;
	v15 =	vld [tilespmem:s4+$0x5870]  }
0x310: {  	v16 =	vld [tilespmem:s13+$0x800];
	v17 =	vmul.f32 $9.999999770e-03, v10;
	v11 =	vadd.f32 v11, v5  }
0x311: {  	v18 =	vld [tilespmem:s13+$0x810];
	v5 =	vmax.f32 v12, v14;
	v12 =	vmul.f32 $9.999999770e-03, v13;
	v9 =	vadd.f32 v9, v4  }
0x312: {  	v6 =	vld [tilespmem:s13+$0x820];
	[tilespmem:s4+$0x5800] =	vst v5;
	v4 =	vmax.f32 v10, v17;
	v10 =	vmul.f32 $9.999999770e-03, v11;
	v8 =	vadd.f32 v8, v3  }
0x313: {  	v5 =	vld [tilespmem:s13+$0x830];
	[tilespmem:s4+$0x5810] =	vst v4;
	v3 =	vmax.f32 v13, v12;
	v12 =	vmul.f32 $9.999999770e-03, v9;
	v7 =	vadd.f32 v7, v2  }
0x314: {  	v4 =	vld [tilespmem:s13+$0x840];
	[tilespmem:s4+$0x5820] =	vst v3;
	v2 =	vmax.f32 v11, v10;
	v10 =	vmul.f32 $9.999999770e-03, v8;
	v11 =	vadd.f32 v15, v1  }
0x315: {  	v3 =	vld [tilespmem:s13+$0x850];
	[tilespmem:s4+$0x5830] =	vst v2;
	v1 =	vmax.f32 v9, v12;
	v9 =	vmul.f32 $9.999999770e-03, v7  }
0x316: {  	v2 =	vld [tilespmem:s13+$0x860];
	[tilespmem:s4+$0x5840] =	vst v1;
	v8 =	vmax.f32 v8, v10;
	v10 =	vmul.f32 $9.999999770e-03, v11  }
0x317: {  	v1 =	vld [tilespmem:s13+$0x870];
	[tilespmem:s4+$0x5850] =	vst v8;
	v7 =	vmax.f32 v7, v9  }
0x318: {  	v8 =	vld [tilespmem:s13+$0x5800];
	[tilespmem:s4+$0x5860] =	vst v7;
	v7 =	vmax.f32 v11, v10  }
0x319: {  	v10 =	vld [tilespmem:s13+$0x5810];
	[tilespmem:s4+$0x5870] =	vst v7;
	s4 =	smov.u32 s13  }
.Ltmp10:
0x31a: {  	v13 =	vld [tilespmem:s4+$0x5820];
	(pc) =	sbr.rel @p1 .LBB2_22-.Ltmp10, $4  }
0x31b: {  	v11 =	vld [tilespmem:s4+$0x5830]  }
0x31c: {  	v9 =	vld [tilespmem:s4+$0x5840]  }
0x31d: {  	v12 =	vadd.f32 v8, v16;
	v8 =	vld [tilespmem:s4+$0x5850]  }
0x31e: {  	s9 =	sadd.s32 $0x200, s9;
	v10 =	vadd.f32 v10, v18;
	v7 =	vld [tilespmem:s4+$0x5860]  }
0x31f: {  	v14 =	vmul.f32 $9.999999770e-03, v12;
	v6 =	vadd.f32 v13, v6;
	v13 =	vld [tilespmem:s4+$0x5870]  }
0x320: {  	v15 =	vmul.f32 $9.999999770e-03, v10;
	v5 =	vadd.f32 v11, v5  }
0x321: {  	v11 =	vmax.f32 v12, v14;
	v12 =	vmul.f32 $9.999999770e-03, v6;
	v4 =	vadd.f32 v9, v4  }
0x322: {  	[tilespmem:s4+$0x5800] =	vst v11;
	v9 =	vmax.f32 v10, v15;
	v10 =	vmul.f32 $9.999999770e-03, v5;
	v3 =	vadd.f32 v8, v3  }
0x323: {  	[tilespmem:s4+$0x5810] =	vst v9;
	v6 =	vmax.f32 v6, v12;
	v8 =	vmul.f32 $9.999999770e-03, v4;
	v2 =	vadd.f32 v7, v2  }
0x324: {  	[tilespmem:s4+$0x5820] =	vst v6;
	v5 =	vmax.f32 v5, v10;
	v6 =	vmul.f32 $9.999999770e-03, v3;
	v1 =	vadd.f32 v13, v1  }
0x325: {  	[tilespmem:s4+$0x5830] =	vst v5;
	v4 =	vmax.f32 v4, v8;
	v5 =	vmul.f32 $9.999999770e-03, v2  }
0x326: {  	[tilespmem:s4+$0x5840] =	vst v4;
	v3 =	vmax.f32 v3, v6;
	v4 =	vmul.f32 $9.999999770e-03, v1  }
0x327: {  	[tilespmem:s4+$0x5850] =	vst v3;
	v2 =	vmax.f32 v2, v5  }
0x328: {  	[tilespmem:s4+$0x5860] =	vst v2;
	v1 =	vmax.f32 v1, v4  }
0x329: {  	s25 =	simm.s32 $0x5800;
	s9 =	simm.s32 $0x80;
	[tilespmem:s4+$0x5870] =	vst v1  }
0x32a: {  	[spmem:s3] =	stream.indirect.scatter.add.f32 [tilespmem:s25], [sflag:$0x11], $0x80, s9, s15, $0xb8;
	[tilespmem:$0x1E080] =	vst v63  }
0x32b: {  	_ =	swait.ge [sflag:s26], $0x1400  }
0x32c: {  	[sflag:s26] =	ssyncset.done $0x0  }
0x32d: {  	[sflag:s26] =	ssyncadd.s32 $0xFFFFEC00  }
0x32e: {  	_ =	swait.ge [sflag:s28], $0x1400  }
0x32f: {  	[sflag:s28] =	ssyncset.done $0x0  }
0x330: {  	s4 =	simm.s32 $0x0;
	[sflag:s28] =	ssyncadd.s32 $0xFFFFEC00  }
0x331: {  	v7 =	vld [tilespmem:s4+$0x1C00]  }
0x332: {  	v10 =	vld [tilespmem:s4+$0x1C10]  }
0x333: {  	v6 =	vld [tilespmem:s4+$0x1C20]  }
0x334: {  	v5 =	vld [tilespmem:s4+$0x1C30]  }
0x335: {  	v4 =	vld [tilespmem:s4+$0x1C40]  }
0x336: {  	v3 =	vld [tilespmem:s4+$0x1C50]  }
0x337: {  	v2 =	vld [tilespmem:s4+$0x1C60]  }
0x338: {  	v1 =	vld [tilespmem:s4+$0x1C70]  }
0x339: {  	v12 =	vld [tilespmem:s4+$0x6C00]  }
0x33a: {  	v14 =	vld [tilespmem:s4+$0x6C10]  }
0x33b: {  	v13 =	vld [tilespmem:s4+$0x6C20]  }
0x33c: {  	v11 =	vld [tilespmem:s4+$0x6C30]  }
0x33d: {  	v9 =	vld [tilespmem:s4+$0x6C40]  }
0x33e: {  	v8 =	vld [tilespmem:s4+$0x6C50];
	v12 =	vadd.f32 v12, v7  }
0x33f: {  	s9 =	simm.s32 $0x200;
	s25 =	simm.s32 $0x15;
	s22 =	sld [smem:$0x7FD];
	v10 =	vadd.f32 v14, v10;
	v7 =	vld [tilespmem:s4+$0x6C60]  }
.LBB2_24:
0x340: {  	s13 =	sshra.s32 s9, $0x2;
	p1 =	sne.s32 s9, $0x4E00;
	v14 =	vmul.f32 $9.999999770e-03, v12;
	v13 =	vadd.f32 v13, v6;
	v15 =	vld [tilespmem:s4+$0x6C70]  }
0x341: {  	v16 =	vld [tilespmem:s13+$0x1C00];
	v17 =	vmul.f32 $9.999999770e-03, v10;
	v11 =	vadd.f32 v11, v5  }
0x342: {  	v18 =	vld [tilespmem:s13+$0x1C10];
	v5 =	vmax.f32 v12, v14;
	v12 =	vmul.f32 $9.999999770e-03, v13;
	v9 =	vadd.f32 v9, v4  }
0x343: {  	v6 =	vld [tilespmem:s13+$0x1C20];
	[tilespmem:s4+$0x6C00] =	vst v5;
	v4 =	vmax.f32 v10, v17;
	v10 =	vmul.f32 $9.999999770e-03, v11;
	v8 =	vadd.f32 v8, v3  }
0x344: {  	v5 =	vld [tilespmem:s13+$0x1C30];
	[tilespmem:s4+$0x6C10] =	vst v4;
	v3 =	vmax.f32 v13, v12;
	v12 =	vmul.f32 $9.999999770e-03, v9;
	v7 =	vadd.f32 v7, v2  }
0x345: {  	v4 =	vld [tilespmem:s13+$0x1C40];
	[tilespmem:s4+$0x6C20] =	vst v3;
	v2 =	vmax.f32 v11, v10;
	v10 =	vmul.f32 $9.999999770e-03, v8;
	v11 =	vadd.f32 v15, v1  }
0x346: {  	v3 =	vld [tilespmem:s13+$0x1C50];
	[tilespmem:s4+$0x6C30] =	vst v2;
	v1 =	vmax.f32 v9, v12;
	v9 =	vmul.f32 $9.999999770e-03, v7  }
0x347: {  	v2 =	vld [tilespmem:s13+$0x1C60];
	[tilespmem:s4+$0x6C40] =	vst v1;
	v8 =	vmax.f32 v8, v10;
	v10 =	vmul.f32 $9.999999770e-03, v11  }
0x348: {  	v1 =	vld [tilespmem:s13+$0x1C70];
	[tilespmem:s4+$0x6C50] =	vst v8;
	v7 =	vmax.f32 v7, v9  }
0x349: {  	v8 =	vld [tilespmem:s13+$0x6C00];
	[tilespmem:s4+$0x6C60] =	vst v7;
	v7 =	vmax.f32 v11, v10  }
0x34a: {  	v10 =	vld [tilespmem:s13+$0x6C10];
	[tilespmem:s4+$0x6C70] =	vst v7;
	s4 =	smov.u32 s13  }
.Ltmp11:
0x34b: {  	v13 =	vld [tilespmem:s4+$0x6C20];
	(pc) =	sbr.rel @p1 .LBB2_24-.Ltmp11, $4  }
0x34c: {  	v11 =	vld [tilespmem:s4+$0x6C30]  }
0x34d: {  	v9 =	vld [tilespmem:s4+$0x6C40]  }
0x34e: {  	v12 =	vadd.f32 v8, v16;
	v8 =	vld [tilespmem:s4+$0x6C50]  }
0x34f: {  	s9 =	sadd.s32 $0x200, s9;
	v10 =	vadd.f32 v10, v18;
	v7 =	vld [tilespmem:s4+$0x6C60]  }
0x350: {  	v14 =	vmul.f32 $9.999999770e-03, v12;
	v6 =	vadd.f32 v13, v6;
	v55 =	vld [tilespmem:s4+$0x6C70]  }
0x351: {  	v15 =	vmul.f32 $9.999999770e-03, v10;
	v5 =	vadd.f32 v11, v5  }
0x352: {  	v56 =	vmax.f32 v12, v14;
	v57 =	vmul.f32 $9.999999770e-03, v6;
	v4 =	vadd.f32 v9, v4  }
0x353: {  	[tilespmem:s4+$0x6C00] =	vst v56;
	v58 =	vmax.f32 v10, v15;
	v59 =	vmul.f32 $9.999999770e-03, v5;
	v3 =	vadd.f32 v8, v3  }
0x354: {  	[tilespmem:s4+$0x6C10] =	vst v58;
	v6 =	vmax.f32 v6, v57;
	v60 =	vmul.f32 $9.999999770e-03, v4;
	v2 =	vadd.f32 v7, v2  }
0x355: {  	[tilespmem:s4+$0x6C20] =	vst v6;
	v5 =	vmax.f32 v5, v59;
	v61 =	vmul.f32 $9.999999770e-03, v3;
	v1 =	vadd.f32 v55, v1  }
0x356: {  	[tilespmem:s4+$0x6C30] =	vst v5;
	v4 =	vmax.f32 v4, v60;
	v62 =	vmul.f32 $9.999999770e-03, v2  }
0x357: {  	[tilespmem:s4+$0x6C40] =	vst v4;
	v3 =	vmax.f32 v3, v61;
	v63 =	vmul.f32 $9.999999770e-03, v1  }
0x358: {  	[tilespmem:s4+$0x6C50] =	vst v3;
	v2 =	vmax.f32 v2, v62  }
0x359: {  	[tilespmem:s4+$0x6C60] =	vst v2;
	v1 =	vmax.f32 v1, v63  }
0x35a: {  	s9 =	simm.s32 $0x180;
	s8 =	simm.s32 $0x6C00;
	[tilespmem:s4+$0x6C70] =	vst v1  }
0x35b: {  	[spmem:s3] =	stream.indirect.scatter.add.f32 [tilespmem:s8], [sflag:$0x12], $0x80, s9, s15, $0xb8;
	[tilespmem:$0x1E080] =	vst v63  }
0x35c: {  	_ =	swait.ge [sflag:s30], $0x1400  }
0x35d: {  	[sflag:s30] =	ssyncset.done $0x0  }
0x35e: {  	[sflag:s30] =	ssyncadd.s32 $0xFFFFEC00  }
0x35f: {  	_ =	swait.ge [sflag:s23], $0x1400  }
0x360: {  	[sflag:s23] =	ssyncset.done $0x0  }
0x361: {  	s13 =	simm.s32 $0x13;
	[sflag:s23] =	ssyncadd.s32 $0xFFFFEC00  }
0x362: {  	_ =	swait.ge [sflag:s13], $0x1400  }
0x363: {  	[sflag:s13] =	ssyncset.done $0x0  }
0x364: {  	s21 =	simm.s32 $0x14;
	[sflag:s13] =	ssyncadd.s32 $0xFFFFEC00  }
0x365: {  	_ =	swait.ge [sflag:s21], $0x1400  }
0x366: {  	[sflag:s21] =	ssyncset.done $0x0  }
0x367: {  	[sflag:s21] =	ssyncadd.s32 $0xFFFFEC00  }
0x368: {  	s8 =	stileid.u32;
	[bflag:$0x0] =	sbarrier.arrive $0xFFFF  }
0x369: {  	s4 =	sshll.u32 s8, $0x6;
	s13 =	rddreg [dreg:$0x4]  }
0x36a: {  	s4 =	sor.u32 $0x1C15, s4;
	s21 =	rddreg [dreg:$0x11];
	s9 =	sshrl.u32 s13, $0x3  }
0x36b: {  	[hbm:s21], [sflag:s4] =	dma.local [spmem:s9], $0x2700  }
0x36c: {  	_ =	swait.ge [sflag:s25], $0x2700  }
0x36d: {  	[sflag:s25] =	ssyncset.done $0x0  }
0x36e: {  	s9 =	sshrl.u32 @!p0 s22, $0x3;
	s21 =	rddreg [dreg:$0x12];
	[sflag:s25] =	ssyncadd.s32 $0xFFFFD900  }
0x36f: {  	[hbm:s21], [sflag:s4] =	dma.local @!p0 [spmem:s9], $0x100  }
0x370: {  	s4 =	simm.s32 @!p0 $0x15  }
0x371: {  	_ =	swait.ge @!p0 [sflag:s4], $0x100  }
0x372: {  	s9 =	sld [smem:$0x7F4];
	_ =	sdelay $0x2  }
0x373: {  	s21 =	rddreg [dreg:$0x13];
	s8 =	sadd.s32 $0x1, s9  }
0x374: {  	p1 =	sne.s32 s8, s21  }
.Ltmp12:
0x375: {  	_ = 	snop;
	(pc) =	sbr.rel @p1 .LBB2_1-.Ltmp12, $3  }
0x376: {  	_ =	sdelay $0x1  }
0x377: {  	[sflag:s4] =	ssyncset.done @!p0 $0x0  }
0x378: {  	[sflag:s4] =	ssyncadd.s32 @!p0 $0xFFFFFF00  }
0x379: {  	_ =	sfence.sel $0x180000  }
0x37a: {  	[bflag:$0x0] =	sbarrier.arrive $0xFFFF  }
0x37b: {  	_ =	strace $0x90000047  }
0x37c: {  	s0 =	stileid.u32;
	[bflag:$0x2] =	sbarrier.arrive $0xFFFF  }
0x37d: {  	p0 =	sne.s32 s0, $0x0;
	s0 =	rddreg [dreg:$0x3]  }
0x37e: {  	s0 =	sadd.s32 @!p0 $0x100000, s0  }
0x37f: {  	[sflag:s0] =	ssyncadd.tile.s32 @!p0 $0x1;
	_ =	shalt  }
.Lfunc_end2:
_tile_overlayer_lowered:
.L_overlay_start_2:
0x380: {  	(tag) =	ssettag $0x2  }
0x381: {  	s0 =	rddreg [dreg:$0x0];
	s2 =	stileid.u32  }
0x382: {  	s1 =	rddreg [dreg:$0x1];
	p0 =	sne.s32 s2, $0x0  }
0x383: {  	s3 =	rddreg [dreg:$0x2];
	[bflag:$0x3] =	sbarrier.arrive $0xFFFF;
	s2 =	simm.s32 @!p0 $0x1C15  }
0x384: {  	[timem:s3], [sflag:s2] =	dma.local @!p0 [hbm:s0], s1  }
0x385: {  	s0 =	simm.s32 @!p0 $0x15  }
0x386: {  	_ =	swait.ge @!p0 [sflag:s0], s1  }
0x387: {  	s1 =	ssub.s32 @!p0 $0x0, s1;
	[sflag:s0] =	ssyncset.done @!p0 $0x0  }
0x388: {  	[sflag:s0] =	ssyncadd.s32 @!p0 s1  }
0x389: {  	[bflag:$0x3] =	sbarrier.arrive $0xFFFF  }
0x38a: {  	_ =	shalt  }

</sc_bundles>
